<compile_context>
chip_gen: v7x
topology: tpu7x:2x2x1
jax: 0.10.2.dev20260603
libtpu: 0.0.44.dev20260713+nightly
codegen_flags: <defaults>
</compile_context>

<pallas_src>
import functools

import jax
import jax.numpy as jnp
from jax import lax
from jax.experimental import pallas as pl
from jax.experimental.pallas import tpu as pltpu
from jax.experimental.pallas import tpu_sc as plsc

N = 10000
E = 320000
DF = 128
H = 32
NL = 5
NC, NS = 2, 16
EW = E // NS
CH = 125
NCH = EW // CH
NBUF = 4
NP = 10240
RT = NP // NS

f32 = jnp.float32



def _edge_loop(table, gat_v, sct_v, rows, gsems, ssems, agg_s):
    def body(k, carry):
        base = k * NBUF
        gets = [pltpu.async_copy(table.at[gat_v.at[base + b]], rows[b],
                                 gsems[b]) for b in range(NBUF)]
        puts = []
        for b in range(NBUF):
            gets[b].wait()
            puts.append(pltpu.async_copy(rows[b], agg_s.at[sct_v.at[base + b]],
                                         ssems[b], add=True))
        for b in range(NBUF):
            puts[b].wait()
        return carry
    lax.fori_loop(0, NCH // NBUF, body, 0)


def _sc_agg_body(hf, hr, srcm, dstm, zeros_hbm, aggf_out, aggr_out,
                 src_v, dst_v, rows0, rows1, rows2, rows3,
                 gs0, gs1, gs2, gs3, ss0, ss1, ss2, ss3, agg_s):
    rows = [rows0, rows1, rows2, rows3]
    gsems = [gs0, gs1, gs2, gs3]
    ssems = [ss0, ss1, ss2, ss3]
    c = lax.axis_index("c")
    s = lax.axis_index("s")
    pltpu.sync_copy(srcm.at[s], src_v)
    pltpu.sync_copy(dstm.at[s], dst_v)
    pltpu.sync_copy(zeros_hbm.at[pl.ds(s * RT, RT)], agg_s.at[pl.ds(s * RT, RT)])
    plsc.subcore_barrier()

    @pl.when(c == 0)
    def _fwd():
        _edge_loop(hf, src_v, dst_v, rows, gsems, ssems, agg_s)

    @pl.when(c == 1)
    def _rev():
        _edge_loop(hr, dst_v, src_v, rows, gsems, ssems, agg_s)

    plsc.subcore_barrier()

    @pl.when(c == 0)
    def _outf():
        pltpu.sync_copy(agg_s.at[pl.ds(s * RT, RT)], aggf_out.at[pl.ds(s * RT, RT)])

    @pl.when(c == 1)
    def _outr():
        pltpu.sync_copy(agg_s.at[pl.ds(s * RT, RT)], aggr_out.at[pl.ds(s * RT, RT)])


def _ones_loop(idx_v, ones_v, sem, agg_s):
    def body(k, carry):
        base = k * NBUF
        puts = [pltpu.async_copy(ones_v, agg_s.at[idx_v.at[base + b]],
                                 sem, add=True) for b in range(NBUF)]
        for p in puts:
            p.wait()
        return carry
    lax.fori_loop(0, NCH // NBUF, body, 0)


def _sc_deg_body(srcm, dstm, ones_hbm, zeros_hbm, dego_out, degi_out,
                 src_v, dst_v, ones_v, sem, agg_s):
    c = lax.axis_index("c")
    s = lax.axis_index("s")
    pltpu.sync_copy(srcm.at[s], src_v)
    pltpu.sync_copy(dstm.at[s], dst_v)
    pltpu.sync_copy(ones_hbm, ones_v)
    pltpu.sync_copy(zeros_hbm.at[pl.ds(s * RT, RT)], agg_s.at[pl.ds(s * RT, RT)])
    plsc.subcore_barrier()

    @pl.when(c == 0)
    def _fwd():
        _ones_loop(src_v, ones_v, sem, agg_s)

    @pl.when(c == 1)
    def _rev():
        _ones_loop(dst_v, ones_v, sem, agg_s)

    plsc.subcore_barrier()

    @pl.when(c == 0)
    def _outo():
        pltpu.sync_copy(agg_s.at[pl.ds(s * RT, RT)], dego_out.at[pl.ds(s * RT, RT)])

    @pl.when(c == 1)
    def _outi():
        pltpu.sync_copy(agg_s.at[pl.ds(s * RT, RT)], degi_out.at[pl.ds(s * RT, RT)])


@functools.cache
def _get_sc_kernels():
    mesh = plsc.VectorSubcoreMesh(core_axis_name="c", subcore_axis_name="s",
                                  num_cores=NC, num_subcores=NS)
    deg = pl.kernel(
        _sc_deg_body,
        [jax.ShapeDtypeStruct((NP, H), f32),
         jax.ShapeDtypeStruct((NP, H), f32)],
        mesh=mesh,
        compiler_params=pltpu.CompilerParams(use_tc_tiling_on_sc=False),
        scratch_types=[
            pltpu.VMEM((NCH, CH), jnp.int32),
            pltpu.VMEM((NCH, CH), jnp.int32),
            pltpu.VMEM((CH, H), f32),
            pltpu.SemaphoreType.DMA,
            pltpu.VMEM_SHARED((NP, H), f32),
        ],
    )
    agg = pl.kernel(
        _sc_agg_body,
        [jax.ShapeDtypeStruct((NP, H), f32),
         jax.ShapeDtypeStruct((NP, H), f32)],
        mesh=mesh,
        compiler_params=pltpu.CompilerParams(use_tc_tiling_on_sc=False),
        scratch_types=(
            [pltpu.VMEM((NCH, CH), jnp.int32),
             pltpu.VMEM((NCH, CH), jnp.int32)]
            + [pltpu.VMEM((CH, H), f32)] * NBUF
            + [pltpu.SemaphoreType.DMA] * (2 * NBUF)
            + [pltpu.VMEM_SHARED((NP, H), f32)]
        ),
    )
    return deg, agg



_RB = 1000
_NB = N // _RB


def _dot1(x, w):
    bf16 = jnp.bfloat16
    return jnp.dot(x.astype(bf16), w.astype(bf16), preferred_element_type=f32)


def _scl(deg):
    return lax.rsqrt(jnp.maximum(deg, 1.0))


def _tc_pre_body(feat, wc0, dego, degi, hf_o, hr_o):
    x = feat[...]
    w = wc0[...]
    ds1 = _scl(dego[...])[:, 0:1]
    di1 = _scl(degi[...])[:, 0:1]
    hf_o[...] = _dot1(x * ds1, w)
    hr_o[...] = _dot1(x * di1, w)


_tc_pre = pl.pallas_call(
    _tc_pre_body,
    grid=(N // _RB,),
    in_specs=[
        pl.BlockSpec((_RB, DF), lambda i: (i, 0)),
        pl.BlockSpec((DF, H), lambda i: (0, 0)),
        pl.BlockSpec((_RB, H), lambda i: (i, 0)),
        pl.BlockSpec((_RB, H), lambda i: (i, 0)),
    ],
    out_specs=[
        pl.BlockSpec((_RB, H), lambda i: (i, 0)),
        pl.BlockSpec((_RB, H), lambda i: (i, 0)),
    ],
    out_shape=[jax.ShapeDtypeStruct((N, H), f32),
               jax.ShapeDtypeStruct((N, H), f32)],
)


_blk = pl.BlockSpec((_RB, H), lambda p, i: (i, 0))
_w64 = pl.BlockSpec((2 * H, H), lambda p, i: (0, 0))
_w32 = pl.BlockSpec((H, H), lambda p, i: (0, 0))
_v32 = pl.BlockSpec((1, H), lambda p, i: (0, 0))
_oblk = pl.BlockSpec((_RB, H), lambda p, i: (jnp.where(p == 2, i, 0), 0))


def _tc_mid_body(has_skip_in, store_skip, *refs):
    (aggf, aggr, dego, degi, wl, g, b) = refs[:7]
    k = 7
    if has_skip_in:
        skip_in = refs[k]; k += 1
    wc_next = refs[k]; k += 1
    outs = []
    while k < len(refs) - 3:
        outs.append(refs[k]); k += 1
    y_s, sum_s, sq_s = refs[-3:]

    p = pl.program_id(0)
    i = pl.program_id(1)
    dsv = _scl(dego[...])
    div = _scl(degi[...])

    @pl.when(p == 0)
    def _phase0():
        @pl.when(i == 0)
        def _init():
            sum_s[...] = jnp.zeros((1, H), f32)
            sq_s[...] = jnp.zeros((1, H), f32)
        cat = jnp.concatenate([aggf[...] * div, aggr[...] * dsv], axis=1)
        yblk = _dot1(cat, wl[...])
        y_s[pl.ds(i * _RB, _RB), :] = yblk
        sum_s[...] += jnp.sum(yblk, axis=0, keepdims=True)

    @pl.when(p == 1)
    def _phase1():
        mu = sum_s[...] * (1.0 / N)
        d = y_s[pl.ds(i * _RB, _RB), :] - mu
        sq_s[...] += jnp.sum(d * d, axis=0, keepdims=True)

    @pl.when(p == 2)
    def _phase2():
        mu = sum_s[...] * (1.0 / N)
        var = sq_s[...] * (1.0 / N)
        y = y_s[pl.ds(i * _RB, _RB), :]
        y = (y - mu) * lax.rsqrt(var + 1e-5) * g[...] + b[...]
        if has_skip_in:
            y = y + skip_in[...]
        y = jnp.maximum(y, 0.0)
        j = 0
        if store_skip:
            outs[j][...] = y; j += 1
        w = wc_next[...]
        outs[j][...] = _dot1(y * dsv, w)
        outs[j + 1][...] = _dot1(y * div, w)


def _make_mid(has_skip_in, store_skip):
    in_specs = [_blk, _blk, _blk, _blk, _w64, _v32, _v32]
    if has_skip_in:
        in_specs.append(_blk)
    in_specs.append(_w32)
    n_out = (1 if store_skip else 0) + 2
    out_specs = [_oblk] * n_out
    return pl.pallas_call(
        functools.partial(_tc_mid_body, has_skip_in, store_skip),
        grid=(3, _NB),
        in_specs=in_specs,
        out_specs=out_specs,
        out_shape=[jax.ShapeDtypeStruct((N, H), f32)] * n_out,
        scratch_shapes=[pltpu.VMEM((N, H), f32),
                        pltpu.VMEM((1, H), f32),
                        pltpu.VMEM((1, H), f32)],
    )


_tc_mids = [_make_mid(False, True),
            _make_mid(False, True),
            _make_mid(True, True),
            _make_mid(True, False)]


def _tc_fin_body(aggf, aggr, dego, degi, wl, g, b, skip_in, wout, bout,
                 out, y_s, sum_s, sq_s):
    p = pl.program_id(0)
    i = pl.program_id(1)

    @pl.when(p == 0)
    def _phase0():
        @pl.when(i == 0)
        def _init():
            sum_s[...] = jnp.zeros((1, H), f32)
            sq_s[...] = jnp.zeros((1, H), f32)
        cat = jnp.concatenate([aggf[...] * _scl(degi[...]),
                               aggr[...] * _scl(dego[...])], axis=1)
        yblk = _dot1(cat, wl[...]) + skip_in[...]
        y_s[pl.ds(i * _RB, _RB), :] = yblk
        sum_s[...] += jnp.sum(yblk, axis=0, keepdims=True)

    @pl.when(p == 1)
    def _phase1():
        mu = sum_s[...] * (1.0 / N)
        d = y_s[pl.ds(i * _RB, _RB), :] - mu
        sq_s[...] += jnp.sum(d * d, axis=0, keepdims=True)

    @pl.when(p == 2)
    def _phase2():
        mu = sum_s[...] * (1.0 / N)
        var = sq_s[...] * (1.0 / N)
        y = y_s[pl.ds(i * _RB, _RB), :]
        y = (y - mu) * lax.rsqrt(var + 1e-5) * g[...] + b[...]
        out[...] = _dot1(y, wout[...]) + bout[...]


_tc_fin = pl.pallas_call(
    _tc_fin_body,
    grid=(3, _NB),
    in_specs=[_blk, _blk, _blk, _blk, _w64, _v32, _v32, _blk,
              pl.BlockSpec((H, 1), lambda p, i: (0, 0)),
              pl.BlockSpec((1, 1), lambda p, i: (0, 0))],
    out_specs=pl.BlockSpec((_RB, 1), lambda p, i: (jnp.where(p == 2, i, 0), 0)),
    out_shape=jax.ShapeDtypeStruct((N, 1), f32),
    scratch_shapes=[pltpu.VMEM((N, H), f32),
                    pltpu.VMEM((1, H), f32),
                    pltpu.VMEM((1, H), f32)],
)



def kernel(features, edge_index, params):
    src = edge_index[0].astype(jnp.int32)
    dst = edge_index[1].astype(jnp.int32)
    srcm = src.reshape(NS, NCH, CH)
    dstm = dst.reshape(NS, NCH, CH)
    zeros = jnp.zeros((NP, H), f32)
    ones = jnp.ones((CH, H), f32)

    sc_deg, sc_agg = _get_sc_kernels()
    dego, degi = sc_deg(srcm, dstm, ones, zeros)
    hf, hr = _tc_pre(features, params['Wc0'], dego, degi)

    skips = {}
    for i in range(NL):
        aggf, aggr = sc_agg(hf, hr, srcm, dstm, zeros)
        g = params['g%d' % i].reshape(1, H)
        b = params['b%d' % i].reshape(1, H)
        wl = params['Wl%d' % i]
        if i < NL - 1:
            args = [aggf, aggr, dego, degi, wl, g, b]
            if i >= 2:
                args.append(skips[i - 2])
            args.append(params['Wc%d' % (i + 1)])
            res = _tc_mids[i](*args)
            if i <= 2:
                skips[i] = res[0]
                hf, hr = res[1], res[2]
            else:
                hf, hr = res[0], res[1]
        else:
            out = _tc_fin(aggf, aggr, dego, degi, wl, g, b,
                          skips[i - 2], params['Wout'],
                          params['bout'].reshape(1, 1))
    return out

# --- scband reference (transcript-rebuilt; emitter-appended) ---
"""Pipeline reference for scband-gcn-28475633172978 (READ-ONLY COPY).

The authoritative reference and input builder live on the scoring server;
editing this copy changes nothing except your own understanding.
"""

import jax, jax.numpy as jnp
import numpy as np

N_NODES = 10000
N_EDGES = 320000
D_FEAT = 128
HID = 32
N_LAYERS = 5


def _glorot(key, shape):
    fan = shape[0]
    return (jax.random.normal(key, shape, dtype=jnp.float32) / np.sqrt(fan)).astype(jnp.float32)


def setup_inputs(seed: int = 0) -> dict:
    key = jax.random.key(seed)
    keys = jax.random.split(key, 4 + 2 * N_LAYERS)
    features = jax.random.normal(keys[0], (N_NODES, D_FEAT), dtype=jnp.float32)
    src = jax.random.randint(keys[1], (N_EDGES,), 0, N_NODES)
    dst = jax.random.randint(keys[2], (N_EDGES,), 0, N_NODES)
    edge_index = jnp.stack([src, dst], axis=0).astype(jnp.int64)
    params = {}
    in_dim = D_FEAT
    k = 3
    for i in range(N_LAYERS):
        params['Wc%d' % i] = _glorot(keys[k], (in_dim, HID)); k += 1
        params['Wl%d' % i] = _glorot(keys[k], (2 * HID, HID)); k += 1
        params['g%d' % i] = jnp.ones((HID,), jnp.float32)
        params['b%d' % i] = jnp.zeros((HID,), jnp.float32)
        in_dim = HID
    params['Wout'] = _glorot(keys[k], (HID, 1))
    params['bout'] = jnp.zeros((1,), jnp.float32)
    return {'features': features, 'edge_index': edge_index, 'params': params}


def _graph_conv(x, src, dst, W, n):
    # DGL GraphConv with norm='both', bias=False:
    # rst = D_dst^{-1/2} A D_src^{-1/2} X W  (degrees clamped to min 1)
    ones = jnp.ones(src.shape, x.dtype)
    deg_out = jnp.maximum(jnp.zeros((n,), x.dtype).at[src].add(ones), 1.0)
    deg_in = jnp.maximum(jnp.zeros((n,), x.dtype).at[dst].add(ones), 1.0)
    h = (x * (deg_out ** -0.5)[:, None]) @ W
    agg = jnp.zeros((n, W.shape[1]), x.dtype).at[dst].add(h[src])
    return agg * (deg_in ** -0.5)[:, None]


def _bn(x, g, b, eps=1e-5):
    # BatchNorm1d, batch statistics (train-mode math, deterministic)
    mu = jnp.mean(x, axis=0)
    var = jnp.var(x, axis=0)
    return (x - mu) * jax.lax.rsqrt(var + eps) * g + b


def _forward(features, params, src, dst):
    n = features.shape[0]
    x = features
    stored = {}
    for i in range(N_LAYERS):
        Wc = params['Wc%d' % i]
        # BiGraphConv: shared GraphConv applied to graph and reversed graph
        xf = _graph_conv(x, src, dst, Wc, n)
        xr = _graph_conv(x, dst, src, Wc, n)
        x = jnp.concatenate([xf, xr], axis=-1) @ params['Wl%d' % i]
        if i == N_LAYERS - 1:
            # skip connection lands on the final BatchNorm index (no trailing ReLU)
            x = x + stored[i - 2]
            x = _bn(x, params['g%d' % i], params['b%d' % i])
        else:
            x = _bn(x, params['g%d' % i], params['b%d' % i])
            if i >= 2:
                x = x + stored[i - 2]
            x = jax.nn.relu(x)
            if i <= 2:
                stored[i] = x
    # dropout is identity at inference; single graph, mask=None -> no masking
    return x @ params['Wout'] + params['bout']


def reference(features, edge_index, params):
    src = edge_index[0]
    dst = edge_index[1]
    return _forward(features, params, src, dst)

if __name__ == "__main__":
    import jax
    _d = setup_inputs()
    print(jax.jit(kernel)(*tuple(_d.values())))

</pallas_src>

<mosaic_0001>
#map = affine_map<(d0, d1) -> (0, 0)>
#map1 = affine_map<(d0, d1) -> (0, 0, 0)>
module attributes {stable_mosaic.version = 14 : i64} {
  func.func @_sc_agg_body(%arg0: i32, %arg1: i32, %arg2: memref<10000x32xf32, #tpu.memory_space<hbm>>, %arg3: memref<10000x32xf32, #tpu.memory_space<hbm>>, %arg4: memref<16x160x125xi32, #tpu.memory_space<hbm>>, %arg5: memref<16x160x125xi32, #tpu.memory_space<hbm>>, %arg6: memref<10240x32xf32, #tpu.memory_space<hbm>>, %arg7: memref<10240x32xf32, #tpu.memory_space<hbm>>, %arg8: memref<10240x32xf32, #tpu.memory_space<hbm>>, %arg9: memref<160x125xi32, #tpu.memory_space<vmem>>, %arg10: memref<160x125xi32, #tpu.memory_space<vmem>>, %arg11: memref<125x32xf32, #tpu.memory_space<vmem>>, %arg12: memref<125x32xf32, #tpu.memory_space<vmem>>, %arg13: memref<125x32xf32, #tpu.memory_space<vmem>>, %arg14: memref<125x32xf32, #tpu.memory_space<vmem>>, %arg15: memref<!tpu.dma_semaphore, #tpu.memory_space<semaphore_mem>>, %arg16: memref<!tpu.dma_semaphore, #tpu.memory_space<semaphore_mem>>, %arg17: memref<!tpu.dma_semaphore, #tpu.memory_space<semaphore_mem>>, %arg18: memref<!tpu.dma_semaphore, #tpu.memory_space<semaphore_mem>>, %arg19: memref<!tpu.dma_semaphore, #tpu.memory_space<semaphore_mem>>, %arg20: memref<!tpu.dma_semaphore, #tpu.memory_space<semaphore_mem>>, %arg21: memref<!tpu.dma_semaphore, #tpu.memory_space<semaphore_mem>>, %arg22: memref<!tpu.dma_semaphore, #tpu.memory_space<semaphore_mem>>, %arg23: memref<10240x32xf32, #tpu.memory_space<vmem_shared>>) attributes {dimension_semantics = [#tpu.dimension_semantics<core_parallel>, #tpu.dimension_semantics<subcore_parallel>], iteration_bounds = array<i64: 2, 16>, scalar_prefetch = 0 : i64, scratch_operands = 15 : i64, tpu.core_type = #tpu.core_type<sc_vector_subcore>, window_params = [{transform_indices = #map}, {transform_indices = #map}, {transform_indices = #map1}, {transform_indices = #map1}, {transform_indices = #map}, {transform_indices = #map}, {transform_indices = #map}]} {
    "tpu.region"() ({
      %run_scoped3A = tpu.sem_alloc : memref<!tpu.dma_semaphore, #tpu.memory_space<semaphore_mem>>
      %dma_start3A = arith.constant 0 : i32
      %dma_start3A_21 = arith.constant 0 : i32
      %dma_start3A_22 = tpu.memref_slice %arg4[%arg1, %dma_start3A, %dma_start3A_21] : memref<16x160x125xi32, #tpu.memory_space<hbm>> -> memref<1x160x125xi32, #tpu.memory_space<hbm>>
      %dma_start3A_23 = tpu.memref_squeeze %dma_start3A_22 : memref<1x160x125xi32, #tpu.memory_space<hbm>> -> memref<160x125xi32, #tpu.memory_space<hbm>>
      %dma_start3A_24 = arith.constant 0 : i32
      %dma_start3A_25 = arith.constant 0 : i32
      %dma_start3A_26 = tpu.memref_slice %arg4[%arg1, %dma_start3A_24, %dma_start3A_25] : memref<16x160x125xi32, #tpu.memory_space<hbm>> -> memref<1x160x125xi32, #tpu.memory_space<hbm>>
      %dma_start3A_27 = tpu.memref_squeeze %dma_start3A_26 : memref<1x160x125xi32, #tpu.memory_space<hbm>> -> memref<160x125xi32, #tpu.memory_space<hbm>>
      tpu.enqueue_dma source(%dma_start3A_27 : memref<160x125xi32, #tpu.memory_space<hbm>>) target(%arg9 : memref<160x125xi32, #tpu.memory_space<vmem>>) target_semaphore(%run_scoped3A : memref<!tpu.dma_semaphore, #tpu.memory_space<semaphore_mem>>)
      %dma_wait3A = arith.constant 0 : i32
      %dma_wait3A_28 = arith.constant 0 : i32
      %dma_wait3A_29 = tpu.memref_slice %arg4[%arg1, %dma_wait3A, %dma_wait3A_28] : memref<16x160x125xi32, #tpu.memory_space<hbm>> -> memref<1x160x125xi32, #tpu.memory_space<hbm>>
      %dma_wait3A_30 = tpu.memref_squeeze %dma_wait3A_29 : memref<1x160x125xi32, #tpu.memory_space<hbm>> -> memref<160x125xi32, #tpu.memory_space<hbm>>
      %dma_wait3A_31 = arith.constant 0 : i32
      %dma_wait3A_32 = arith.constant 0 : i32
      %dma_wait3A_33 = tpu.memref_slice %arg4[%arg1, %dma_wait3A_31, %dma_wait3A_32] : memref<16x160x125xi32, #tpu.memory_space<hbm>> -> memref<1x160x125xi32, #tpu.memory_space<hbm>>
      %dma_wait3A_34 = tpu.memref_squeeze %dma_wait3A_33 : memref<1x160x125xi32, #tpu.memory_space<hbm>> -> memref<160x125xi32, #tpu.memory_space<hbm>>
      tpu.wait_dma2 semaphore(%run_scoped3A : memref<!tpu.dma_semaphore, #tpu.memory_space<semaphore_mem>>) src(%dma_wait3A_34 : memref<160x125xi32, #tpu.memory_space<hbm>>) dst(%arg9 : memref<160x125xi32, #tpu.memory_space<vmem>>)
      tpu.yield
    }) : () -> ()
    "tpu.region"() ({
      %run_scoped3A = tpu.sem_alloc : memref<!tpu.dma_semaphore, #tpu.memory_space<semaphore_mem>>
      %dma_start3A = arith.constant 0 : i32
      %dma_start3A_21 = arith.constant 0 : i32
      %dma_start3A_22 = tpu.memref_slice %arg5[%arg1, %dma_start3A, %dma_start3A_21] : memref<16x160x125xi32, #tpu.memory_space<hbm>> -> memref<1x160x125xi32, #tpu.memory_space<hbm>>
      %dma_start3A_23 = tpu.memref_squeeze %dma_start3A_22 : memref<1x160x125xi32, #tpu.memory_space<hbm>> -> memref<160x125xi32, #tpu.memory_space<hbm>>
      %dma_start3A_24 = arith.constant 0 : i32
      %dma_start3A_25 = arith.constant 0 : i32
      %dma_start3A_26 = tpu.memref_slice %arg5[%arg1, %dma_start3A_24, %dma_start3A_25] : memref<16x160x125xi32, #tpu.memory_space<hbm>> -> memref<1x160x125xi32, #tpu.memory_space<hbm>>
      %dma_start3A_27 = tpu.memref_squeeze %dma_start3A_26 : memref<1x160x125xi32, #tpu.memory_space<hbm>> -> memref<160x125xi32, #tpu.memory_space<hbm>>
      tpu.enqueue_dma source(%dma_start3A_27 : memref<160x125xi32, #tpu.memory_space<hbm>>) target(%arg10 : memref<160x125xi32, #tpu.memory_space<vmem>>) target_semaphore(%run_scoped3A : memref<!tpu.dma_semaphore, #tpu.memory_space<semaphore_mem>>)
      %dma_wait3A = arith.constant 0 : i32
      %dma_wait3A_28 = arith.constant 0 : i32
      %dma_wait3A_29 = tpu.memref_slice %arg5[%arg1, %dma_wait3A, %dma_wait3A_28] : memref<16x160x125xi32, #tpu.memory_space<hbm>> -> memref<1x160x125xi32, #tpu.memory_space<hbm>>
      %dma_wait3A_30 = tpu.memref_squeeze %dma_wait3A_29 : memref<1x160x125xi32, #tpu.memory_space<hbm>> -> memref<160x125xi32, #tpu.memory_space<hbm>>
      %dma_wait3A_31 = arith.constant 0 : i32
      %dma_wait3A_32 = arith.constant 0 : i32
      %dma_wait3A_33 = tpu.memref_slice %arg5[%arg1, %dma_wait3A_31, %dma_wait3A_32] : memref<16x160x125xi32, #tpu.memory_space<hbm>> -> memref<1x160x125xi32, #tpu.memory_space<hbm>>
      %dma_wait3A_34 = tpu.memref_squeeze %dma_wait3A_33 : memref<1x160x125xi32, #tpu.memory_space<hbm>> -> memref<160x125xi32, #tpu.memory_space<hbm>>
      tpu.wait_dma2 semaphore(%run_scoped3A : memref<!tpu.dma_semaphore, #tpu.memory_space<semaphore_mem>>) src(%dma_wait3A_34 : memref<160x125xi32, #tpu.memory_space<hbm>>) dst(%arg10 : memref<160x125xi32, #tpu.memory_space<vmem>>)
      tpu.yield
    }) : () -> ()
    %mul3A = arith.constant 640 : i32
    %mul3A_0 = arith.muli %arg1, %mul3A : i32
    %mul3A_1 = arith.constant 640 : i32
    %mul3A_2 = arith.muli %arg1, %mul3A_1 : i32
    "tpu.region"() ({
      %run_scoped3A = tpu.sem_alloc : memref<!tpu.dma_semaphore, #tpu.memory_space<semaphore_mem>>
      %dma_start3A = arith.constant 0 : i32
      %dma_start3A_21 = tpu.memref_slice %arg23[%mul3A_2, %dma_start3A] : memref<10240x32xf32, #tpu.memory_space<vmem_shared>> -> memref<640x32xf32, #tpu.memory_space<vmem_shared>>
      %dma_start3A_22 = arith.constant 0 : i32
      %dma_start3A_23 = tpu.memref_slice %arg6[%mul3A_0, %dma_start3A_22] : memref<10240x32xf32, #tpu.memory_space<hbm>> -> memref<640x32xf32, #tpu.memory_space<hbm>>
      tpu.enqueue_dma source(%dma_start3A_23 : memref<640x32xf32, #tpu.memory_space<hbm>>) target(%dma_start3A_21 : memref<640x32xf32, #tpu.memory_space<vmem_shared>>) target_semaphore(%run_scoped3A : memref<!tpu.dma_semaphore, #tpu.memory_space<semaphore_mem>>)
      %dma_wait3A = arith.constant 0 : i32
      %dma_wait3A_24 = tpu.memref_slice %arg23[%mul3A_2, %dma_wait3A] : memref<10240x32xf32, #tpu.memory_space<vmem_shared>> -> memref<640x32xf32, #tpu.memory_space<vmem_shared>>
      %dma_wait3A_25 = arith.constant 0 : i32
      %dma_wait3A_26 = tpu.memref_slice %arg6[%mul3A_0, %dma_wait3A_25] : memref<10240x32xf32, #tpu.memory_space<hbm>> -> memref<640x32xf32, #tpu.memory_space<hbm>>
      tpu.wait_dma2 semaphore(%run_scoped3A : memref<!tpu.dma_semaphore, #tpu.memory_space<semaphore_mem>>) src(%dma_wait3A_26 : memref<640x32xf32, #tpu.memory_space<hbm>>) dst(%dma_wait3A_24 : memref<640x32xf32, #tpu.memory_space<vmem_shared>>)
      tpu.yield
    }) : () -> ()
    %barrier3A = arith.constant 0 : index
    tpu.barrier barrier_id(%barrier3A)
    %eq3A = arith.constant 0 : i32
    %eq3A_3 = arith.cmpi eq, %arg0, %eq3A : i32
    %convert_element_type3A = arith.extui %eq3A_3 : i1 to i32
    %cond3A = arith.constant 0 : i32
    %cond3A_4 = arith.cmpi ne, %convert_element_type3A, %cond3A : i32
    scf.if %cond3A_4 {
      %scan3A = arith.constant 0 : i32
      %scan3A_21 = arith.constant 0 : i32
      %scan3A_22 = arith.constant 40 : i32
      %scan3A_23 = arith.addi %scan3A_21, %scan3A_22 : i32
      %scan3A_24 = arith.constant 1 : i32
      scf.for %scan3A_26 = %scan3A_21 to %scan3A_23 step %scan3A_24  : i32 {
        %mul3A_27 = arith.constant 4 : i32
        %mul3A_28 = arith.muli %scan3A_26, %mul3A_27 : i32
        %add3A = arith.constant 0 : i32
        %add3A_29 = arith.addi %mul3A_28, %add3A : i32
        %dma_start3A = arith.constant 0 : i32
        %dma_start3A_30 = tpu.memref_slice %arg9[%add3A_29, %dma_start3A] : memref<160x125xi32, #tpu.memory_space<vmem>> -> memref<1x125xi32, #tpu.memory_space<vmem>>
        %dma_start3A_31 = tpu.memref_squeeze %dma_start3A_30 : memref<1x125xi32, #tpu.memory_space<vmem>> -> memref<125xi32, #tpu.memory_space<vmem>>
        %dma_start3A_32 = arith.constant 0 : i32
        %dma_start3A_33 = arith.constant 0 : i32
        %dma_start3A_34 = tpu.memref_slice %arg2[%dma_start3A_32, %dma_start3A_33] : memref<10000x32xf32, #tpu.memory_space<hbm>> -> memref<10000x32xf32, #tpu.memory_space<hbm>>
        tpu.enqueue_indirect_dma source(%dma_start3A_34 : memref<10000x32xf32, #tpu.memory_space<hbm>>) target(%arg11 : memref<125x32xf32, #tpu.memory_space<vmem>>) offsets(%dma_start3A_31 : memref<125xi32, #tpu.memory_space<vmem>>) semaphore(%arg15 : memref<!tpu.dma_semaphore, #tpu.memory_space<semaphore_mem>>)
        %add3A_35 = arith.constant 1 : i32
        %add3A_36 = arith.addi %mul3A_28, %add3A_35 : i32
        %dma_start3A_37 = arith.constant 0 : i32
        %dma_start3A_38 = tpu.memref_slice %arg9[%add3A_36, %dma_start3A_37] : memref<160x125xi32, #tpu.memory_space<vmem>> -> memref<1x125xi32, #tpu.memory_space<vmem>>
        %dma_start3A_39 = tpu.memref_squeeze %dma_start3A_38 : memref<1x125xi32, #tpu.memory_space<vmem>> -> memref<125xi32, #tpu.memory_space<vmem>>
        %dma_start3A_40 = arith.constant 0 : i32
        %dma_start3A_41 = arith.constant 0 : i32
        %dma_start3A_42 = tpu.memref_slice %arg2[%dma_start3A_40, %dma_start3A_41] : memref<10000x32xf32, #tpu.memory_space<hbm>> -> memref<10000x32xf32, #tpu.memory_space<hbm>>
        tpu.enqueue_indirect_dma source(%dma_start3A_42 : memref<10000x32xf32, #tpu.memory_space<hbm>>) target(%arg12 : memref<125x32xf32, #tpu.memory_space<vmem>>) offsets(%dma_start3A_39 : memref<125xi32, #tpu.memory_space<vmem>>) semaphore(%arg16 : memref<!tpu.dma_semaphore, #tpu.memory_space<semaphore_mem>>)
        %add3A_43 = arith.constant 2 : i32
        %add3A_44 = arith.addi %mul3A_28, %add3A_43 : i32
        %dma_start3A_45 = arith.constant 0 : i32
        %dma_start3A_46 = tpu.memref_slice %arg9[%add3A_44, %dma_start3A_45] : memref<160x125xi32, #tpu.memory_space<vmem>> -> memref<1x125xi32, #tpu.memory_space<vmem>>
        %dma_start3A_47 = tpu.memref_squeeze %dma_start3A_46 : memref<1x125xi32, #tpu.memory_space<vmem>> -> memref<125xi32, #tpu.memory_space<vmem>>
        %dma_start3A_48 = arith.constant 0 : i32
        %dma_start3A_49 = arith.constant 0 : i32
        %dma_start3A_50 = tpu.memref_slice %arg2[%dma_start3A_48, %dma_start3A_49] : memref<10000x32xf32, #tpu.memory_space<hbm>> -> memref<10000x32xf32, #tpu.memory_space<hbm>>
        tpu.enqueue_indirect_dma source(%dma_start3A_50 : memref<10000x32xf32, #tpu.memory_space<hbm>>) target(%arg13 : memref<125x32xf32, #tpu.memory_space<vmem>>) offsets(%dma_start3A_47 : memref<125xi32, #tpu.memory_space<vmem>>) semaphore(%arg17 : memref<!tpu.dma_semaphore, #tpu.memory_space<semaphore_mem>>)
        %add3A_51 = arith.constant 3 : i32
        %add3A_52 = arith.addi %mul3A_28, %add3A_51 : i32
        %dma_start3A_53 = arith.constant 0 : i32
        %dma_start3A_54 = tpu.memref_slice %arg9[%add3A_52, %dma_start3A_53] : memref<160x125xi32, #tpu.memory_space<vmem>> -> memref<1x125xi32, #tpu.memory_space<vmem>>
        %dma_start3A_55 = tpu.memref_squeeze %dma_start3A_54 : memref<1x125xi32, #tpu.memory_space<vmem>> -> memref<125xi32, #tpu.memory_space<vmem>>
        %dma_start3A_56 = arith.constant 0 : i32
        %dma_start3A_57 = arith.constant 0 : i32
        %dma_start3A_58 = tpu.memref_slice %arg2[%dma_start3A_56, %dma_start3A_57] : memref<10000x32xf32, #tpu.memory_space<hbm>> -> memref<10000x32xf32, #tpu.memory_space<hbm>>
        tpu.enqueue_indirect_dma source(%dma_start3A_58 : memref<10000x32xf32, #tpu.memory_space<hbm>>) target(%arg14 : memref<125x32xf32, #tpu.memory_space<vmem>>) offsets(%dma_start3A_55 : memref<125xi32, #tpu.memory_space<vmem>>) semaphore(%arg18 : memref<!tpu.dma_semaphore, #tpu.memory_space<semaphore_mem>>)
        %dma_wait3A = arith.constant 0 : i32
        %dma_wait3A_59 = tpu.memref_slice %arg9[%add3A_29, %dma_wait3A] : memref<160x125xi32, #tpu.memory_space<vmem>> -> memref<1x125xi32, #tpu.memory_space<vmem>>
        %dma_wait3A_60 = tpu.memref_squeeze %dma_wait3A_59 : memref<1x125xi32, #tpu.memory_space<vmem>> -> memref<125xi32, #tpu.memory_space<vmem>>
        %dma_wait3A_61 = arith.constant 0 : i32
        %dma_wait3A_62 = arith.constant 0 : i32
        %dma_wait3A_63 = tpu.memref_slice %arg2[%dma_wait3A_61, %dma_wait3A_62] : memref<10000x32xf32, #tpu.memory_space<hbm>> -> memref<10000x32xf32, #tpu.memory_space<hbm>>
        tpu.wait_indirect_dma semaphore(%arg15 : memref<!tpu.dma_semaphore, #tpu.memory_space<semaphore_mem>>) src(%dma_wait3A_63 : memref<10000x32xf32, #tpu.memory_space<hbm>>) dst(%arg11 : memref<125x32xf32, #tpu.memory_space<vmem>>)
        %add3A_64 = arith.constant 0 : i32
        %add3A_65 = arith.addi %mul3A_28, %add3A_64 : i32
        %dma_start3A_66 = arith.constant 0 : i32
        %dma_start3A_67 = tpu.memref_slice %arg10[%add3A_65, %dma_start3A_66] : memref<160x125xi32, #tpu.memory_space<vmem>> -> memref<1x125xi32, #tpu.memory_space<vmem>>
        %dma_start3A_68 = tpu.memref_squeeze %dma_start3A_67 : memref<1x125xi32, #tpu.memory_space<vmem>> -> memref<125xi32, #tpu.memory_space<vmem>>
        %dma_start3A_69 = arith.constant 0 : i32
        %dma_start3A_70 = arith.constant 0 : i32
        %dma_start3A_71 = tpu.memref_slice %arg23[%dma_start3A_69, %dma_start3A_70] : memref<10240x32xf32, #tpu.memory_space<vmem_shared>> -> memref<10240x32xf32, #tpu.memory_space<vmem_shared>>
        tpu.enqueue_indirect_dma source(%arg11 : memref<125x32xf32, #tpu.memory_space<vmem>>) target(%dma_start3A_71 : memref<10240x32xf32, #tpu.memory_space<vmem_shared>>) offsets(%dma_start3A_68 : memref<125xi32, #tpu.memory_space<vmem>>) semaphore(%arg19 : memref<!tpu.dma_semaphore, #tpu.memory_space<semaphore_mem>>) {add = true}
        %dma_wait3A_72 = arith.constant 0 : i32
        %dma_wait3A_73 = tpu.memref_slice %arg9[%add3A_36, %dma_wait3A_72] : memref<160x125xi32, #tpu.memory_space<vmem>> -> memref<1x125xi32, #tpu.memory_space<vmem>>
        %dma_wait3A_74 = tpu.memref_squeeze %dma_wait3A_73 : memref<1x125xi32, #tpu.memory_space<vmem>> -> memref<125xi32, #tpu.memory_space<vmem>>
        %dma_wait3A_75 = arith.constant 0 : i32
        %dma_wait3A_76 = arith.constant 0 : i32
        %dma_wait3A_77 = tpu.memref_slice %arg2[%dma_wait3A_75, %dma_wait3A_76] : memref<10000x32xf32, #tpu.memory_space<hbm>> -> memref<10000x32xf32, #tpu.memory_space<hbm>>
        tpu.wait_indirect_dma semaphore(%arg16 : memref<!tpu.dma_semaphore, #tpu.memory_space<semaphore_mem>>) src(%dma_wait3A_77 : memref<10000x32xf32, #tpu.memory_space<hbm>>) dst(%arg12 : memref<125x32xf32, #tpu.memory_space<vmem>>)
        %add3A_78 = arith.constant 1 : i32
        %add3A_79 = arith.addi %mul3A_28, %add3A_78 : i32
        %dma_start3A_80 = arith.constant 0 : i32
        %dma_start3A_81 = tpu.memref_slice %arg10[%add3A_79, %dma_start3A_80] : memref<160x125xi32, #tpu.memory_space<vmem>> -> memref<1x125xi32, #tpu.memory_space<vmem>>
        %dma_start3A_82 = tpu.memref_squeeze %dma_start3A_81 : memref<1x125xi32, #tpu.memory_space<vmem>> -> memref<125xi32, #tpu.memory_space<vmem>>
        %dma_start3A_83 = arith.constant 0 : i32
        %dma_start3A_84 = arith.constant 0 : i32
        %dma_start3A_85 = tpu.memref_slice %arg23[%dma_start3A_83, %dma_start3A_84] : memref<10240x32xf32, #tpu.memory_space<vmem_shared>> -> memref<10240x32xf32, #tpu.memory_space<vmem_shared>>
        tpu.enqueue_indirect_dma source(%arg12 : memref<125x32xf32, #tpu.memory_space<vmem>>) target(%dma_start3A_85 : memref<10240x32xf32, #tpu.memory_space<vmem_shared>>) offsets(%dma_start3A_82 : memref<125xi32, #tpu.memory_space<vmem>>) semaphore(%arg20 : memref<!tpu.dma_semaphore, #tpu.memory_space<semaphore_mem>>) {add = true}
        %dma_wait3A_86 = arith.constant 0 : i32
        %dma_wait3A_87 = tpu.memref_slice %arg9[%add3A_44, %dma_wait3A_86] : memref<160x125xi32, #tpu.memory_space<vmem>> -> memref<1x125xi32, #tpu.memory_space<vmem>>
        %dma_wait3A_88 = tpu.memref_squeeze %dma_wait3A_87 : memref<1x125xi32, #tpu.memory_space<vmem>> -> memref<125xi32, #tpu.memory_space<vmem>>
        %dma_wait3A_89 = arith.constant 0 : i32
        %dma_wait3A_90 = arith.constant 0 : i32
        %dma_wait3A_91 = tpu.memref_slice %arg2[%dma_wait3A_89, %dma_wait3A_90] : memref<10000x32xf32, #tpu.memory_space<hbm>> -> memref<10000x32xf32, #tpu.memory_space<hbm>>
        tpu.wait_indirect_dma semaphore(%arg17 : memref<!tpu.dma_semaphore, #tpu.memory_space<semaphore_mem>>) src(%dma_wait3A_91 : memref<10000x32xf32, #tpu.memory_space<hbm>>) dst(%arg13 : memref<125x32xf32, #tpu.memory_space<vmem>>)
        %add3A_92 = arith.constant 2 : i32
        %add3A_93 = arith.addi %mul3A_28, %add3A_92 : i32
        %dma_start3A_94 = arith.constant 0 : i32
        %dma_start3A_95 = tpu.memref_slice %arg10[%add3A_93, %dma_start3A_94] : memref<160x125xi32, #tpu.memory_space<vmem>> -> memref<1x125xi32, #tpu.memory_space<vmem>>
        %dma_start3A_96 = tpu.memref_squeeze %dma_start3A_95 : memref<1x125xi32, #tpu.memory_space<vmem>> -> memref<125xi32, #tpu.memory_space<vmem>>
        %dma_start3A_97 = arith.constant 0 : i32
        %dma_start3A_98 = arith.constant 0 : i32
        %dma_start3A_99 = tpu.memref_slice %arg23[%dma_start3A_97, %dma_start3A_98] : memref<10240x32xf32, #tpu.memory_space<vmem_shared>> -> memref<10240x32xf32, #tpu.memory_space<vmem_shared>>
        tpu.enqueue_indirect_dma source(%arg13 : memref<125x32xf32, #tpu.memory_space<vmem>>) target(%dma_start3A_99 : memref<10240x32xf32, #tpu.memory_space<vmem_shared>>) offsets(%dma_start3A_96 : memref<125xi32, #tpu.memory_space<vmem>>) semaphore(%arg21 : memref<!tpu.dma_semaphore, #tpu.memory_space<semaphore_mem>>) {add = true}
        %dma_wait3A_100 = arith.constant 0 : i32
        %dma_wait3A_101 = tpu.memref_slice %arg9[%add3A_52, %dma_wait3A_100] : memref<160x125xi32, #tpu.memory_space<vmem>> -> memref<1x125xi32, #tpu.memory_space<vmem>>
        %dma_wait3A_102 = tpu.memref_squeeze %dma_wait3A_101 : memref<1x125xi32, #tpu.memory_space<vmem>> -> memref<125xi32, #tpu.memory_space<vmem>>
        %dma_wait3A_103 = arith.constant 0 : i32
        %dma_wait3A_104 = arith.constant 0 : i32
        %dma_wait3A_105 = tpu.memref_slice %arg2[%dma_wait3A_103, %dma_wait3A_104] : memref<10000x32xf32, #tpu.memory_space<hbm>> -> memref<10000x32xf32, #tpu.memory_space<hbm>>
        tpu.wait_indirect_dma semaphore(%arg18 : memref<!tpu.dma_semaphore, #tpu.memory_space<semaphore_mem>>) src(%dma_wait3A_105 : memref<10000x32xf32, #tpu.memory_space<hbm>>) dst(%arg14 : memref<125x32xf32, #tpu.memory_space<vmem>>)
        %add3A_106 = arith.constant 3 : i32
        %add3A_107 = arith.addi %mul3A_28, %add3A_106 : i32
        %dma_start3A_108 = arith.constant 0 : i32
        %dma_start3A_109 = tpu.memref_slice %arg10[%add3A_107, %dma_start3A_108] : memref<160x125xi32, #tpu.memory_space<vmem>> -> memref<1x125xi32, #tpu.memory_space<vmem>>
        %dma_start3A_110 = tpu.memref_squeeze %dma_start3A_109 : memref<1x125xi32, #tpu.memory_space<vmem>> -> memref<125xi32, #tpu.memory_space<vmem>>
        %dma_start3A_111 = arith.constant 0 : i32
        %dma_start3A_112 = arith.constant 0 : i32
        %dma_start3A_113 = tpu.memref_slice %arg23[%dma_start3A_111, %dma_start3A_112] : memref<10240x32xf32, #tpu.memory_space<vmem_shared>> -> memref<10240x32xf32, #tpu.memory_space<vmem_shared>>
        tpu.enqueue_indirect_dma source(%arg14 : memref<125x32xf32, #tpu.memory_space<vmem>>) target(%dma_start3A_113 : memref<10240x32xf32, #tpu.memory_space<vmem_shared>>) offsets(%dma_start3A_110 : memref<125xi32, #tpu.memory_space<vmem>>) semaphore(%arg22 : memref<!tpu.dma_semaphore, #tpu.memory_space<semaphore_mem>>) {add = true}
        %dma_wait3A_114 = arith.constant 0 : i32
        %dma_wait3A_115 = tpu.memref_slice %arg10[%add3A_65, %dma_wait3A_114] : memref<160x125xi32, #tpu.memory_space<vmem>> -> memref<1x125xi32, #tpu.memory_space<vmem>>
        %dma_wait3A_116 = tpu.memref_squeeze %dma_wait3A_115 : memref<1x125xi32, #tpu.memory_space<vmem>> -> memref<125xi32, #tpu.memory_space<vmem>>
        %dma_wait3A_117 = arith.constant 0 : i32
        %dma_wait3A_118 = arith.constant 0 : i32
        %dma_wait3A_119 = tpu.memref_slice %arg23[%dma_wait3A_117, %dma_wait3A_118] : memref<10240x32xf32, #tpu.memory_space<vmem_shared>> -> memref<10240x32xf32, #tpu.memory_space<vmem_shared>>
        tpu.wait_indirect_dma semaphore(%arg19 : memref<!tpu.dma_semaphore, #tpu.memory_space<semaphore_mem>>) src(%arg11 : memref<125x32xf32, #tpu.memory_space<vmem>>) dst(%dma_wait3A_119 : memref<10240x32xf32, #tpu.memory_space<vmem_shared>>)
        %dma_wait3A_120 = arith.constant 0 : i32
        %dma_wait3A_121 = tpu.memref_slice %arg10[%add3A_79, %dma_wait3A_120] : memref<160x125xi32, #tpu.memory_space<vmem>> -> memref<1x125xi32, #tpu.memory_space<vmem>>
        %dma_wait3A_122 = tpu.memref_squeeze %dma_wait3A_121 : memref<1x125xi32, #tpu.memory_space<vmem>> -> memref<125xi32, #tpu.memory_space<vmem>>
        %dma_wait3A_123 = arith.constant 0 : i32
        %dma_wait3A_124 = arith.constant 0 : i32
        %dma_wait3A_125 = tpu.memref_slice %arg23[%dma_wait3A_123, %dma_wait3A_124] : memref<10240x32xf32, #tpu.memory_space<vmem_shared>> -> memref<10240x32xf32, #tpu.memory_space<vmem_shared>>
        tpu.wait_indirect_dma semaphore(%arg20 : memref<!tpu.dma_semaphore, #tpu.memory_space<semaphore_mem>>) src(%arg12 : memref<125x32xf32, #tpu.memory_space<vmem>>) dst(%dma_wait3A_125 : memref<10240x32xf32, #tpu.memory_space<vmem_shared>>)
        %dma_wait3A_126 = arith.constant 0 : i32
        %dma_wait3A_127 = tpu.memref_slice %arg10[%add3A_93, %dma_wait3A_126] : memref<160x125xi32, #tpu.memory_space<vmem>> -> memref<1x125xi32, #tpu.memory_space<vmem>>
        %dma_wait3A_128 = tpu.memref_squeeze %dma_wait3A_127 : memref<1x125xi32, #tpu.memory_space<vmem>> -> memref<125xi32, #tpu.memory_space<vmem>>
        %dma_wait3A_129 = arith.constant 0 : i32
        %dma_wait3A_130 = arith.constant 0 : i32
        %dma_wait3A_131 = tpu.memref_slice %arg23[%dma_wait3A_129, %dma_wait3A_130] : memref<10240x32xf32, #tpu.memory_space<vmem_shared>> -> memref<10240x32xf32, #tpu.memory_space<vmem_shared>>
        tpu.wait_indirect_dma semaphore(%arg21 : memref<!tpu.dma_semaphore, #tpu.memory_space<semaphore_mem>>) src(%arg13 : memref<125x32xf32, #tpu.memory_space<vmem>>) dst(%dma_wait3A_131 : memref<10240x32xf32, #tpu.memory_space<vmem_shared>>)
        %dma_wait3A_132 = arith.constant 0 : i32
        %dma_wait3A_133 = tpu.memref_slice %arg10[%add3A_107, %dma_wait3A_132] : memref<160x125xi32, #tpu.memory_space<vmem>> -> memref<1x125xi32, #tpu.memory_space<vmem>>
        %dma_wait3A_134 = tpu.memref_squeeze %dma_wait3A_133 : memref<1x125xi32, #tpu.memory_space<vmem>> -> memref<125xi32, #tpu.memory_space<vmem>>
        %dma_wait3A_135 = arith.constant 0 : i32
        %dma_wait3A_136 = arith.constant 0 : i32
        %dma_wait3A_137 = tpu.memref_slice %arg23[%dma_wait3A_135, %dma_wait3A_136] : memref<10240x32xf32, #tpu.memory_space<vmem_shared>> -> memref<10240x32xf32, #tpu.memory_space<vmem_shared>>
        tpu.wait_indirect_dma semaphore(%arg22 : memref<!tpu.dma_semaphore, #tpu.memory_space<semaphore_mem>>) src(%arg14 : memref<125x32xf32, #tpu.memory_space<vmem>>) dst(%dma_wait3A_137 : memref<10240x32xf32, #tpu.memory_space<vmem_shared>>)
      }
      %scan3A_25 = arith.constant 40 : i32
    } else {
    }
    %eq3A_5 = arith.constant 1 : i32
    %eq3A_6 = arith.cmpi eq, %arg0, %eq3A_5 : i32
    %convert_element_type3A_7 = arith.extui %eq3A_6 : i1 to i32
    %cond3A_8 = arith.constant 0 : i32
    %cond3A_9 = arith.cmpi ne, %convert_element_type3A_7, %cond3A_8 : i32
    scf.if %cond3A_9 {
      %scan3A = arith.constant 0 : i32
      %scan3A_21 = arith.constant 0 : i32
      %scan3A_22 = arith.constant 40 : i32
      %scan3A_23 = arith.addi %scan3A_21, %scan3A_22 : i32
      %scan3A_24 = arith.constant 1 : i32
      scf.for %scan3A_26 = %scan3A_21 to %scan3A_23 step %scan3A_24  : i32 {
        %mul3A_27 = arith.constant 4 : i32
        %mul3A_28 = arith.muli %scan3A_26, %mul3A_27 : i32
        %add3A = arith.constant 0 : i32
        %add3A_29 = arith.addi %mul3A_28, %add3A : i32
        %dma_start3A = arith.constant 0 : i32
        %dma_start3A_30 = tpu.memref_slice %arg10[%add3A_29, %dma_start3A] : memref<160x125xi32, #tpu.memory_space<vmem>> -> memref<1x125xi32, #tpu.memory_space<vmem>>
        %dma_start3A_31 = tpu.memref_squeeze %dma_start3A_30 : memref<1x125xi32, #tpu.memory_space<vmem>> -> memref<125xi32, #tpu.memory_space<vmem>>
        %dma_start3A_32 = arith.constant 0 : i32
        %dma_start3A_33 = arith.constant 0 : i32
        %dma_start3A_34 = tpu.memref_slice %arg3[%dma_start3A_32, %dma_start3A_33] : memref<10000x32xf32, #tpu.memory_space<hbm>> -> memref<10000x32xf32, #tpu.memory_space<hbm>>
        tpu.enqueue_indirect_dma source(%dma_start3A_34 : memref<10000x32xf32, #tpu.memory_space<hbm>>) target(%arg11 : memref<125x32xf32, #tpu.memory_space<vmem>>) offsets(%dma_start3A_31 : memref<125xi32, #tpu.memory_space<vmem>>) semaphore(%arg15 : memref<!tpu.dma_semaphore, #tpu.memory_space<semaphore_mem>>)
        %add3A_35 = arith.constant 1 : i32
        %add3A_36 = arith.addi %mul3A_28, %add3A_35 : i32
        %dma_start3A_37 = arith.constant 0 : i32
        %dma_start3A_38 = tpu.memref_slice %arg10[%add3A_36, %dma_start3A_37] : memref<160x125xi32, #tpu.memory_space<vmem>> -> memref<1x125xi32, #tpu.memory_space<vmem>>
        %dma_start3A_39 = tpu.memref_squeeze %dma_start3A_38 : memref<1x125xi32, #tpu.memory_space<vmem>> -> memref<125xi32, #tpu.memory_space<vmem>>
        %dma_start3A_40 = arith.constant 0 : i32
        %dma_start3A_41 = arith.constant 0 : i32
        %dma_start3A_42 = tpu.memref_slice %arg3[%dma_start3A_40, %dma_start3A_41] : memref<10000x32xf32, #tpu.memory_space<hbm>> -> memref<10000x32xf32, #tpu.memory_space<hbm>>
        tpu.enqueue_indirect_dma source(%dma_start3A_42 : memref<10000x32xf32, #tpu.memory_space<hbm>>) target(%arg12 : memref<125x32xf32, #tpu.memory_space<vmem>>) offsets(%dma_start3A_39 : memref<125xi32, #tpu.memory_space<vmem>>) semaphore(%arg16 : memref<!tpu.dma_semaphore, #tpu.memory_space<semaphore_mem>>)
        %add3A_43 = arith.constant 2 : i32
        %add3A_44 = arith.addi %mul3A_28, %add3A_43 : i32
        %dma_start3A_45 = arith.constant 0 : i32
        %dma_start3A_46 = tpu.memref_slice %arg10[%add3A_44, %dma_start3A_45] : memref<160x125xi32, #tpu.memory_space<vmem>> -> memref<1x125xi32, #tpu.memory_space<vmem>>
        %dma_start3A_47 = tpu.memref_squeeze %dma_start3A_46 : memref<1x125xi32, #tpu.memory_space<vmem>> -> memref<125xi32, #tpu.memory_space<vmem>>
        %dma_start3A_48 = arith.constant 0 : i32
        %dma_start3A_49 = arith.constant 0 : i32
        %dma_start3A_50 = tpu.memref_slice %arg3[%dma_start3A_48, %dma_start3A_49] : memref<10000x32xf32, #tpu.memory_space<hbm>> -> memref<10000x32xf32, #tpu.memory_space<hbm>>
        tpu.enqueue_indirect_dma source(%dma_start3A_50 : memref<10000x32xf32, #tpu.memory_space<hbm>>) target(%arg13 : memref<125x32xf32, #tpu.memory_space<vmem>>) offsets(%dma_start3A_47 : memref<125xi32, #tpu.memory_space<vmem>>) semaphore(%arg17 : memref<!tpu.dma_semaphore, #tpu.memory_space<semaphore_mem>>)
        %add3A_51 = arith.constant 3 : i32
        %add3A_52 = arith.addi %mul3A_28, %add3A_51 : i32
        %dma_start3A_53 = arith.constant 0 : i32
        %dma_start3A_54 = tpu.memref_slice %arg10[%add3A_52, %dma_start3A_53] : memref<160x125xi32, #tpu.memory_space<vmem>> -> memref<1x125xi32, #tpu.memory_space<vmem>>
        %dma_start3A_55 = tpu.memref_squeeze %dma_start3A_54 : memref<1x125xi32, #tpu.memory_space<vmem>> -> memref<125xi32, #tpu.memory_space<vmem>>
        %dma_start3A_56 = arith.constant 0 : i32
        %dma_start3A_57 = arith.constant 0 : i32
        %dma_start3A_58 = tpu.memref_slice %arg3[%dma_start3A_56, %dma_start3A_57] : memref<10000x32xf32, #tpu.memory_space<hbm>> -> memref<10000x32xf32, #tpu.memory_space<hbm>>
        tpu.enqueue_indirect_dma source(%dma_start3A_58 : memref<10000x32xf32, #tpu.memory_space<hbm>>) target(%arg14 : memref<125x32xf32, #tpu.memory_space<vmem>>) offsets(%dma_start3A_55 : memref<125xi32, #tpu.memory_space<vmem>>) semaphore(%arg18 : memref<!tpu.dma_semaphore, #tpu.memory_space<semaphore_mem>>)
        %dma_wait3A = arith.constant 0 : i32
        %dma_wait3A_59 = tpu.memref_slice %arg10[%add3A_29, %dma_wait3A] : memref<160x125xi32, #tpu.memory_space<vmem>> -> memref<1x125xi32, #tpu.memory_space<vmem>>
        %dma_wait3A_60 = tpu.memref_squeeze %dma_wait3A_59 : memref<1x125xi32, #tpu.memory_space<vmem>> -> memref<125xi32, #tpu.memory_space<vmem>>
        %dma_wait3A_61 = arith.constant 0 : i32
        %dma_wait3A_62 = arith.constant 0 : i32
        %dma_wait3A_63 = tpu.memref_slice %arg3[%dma_wait3A_61, %dma_wait3A_62] : memref<10000x32xf32, #tpu.memory_space<hbm>> -> memref<10000x32xf32, #tpu.memory_space<hbm>>
        tpu.wait_indirect_dma semaphore(%arg15 : memref<!tpu.dma_semaphore, #tpu.memory_space<semaphore_mem>>) src(%dma_wait3A_63 : memref<10000x32xf32, #tpu.memory_space<hbm>>) dst(%arg11 : memref<125x32xf32, #tpu.memory_space<vmem>>)
        %add3A_64 = arith.constant 0 : i32
        %add3A_65 = arith.addi %mul3A_28, %add3A_64 : i32
        %dma_start3A_66 = arith.constant 0 : i32
        %dma_start3A_67 = tpu.memref_slice %arg9[%add3A_65, %dma_start3A_66] : memref<160x125xi32, #tpu.memory_space<vmem>> -> memref<1x125xi32, #tpu.memory_space<vmem>>
        %dma_start3A_68 = tpu.memref_squeeze %dma_start3A_67 : memref<1x125xi32, #tpu.memory_space<vmem>> -> memref<125xi32, #tpu.memory_space<vmem>>
        %dma_start3A_69 = arith.constant 0 : i32
        %dma_start3A_70 = arith.constant 0 : i32
        %dma_start3A_71 = tpu.memref_slice %arg23[%dma_start3A_69, %dma_start3A_70] : memref<10240x32xf32, #tpu.memory_space<vmem_shared>> -> memref<10240x32xf32, #tpu.memory_space<vmem_shared>>
        tpu.enqueue_indirect_dma source(%arg11 : memref<125x32xf32, #tpu.memory_space<vmem>>) target(%dma_start3A_71 : memref<10240x32xf32, #tpu.memory_space<vmem_shared>>) offsets(%dma_start3A_68 : memref<125xi32, #tpu.memory_space<vmem>>) semaphore(%arg19 : memref<!tpu.dma_semaphore, #tpu.memory_space<semaphore_mem>>) {add = true}
        %dma_wait3A_72 = arith.constant 0 : i32
        %dma_wait3A_73 = tpu.memref_slice %arg10[%add3A_36, %dma_wait3A_72] : memref<160x125xi32, #tpu.memory_space<vmem>> -> memref<1x125xi32, #tpu.memory_space<vmem>>
        %dma_wait3A_74 = tpu.memref_squeeze %dma_wait3A_73 : memref<1x125xi32, #tpu.memory_space<vmem>> -> memref<125xi32, #tpu.memory_space<vmem>>
        %dma_wait3A_75 = arith.constant 0 : i32
        %dma_wait3A_76 = arith.constant 0 : i32
        %dma_wait3A_77 = tpu.memref_slice %arg3[%dma_wait3A_75, %dma_wait3A_76] : memref<10000x32xf32, #tpu.memory_space<hbm>> -> memref<10000x32xf32, #tpu.memory_space<hbm>>
        tpu.wait_indirect_dma semaphore(%arg16 : memref<!tpu.dma_semaphore, #tpu.memory_space<semaphore_mem>>) src(%dma_wait3A_77 : memref<10000x32xf32, #tpu.memory_space<hbm>>) dst(%arg12 : memref<125x32xf32, #tpu.memory_space<vmem>>)
        %add3A_78 = arith.constant 1 : i32
        %add3A_79 = arith.addi %mul3A_28, %add3A_78 : i32
        %dma_start3A_80 = arith.constant 0 : i32
        %dma_start3A_81 = tpu.memref_slice %arg9[%add3A_79, %dma_start3A_80] : memref<160x125xi32, #tpu.memory_space<vmem>> -> memref<1x125xi32, #tpu.memory_space<vmem>>
        %dma_start3A_82 = tpu.memref_squeeze %dma_start3A_81 : memref<1x125xi32, #tpu.memory_space<vmem>> -> memref<125xi32, #tpu.memory_space<vmem>>
        %dma_start3A_83 = arith.constant 0 : i32
        %dma_start3A_84 = arith.constant 0 : i32
        %dma_start3A_85 = tpu.memref_slice %arg23[%dma_start3A_83, %dma_start3A_84] : memref<10240x32xf32, #tpu.memory_space<vmem_shared>> -> memref<10240x32xf32, #tpu.memory_space<vmem_shared>>
        tpu.enqueue_indirect_dma source(%arg12 : memref<125x32xf32, #tpu.memory_space<vmem>>) target(%dma_start3A_85 : memref<10240x32xf32, #tpu.memory_space<vmem_shared>>) offsets(%dma_start3A_82 : memref<125xi32, #tpu.memory_space<vmem>>) semaphore(%arg20 : memref<!tpu.dma_semaphore, #tpu.memory_space<semaphore_mem>>) {add = true}
        %dma_wait3A_86 = arith.constant 0 : i32
        %dma_wait3A_87 = tpu.memref_slice %arg10[%add3A_44, %dma_wait3A_86] : memref<160x125xi32, #tpu.memory_space<vmem>> -> memref<1x125xi32, #tpu.memory_space<vmem>>
        %dma_wait3A_88 = tpu.memref_squeeze %dma_wait3A_87 : memref<1x125xi32, #tpu.memory_space<vmem>> -> memref<125xi32, #tpu.memory_space<vmem>>
        %dma_wait3A_89 = arith.constant 0 : i32
        %dma_wait3A_90 = arith.constant 0 : i32
        %dma_wait3A_91 = tpu.memref_slice %arg3[%dma_wait3A_89, %dma_wait3A_90] : memref<10000x32xf32, #tpu.memory_space<hbm>> -> memref<10000x32xf32, #tpu.memory_space<hbm>>
        tpu.wait_indirect_dma semaphore(%arg17 : memref<!tpu.dma_semaphore, #tpu.memory_space<semaphore_mem>>) src(%dma_wait3A_91 : memref<10000x32xf32, #tpu.memory_space<hbm>>) dst(%arg13 : memref<125x32xf32, #tpu.memory_space<vmem>>)
        %add3A_92 = arith.constant 2 : i32
        %add3A_93 = arith.addi %mul3A_28, %add3A_92 : i32
        %dma_start3A_94 = arith.constant 0 : i32
        %dma_start3A_95 = tpu.memref_slice %arg9[%add3A_93, %dma_start3A_94] : memref<160x125xi32, #tpu.memory_space<vmem>> -> memref<1x125xi32, #tpu.memory_space<vmem>>
        %dma_start3A_96 = tpu.memref_squeeze %dma_start3A_95 : memref<1x125xi32, #tpu.memory_space<vmem>> -> memref<125xi32, #tpu.memory_space<vmem>>
        %dma_start3A_97 = arith.constant 0 : i32
        %dma_start3A_98 = arith.constant 0 : i32
        %dma_start3A_99 = tpu.memref_slice %arg23[%dma_start3A_97, %dma_start3A_98] : memref<10240x32xf32, #tpu.memory_space<vmem_shared>> -> memref<10240x32xf32, #tpu.memory_space<vmem_shared>>
        tpu.enqueue_indirect_dma source(%arg13 : memref<125x32xf32, #tpu.memory_space<vmem>>) target(%dma_start3A_99 : memref<10240x32xf32, #tpu.memory_space<vmem_shared>>) offsets(%dma_start3A_96 : memref<125xi32, #tpu.memory_space<vmem>>) semaphore(%arg21 : memref<!tpu.dma_semaphore, #tpu.memory_space<semaphore_mem>>) {add = true}
        %dma_wait3A_100 = arith.constant 0 : i32
        %dma_wait3A_101 = tpu.memref_slice %arg10[%add3A_52, %dma_wait3A_100] : memref<160x125xi32, #tpu.memory_space<vmem>> -> memref<1x125xi32, #tpu.memory_space<vmem>>
        %dma_wait3A_102 = tpu.memref_squeeze %dma_wait3A_101 : memref<1x125xi32, #tpu.memory_space<vmem>> -> memref<125xi32, #tpu.memory_space<vmem>>
        %dma_wait3A_103 = arith.constant 0 : i32
        %dma_wait3A_104 = arith.constant 0 : i32
        %dma_wait3A_105 = tpu.memref_slice %arg3[%dma_wait3A_103, %dma_wait3A_104] : memref<10000x32xf32, #tpu.memory_space<hbm>> -> memref<10000x32xf32, #tpu.memory_space<hbm>>
        tpu.wait_indirect_dma semaphore(%arg18 : memref<!tpu.dma_semaphore, #tpu.memory_space<semaphore_mem>>) src(%dma_wait3A_105 : memref<10000x32xf32, #tpu.memory_space<hbm>>) dst(%arg14 : memref<125x32xf32, #tpu.memory_space<vmem>>)
        %add3A_106 = arith.constant 3 : i32
        %add3A_107 = arith.addi %mul3A_28, %add3A_106 : i32
        %dma_start3A_108 = arith.constant 0 : i32
        %dma_start3A_109 = tpu.memref_slice %arg9[%add3A_107, %dma_start3A_108] : memref<160x125xi32, #tpu.memory_space<vmem>> -> memref<1x125xi32, #tpu.memory_space<vmem>>
        %dma_start3A_110 = tpu.memref_squeeze %dma_start3A_109 : memref<1x125xi32, #tpu.memory_space<vmem>> -> memref<125xi32, #tpu.memory_space<vmem>>
        %dma_start3A_111 = arith.constant 0 : i32
        %dma_start3A_112 = arith.constant 0 : i32
        %dma_start3A_113 = tpu.memref_slice %arg23[%dma_start3A_111, %dma_start3A_112] : memref<10240x32xf32, #tpu.memory_space<vmem_shared>> -> memref<10240x32xf32, #tpu.memory_space<vmem_shared>>
        tpu.enqueue_indirect_dma source(%arg14 : memref<125x32xf32, #tpu.memory_space<vmem>>) target(%dma_start3A_113 : memref<10240x32xf32, #tpu.memory_space<vmem_shared>>) offsets(%dma_start3A_110 : memref<125xi32, #tpu.memory_space<vmem>>) semaphore(%arg22 : memref<!tpu.dma_semaphore, #tpu.memory_space<semaphore_mem>>) {add = true}
        %dma_wait3A_114 = arith.constant 0 : i32
        %dma_wait3A_115 = tpu.memref_slice %arg9[%add3A_65, %dma_wait3A_114] : memref<160x125xi32, #tpu.memory_space<vmem>> -> memref<1x125xi32, #tpu.memory_space<vmem>>
        %dma_wait3A_116 = tpu.memref_squeeze %dma_wait3A_115 : memref<1x125xi32, #tpu.memory_space<vmem>> -> memref<125xi32, #tpu.memory_space<vmem>>
        %dma_wait3A_117 = arith.constant 0 : i32
        %dma_wait3A_118 = arith.constant 0 : i32
        %dma_wait3A_119 = tpu.memref_slice %arg23[%dma_wait3A_117, %dma_wait3A_118] : memref<10240x32xf32, #tpu.memory_space<vmem_shared>> -> memref<10240x32xf32, #tpu.memory_space<vmem_shared>>
        tpu.wait_indirect_dma semaphore(%arg19 : memref<!tpu.dma_semaphore, #tpu.memory_space<semaphore_mem>>) src(%arg11 : memref<125x32xf32, #tpu.memory_space<vmem>>) dst(%dma_wait3A_119 : memref<10240x32xf32, #tpu.memory_space<vmem_shared>>)
        %dma_wait3A_120 = arith.constant 0 : i32
        %dma_wait3A_121 = tpu.memref_slice %arg9[%add3A_79, %dma_wait3A_120] : memref<160x125xi32, #tpu.memory_space<vmem>> -> memref<1x125xi32, #tpu.memory_space<vmem>>
        %dma_wait3A_122 = tpu.memref_squeeze %dma_wait3A_121 : memref<1x125xi32, #tpu.memory_space<vmem>> -> memref<125xi32, #tpu.memory_space<vmem>>
        %dma_wait3A_123 = arith.constant 0 : i32
        %dma_wait3A_124 = arith.constant 0 : i32
        %dma_wait3A_125 = tpu.memref_slice %arg23[%dma_wait3A_123, %dma_wait3A_124] : memref<10240x32xf32, #tpu.memory_space<vmem_shared>> -> memref<10240x32xf32, #tpu.memory_space<vmem_shared>>
        tpu.wait_indirect_dma semaphore(%arg20 : memref<!tpu.dma_semaphore, #tpu.memory_space<semaphore_mem>>) src(%arg12 : memref<125x32xf32, #tpu.memory_space<vmem>>) dst(%dma_wait3A_125 : memref<10240x32xf32, #tpu.memory_space<vmem_shared>>)
        %dma_wait3A_126 = arith.constant 0 : i32
        %dma_wait3A_127 = tpu.memref_slice %arg9[%add3A_93, %dma_wait3A_126] : memref<160x125xi32, #tpu.memory_space<vmem>> -> memref<1x125xi32, #tpu.memory_space<vmem>>
        %dma_wait3A_128 = tpu.memref_squeeze %dma_wait3A_127 : memref<1x125xi32, #tpu.memory_space<vmem>> -> memref<125xi32, #tpu.memory_space<vmem>>
        %dma_wait3A_129 = arith.constant 0 : i32
        %dma_wait3A_130 = arith.constant 0 : i32
        %dma_wait3A_131 = tpu.memref_slice %arg23[%dma_wait3A_129, %dma_wait3A_130] : memref<10240x32xf32, #tpu.memory_space<vmem_shared>> -> memref<10240x32xf32, #tpu.memory_space<vmem_shared>>
        tpu.wait_indirect_dma semaphore(%arg21 : memref<!tpu.dma_semaphore, #tpu.memory_space<semaphore_mem>>) src(%arg13 : memref<125x32xf32, #tpu.memory_space<vmem>>) dst(%dma_wait3A_131 : memref<10240x32xf32, #tpu.memory_space<vmem_shared>>)
        %dma_wait3A_132 = arith.constant 0 : i32
        %dma_wait3A_133 = tpu.memref_slice %arg9[%add3A_107, %dma_wait3A_132] : memref<160x125xi32, #tpu.memory_space<vmem>> -> memref<1x125xi32, #tpu.memory_space<vmem>>
        %dma_wait3A_134 = tpu.memref_squeeze %dma_wait3A_133 : memref<1x125xi32, #tpu.memory_space<vmem>> -> memref<125xi32, #tpu.memory_space<vmem>>
        %dma_wait3A_135 = arith.constant 0 : i32
        %dma_wait3A_136 = arith.constant 0 : i32
        %dma_wait3A_137 = tpu.memref_slice %arg23[%dma_wait3A_135, %dma_wait3A_136] : memref<10240x32xf32, #tpu.memory_space<vmem_shared>> -> memref<10240x32xf32, #tpu.memory_space<vmem_shared>>
        tpu.wait_indirect_dma semaphore(%arg22 : memref<!tpu.dma_semaphore, #tpu.memory_space<semaphore_mem>>) src(%arg14 : memref<125x32xf32, #tpu.memory_space<vmem>>) dst(%dma_wait3A_137 : memref<10240x32xf32, #tpu.memory_space<vmem_shared>>)
      }
      %scan3A_25 = arith.constant 40 : i32
    } else {
    }
    %barrier3A_10 = arith.constant 0 : index
    tpu.barrier barrier_id(%barrier3A_10)
    %eq3A_11 = arith.constant 0 : i32
    %eq3A_12 = arith.cmpi eq, %arg0, %eq3A_11 : i32
    %convert_element_type3A_13 = arith.extui %eq3A_12 : i1 to i32
    %cond3A_14 = arith.constant 0 : i32
    %cond3A_15 = arith.cmpi ne, %convert_element_type3A_13, %cond3A_14 : i32
    scf.if %cond3A_15 {
      %mul3A_21 = arith.constant 640 : i32
      %mul3A_22 = arith.muli %arg1, %mul3A_21 : i32
      %mul3A_23 = arith.constant 640 : i32
      %mul3A_24 = arith.muli %arg1, %mul3A_23 : i32
      "tpu.region"() ({
        %run_scoped3A = tpu.sem_alloc : memref<!tpu.dma_semaphore, #tpu.memory_space<semaphore_mem>>
        %dma_start3A = arith.constant 0 : i32
        %dma_start3A_25 = tpu.memref_slice %arg7[%mul3A_24, %dma_start3A] : memref<10240x32xf32, #tpu.memory_space<hbm>> -> memref<640x32xf32, #tpu.memory_space<hbm>>
        %dma_start3A_26 = arith.constant 0 : i32
        %dma_start3A_27 = tpu.memref_slice %arg23[%mul3A_22, %dma_start3A_26] : memref<10240x32xf32, #tpu.memory_space<vmem_shared>> -> memref<640x32xf32, #tpu.memory_space<vmem_shared>>
        tpu.enqueue_dma source(%dma_start3A_27 : memref<640x32xf32, #tpu.memory_space<vmem_shared>>) target(%dma_start3A_25 : memref<640x32xf32, #tpu.memory_space<hbm>>) target_semaphore(%run_scoped3A : memref<!tpu.dma_semaphore, #tpu.memory_space<semaphore_mem>>)
        %dma_wait3A = arith.constant 0 : i32
        %dma_wait3A_28 = tpu.memref_slice %arg7[%mul3A_24, %dma_wait3A] : memref<10240x32xf32, #tpu.memory_space<hbm>> -> memref<640x32xf32, #tpu.memory_space<hbm>>
        %dma_wait3A_29 = arith.constant 0 : i32
        %dma_wait3A_30 = tpu.memref_slice %arg23[%mul3A_22, %dma_wait3A_29] : memref<10240x32xf32, #tpu.memory_space<vmem_shared>> -> memref<640x32xf32, #tpu.memory_space<vmem_shared>>
        tpu.wait_dma2 semaphore(%run_scoped3A : memref<!tpu.dma_semaphore, #tpu.memory_space<semaphore_mem>>) src(%dma_wait3A_30 : memref<640x32xf32, #tpu.memory_space<vmem_shared>>) dst(%dma_wait3A_28 : memref<640x32xf32, #tpu.memory_space<hbm>>)
        tpu.yield
      }) : () -> ()
    } else {
    }
    %eq3A_16 = arith.constant 1 : i32
    %eq3A_17 = arith.cmpi eq, %arg0, %eq3A_16 : i32
    %convert_element_type3A_18 = arith.extui %eq3A_17 : i1 to i32
    %cond3A_19 = arith.constant 0 : i32
    %cond3A_20 = arith.cmpi ne, %convert_element_type3A_18, %cond3A_19 : i32
    scf.if %cond3A_20 {
      %mul3A_21 = arith.constant 640 : i32
      %mul3A_22 = arith.muli %arg1, %mul3A_21 : i32
      %mul3A_23 = arith.constant 640 : i32
      %mul3A_24 = arith.muli %arg1, %mul3A_23 : i32
      "tpu.region"() ({
        %run_scoped3A = tpu.sem_alloc : memref<!tpu.dma_semaphore, #tpu.memory_space<semaphore_mem>>
        %dma_start3A = arith.constant 0 : i32
        %dma_start3A_25 = tpu.memref_slice %arg8[%mul3A_24, %dma_start3A] : memref<10240x32xf32, #tpu.memory_space<hbm>> -> memref<640x32xf32, #tpu.memory_space<hbm>>
        %dma_start3A_26 = arith.constant 0 : i32
        %dma_start3A_27 = tpu.memref_slice %arg23[%mul3A_22, %dma_start3A_26] : memref<10240x32xf32, #tpu.memory_space<vmem_shared>> -> memref<640x32xf32, #tpu.memory_space<vmem_shared>>
        tpu.enqueue_dma source(%dma_start3A_27 : memref<640x32xf32, #tpu.memory_space<vmem_shared>>) target(%dma_start3A_25 : memref<640x32xf32, #tpu.memory_space<hbm>>) target_semaphore(%run_scoped3A : memref<!tpu.dma_semaphore, #tpu.memory_space<semaphore_mem>>)
        %dma_wait3A = arith.constant 0 : i32
        %dma_wait3A_28 = tpu.memref_slice %arg8[%mul3A_24, %dma_wait3A] : memref<10240x32xf32, #tpu.memory_space<hbm>> -> memref<640x32xf32, #tpu.memory_space<hbm>>
        %dma_wait3A_29 = arith.constant 0 : i32
        %dma_wait3A_30 = tpu.memref_slice %arg23[%mul3A_22, %dma_wait3A_29] : memref<10240x32xf32, #tpu.memory_space<vmem_shared>> -> memref<640x32xf32, #tpu.memory_space<vmem_shared>>
        tpu.wait_dma2 semaphore(%run_scoped3A : memref<!tpu.dma_semaphore, #tpu.memory_space<semaphore_mem>>) src(%dma_wait3A_30 : memref<640x32xf32, #tpu.memory_space<vmem_shared>>) dst(%dma_wait3A_28 : memref<640x32xf32, #tpu.memory_space<hbm>>)
        tpu.yield
      }) : () -> ()
    } else {
    }
    return
  }
}

#map = affine_map<(d0, d1) -> (0, 0, 0)>
#map1 = affine_map<(d0, d1) -> (0, 0)>
module attributes {stable_mosaic.version = 14 : i64} {
  func.func @_sc_deg_body(%arg0: i32, %arg1: i32, %arg2: memref<16x160x125xi32, #tpu.memory_space<hbm>>, %arg3: memref<16x160x125xi32, #tpu.memory_space<hbm>>, %arg4: memref<125x32xf32, #tpu.memory_space<hbm>>, %arg5: memref<10240x32xf32, #tpu.memory_space<hbm>>, %arg6: memref<10240x32xf32, #tpu.memory_space<hbm>>, %arg7: memref<10240x32xf32, #tpu.memory_space<hbm>>, %arg8: memref<160x125xi32, #tpu.memory_space<vmem>>, %arg9: memref<160x125xi32, #tpu.memory_space<vmem>>, %arg10: memref<125x32xf32, #tpu.memory_space<vmem>>, %arg11: memref<!tpu.dma_semaphore, #tpu.memory_space<semaphore_mem>>, %arg12: memref<10240x32xf32, #tpu.memory_space<vmem_shared>>) attributes {dimension_semantics = [#tpu.dimension_semantics<core_parallel>, #tpu.dimension_semantics<subcore_parallel>], iteration_bounds = array<i64: 2, 16>, scalar_prefetch = 0 : i64, scratch_operands = 5 : i64, tpu.core_type = #tpu.core_type<sc_vector_subcore>, window_params = [{transform_indices = #map}, {transform_indices = #map}, {transform_indices = #map1}, {transform_indices = #map1}, {transform_indices = #map1}, {transform_indices = #map1}]} {
    "tpu.region"() ({
      %run_scoped3A = tpu.sem_alloc : memref<!tpu.dma_semaphore, #tpu.memory_space<semaphore_mem>>
      %dma_start3A = arith.constant 0 : i32
      %dma_start3A_21 = arith.constant 0 : i32
      %dma_start3A_22 = tpu.memref_slice %arg2[%arg1, %dma_start3A, %dma_start3A_21] : memref<16x160x125xi32, #tpu.memory_space<hbm>> -> memref<1x160x125xi32, #tpu.memory_space<hbm>>
      %dma_start3A_23 = tpu.memref_squeeze %dma_start3A_22 : memref<1x160x125xi32, #tpu.memory_space<hbm>> -> memref<160x125xi32, #tpu.memory_space<hbm>>
      %dma_start3A_24 = arith.constant 0 : i32
      %dma_start3A_25 = arith.constant 0 : i32
      %dma_start3A_26 = tpu.memref_slice %arg2[%arg1, %dma_start3A_24, %dma_start3A_25] : memref<16x160x125xi32, #tpu.memory_space<hbm>> -> memref<1x160x125xi32, #tpu.memory_space<hbm>>
      %dma_start3A_27 = tpu.memref_squeeze %dma_start3A_26 : memref<1x160x125xi32, #tpu.memory_space<hbm>> -> memref<160x125xi32, #tpu.memory_space<hbm>>
      tpu.enqueue_dma source(%dma_start3A_27 : memref<160x125xi32, #tpu.memory_space<hbm>>) target(%arg8 : memref<160x125xi32, #tpu.memory_space<vmem>>) target_semaphore(%run_scoped3A : memref<!tpu.dma_semaphore, #tpu.memory_space<semaphore_mem>>)
      %dma_wait3A = arith.constant 0 : i32
      %dma_wait3A_28 = arith.constant 0 : i32
      %dma_wait3A_29 = tpu.memref_slice %arg2[%arg1, %dma_wait3A, %dma_wait3A_28] : memref<16x160x125xi32, #tpu.memory_space<hbm>> -> memref<1x160x125xi32, #tpu.memory_space<hbm>>
      %dma_wait3A_30 = tpu.memref_squeeze %dma_wait3A_29 : memref<1x160x125xi32, #tpu.memory_space<hbm>> -> memref<160x125xi32, #tpu.memory_space<hbm>>
      %dma_wait3A_31 = arith.constant 0 : i32
      %dma_wait3A_32 = arith.constant 0 : i32
      %dma_wait3A_33 = tpu.memref_slice %arg2[%arg1, %dma_wait3A_31, %dma_wait3A_32] : memref<16x160x125xi32, #tpu.memory_space<hbm>> -> memref<1x160x125xi32, #tpu.memory_space<hbm>>
      %dma_wait3A_34 = tpu.memref_squeeze %dma_wait3A_33 : memref<1x160x125xi32, #tpu.memory_space<hbm>> -> memref<160x125xi32, #tpu.memory_space<hbm>>
      tpu.wait_dma2 semaphore(%run_scoped3A : memref<!tpu.dma_semaphore, #tpu.memory_space<semaphore_mem>>) src(%dma_wait3A_34 : memref<160x125xi32, #tpu.memory_space<hbm>>) dst(%arg8 : memref<160x125xi32, #tpu.memory_space<vmem>>)
      tpu.yield
    }) : () -> ()
    "tpu.region"() ({
      %run_scoped3A = tpu.sem_alloc : memref<!tpu.dma_semaphore, #tpu.memory_space<semaphore_mem>>
      %dma_start3A = arith.constant 0 : i32
      %dma_start3A_21 = arith.constant 0 : i32
      %dma_start3A_22 = tpu.memref_slice %arg3[%arg1, %dma_start3A, %dma_start3A_21] : memref<16x160x125xi32, #tpu.memory_space<hbm>> -> memref<1x160x125xi32, #tpu.memory_space<hbm>>
      %dma_start3A_23 = tpu.memref_squeeze %dma_start3A_22 : memref<1x160x125xi32, #tpu.memory_space<hbm>> -> memref<160x125xi32, #tpu.memory_space<hbm>>
      %dma_start3A_24 = arith.constant 0 : i32
      %dma_start3A_25 = arith.constant 0 : i32
      %dma_start3A_26 = tpu.memref_slice %arg3[%arg1, %dma_start3A_24, %dma_start3A_25] : memref<16x160x125xi32, #tpu.memory_space<hbm>> -> memref<1x160x125xi32, #tpu.memory_space<hbm>>
      %dma_start3A_27 = tpu.memref_squeeze %dma_start3A_26 : memref<1x160x125xi32, #tpu.memory_space<hbm>> -> memref<160x125xi32, #tpu.memory_space<hbm>>
      tpu.enqueue_dma source(%dma_start3A_27 : memref<160x125xi32, #tpu.memory_space<hbm>>) target(%arg9 : memref<160x125xi32, #tpu.memory_space<vmem>>) target_semaphore(%run_scoped3A : memref<!tpu.dma_semaphore, #tpu.memory_space<semaphore_mem>>)
      %dma_wait3A = arith.constant 0 : i32
      %dma_wait3A_28 = arith.constant 0 : i32
      %dma_wait3A_29 = tpu.memref_slice %arg3[%arg1, %dma_wait3A, %dma_wait3A_28] : memref<16x160x125xi32, #tpu.memory_space<hbm>> -> memref<1x160x125xi32, #tpu.memory_space<hbm>>
      %dma_wait3A_30 = tpu.memref_squeeze %dma_wait3A_29 : memref<1x160x125xi32, #tpu.memory_space<hbm>> -> memref<160x125xi32, #tpu.memory_space<hbm>>
      %dma_wait3A_31 = arith.constant 0 : i32
      %dma_wait3A_32 = arith.constant 0 : i32
      %dma_wait3A_33 = tpu.memref_slice %arg3[%arg1, %dma_wait3A_31, %dma_wait3A_32] : memref<16x160x125xi32, #tpu.memory_space<hbm>> -> memref<1x160x125xi32, #tpu.memory_space<hbm>>
      %dma_wait3A_34 = tpu.memref_squeeze %dma_wait3A_33 : memref<1x160x125xi32, #tpu.memory_space<hbm>> -> memref<160x125xi32, #tpu.memory_space<hbm>>
      tpu.wait_dma2 semaphore(%run_scoped3A : memref<!tpu.dma_semaphore, #tpu.memory_space<semaphore_mem>>) src(%dma_wait3A_34 : memref<160x125xi32, #tpu.memory_space<hbm>>) dst(%arg9 : memref<160x125xi32, #tpu.memory_space<vmem>>)
      tpu.yield
    }) : () -> ()
    "tpu.region"() ({
      %run_scoped3A = tpu.sem_alloc : memref<!tpu.dma_semaphore, #tpu.memory_space<semaphore_mem>>
      tpu.enqueue_dma source(%arg4 : memref<125x32xf32, #tpu.memory_space<hbm>>) target(%arg10 : memref<125x32xf32, #tpu.memory_space<vmem>>) target_semaphore(%run_scoped3A : memref<!tpu.dma_semaphore, #tpu.memory_space<semaphore_mem>>)
      tpu.wait_dma2 semaphore(%run_scoped3A : memref<!tpu.dma_semaphore, #tpu.memory_space<semaphore_mem>>) src(%arg4 : memref<125x32xf32, #tpu.memory_space<hbm>>) dst(%arg10 : memref<125x32xf32, #tpu.memory_space<vmem>>)
      tpu.yield
    }) : () -> ()
    %mul3A = arith.constant 640 : i32
    %mul3A_0 = arith.muli %arg1, %mul3A : i32
    %mul3A_1 = arith.constant 640 : i32
    %mul3A_2 = arith.muli %arg1, %mul3A_1 : i32
    "tpu.region"() ({
      %run_scoped3A = tpu.sem_alloc : memref<!tpu.dma_semaphore, #tpu.memory_space<semaphore_mem>>
      %dma_start3A = arith.constant 0 : i32
      %dma_start3A_21 = tpu.memref_slice %arg12[%mul3A_2, %dma_start3A] : memref<10240x32xf32, #tpu.memory_space<vmem_shared>> -> memref<640x32xf32, #tpu.memory_space<vmem_shared>>
      %dma_start3A_22 = arith.constant 0 : i32
      %dma_start3A_23 = tpu.memref_slice %arg5[%mul3A_0, %dma_start3A_22] : memref<10240x32xf32, #tpu.memory_space<hbm>> -> memref<640x32xf32, #tpu.memory_space<hbm>>
      tpu.enqueue_dma source(%dma_start3A_23 : memref<640x32xf32, #tpu.memory_space<hbm>>) target(%dma_start3A_21 : memref<640x32xf32, #tpu.memory_space<vmem_shared>>) target_semaphore(%run_scoped3A : memref<!tpu.dma_semaphore, #tpu.memory_space<semaphore_mem>>)
      %dma_wait3A = arith.constant 0 : i32
      %dma_wait3A_24 = tpu.memref_slice %arg12[%mul3A_2, %dma_wait3A] : memref<10240x32xf32, #tpu.memory_space<vmem_shared>> -> memref<640x32xf32, #tpu.memory_space<vmem_shared>>
      %dma_wait3A_25 = arith.constant 0 : i32
      %dma_wait3A_26 = tpu.memref_slice %arg5[%mul3A_0, %dma_wait3A_25] : memref<10240x32xf32, #tpu.memory_space<hbm>> -> memref<640x32xf32, #tpu.memory_space<hbm>>
      tpu.wait_dma2 semaphore(%run_scoped3A : memref<!tpu.dma_semaphore, #tpu.memory_space<semaphore_mem>>) src(%dma_wait3A_26 : memref<640x32xf32, #tpu.memory_space<hbm>>) dst(%dma_wait3A_24 : memref<640x32xf32, #tpu.memory_space<vmem_shared>>)
      tpu.yield
    }) : () -> ()
    %barrier3A = arith.constant 0 : index
    tpu.barrier barrier_id(%barrier3A)
    %eq3A = arith.constant 0 : i32
    %eq3A_3 = arith.cmpi eq, %arg0, %eq3A : i32
    %convert_element_type3A = arith.extui %eq3A_3 : i1 to i32
    %cond3A = arith.constant 0 : i32
    %cond3A_4 = arith.cmpi ne, %convert_element_type3A, %cond3A : i32
    scf.if %cond3A_4 {
      %scan3A = arith.constant 0 : i32
      %scan3A_21 = arith.constant 0 : i32
      %scan3A_22 = arith.constant 40 : i32
      %scan3A_23 = arith.addi %scan3A_21, %scan3A_22 : i32
      %scan3A_24 = arith.constant 1 : i32
      scf.for %scan3A_26 = %scan3A_21 to %scan3A_23 step %scan3A_24  : i32 {
        %mul3A_27 = arith.constant 4 : i32
        %mul3A_28 = arith.muli %scan3A_26, %mul3A_27 : i32
        %add3A = arith.constant 0 : i32
        %add3A_29 = arith.addi %mul3A_28, %add3A : i32
        %dma_start3A = arith.constant 0 : i32
        %dma_start3A_30 = tpu.memref_slice %arg8[%add3A_29, %dma_start3A] : memref<160x125xi32, #tpu.memory_space<vmem>> -> memref<1x125xi32, #tpu.memory_space<vmem>>
        %dma_start3A_31 = tpu.memref_squeeze %dma_start3A_30 : memref<1x125xi32, #tpu.memory_space<vmem>> -> memref<125xi32, #tpu.memory_space<vmem>>
        %dma_start3A_32 = arith.constant 0 : i32
        %dma_start3A_33 = arith.constant 0 : i32
        %dma_start3A_34 = tpu.memref_slice %arg12[%dma_start3A_32, %dma_start3A_33] : memref<10240x32xf32, #tpu.memory_space<vmem_shared>> -> memref<10240x32xf32, #tpu.memory_space<vmem_shared>>
        tpu.enqueue_indirect_dma source(%arg10 : memref<125x32xf32, #tpu.memory_space<vmem>>) target(%dma_start3A_34 : memref<10240x32xf32, #tpu.memory_space<vmem_shared>>) offsets(%dma_start3A_31 : memref<125xi32, #tpu.memory_space<vmem>>) semaphore(%arg11 : memref<!tpu.dma_semaphore, #tpu.memory_space<semaphore_mem>>) {add = true}
        %add3A_35 = arith.constant 1 : i32
        %add3A_36 = arith.addi %mul3A_28, %add3A_35 : i32
        %dma_start3A_37 = arith.constant 0 : i32
        %dma_start3A_38 = tpu.memref_slice %arg8[%add3A_36, %dma_start3A_37] : memref<160x125xi32, #tpu.memory_space<vmem>> -> memref<1x125xi32, #tpu.memory_space<vmem>>
        %dma_start3A_39 = tpu.memref_squeeze %dma_start3A_38 : memref<1x125xi32, #tpu.memory_space<vmem>> -> memref<125xi32, #tpu.memory_space<vmem>>
        %dma_start3A_40 = arith.constant 0 : i32
        %dma_start3A_41 = arith.constant 0 : i32
        %dma_start3A_42 = tpu.memref_slice %arg12[%dma_start3A_40, %dma_start3A_41] : memref<10240x32xf32, #tpu.memory_space<vmem_shared>> -> memref<10240x32xf32, #tpu.memory_space<vmem_shared>>
        tpu.enqueue_indirect_dma source(%arg10 : memref<125x32xf32, #tpu.memory_space<vmem>>) target(%dma_start3A_42 : memref<10240x32xf32, #tpu.memory_space<vmem_shared>>) offsets(%dma_start3A_39 : memref<125xi32, #tpu.memory_space<vmem>>) semaphore(%arg11 : memref<!tpu.dma_semaphore, #tpu.memory_space<semaphore_mem>>) {add = true}
        %add3A_43 = arith.constant 2 : i32
        %add3A_44 = arith.addi %mul3A_28, %add3A_43 : i32
        %dma_start3A_45 = arith.constant 0 : i32
        %dma_start3A_46 = tpu.memref_slice %arg8[%add3A_44, %dma_start3A_45] : memref<160x125xi32, #tpu.memory_space<vmem>> -> memref<1x125xi32, #tpu.memory_space<vmem>>
        %dma_start3A_47 = tpu.memref_squeeze %dma_start3A_46 : memref<1x125xi32, #tpu.memory_space<vmem>> -> memref<125xi32, #tpu.memory_space<vmem>>
        %dma_start3A_48 = arith.constant 0 : i32
        %dma_start3A_49 = arith.constant 0 : i32
        %dma_start3A_50 = tpu.memref_slice %arg12[%dma_start3A_48, %dma_start3A_49] : memref<10240x32xf32, #tpu.memory_space<vmem_shared>> -> memref<10240x32xf32, #tpu.memory_space<vmem_shared>>
        tpu.enqueue_indirect_dma source(%arg10 : memref<125x32xf32, #tpu.memory_space<vmem>>) target(%dma_start3A_50 : memref<10240x32xf32, #tpu.memory_space<vmem_shared>>) offsets(%dma_start3A_47 : memref<125xi32, #tpu.memory_space<vmem>>) semaphore(%arg11 : memref<!tpu.dma_semaphore, #tpu.memory_space<semaphore_mem>>) {add = true}
        %add3A_51 = arith.constant 3 : i32
        %add3A_52 = arith.addi %mul3A_28, %add3A_51 : i32
        %dma_start3A_53 = arith.constant 0 : i32
        %dma_start3A_54 = tpu.memref_slice %arg8[%add3A_52, %dma_start3A_53] : memref<160x125xi32, #tpu.memory_space<vmem>> -> memref<1x125xi32, #tpu.memory_space<vmem>>
        %dma_start3A_55 = tpu.memref_squeeze %dma_start3A_54 : memref<1x125xi32, #tpu.memory_space<vmem>> -> memref<125xi32, #tpu.memory_space<vmem>>
        %dma_start3A_56 = arith.constant 0 : i32
        %dma_start3A_57 = arith.constant 0 : i32
        %dma_start3A_58 = tpu.memref_slice %arg12[%dma_start3A_56, %dma_start3A_57] : memref<10240x32xf32, #tpu.memory_space<vmem_shared>> -> memref<10240x32xf32, #tpu.memory_space<vmem_shared>>
        tpu.enqueue_indirect_dma source(%arg10 : memref<125x32xf32, #tpu.memory_space<vmem>>) target(%dma_start3A_58 : memref<10240x32xf32, #tpu.memory_space<vmem_shared>>) offsets(%dma_start3A_55 : memref<125xi32, #tpu.memory_space<vmem>>) semaphore(%arg11 : memref<!tpu.dma_semaphore, #tpu.memory_space<semaphore_mem>>) {add = true}
        %dma_wait3A = arith.constant 0 : i32
        %dma_wait3A_59 = tpu.memref_slice %arg8[%add3A_29, %dma_wait3A] : memref<160x125xi32, #tpu.memory_space<vmem>> -> memref<1x125xi32, #tpu.memory_space<vmem>>
        %dma_wait3A_60 = tpu.memref_squeeze %dma_wait3A_59 : memref<1x125xi32, #tpu.memory_space<vmem>> -> memref<125xi32, #tpu.memory_space<vmem>>
        %dma_wait3A_61 = arith.constant 0 : i32
        %dma_wait3A_62 = arith.constant 0 : i32
        %dma_wait3A_63 = tpu.memref_slice %arg12[%dma_wait3A_61, %dma_wait3A_62] : memref<10240x32xf32, #tpu.memory_space<vmem_shared>> -> memref<10240x32xf32, #tpu.memory_space<vmem_shared>>
        tpu.wait_indirect_dma semaphore(%arg11 : memref<!tpu.dma_semaphore, #tpu.memory_space<semaphore_mem>>) src(%arg10 : memref<125x32xf32, #tpu.memory_space<vmem>>) dst(%dma_wait3A_63 : memref<10240x32xf32, #tpu.memory_space<vmem_shared>>)
        %dma_wait3A_64 = arith.constant 0 : i32
        %dma_wait3A_65 = tpu.memref_slice %arg8[%add3A_36, %dma_wait3A_64] : memref<160x125xi32, #tpu.memory_space<vmem>> -> memref<1x125xi32, #tpu.memory_space<vmem>>
        %dma_wait3A_66 = tpu.memref_squeeze %dma_wait3A_65 : memref<1x125xi32, #tpu.memory_space<vmem>> -> memref<125xi32, #tpu.memory_space<vmem>>
        %dma_wait3A_67 = arith.constant 0 : i32
        %dma_wait3A_68 = arith.constant 0 : i32
        %dma_wait3A_69 = tpu.memref_slice %arg12[%dma_wait3A_67, %dma_wait3A_68] : memref<10240x32xf32, #tpu.memory_space<vmem_shared>> -> memref<10240x32xf32, #tpu.memory_space<vmem_shared>>
        tpu.wait_indirect_dma semaphore(%arg11 : memref<!tpu.dma_semaphore, #tpu.memory_space<semaphore_mem>>) src(%arg10 : memref<125x32xf32, #tpu.memory_space<vmem>>) dst(%dma_wait3A_69 : memref<10240x32xf32, #tpu.memory_space<vmem_shared>>)
        %dma_wait3A_70 = arith.constant 0 : i32
        %dma_wait3A_71 = tpu.memref_slice %arg8[%add3A_44, %dma_wait3A_70] : memref<160x125xi32, #tpu.memory_space<vmem>> -> memref<1x125xi32, #tpu.memory_space<vmem>>
        %dma_wait3A_72 = tpu.memref_squeeze %dma_wait3A_71 : memref<1x125xi32, #tpu.memory_space<vmem>> -> memref<125xi32, #tpu.memory_space<vmem>>
        %dma_wait3A_73 = arith.constant 0 : i32
        %dma_wait3A_74 = arith.constant 0 : i32
        %dma_wait3A_75 = tpu.memref_slice %arg12[%dma_wait3A_73, %dma_wait3A_74] : memref<10240x32xf32, #tpu.memory_space<vmem_shared>> -> memref<10240x32xf32, #tpu.memory_space<vmem_shared>>
        tpu.wait_indirect_dma semaphore(%arg11 : memref<!tpu.dma_semaphore, #tpu.memory_space<semaphore_mem>>) src(%arg10 : memref<125x32xf32, #tpu.memory_space<vmem>>) dst(%dma_wait3A_75 : memref<10240x32xf32, #tpu.memory_space<vmem_shared>>)
        %dma_wait3A_76 = arith.constant 0 : i32
        %dma_wait3A_77 = tpu.memref_slice %arg8[%add3A_52, %dma_wait3A_76] : memref<160x125xi32, #tpu.memory_space<vmem>> -> memref<1x125xi32, #tpu.memory_space<vmem>>
        %dma_wait3A_78 = tpu.memref_squeeze %dma_wait3A_77 : memref<1x125xi32, #tpu.memory_space<vmem>> -> memref<125xi32, #tpu.memory_space<vmem>>
        %dma_wait3A_79 = arith.constant 0 : i32
        %dma_wait3A_80 = arith.constant 0 : i32
        %dma_wait3A_81 = tpu.memref_slice %arg12[%dma_wait3A_79, %dma_wait3A_80] : memref<10240x32xf32, #tpu.memory_space<vmem_shared>> -> memref<10240x32xf32, #tpu.memory_space<vmem_shared>>
        tpu.wait_indirect_dma semaphore(%arg11 : memref<!tpu.dma_semaphore, #tpu.memory_space<semaphore_mem>>) src(%arg10 : memref<125x32xf32, #tpu.memory_space<vmem>>) dst(%dma_wait3A_81 : memref<10240x32xf32, #tpu.memory_space<vmem_shared>>)
      }
      %scan3A_25 = arith.constant 40 : i32
    } else {
    }
    %eq3A_5 = arith.constant 1 : i32
    %eq3A_6 = arith.cmpi eq, %arg0, %eq3A_5 : i32
    %convert_element_type3A_7 = arith.extui %eq3A_6 : i1 to i32
    %cond3A_8 = arith.constant 0 : i32
    %cond3A_9 = arith.cmpi ne, %convert_element_type3A_7, %cond3A_8 : i32
    scf.if %cond3A_9 {
      %scan3A = arith.constant 0 : i32
      %scan3A_21 = arith.constant 0 : i32
      %scan3A_22 = arith.constant 40 : i32
      %scan3A_23 = arith.addi %scan3A_21, %scan3A_22 : i32
      %scan3A_24 = arith.constant 1 : i32
      scf.for %scan3A_26 = %scan3A_21 to %scan3A_23 step %scan3A_24  : i32 {
        %mul3A_27 = arith.constant 4 : i32
        %mul3A_28 = arith.muli %scan3A_26, %mul3A_27 : i32
        %add3A = arith.constant 0 : i32
        %add3A_29 = arith.addi %mul3A_28, %add3A : i32
        %dma_start3A = arith.constant 0 : i32
        %dma_start3A_30 = tpu.memref_slice %arg9[%add3A_29, %dma_start3A] : memref<160x125xi32, #tpu.memory_space<vmem>> -> memref<1x125xi32, #tpu.memory_space<vmem>>
        %dma_start3A_31 = tpu.memref_squeeze %dma_start3A_30 : memref<1x125xi32, #tpu.memory_space<vmem>> -> memref<125xi32, #tpu.memory_space<vmem>>
        %dma_start3A_32 = arith.constant 0 : i32
        %dma_start3A_33 = arith.constant 0 : i32
        %dma_start3A_34 = tpu.memref_slice %arg12[%dma_start3A_32, %dma_start3A_33] : memref<10240x32xf32, #tpu.memory_space<vmem_shared>> -> memref<10240x32xf32, #tpu.memory_space<vmem_shared>>
        tpu.enqueue_indirect_dma source(%arg10 : memref<125x32xf32, #tpu.memory_space<vmem>>) target(%dma_start3A_34 : memref<10240x32xf32, #tpu.memory_space<vmem_shared>>) offsets(%dma_start3A_31 : memref<125xi32, #tpu.memory_space<vmem>>) semaphore(%arg11 : memref<!tpu.dma_semaphore, #tpu.memory_space<semaphore_mem>>) {add = true}
        %add3A_35 = arith.constant 1 : i32
        %add3A_36 = arith.addi %mul3A_28, %add3A_35 : i32
        %dma_start3A_37 = arith.constant 0 : i32
        %dma_start3A_38 = tpu.memref_slice %arg9[%add3A_36, %dma_start3A_37] : memref<160x125xi32, #tpu.memory_space<vmem>> -> memref<1x125xi32, #tpu.memory_space<vmem>>
        %dma_start3A_39 = tpu.memref_squeeze %dma_start3A_38 : memref<1x125xi32, #tpu.memory_space<vmem>> -> memref<125xi32, #tpu.memory_space<vmem>>
        %dma_start3A_40 = arith.constant 0 : i32
        %dma_start3A_41 = arith.constant 0 : i32
        %dma_start3A_42 = tpu.memref_slice %arg12[%dma_start3A_40, %dma_start3A_41] : memref<10240x32xf32, #tpu.memory_space<vmem_shared>> -> memref<10240x32xf32, #tpu.memory_space<vmem_shared>>
        tpu.enqueue_indirect_dma source(%arg10 : memref<125x32xf32, #tpu.memory_space<vmem>>) target(%dma_start3A_42 : memref<10240x32xf32, #tpu.memory_space<vmem_shared>>) offsets(%dma_start3A_39 : memref<125xi32, #tpu.memory_space<vmem>>) semaphore(%arg11 : memref<!tpu.dma_semaphore, #tpu.memory_space<semaphore_mem>>) {add = true}
        %add3A_43 = arith.constant 2 : i32
        %add3A_44 = arith.addi %mul3A_28, %add3A_43 : i32
        %dma_start3A_45 = arith.constant 0 : i32
        %dma_start3A_46 = tpu.memref_slice %arg9[%add3A_44, %dma_start3A_45] : memref<160x125xi32, #tpu.memory_space<vmem>> -> memref<1x125xi32, #tpu.memory_space<vmem>>
        %dma_start3A_47 = tpu.memref_squeeze %dma_start3A_46 : memref<1x125xi32, #tpu.memory_space<vmem>> -> memref<125xi32, #tpu.memory_space<vmem>>
        %dma_start3A_48 = arith.constant 0 : i32
        %dma_start3A_49 = arith.constant 0 : i32
        %dma_start3A_50 = tpu.memref_slice %arg12[%dma_start3A_48, %dma_start3A_49] : memref<10240x32xf32, #tpu.memory_space<vmem_shared>> -> memref<10240x32xf32, #tpu.memory_space<vmem_shared>>
        tpu.enqueue_indirect_dma source(%arg10 : memref<125x32xf32, #tpu.memory_space<vmem>>) target(%dma_start3A_50 : memref<10240x32xf32, #tpu.memory_space<vmem_shared>>) offsets(%dma_start3A_47 : memref<125xi32, #tpu.memory_space<vmem>>) semaphore(%arg11 : memref<!tpu.dma_semaphore, #tpu.memory_space<semaphore_mem>>) {add = true}
        %add3A_51 = arith.constant 3 : i32
        %add3A_52 = arith.addi %mul3A_28, %add3A_51 : i32
        %dma_start3A_53 = arith.constant 0 : i32
        %dma_start3A_54 = tpu.memref_slice %arg9[%add3A_52, %dma_start3A_53] : memref<160x125xi32, #tpu.memory_space<vmem>> -> memref<1x125xi32, #tpu.memory_space<vmem>>
        %dma_start3A_55 = tpu.memref_squeeze %dma_start3A_54 : memref<1x125xi32, #tpu.memory_space<vmem>> -> memref<125xi32, #tpu.memory_space<vmem>>
        %dma_start3A_56 = arith.constant 0 : i32
        %dma_start3A_57 = arith.constant 0 : i32
        %dma_start3A_58 = tpu.memref_slice %arg12[%dma_start3A_56, %dma_start3A_57] : memref<10240x32xf32, #tpu.memory_space<vmem_shared>> -> memref<10240x32xf32, #tpu.memory_space<vmem_shared>>
        tpu.enqueue_indirect_dma source(%arg10 : memref<125x32xf32, #tpu.memory_space<vmem>>) target(%dma_start3A_58 : memref<10240x32xf32, #tpu.memory_space<vmem_shared>>) offsets(%dma_start3A_55 : memref<125xi32, #tpu.memory_space<vmem>>) semaphore(%arg11 : memref<!tpu.dma_semaphore, #tpu.memory_space<semaphore_mem>>) {add = true}
        %dma_wait3A = arith.constant 0 : i32
        %dma_wait3A_59 = tpu.memref_slice %arg9[%add3A_29, %dma_wait3A] : memref<160x125xi32, #tpu.memory_space<vmem>> -> memref<1x125xi32, #tpu.memory_space<vmem>>
        %dma_wait3A_60 = tpu.memref_squeeze %dma_wait3A_59 : memref<1x125xi32, #tpu.memory_space<vmem>> -> memref<125xi32, #tpu.memory_space<vmem>>
        %dma_wait3A_61 = arith.constant 0 : i32
        %dma_wait3A_62 = arith.constant 0 : i32
        %dma_wait3A_63 = tpu.memref_slice %arg12[%dma_wait3A_61, %dma_wait3A_62] : memref<10240x32xf32, #tpu.memory_space<vmem_shared>> -> memref<10240x32xf32, #tpu.memory_space<vmem_shared>>
        tpu.wait_indirect_dma semaphore(%arg11 : memref<!tpu.dma_semaphore, #tpu.memory_space<semaphore_mem>>) src(%arg10 : memref<125x32xf32, #tpu.memory_space<vmem>>) dst(%dma_wait3A_63 : memref<10240x32xf32, #tpu.memory_space<vmem_shared>>)
        %dma_wait3A_64 = arith.constant 0 : i32
        %dma_wait3A_65 = tpu.memref_slice %arg9[%add3A_36, %dma_wait3A_64] : memref<160x125xi32, #tpu.memory_space<vmem>> -> memref<1x125xi32, #tpu.memory_space<vmem>>
        %dma_wait3A_66 = tpu.memref_squeeze %dma_wait3A_65 : memref<1x125xi32, #tpu.memory_space<vmem>> -> memref<125xi32, #tpu.memory_space<vmem>>
        %dma_wait3A_67 = arith.constant 0 : i32
        %dma_wait3A_68 = arith.constant 0 : i32
        %dma_wait3A_69 = tpu.memref_slice %arg12[%dma_wait3A_67, %dma_wait3A_68] : memref<10240x32xf32, #tpu.memory_space<vmem_shared>> -> memref<10240x32xf32, #tpu.memory_space<vmem_shared>>
        tpu.wait_indirect_dma semaphore(%arg11 : memref<!tpu.dma_semaphore, #tpu.memory_space<semaphore_mem>>) src(%arg10 : memref<125x32xf32, #tpu.memory_space<vmem>>) dst(%dma_wait3A_69 : memref<10240x32xf32, #tpu.memory_space<vmem_shared>>)
        %dma_wait3A_70 = arith.constant 0 : i32
        %dma_wait3A_71 = tpu.memref_slice %arg9[%add3A_44, %dma_wait3A_70] : memref<160x125xi32, #tpu.memory_space<vmem>> -> memref<1x125xi32, #tpu.memory_space<vmem>>
        %dma_wait3A_72 = tpu.memref_squeeze %dma_wait3A_71 : memref<1x125xi32, #tpu.memory_space<vmem>> -> memref<125xi32, #tpu.memory_space<vmem>>
        %dma_wait3A_73 = arith.constant 0 : i32
        %dma_wait3A_74 = arith.constant 0 : i32
        %dma_wait3A_75 = tpu.memref_slice %arg12[%dma_wait3A_73, %dma_wait3A_74] : memref<10240x32xf32, #tpu.memory_space<vmem_shared>> -> memref<10240x32xf32, #tpu.memory_space<vmem_shared>>
        tpu.wait_indirect_dma semaphore(%arg11 : memref<!tpu.dma_semaphore, #tpu.memory_space<semaphore_mem>>) src(%arg10 : memref<125x32xf32, #tpu.memory_space<vmem>>) dst(%dma_wait3A_75 : memref<10240x32xf32, #tpu.memory_space<vmem_shared>>)
        %dma_wait3A_76 = arith.constant 0 : i32
        %dma_wait3A_77 = tpu.memref_slice %arg9[%add3A_52, %dma_wait3A_76] : memref<160x125xi32, #tpu.memory_space<vmem>> -> memref<1x125xi32, #tpu.memory_space<vmem>>
        %dma_wait3A_78 = tpu.memref_squeeze %dma_wait3A_77 : memref<1x125xi32, #tpu.memory_space<vmem>> -> memref<125xi32, #tpu.memory_space<vmem>>
        %dma_wait3A_79 = arith.constant 0 : i32
        %dma_wait3A_80 = arith.constant 0 : i32
        %dma_wait3A_81 = tpu.memref_slice %arg12[%dma_wait3A_79, %dma_wait3A_80] : memref<10240x32xf32, #tpu.memory_space<vmem_shared>> -> memref<10240x32xf32, #tpu.memory_space<vmem_shared>>
        tpu.wait_indirect_dma semaphore(%arg11 : memref<!tpu.dma_semaphore, #tpu.memory_space<semaphore_mem>>) src(%arg10 : memref<125x32xf32, #tpu.memory_space<vmem>>) dst(%dma_wait3A_81 : memref<10240x32xf32, #tpu.memory_space<vmem_shared>>)
      }
      %scan3A_25 = arith.constant 40 : i32
    } else {
    }
    %barrier3A_10 = arith.constant 0 : index
    tpu.barrier barrier_id(%barrier3A_10)
    %eq3A_11 = arith.constant 0 : i32
    %eq3A_12 = arith.cmpi eq, %arg0, %eq3A_11 : i32
    %convert_element_type3A_13 = arith.extui %eq3A_12 : i1 to i32
    %cond3A_14 = arith.constant 0 : i32
    %cond3A_15 = arith.cmpi ne, %convert_element_type3A_13, %cond3A_14 : i32
    scf.if %cond3A_15 {
      %mul3A_21 = arith.constant 640 : i32
      %mul3A_22 = arith.muli %arg1, %mul3A_21 : i32
      %mul3A_23 = arith.constant 640 : i32
      %mul3A_24 = arith.muli %arg1, %mul3A_23 : i32
      "tpu.region"() ({
        %run_scoped3A = tpu.sem_alloc : memref<!tpu.dma_semaphore, #tpu.memory_space<semaphore_mem>>
        %dma_start3A = arith.constant 0 : i32
        %dma_start3A_25 = tpu.memref_slice %arg6[%mul3A_24, %dma_start3A] : memref<10240x32xf32, #tpu.memory_space<hbm>> -> memref<640x32xf32, #tpu.memory_space<hbm>>
        %dma_start3A_26 = arith.constant 0 : i32
        %dma_start3A_27 = tpu.memref_slice %arg12[%mul3A_22, %dma_start3A_26] : memref<10240x32xf32, #tpu.memory_space<vmem_shared>> -> memref<640x32xf32, #tpu.memory_space<vmem_shared>>
        tpu.enqueue_dma source(%dma_start3A_27 : memref<640x32xf32, #tpu.memory_space<vmem_shared>>) target(%dma_start3A_25 : memref<640x32xf32, #tpu.memory_space<hbm>>) target_semaphore(%run_scoped3A : memref<!tpu.dma_semaphore, #tpu.memory_space<semaphore_mem>>)
        %dma_wait3A = arith.constant 0 : i32
        %dma_wait3A_28 = tpu.memref_slice %arg6[%mul3A_24, %dma_wait3A] : memref<10240x32xf32, #tpu.memory_space<hbm>> -> memref<640x32xf32, #tpu.memory_space<hbm>>
        %dma_wait3A_29 = arith.constant 0 : i32
        %dma_wait3A_30 = tpu.memref_slice %arg12[%mul3A_22, %dma_wait3A_29] : memref<10240x32xf32, #tpu.memory_space<vmem_shared>> -> memref<640x32xf32, #tpu.memory_space<vmem_shared>>
        tpu.wait_dma2 semaphore(%run_scoped3A : memref<!tpu.dma_semaphore, #tpu.memory_space<semaphore_mem>>) src(%dma_wait3A_30 : memref<640x32xf32, #tpu.memory_space<vmem_shared>>) dst(%dma_wait3A_28 : memref<640x32xf32, #tpu.memory_space<hbm>>)
        tpu.yield
      }) : () -> ()
    } else {
    }
    %eq3A_16 = arith.constant 1 : i32
    %eq3A_17 = arith.cmpi eq, %arg0, %eq3A_16 : i32
    %convert_element_type3A_18 = arith.extui %eq3A_17 : i1 to i32
    %cond3A_19 = arith.constant 0 : i32
    %cond3A_20 = arith.cmpi ne, %convert_element_type3A_18, %cond3A_19 : i32
    scf.if %cond3A_20 {
      %mul3A_21 = arith.constant 640 : i32
      %mul3A_22 = arith.muli %arg1, %mul3A_21 : i32
      %mul3A_23 = arith.constant 640 : i32
      %mul3A_24 = arith.muli %arg1, %mul3A_23 : i32
      "tpu.region"() ({
        %run_scoped3A = tpu.sem_alloc : memref<!tpu.dma_semaphore, #tpu.memory_space<semaphore_mem>>
        %dma_start3A = arith.constant 0 : i32
        %dma_start3A_25 = tpu.memref_slice %arg7[%mul3A_24, %dma_start3A] : memref<10240x32xf32, #tpu.memory_space<hbm>> -> memref<640x32xf32, #tpu.memory_space<hbm>>
        %dma_start3A_26 = arith.constant 0 : i32
        %dma_start3A_27 = tpu.memref_slice %arg12[%mul3A_22, %dma_start3A_26] : memref<10240x32xf32, #tpu.memory_space<vmem_shared>> -> memref<640x32xf32, #tpu.memory_space<vmem_shared>>
        tpu.enqueue_dma source(%dma_start3A_27 : memref<640x32xf32, #tpu.memory_space<vmem_shared>>) target(%dma_start3A_25 : memref<640x32xf32, #tpu.memory_space<hbm>>) target_semaphore(%run_scoped3A : memref<!tpu.dma_semaphore, #tpu.memory_space<semaphore_mem>>)
        %dma_wait3A = arith.constant 0 : i32
        %dma_wait3A_28 = tpu.memref_slice %arg7[%mul3A_24, %dma_wait3A] : memref<10240x32xf32, #tpu.memory_space<hbm>> -> memref<640x32xf32, #tpu.memory_space<hbm>>
        %dma_wait3A_29 = arith.constant 0 : i32
        %dma_wait3A_30 = tpu.memref_slice %arg12[%mul3A_22, %dma_wait3A_29] : memref<10240x32xf32, #tpu.memory_space<vmem_shared>> -> memref<640x32xf32, #tpu.memory_space<vmem_shared>>
        tpu.wait_dma2 semaphore(%run_scoped3A : memref<!tpu.dma_semaphore, #tpu.memory_space<semaphore_mem>>) src(%dma_wait3A_30 : memref<640x32xf32, #tpu.memory_space<vmem_shared>>) dst(%dma_wait3A_28 : memref<640x32xf32, #tpu.memory_space<hbm>>)
        tpu.yield
      }) : () -> ()
    } else {
    }
    return
  }
}

#map = affine_map<(d0, d1) -> (0, 0)>
#map1 = affine_map<(d0, d1) -> (0, 0, 0)>
module attributes {stable_mosaic.version = 14 : i64} {
  func.func @_sc_agg_body(%arg0: i32, %arg1: i32, %arg2: memref<10000x32xf32, #tpu.memory_space<hbm>>, %arg3: memref<10000x32xf32, #tpu.memory_space<hbm>>, %arg4: memref<16x160x125xi32, #tpu.memory_space<hbm>>, %arg5: memref<16x160x125xi32, #tpu.memory_space<hbm>>, %arg6: memref<10240x32xf32, #tpu.memory_space<hbm>>, %arg7: memref<10240x32xf32, #tpu.memory_space<hbm>>, %arg8: memref<10240x32xf32, #tpu.memory_space<hbm>>, %arg9: memref<160x125xi32, #tpu.memory_space<vmem>>, %arg10: memref<160x125xi32, #tpu.memory_space<vmem>>, %arg11: memref<125x32xf32, #tpu.memory_space<vmem>>, %arg12: memref<125x32xf32, #tpu.memory_space<vmem>>, %arg13: memref<125x32xf32, #tpu.memory_space<vmem>>, %arg14: memref<125x32xf32, #tpu.memory_space<vmem>>, %arg15: memref<!tpu.dma_semaphore, #tpu.memory_space<semaphore_mem>>, %arg16: memref<!tpu.dma_semaphore, #tpu.memory_space<semaphore_mem>>, %arg17: memref<!tpu.dma_semaphore, #tpu.memory_space<semaphore_mem>>, %arg18: memref<!tpu.dma_semaphore, #tpu.memory_space<semaphore_mem>>, %arg19: memref<!tpu.dma_semaphore, #tpu.memory_space<semaphore_mem>>, %arg20: memref<!tpu.dma_semaphore, #tpu.memory_space<semaphore_mem>>, %arg21: memref<!tpu.dma_semaphore, #tpu.memory_space<semaphore_mem>>, %arg22: memref<!tpu.dma_semaphore, #tpu.memory_space<semaphore_mem>>, %arg23: memref<10240x32xf32, #tpu.memory_space<vmem_shared>>) attributes {dimension_semantics = [#tpu.dimension_semantics<core_parallel>, #tpu.dimension_semantics<subcore_parallel>], iteration_bounds = array<i64: 2, 16>, scalar_prefetch = 0 : i64, scratch_operands = 15 : i64, tpu.core_type = #tpu.core_type<sc_vector_subcore>, window_params = [{transform_indices = #map}, {transform_indices = #map}, {transform_indices = #map1}, {transform_indices = #map1}, {transform_indices = #map}, {transform_indices = #map}, {transform_indices = #map}]} {
    "tpu.region"() ({
      %run_scoped3A = tpu.sem_alloc : memref<!tpu.dma_semaphore, #tpu.memory_space<semaphore_mem>>
      %dma_start3A = arith.constant 0 : i32
      %dma_start3A_21 = arith.constant 0 : i32
      %dma_start3A_22 = tpu.memref_slice %arg4[%arg1, %dma_start3A, %dma_start3A_21] : memref<16x160x125xi32, #tpu.memory_space<hbm>> -> memref<1x160x125xi32, #tpu.memory_space<hbm>>
      %dma_start3A_23 = tpu.memref_squeeze %dma_start3A_22 : memref<1x160x125xi32, #tpu.memory_space<hbm>> -> memref<160x125xi32, #tpu.memory_space<hbm>>
      %dma_start3A_24 = arith.constant 0 : i32
      %dma_start3A_25 = arith.constant 0 : i32
      %dma_start3A_26 = tpu.memref_slice %arg4[%arg1, %dma_start3A_24, %dma_start3A_25] : memref<16x160x125xi32, #tpu.memory_space<hbm>> -> memref<1x160x125xi32, #tpu.memory_space<hbm>>
      %dma_start3A_27 = tpu.memref_squeeze %dma_start3A_26 : memref<1x160x125xi32, #tpu.memory_space<hbm>> -> memref<160x125xi32, #tpu.memory_space<hbm>>
      tpu.enqueue_dma source(%dma_start3A_27 : memref<160x125xi32, #tpu.memory_space<hbm>>) target(%arg9 : memref<160x125xi32, #tpu.memory_space<vmem>>) target_semaphore(%run_scoped3A : memref<!tpu.dma_semaphore, #tpu.memory_space<semaphore_mem>>)
      %dma_wait3A = arith.constant 0 : i32
      %dma_wait3A_28 = arith.constant 0 : i32
      %dma_wait3A_29 = tpu.memref_slice %arg4[%arg1, %dma_wait3A, %dma_wait3A_28] : memref<16x160x125xi32, #tpu.memory_space<hbm>> -> memref<1x160x125xi32, #tpu.memory_space<hbm>>
      %dma_wait3A_30 = tpu.memref_squeeze %dma_wait3A_29 : memref<1x160x125xi32, #tpu.memory_space<hbm>> -> memref<160x125xi32, #tpu.memory_space<hbm>>
      %dma_wait3A_31 = arith.constant 0 : i32
      %dma_wait3A_32 = arith.constant 0 : i32
      %dma_wait3A_33 = tpu.memref_slice %arg4[%arg1, %dma_wait3A_31, %dma_wait3A_32] : memref<16x160x125xi32, #tpu.memory_space<hbm>> -> memref<1x160x125xi32, #tpu.memory_space<hbm>>
      %dma_wait3A_34 = tpu.memref_squeeze %dma_wait3A_33 : memref<1x160x125xi32, #tpu.memory_space<hbm>> -> memref<160x125xi32, #tpu.memory_space<hbm>>
      tpu.wait_dma2 semaphore(%run_scoped3A : memref<!tpu.dma_semaphore, #tpu.memory_space<semaphore_mem>>) src(%dma_wait3A_34 : memref<160x125xi32, #tpu.memory_space<hbm>>) dst(%arg9 : memref<160x125xi32, #tpu.memory_space<vmem>>)
      tpu.yield
    }) : () -> ()
    "tpu.region"() ({
      %run_scoped3A = tpu.sem_alloc : memref<!tpu.dma_semaphore, #tpu.memory_space<semaphore_mem>>
      %dma_start3A = arith.constant 0 : i32
      %dma_start3A_21 = arith.constant 0 : i32
      %dma_start3A_22 = tpu.memref_slice %arg5[%arg1, %dma_start3A, %dma_start3A_21] : memref<16x160x125xi32, #tpu.memory_space<hbm>> -> memref<1x160x125xi32, #tpu.memory_space<hbm>>
      %dma_start3A_23 = tpu.memref_squeeze %dma_start3A_22 : memref<1x160x125xi32, #tpu.memory_space<hbm>> -> memref<160x125xi32, #tpu.memory_space<hbm>>
      %dma_start3A_24 = arith.constant 0 : i32
      %dma_start3A_25 = arith.constant 0 : i32
      %dma_start3A_26 = tpu.memref_slice %arg5[%arg1, %dma_start3A_24, %dma_start3A_25] : memref<16x160x125xi32, #tpu.memory_space<hbm>> -> memref<1x160x125xi32, #tpu.memory_space<hbm>>
      %dma_start3A_27 = tpu.memref_squeeze %dma_start3A_26 : memref<1x160x125xi32, #tpu.memory_space<hbm>> -> memref<160x125xi32, #tpu.memory_space<hbm>>
      tpu.enqueue_dma source(%dma_start3A_27 : memref<160x125xi32, #tpu.memory_space<hbm>>) target(%arg10 : memref<160x125xi32, #tpu.memory_space<vmem>>) target_semaphore(%run_scoped3A : memref<!tpu.dma_semaphore, #tpu.memory_space<semaphore_mem>>)
      %dma_wait3A = arith.constant 0 : i32
      %dma_wait3A_28 = arith.constant 0 : i32
      %dma_wait3A_29 = tpu.memref_slice %arg5[%arg1, %dma_wait3A, %dma_wait3A_28] : memref<16x160x125xi32, #tpu.memory_space<hbm>> -> memref<1x160x125xi32, #tpu.memory_space<hbm>>
      %dma_wait3A_30 = tpu.memref_squeeze %dma_wait3A_29 : memref<1x160x125xi32, #tpu.memory_space<hbm>> -> memref<160x125xi32, #tpu.memory_space<hbm>>
      %dma_wait3A_31 = arith.constant 0 : i32
      %dma_wait3A_32 = arith.constant 0 : i32
      %dma_wait3A_33 = tpu.memref_slice %arg5[%arg1, %dma_wait3A_31, %dma_wait3A_32] : memref<16x160x125xi32, #tpu.memory_space<hbm>> -> memref<1x160x125xi32, #tpu.memory_space<hbm>>
      %dma_wait3A_34 = tpu.memref_squeeze %dma_wait3A_33 : memref<1x160x125xi32, #tpu.memory_space<hbm>> -> memref<160x125xi32, #tpu.memory_space<hbm>>
      tpu.wait_dma2 semaphore(%run_scoped3A : memref<!tpu.dma_semaphore, #tpu.memory_space<semaphore_mem>>) src(%dma_wait3A_34 : memref<160x125xi32, #tpu.memory_space<hbm>>) dst(%arg10 : memref<160x125xi32, #tpu.memory_space<vmem>>)
      tpu.yield
    }) : () -> ()
    %mul3A = arith.constant 640 : i32
    %mul3A_0 = arith.muli %arg1, %mul3A : i32
    %mul3A_1 = arith.constant 640 : i32
    %mul3A_2 = arith.muli %arg1, %mul3A_1 : i32
    "tpu.region"() ({
      %run_scoped3A = tpu.sem_alloc : memref<!tpu.dma_semaphore, #tpu.memory_space<semaphore_mem>>
      %dma_start3A = arith.constant 0 : i32
      %dma_start3A_21 = tpu.memref_slice %arg23[%mul3A_2, %dma_start3A] : memref<10240x32xf32, #tpu.memory_space<vmem_shared>> -> memref<640x32xf32, #tpu.memory_space<vmem_shared>>
      %dma_start3A_22 = arith.constant 0 : i32
      %dma_start3A_23 = tpu.memref_slice %arg6[%mul3A_0, %dma_start3A_22] : memref<10240x32xf32, #tpu.memory_space<hbm>> -> memref<640x32xf32, #tpu.memory_space<hbm>>
      tpu.enqueue_dma source(%dma_start3A_23 : memref<640x32xf32, #tpu.memory_space<hbm>>) target(%dma_start3A_21 : memref<640x32xf32, #tpu.memory_space<vmem_shared>>) target_semaphore(%run_scoped3A : memref<!tpu.dma_semaphore, #tpu.memory_space<semaphore_mem>>)
      %dma_wait3A = arith.constant 0 : i32
      %dma_wait3A_24 = tpu.memref_slice %arg23[%mul3A_2, %dma_wait3A] : memref<10240x32xf32, #tpu.memory_space<vmem_shared>> -> memref<640x32xf32, #tpu.memory_space<vmem_shared>>
      %dma_wait3A_25 = arith.constant 0 : i32
      %dma_wait3A_26 = tpu.memref_slice %arg6[%mul3A_0, %dma_wait3A_25] : memref<10240x32xf32, #tpu.memory_space<hbm>> -> memref<640x32xf32, #tpu.memory_space<hbm>>
      tpu.wait_dma2 semaphore(%run_scoped3A : memref<!tpu.dma_semaphore, #tpu.memory_space<semaphore_mem>>) src(%dma_wait3A_26 : memref<640x32xf32, #tpu.memory_space<hbm>>) dst(%dma_wait3A_24 : memref<640x32xf32, #tpu.memory_space<vmem_shared>>)
      tpu.yield
    }) : () -> ()
    %barrier3A = arith.constant 0 : index
    tpu.barrier barrier_id(%barrier3A)
    %eq3A = arith.constant 0 : i32
    %eq3A_3 = arith.cmpi eq, %arg0, %eq3A : i32
    %convert_element_type3A = arith.extui %eq3A_3 : i1 to i32
    %cond3A = arith.constant 0 : i32
    %cond3A_4 = arith.cmpi ne, %convert_element_type3A, %cond3A : i32
    scf.if %cond3A_4 {
      %scan3A = arith.constant 0 : i32
      %scan3A_21 = arith.constant 0 : i32
      %scan3A_22 = arith.constant 40 : i32
      %scan3A_23 = arith.addi %scan3A_21, %scan3A_22 : i32
      %scan3A_24 = arith.constant 1 : i32
      scf.for %scan3A_26 = %scan3A_21 to %scan3A_23 step %scan3A_24  : i32 {
        %mul3A_27 = arith.constant 4 : i32
        %mul3A_28 = arith.muli %scan3A_26, %mul3A_27 : i32
        %add3A = arith.constant 0 : i32
        %add3A_29 = arith.addi %mul3A_28, %add3A : i32
        %dma_start3A = arith.constant 0 : i32
        %dma_start3A_30 = tpu.memref_slice %arg9[%add3A_29, %dma_start3A] : memref<160x125xi32, #tpu.memory_space<vmem>> -> memref<1x125xi32, #tpu.memory_space<vmem>>
        %dma_start3A_31 = tpu.memref_squeeze %dma_start3A_30 : memref<1x125xi32, #tpu.memory_space<vmem>> -> memref<125xi32, #tpu.memory_space<vmem>>
        %dma_start3A_32 = arith.constant 0 : i32
        %dma_start3A_33 = arith.constant 0 : i32
        %dma_start3A_34 = tpu.memref_slice %arg2[%dma_start3A_32, %dma_start3A_33] : memref<10000x32xf32, #tpu.memory_space<hbm>> -> memref<10000x32xf32, #tpu.memory_space<hbm>>
        tpu.enqueue_indirect_dma source(%dma_start3A_34 : memref<10000x32xf32, #tpu.memory_space<hbm>>) target(%arg11 : memref<125x32xf32, #tpu.memory_space<vmem>>) offsets(%dma_start3A_31 : memref<125xi32, #tpu.memory_space<vmem>>) semaphore(%arg15 : memref<!tpu.dma_semaphore, #tpu.memory_space<semaphore_mem>>)
        %add3A_35 = arith.constant 1 : i32
        %add3A_36 = arith.addi %mul3A_28, %add3A_35 : i32
        %dma_start3A_37 = arith.constant 0 : i32
        %dma_start3A_38 = tpu.memref_slice %arg9[%add3A_36, %dma_start3A_37] : memref<160x125xi32, #tpu.memory_space<vmem>> -> memref<1x125xi32, #tpu.memory_space<vmem>>
        %dma_start3A_39 = tpu.memref_squeeze %dma_start3A_38 : memref<1x125xi32, #tpu.memory_space<vmem>> -> memref<125xi32, #tpu.memory_space<vmem>>
        %dma_start3A_40 = arith.constant 0 : i32
        %dma_start3A_41 = arith.constant 0 : i32
        %dma_start3A_42 = tpu.memref_slice %arg2[%dma_start3A_40, %dma_start3A_41] : memref<10000x32xf32, #tpu.memory_space<hbm>> -> memref<10000x32xf32, #tpu.memory_space<hbm>>
        tpu.enqueue_indirect_dma source(%dma_start3A_42 : memref<10000x32xf32, #tpu.memory_space<hbm>>) target(%arg12 : memref<125x32xf32, #tpu.memory_space<vmem>>) offsets(%dma_start3A_39 : memref<125xi32, #tpu.memory_space<vmem>>) semaphore(%arg16 : memref<!tpu.dma_semaphore, #tpu.memory_space<semaphore_mem>>)
        %add3A_43 = arith.constant 2 : i32
        %add3A_44 = arith.addi %mul3A_28, %add3A_43 : i32
        %dma_start3A_45 = arith.constant 0 : i32
        %dma_start3A_46 = tpu.memref_slice %arg9[%add3A_44, %dma_start3A_45] : memref<160x125xi32, #tpu.memory_space<vmem>> -> memref<1x125xi32, #tpu.memory_space<vmem>>
        %dma_start3A_47 = tpu.memref_squeeze %dma_start3A_46 : memref<1x125xi32, #tpu.memory_space<vmem>> -> memref<125xi32, #tpu.memory_space<vmem>>
        %dma_start3A_48 = arith.constant 0 : i32
        %dma_start3A_49 = arith.constant 0 : i32
        %dma_start3A_50 = tpu.memref_slice %arg2[%dma_start3A_48, %dma_start3A_49] : memref<10000x32xf32, #tpu.memory_space<hbm>> -> memref<10000x32xf32, #tpu.memory_space<hbm>>
        tpu.enqueue_indirect_dma source(%dma_start3A_50 : memref<10000x32xf32, #tpu.memory_space<hbm>>) target(%arg13 : memref<125x32xf32, #tpu.memory_space<vmem>>) offsets(%dma_start3A_47 : memref<125xi32, #tpu.memory_space<vmem>>) semaphore(%arg17 : memref<!tpu.dma_semaphore, #tpu.memory_space<semaphore_mem>>)
        %add3A_51 = arith.constant 3 : i32
        %add3A_52 = arith.addi %mul3A_28, %add3A_51 : i32
        %dma_start3A_53 = arith.constant 0 : i32
        %dma_start3A_54 = tpu.memref_slice %arg9[%add3A_52, %dma_start3A_53] : memref<160x125xi32, #tpu.memory_space<vmem>> -> memref<1x125xi32, #tpu.memory_space<vmem>>
        %dma_start3A_55 = tpu.memref_squeeze %dma_start3A_54 : memref<1x125xi32, #tpu.memory_space<vmem>> -> memref<125xi32, #tpu.memory_space<vmem>>
        %dma_start3A_56 = arith.constant 0 : i32
        %dma_start3A_57 = arith.constant 0 : i32
        %dma_start3A_58 = tpu.memref_slice %arg2[%dma_start3A_56, %dma_start3A_57] : memref<10000x32xf32, #tpu.memory_space<hbm>> -> memref<10000x32xf32, #tpu.memory_space<hbm>>
        tpu.enqueue_indirect_dma source(%dma_start3A_58 : memref<10000x32xf32, #tpu.memory_space<hbm>>) target(%arg14 : memref<125x32xf32, #tpu.memory_space<vmem>>) offsets(%dma_start3A_55 : memref<125xi32, #tpu.memory_space<vmem>>) semaphore(%arg18 : memref<!tpu.dma_semaphore, #tpu.memory_space<semaphore_mem>>)
        %dma_wait3A = arith.constant 0 : i32
        %dma_wait3A_59 = tpu.memref_slice %arg9[%add3A_29, %dma_wait3A] : memref<160x125xi32, #tpu.memory_space<vmem>> -> memref<1x125xi32, #tpu.memory_space<vmem>>
        %dma_wait3A_60 = tpu.memref_squeeze %dma_wait3A_59 : memref<1x125xi32, #tpu.memory_space<vmem>> -> memref<125xi32, #tpu.memory_space<vmem>>
        %dma_wait3A_61 = arith.constant 0 : i32
        %dma_wait3A_62 = arith.constant 0 : i32
        %dma_wait3A_63 = tpu.memref_slice %arg2[%dma_wait3A_61, %dma_wait3A_62] : memref<10000x32xf32, #tpu.memory_space<hbm>> -> memref<10000x32xf32, #tpu.memory_space<hbm>>
        tpu.wait_indirect_dma semaphore(%arg15 : memref<!tpu.dma_semaphore, #tpu.memory_space<semaphore_mem>>) src(%dma_wait3A_63 : memref<10000x32xf32, #tpu.memory_space<hbm>>) dst(%arg11 : memref<125x32xf32, #tpu.memory_space<vmem>>)
        %add3A_64 = arith.constant 0 : i32
        %add3A_65 = arith.addi %mul3A_28, %add3A_64 : i32
        %dma_start3A_66 = arith.constant 0 : i32
        %dma_start3A_67 = tpu.memref_slice %arg10[%add3A_65, %dma_start3A_66] : memref<160x125xi32, #tpu.memory_space<vmem>> -> memref<1x125xi32, #tpu.memory_space<vmem>>
        %dma_start3A_68 = tpu.memref_squeeze %dma_start3A_67 : memref<1x125xi32, #tpu.memory_space<vmem>> -> memref<125xi32, #tpu.memory_space<vmem>>
        %dma_start3A_69 = arith.constant 0 : i32
        %dma_start3A_70 = arith.constant 0 : i32
        %dma_start3A_71 = tpu.memref_slice %arg23[%dma_start3A_69, %dma_start3A_70] : memref<10240x32xf32, #tpu.memory_space<vmem_shared>> -> memref<10240x32xf32, #tpu.memory_space<vmem_shared>>
        tpu.enqueue_indirect_dma source(%arg11 : memref<125x32xf32, #tpu.memory_space<vmem>>) target(%dma_start3A_71 : memref<10240x32xf32, #tpu.memory_space<vmem_shared>>) offsets(%dma_start3A_68 : memref<125xi32, #tpu.memory_space<vmem>>) semaphore(%arg19 : memref<!tpu.dma_semaphore, #tpu.memory_space<semaphore_mem>>) {add = true}
        %dma_wait3A_72 = arith.constant 0 : i32
        %dma_wait3A_73 = tpu.memref_slice %arg9[%add3A_36, %dma_wait3A_72] : memref<160x125xi32, #tpu.memory_space<vmem>> -> memref<1x125xi32, #tpu.memory_space<vmem>>
        %dma_wait3A_74 = tpu.memref_squeeze %dma_wait3A_73 : memref<1x125xi32, #tpu.memory_space<vmem>> -> memref<125xi32, #tpu.memory_space<vmem>>
        %dma_wait3A_75 = arith.constant 0 : i32
        %dma_wait3A_76 = arith.constant 0 : i32
        %dma_wait3A_77 = tpu.memref_slice %arg2[%dma_wait3A_75, %dma_wait3A_76] : memref<10000x32xf32, #tpu.memory_space<hbm>> -> memref<10000x32xf32, #tpu.memory_space<hbm>>
        tpu.wait_indirect_dma semaphore(%arg16 : memref<!tpu.dma_semaphore, #tpu.memory_space<semaphore_mem>>) src(%dma_wait3A_77 : memref<10000x32xf32, #tpu.memory_space<hbm>>) dst(%arg12 : memref<125x32xf32, #tpu.memory_space<vmem>>)
        %add3A_78 = arith.constant 1 : i32
        %add3A_79 = arith.addi %mul3A_28, %add3A_78 : i32
        %dma_start3A_80 = arith.constant 0 : i32
        %dma_start3A_81 = tpu.memref_slice %arg10[%add3A_79, %dma_start3A_80] : memref<160x125xi32, #tpu.memory_space<vmem>> -> memref<1x125xi32, #tpu.memory_space<vmem>>
        %dma_start3A_82 = tpu.memref_squeeze %dma_start3A_81 : memref<1x125xi32, #tpu.memory_space<vmem>> -> memref<125xi32, #tpu.memory_space<vmem>>
        %dma_start3A_83 = arith.constant 0 : i32
        %dma_start3A_84 = arith.constant 0 : i32
        %dma_start3A_85 = tpu.memref_slice %arg23[%dma_start3A_83, %dma_start3A_84] : memref<10240x32xf32, #tpu.memory_space<vmem_shared>> -> memref<10240x32xf32, #tpu.memory_space<vmem_shared>>
        tpu.enqueue_indirect_dma source(%arg12 : memref<125x32xf32, #tpu.memory_space<vmem>>) target(%dma_start3A_85 : memref<10240x32xf32, #tpu.memory_space<vmem_shared>>) offsets(%dma_start3A_82 : memref<125xi32, #tpu.memory_space<vmem>>) semaphore(%arg20 : memref<!tpu.dma_semaphore, #tpu.memory_space<semaphore_mem>>) {add = true}
        %dma_wait3A_86 = arith.constant 0 : i32
        %dma_wait3A_87 = tpu.memref_slice %arg9[%add3A_44, %dma_wait3A_86] : memref<160x125xi32, #tpu.memory_space<vmem>> -> memref<1x125xi32, #tpu.memory_space<vmem>>
        %dma_wait3A_88 = tpu.memref_squeeze %dma_wait3A_87 : memref<1x125xi32, #tpu.memory_space<vmem>> -> memref<125xi32, #tpu.memory_space<vmem>>
        %dma_wait3A_89 = arith.constant 0 : i32
        %dma_wait3A_90 = arith.constant 0 : i32
        %dma_wait3A_91 = tpu.memref_slice %arg2[%dma_wait3A_89, %dma_wait3A_90] : memref<10000x32xf32, #tpu.memory_space<hbm>> -> memref<10000x32xf32, #tpu.memory_space<hbm>>
        tpu.wait_indirect_dma semaphore(%arg17 : memref<!tpu.dma_semaphore, #tpu.memory_space<semaphore_mem>>) src(%dma_wait3A_91 : memref<10000x32xf32, #tpu.memory_space<hbm>>) dst(%arg13 : memref<125x32xf32, #tpu.memory_space<vmem>>)
        %add3A_92 = arith.constant 2 : i32
        %add3A_93 = arith.addi %mul3A_28, %add3A_92 : i32
        %dma_start3A_94 = arith.constant 0 : i32
        %dma_start3A_95 = tpu.memref_slice %arg10[%add3A_93, %dma_start3A_94] : memref<160x125xi32, #tpu.memory_space<vmem>> -> memref<1x125xi32, #tpu.memory_space<vmem>>
        %dma_start3A_96 = tpu.memref_squeeze %dma_start3A_95 : memref<1x125xi32, #tpu.memory_space<vmem>> -> memref<125xi32, #tpu.memory_space<vmem>>
        %dma_start3A_97 = arith.constant 0 : i32
        %dma_start3A_98 = arith.constant 0 : i32
        %dma_start3A_99 = tpu.memref_slice %arg23[%dma_start3A_97, %dma_start3A_98] : memref<10240x32xf32, #tpu.memory_space<vmem_shared>> -> memref<10240x32xf32, #tpu.memory_space<vmem_shared>>
        tpu.enqueue_indirect_dma source(%arg13 : memref<125x32xf32, #tpu.memory_space<vmem>>) target(%dma_start3A_99 : memref<10240x32xf32, #tpu.memory_space<vmem_shared>>) offsets(%dma_start3A_96 : memref<125xi32, #tpu.memory_space<vmem>>) semaphore(%arg21 : memref<!tpu.dma_semaphore, #tpu.memory_space<semaphore_mem>>) {add = true}
        %dma_wait3A_100 = arith.constant 0 : i32
        %dma_wait3A_101 = tpu.memref_slice %arg9[%add3A_52, %dma_wait3A_100] : memref<160x125xi32, #tpu.memory_space<vmem>> -> memref<1x125xi32, #tpu.memory_space<vmem>>
        %dma_wait3A_102 = tpu.memref_squeeze %dma_wait3A_101 : memref<1x125xi32, #tpu.memory_space<vmem>> -> memref<125xi32, #tpu.memory_space<vmem>>
        %dma_wait3A_103 = arith.constant 0 : i32
        %dma_wait3A_104 = arith.constant 0 : i32
        %dma_wait3A_105 = tpu.memref_slice %arg2[%dma_wait3A_103, %dma_wait3A_104] : memref<10000x32xf32, #tpu.memory_space<hbm>> -> memref<10000x32xf32, #tpu.memory_space<hbm>>
        tpu.wait_indirect_dma semaphore(%arg18 : memref<!tpu.dma_semaphore, #tpu.memory_space<semaphore_mem>>) src(%dma_wait3A_105 : memref<10000x32xf32, #tpu.memory_space<hbm>>) dst(%arg14 : memref<125x32xf32, #tpu.memory_space<vmem>>)
        %add3A_106 = arith.constant 3 : i32
        %add3A_107 = arith.addi %mul3A_28, %add3A_106 : i32
        %dma_start3A_108 = arith.constant 0 : i32
        %dma_start3A_109 = tpu.memref_slice %arg10[%add3A_107, %dma_start3A_108] : memref<160x125xi32, #tpu.memory_space<vmem>> -> memref<1x125xi32, #tpu.memory_space<vmem>>
        %dma_start3A_110 = tpu.memref_squeeze %dma_start3A_109 : memref<1x125xi32, #tpu.memory_space<vmem>> -> memref<125xi32, #tpu.memory_space<vmem>>
        %dma_start3A_111 = arith.constant 0 : i32
        %dma_start3A_112 = arith.constant 0 : i32
        %dma_start3A_113 = tpu.memref_slice %arg23[%dma_start3A_111, %dma_start3A_112] : memref<10240x32xf32, #tpu.memory_space<vmem_shared>> -> memref<10240x32xf32, #tpu.memory_space<vmem_shared>>
        tpu.enqueue_indirect_dma source(%arg14 : memref<125x32xf32, #tpu.memory_space<vmem>>) target(%dma_start3A_113 : memref<10240x32xf32, #tpu.memory_space<vmem_shared>>) offsets(%dma_start3A_110 : memref<125xi32, #tpu.memory_space<vmem>>) semaphore(%arg22 : memref<!tpu.dma_semaphore, #tpu.memory_space<semaphore_mem>>) {add = true}
        %dma_wait3A_114 = arith.constant 0 : i32
        %dma_wait3A_115 = tpu.memref_slice %arg10[%add3A_65, %dma_wait3A_114] : memref<160x125xi32, #tpu.memory_space<vmem>> -> memref<1x125xi32, #tpu.memory_space<vmem>>
        %dma_wait3A_116 = tpu.memref_squeeze %dma_wait3A_115 : memref<1x125xi32, #tpu.memory_space<vmem>> -> memref<125xi32, #tpu.memory_space<vmem>>
        %dma_wait3A_117 = arith.constant 0 : i32
        %dma_wait3A_118 = arith.constant 0 : i32
        %dma_wait3A_119 = tpu.memref_slice %arg23[%dma_wait3A_117, %dma_wait3A_118] : memref<10240x32xf32, #tpu.memory_space<vmem_shared>> -> memref<10240x32xf32, #tpu.memory_space<vmem_shared>>
        tpu.wait_indirect_dma semaphore(%arg19 : memref<!tpu.dma_semaphore, #tpu.memory_space<semaphore_mem>>) src(%arg11 : memref<125x32xf32, #tpu.memory_space<vmem>>) dst(%dma_wait3A_119 : memref<10240x32xf32, #tpu.memory_space<vmem_shared>>)
        %dma_wait3A_120 = arith.constant 0 : i32
        %dma_wait3A_121 = tpu.memref_slice %arg10[%add3A_79, %dma_wait3A_120] : memref<160x125xi32, #tpu.memory_space<vmem>> -> memref<1x125xi32, #tpu.memory_space<vmem>>
        %dma_wait3A_122 = tpu.memref_squeeze %dma_wait3A_121 : memref<1x125xi32, #tpu.memory_space<vmem>> -> memref<125xi32, #tpu.memory_space<vmem>>
        %dma_wait3A_123 = arith.constant 0 : i32
        %dma_wait3A_124 = arith.constant 0 : i32
        %dma_wait3A_125 = tpu.memref_slice %arg23[%dma_wait3A_123, %dma_wait3A_124] : memref<10240x32xf32, #tpu.memory_space<vmem_shared>> -> memref<10240x32xf32, #tpu.memory_space<vmem_shared>>
        tpu.wait_indirect_dma semaphore(%arg20 : memref<!tpu.dma_semaphore, #tpu.memory_space<semaphore_mem>>) src(%arg12 : memref<125x32xf32, #tpu.memory_space<vmem>>) dst(%dma_wait3A_125 : memref<10240x32xf32, #tpu.memory_space<vmem_shared>>)
        %dma_wait3A_126 = arith.constant 0 : i32
        %dma_wait3A_127 = tpu.memref_slice %arg10[%add3A_93, %dma_wait3A_126] : memref<160x125xi32, #tpu.memory_space<vmem>> -> memref<1x125xi32, #tpu.memory_space<vmem>>
        %dma_wait3A_128 = tpu.memref_squeeze %dma_wait3A_127 : memref<1x125xi32, #tpu.memory_space<vmem>> -> memref<125xi32, #tpu.memory_space<vmem>>
        %dma_wait3A_129 = arith.constant 0 : i32
        %dma_wait3A_130 = arith.constant 0 : i32
        %dma_wait3A_131 = tpu.memref_slice %arg23[%dma_wait3A_129, %dma_wait3A_130] : memref<10240x32xf32, #tpu.memory_space<vmem_shared>> -> memref<10240x32xf32, #tpu.memory_space<vmem_shared>>
        tpu.wait_indirect_dma semaphore(%arg21 : memref<!tpu.dma_semaphore, #tpu.memory_space<semaphore_mem>>) src(%arg13 : memref<125x32xf32, #tpu.memory_space<vmem>>) dst(%dma_wait3A_131 : memref<10240x32xf32, #tpu.memory_space<vmem_shared>>)
        %dma_wait3A_132 = arith.constant 0 : i32
        %dma_wait3A_133 = tpu.memref_slice %arg10[%add3A_107, %dma_wait3A_132] : memref<160x125xi32, #tpu.memory_space<vmem>> -> memref<1x125xi32, #tpu.memory_space<vmem>>
        %dma_wait3A_134 = tpu.memref_squeeze %dma_wait3A_133 : memref<1x125xi32, #tpu.memory_space<vmem>> -> memref<125xi32, #tpu.memory_space<vmem>>
        %dma_wait3A_135 = arith.constant 0 : i32
        %dma_wait3A_136 = arith.constant 0 : i32
        %dma_wait3A_137 = tpu.memref_slice %arg23[%dma_wait3A_135, %dma_wait3A_136] : memref<10240x32xf32, #tpu.memory_space<vmem_shared>> -> memref<10240x32xf32, #tpu.memory_space<vmem_shared>>
        tpu.wait_indirect_dma semaphore(%arg22 : memref<!tpu.dma_semaphore, #tpu.memory_space<semaphore_mem>>) src(%arg14 : memref<125x32xf32, #tpu.memory_space<vmem>>) dst(%dma_wait3A_137 : memref<10240x32xf32, #tpu.memory_space<vmem_shared>>)
      }
      %scan3A_25 = arith.constant 40 : i32
    } else {
    }
    %eq3A_5 = arith.constant 1 : i32
    %eq3A_6 = arith.cmpi eq, %arg0, %eq3A_5 : i32
    %convert_element_type3A_7 = arith.extui %eq3A_6 : i1 to i32
    %cond3A_8 = arith.constant 0 : i32
    %cond3A_9 = arith.cmpi ne, %convert_element_type3A_7, %cond3A_8 : i32
    scf.if %cond3A_9 {
      %scan3A = arith.constant 0 : i32
      %scan3A_21 = arith.constant 0 : i32
      %scan3A_22 = arith.constant 40 : i32
      %scan3A_23 = arith.addi %scan3A_21, %scan3A_22 : i32
      %scan3A_24 = arith.constant 1 : i32
      scf.for %scan3A_26 = %scan3A_21 to %scan3A_23 step %scan3A_24  : i32 {
        %mul3A_27 = arith.constant 4 : i32
        %mul3A_28 = arith.muli %scan3A_26, %mul3A_27 : i32
        %add3A = arith.constant 0 : i32
        %add3A_29 = arith.addi %mul3A_28, %add3A : i32
        %dma_start3A = arith.constant 0 : i32
        %dma_start3A_30 = tpu.memref_slice %arg10[%add3A_29, %dma_start3A] : memref<160x125xi32, #tpu.memory_space<vmem>> -> memref<1x125xi32, #tpu.memory_space<vmem>>
        %dma_start3A_31 = tpu.memref_squeeze %dma_start3A_30 : memref<1x125xi32, #tpu.memory_space<vmem>> -> memref<125xi32, #tpu.memory_space<vmem>>
        %dma_start3A_32 = arith.constant 0 : i32
        %dma_start3A_33 = arith.constant 0 : i32
        %dma_start3A_34 = tpu.memref_slice %arg3[%dma_start3A_32, %dma_start3A_33] : memref<10000x32xf32, #tpu.memory_space<hbm>> -> memref<10000x32xf32, #tpu.memory_space<hbm>>
        tpu.enqueue_indirect_dma source(%dma_start3A_34 : memref<10000x32xf32, #tpu.memory_space<hbm>>) target(%arg11 : memref<125x32xf32, #tpu.memory_space<vmem>>) offsets(%dma_start3A_31 : memref<125xi32, #tpu.memory_space<vmem>>) semaphore(%arg15 : memref<!tpu.dma_semaphore, #tpu.memory_space<semaphore_mem>>)
        %add3A_35 = arith.constant 1 : i32
        %add3A_36 = arith.addi %mul3A_28, %add3A_35 : i32
        %dma_start3A_37 = arith.constant 0 : i32
        %dma_start3A_38 = tpu.memref_slice %arg10[%add3A_36, %dma_start3A_37] : memref<160x125xi32, #tpu.memory_space<vmem>> -> memref<1x125xi32, #tpu.memory_space<vmem>>
        %dma_start3A_39 = tpu.memref_squeeze %dma_start3A_38 : memref<1x125xi32, #tpu.memory_space<vmem>> -> memref<125xi32, #tpu.memory_space<vmem>>
        %dma_start3A_40 = arith.constant 0 : i32
        %dma_start3A_41 = arith.constant 0 : i32
        %dma_start3A_42 = tpu.memref_slice %arg3[%dma_start3A_40, %dma_start3A_41] : memref<10000x32xf32, #tpu.memory_space<hbm>> -> memref<10000x32xf32, #tpu.memory_space<hbm>>
        tpu.enqueue_indirect_dma source(%dma_start3A_42 : memref<10000x32xf32, #tpu.memory_space<hbm>>) target(%arg12 : memref<125x32xf32, #tpu.memory_space<vmem>>) offsets(%dma_start3A_39 : memref<125xi32, #tpu.memory_space<vmem>>) semaphore(%arg16 : memref<!tpu.dma_semaphore, #tpu.memory_space<semaphore_mem>>)
        %add3A_43 = arith.constant 2 : i32
        %add3A_44 = arith.addi %mul3A_28, %add3A_43 : i32
        %dma_start3A_45 = arith.constant 0 : i32
        %dma_start3A_46 = tpu.memref_slice %arg10[%add3A_44, %dma_start3A_45] : memref<160x125xi32, #tpu.memory_space<vmem>> -> memref<1x125xi32, #tpu.memory_space<vmem>>
        %dma_start3A_47 = tpu.memref_squeeze %dma_start3A_46 : memref<1x125xi32, #tpu.memory_space<vmem>> -> memref<125xi32, #tpu.memory_space<vmem>>
        %dma_start3A_48 = arith.constant 0 : i32
        %dma_start3A_49 = arith.constant 0 : i32
        %dma_start3A_50 = tpu.memref_slice %arg3[%dma_start3A_48, %dma_start3A_49] : memref<10000x32xf32, #tpu.memory_space<hbm>> -> memref<10000x32xf32, #tpu.memory_space<hbm>>
        tpu.enqueue_indirect_dma source(%dma_start3A_50 : memref<10000x32xf32, #tpu.memory_space<hbm>>) target(%arg13 : memref<125x32xf32, #tpu.memory_space<vmem>>) offsets(%dma_start3A_47 : memref<125xi32, #tpu.memory_space<vmem>>) semaphore(%arg17 : memref<!tpu.dma_semaphore, #tpu.memory_space<semaphore_mem>>)
        %add3A_51 = arith.constant 3 : i32
        %add3A_52 = arith.addi %mul3A_28, %add3A_51 : i32
        %dma_start3A_53 = arith.constant 0 : i32
        %dma_start3A_54 = tpu.memref_slice %arg10[%add3A_52, %dma_start3A_53] : memref<160x125xi32, #tpu.memory_space<vmem>> -> memref<1x125xi32, #tpu.memory_space<vmem>>
        %dma_start3A_55 = tpu.memref_squeeze %dma_start3A_54 : memref<1x125xi32, #tpu.memory_space<vmem>> -> memref<125xi32, #tpu.memory_space<vmem>>
        %dma_start3A_56 = arith.constant 0 : i32
        %dma_start3A_57 = arith.constant 0 : i32
        %dma_start3A_58 = tpu.memref_slice %arg3[%dma_start3A_56, %dma_start3A_57] : memref<10000x32xf32, #tpu.memory_space<hbm>> -> memref<10000x32xf32, #tpu.memory_space<hbm>>
        tpu.enqueue_indirect_dma source(%dma_start3A_58 : memref<10000x32xf32, #tpu.memory_space<hbm>>) target(%arg14 : memref<125x32xf32, #tpu.memory_space<vmem>>) offsets(%dma_start3A_55 : memref<125xi32, #tpu.memory_space<vmem>>) semaphore(%arg18 : memref<!tpu.dma_semaphore, #tpu.memory_space<semaphore_mem>>)
        %dma_wait3A = arith.constant 0 : i32
        %dma_wait3A_59 = tpu.memref_slice %arg10[%add3A_29, %dma_wait3A] : memref<160x125xi32, #tpu.memory_space<vmem>> -> memref<1x125xi32, #tpu.memory_space<vmem>>
        %dma_wait3A_60 = tpu.memref_squeeze %dma_wait3A_59 : memref<1x125xi32, #tpu.memory_space<vmem>> -> memref<125xi32, #tpu.memory_space<vmem>>
        %dma_wait3A_61 = arith.constant 0 : i32
        %dma_wait3A_62 = arith.constant 0 : i32
        %dma_wait3A_63 = tpu.memref_slice %arg3[%dma_wait3A_61, %dma_wait3A_62] : memref<10000x32xf32, #tpu.memory_space<hbm>> -> memref<10000x32xf32, #tpu.memory_space<hbm>>
        tpu.wait_indirect_dma semaphore(%arg15 : memref<!tpu.dma_semaphore, #tpu.memory_space<semaphore_mem>>) src(%dma_wait3A_63 : memref<10000x32xf32, #tpu.memory_space<hbm>>) dst(%arg11 : memref<125x32xf32, #tpu.memory_space<vmem>>)
        %add3A_64 = arith.constant 0 : i32
        %add3A_65 = arith.addi %mul3A_28, %add3A_64 : i32
        %dma_start3A_66 = arith.constant 0 : i32
        %dma_start3A_67 = tpu.memref_slice %arg9[%add3A_65, %dma_start3A_66] : memref<160x125xi32, #tpu.memory_space<vmem>> -> memref<1x125xi32, #tpu.memory_space<vmem>>
        %dma_start3A_68 = tpu.memref_squeeze %dma_start3A_67 : memref<1x125xi32, #tpu.memory_space<vmem>> -> memref<125xi32, #tpu.memory_space<vmem>>
        %dma_start3A_69 = arith.constant 0 : i32
        %dma_start3A_70 = arith.constant 0 : i32
        %dma_start3A_71 = tpu.memref_slice %arg23[%dma_start3A_69, %dma_start3A_70] : memref<10240x32xf32, #tpu.memory_space<vmem_shared>> -> memref<10240x32xf32, #tpu.memory_space<vmem_shared>>
        tpu.enqueue_indirect_dma source(%arg11 : memref<125x32xf32, #tpu.memory_space<vmem>>) target(%dma_start3A_71 : memref<10240x32xf32, #tpu.memory_space<vmem_shared>>) offsets(%dma_start3A_68 : memref<125xi32, #tpu.memory_space<vmem>>) semaphore(%arg19 : memref<!tpu.dma_semaphore, #tpu.memory_space<semaphore_mem>>) {add = true}
        %dma_wait3A_72 = arith.constant 0 : i32
        %dma_wait3A_73 = tpu.memref_slice %arg10[%add3A_36, %dma_wait3A_72] : memref<160x125xi32, #tpu.memory_space<vmem>> -> memref<1x125xi32, #tpu.memory_space<vmem>>
        %dma_wait3A_74 = tpu.memref_squeeze %dma_wait3A_73 : memref<1x125xi32, #tpu.memory_space<vmem>> -> memref<125xi32, #tpu.memory_space<vmem>>
        %dma_wait3A_75 = arith.constant 0 : i32
        %dma_wait3A_76 = arith.constant 0 : i32
        %dma_wait3A_77 = tpu.memref_slice %arg3[%dma_wait3A_75, %dma_wait3A_76] : memref<10000x32xf32, #tpu.memory_space<hbm>> -> memref<10000x32xf32, #tpu.memory_space<hbm>>
        tpu.wait_indirect_dma semaphore(%arg16 : memref<!tpu.dma_semaphore, #tpu.memory_space<semaphore_mem>>) src(%dma_wait3A_77 : memref<10000x32xf32, #tpu.memory_space<hbm>>) dst(%arg12 : memref<125x32xf32, #tpu.memory_space<vmem>>)
        %add3A_78 = arith.constant 1 : i32
        %add3A_79 = arith.addi %mul3A_28, %add3A_78 : i32
        %dma_start3A_80 = arith.constant 0 : i32
        %dma_start3A_81 = tpu.memref_slice %arg9[%add3A_79, %dma_start3A_80] : memref<160x125xi32, #tpu.memory_space<vmem>> -> memref<1x125xi32, #tpu.memory_space<vmem>>
        %dma_start3A_82 = tpu.memref_squeeze %dma_start3A_81 : memref<1x125xi32, #tpu.memory_space<vmem>> -> memref<125xi32, #tpu.memory_space<vmem>>
        %dma_start3A_83 = arith.constant 0 : i32
        %dma_start3A_84 = arith.constant 0 : i32
        %dma_start3A_85 = tpu.memref_slice %arg23[%dma_start3A_83, %dma_start3A_84] : memref<10240x32xf32, #tpu.memory_space<vmem_shared>> -> memref<10240x32xf32, #tpu.memory_space<vmem_shared>>
        tpu.enqueue_indirect_dma source(%arg12 : memref<125x32xf32, #tpu.memory_space<vmem>>) target(%dma_start3A_85 : memref<10240x32xf32, #tpu.memory_space<vmem_shared>>) offsets(%dma_start3A_82 : memref<125xi32, #tpu.memory_space<vmem>>) semaphore(%arg20 : memref<!tpu.dma_semaphore, #tpu.memory_space<semaphore_mem>>) {add = true}
        %dma_wait3A_86 = arith.constant 0 : i32
        %dma_wait3A_87 = tpu.memref_slice %arg10[%add3A_44, %dma_wait3A_86] : memref<160x125xi32, #tpu.memory_space<vmem>> -> memref<1x125xi32, #tpu.memory_space<vmem>>
        %dma_wait3A_88 = tpu.memref_squeeze %dma_wait3A_87 : memref<1x125xi32, #tpu.memory_space<vmem>> -> memref<125xi32, #tpu.memory_space<vmem>>
        %dma_wait3A_89 = arith.constant 0 : i32
        %dma_wait3A_90 = arith.constant 0 : i32
        %dma_wait3A_91 = tpu.memref_slice %arg3[%dma_wait3A_89, %dma_wait3A_90] : memref<10000x32xf32, #tpu.memory_space<hbm>> -> memref<10000x32xf32, #tpu.memory_space<hbm>>
        tpu.wait_indirect_dma semaphore(%arg17 : memref<!tpu.dma_semaphore, #tpu.memory_space<semaphore_mem>>) src(%dma_wait3A_91 : memref<10000x32xf32, #tpu.memory_space<hbm>>) dst(%arg13 : memref<125x32xf32, #tpu.memory_space<vmem>>)
        %add3A_92 = arith.constant 2 : i32
        %add3A_93 = arith.addi %mul3A_28, %add3A_92 : i32
        %dma_start3A_94 = arith.constant 0 : i32
        %dma_start3A_95 = tpu.memref_slice %arg9[%add3A_93, %dma_start3A_94] : memref<160x125xi32, #tpu.memory_space<vmem>> -> memref<1x125xi32, #tpu.memory_space<vmem>>
        %dma_start3A_96 = tpu.memref_squeeze %dma_start3A_95 : memref<1x125xi32, #tpu.memory_space<vmem>> -> memref<125xi32, #tpu.memory_space<vmem>>
        %dma_start3A_97 = arith.constant 0 : i32
        %dma_start3A_98 = arith.constant 0 : i32
        %dma_start3A_99 = tpu.memref_slice %arg23[%dma_start3A_97, %dma_start3A_98] : memref<10240x32xf32, #tpu.memory_space<vmem_shared>> -> memref<10240x32xf32, #tpu.memory_space<vmem_shared>>
        tpu.enqueue_indirect_dma source(%arg13 : memref<125x32xf32, #tpu.memory_space<vmem>>) target(%dma_start3A_99 : memref<10240x32xf32, #tpu.memory_space<vmem_shared>>) offsets(%dma_start3A_96 : memref<125xi32, #tpu.memory_space<vmem>>) semaphore(%arg21 : memref<!tpu.dma_semaphore, #tpu.memory_space<semaphore_mem>>) {add = true}
        %dma_wait3A_100 = arith.constant 0 : i32
        %dma_wait3A_101 = tpu.memref_slice %arg10[%add3A_52, %dma_wait3A_100] : memref<160x125xi32, #tpu.memory_space<vmem>> -> memref<1x125xi32, #tpu.memory_space<vmem>>
        %dma_wait3A_102 = tpu.memref_squeeze %dma_wait3A_101 : memref<1x125xi32, #tpu.memory_space<vmem>> -> memref<125xi32, #tpu.memory_space<vmem>>
        %dma_wait3A_103 = arith.constant 0 : i32
        %dma_wait3A_104 = arith.constant 0 : i32
        %dma_wait3A_105 = tpu.memref_slice %arg3[%dma_wait3A_103, %dma_wait3A_104] : memref<10000x32xf32, #tpu.memory_space<hbm>> -> memref<10000x32xf32, #tpu.memory_space<hbm>>
        tpu.wait_indirect_dma semaphore(%arg18 : memref<!tpu.dma_semaphore, #tpu.memory_space<semaphore_mem>>) src(%dma_wait3A_105 : memref<10000x32xf32, #tpu.memory_space<hbm>>) dst(%arg14 : memref<125x32xf32, #tpu.memory_space<vmem>>)
        %add3A_106 = arith.constant 3 : i32
        %add3A_107 = arith.addi %mul3A_28, %add3A_106 : i32
        %dma_start3A_108 = arith.constant 0 : i32
        %dma_start3A_109 = tpu.memref_slice %arg9[%add3A_107, %dma_start3A_108] : memref<160x125xi32, #tpu.memory_space<vmem>> -> memref<1x125xi32, #tpu.memory_space<vmem>>
        %dma_start3A_110 = tpu.memref_squeeze %dma_start3A_109 : memref<1x125xi32, #tpu.memory_space<vmem>> -> memref<125xi32, #tpu.memory_space<vmem>>
        %dma_start3A_111 = arith.constant 0 : i32
        %dma_start3A_112 = arith.constant 0 : i32
        %dma_start3A_113 = tpu.memref_slice %arg23[%dma_start3A_111, %dma_start3A_112] : memref<10240x32xf32, #tpu.memory_space<vmem_shared>> -> memref<10240x32xf32, #tpu.memory_space<vmem_shared>>
        tpu.enqueue_indirect_dma source(%arg14 : memref<125x32xf32, #tpu.memory_space<vmem>>) target(%dma_start3A_113 : memref<10240x32xf32, #tpu.memory_space<vmem_shared>>) offsets(%dma_start3A_110 : memref<125xi32, #tpu.memory_space<vmem>>) semaphore(%arg22 : memref<!tpu.dma_semaphore, #tpu.memory_space<semaphore_mem>>) {add = true}
        %dma_wait3A_114 = arith.constant 0 : i32
        %dma_wait3A_115 = tpu.memref_slice %arg9[%add3A_65, %dma_wait3A_114] : memref<160x125xi32, #tpu.memory_space<vmem>> -> memref<1x125xi32, #tpu.memory_space<vmem>>
        %dma_wait3A_116 = tpu.memref_squeeze %dma_wait3A_115 : memref<1x125xi32, #tpu.memory_space<vmem>> -> memref<125xi32, #tpu.memory_space<vmem>>
        %dma_wait3A_117 = arith.constant 0 : i32
        %dma_wait3A_118 = arith.constant 0 : i32
        %dma_wait3A_119 = tpu.memref_slice %arg23[%dma_wait3A_117, %dma_wait3A_118] : memref<10240x32xf32, #tpu.memory_space<vmem_shared>> -> memref<10240x32xf32, #tpu.memory_space<vmem_shared>>
        tpu.wait_indirect_dma semaphore(%arg19 : memref<!tpu.dma_semaphore, #tpu.memory_space<semaphore_mem>>) src(%arg11 : memref<125x32xf32, #tpu.memory_space<vmem>>) dst(%dma_wait3A_119 : memref<10240x32xf32, #tpu.memory_space<vmem_shared>>)
        %dma_wait3A_120 = arith.constant 0 : i32
        %dma_wait3A_121 = tpu.memref_slice %arg9[%add3A_79, %dma_wait3A_120] : memref<160x125xi32, #tpu.memory_space<vmem>> -> memref<1x125xi32, #tpu.memory_space<vmem>>
        %dma_wait3A_122 = tpu.memref_squeeze %dma_wait3A_121 : memref<1x125xi32, #tpu.memory_space<vmem>> -> memref<125xi32, #tpu.memory_space<vmem>>
        %dma_wait3A_123 = arith.constant 0 : i32
        %dma_wait3A_124 = arith.constant 0 : i32
        %dma_wait3A_125 = tpu.memref_slice %arg23[%dma_wait3A_123, %dma_wait3A_124] : memref<10240x32xf32, #tpu.memory_space<vmem_shared>> -> memref<10240x32xf32, #tpu.memory_space<vmem_shared>>
        tpu.wait_indirect_dma semaphore(%arg20 : memref<!tpu.dma_semaphore, #tpu.memory_space<semaphore_mem>>) src(%arg12 : memref<125x32xf32, #tpu.memory_space<vmem>>) dst(%dma_wait3A_125 : memref<10240x32xf32, #tpu.memory_space<vmem_shared>>)
        %dma_wait3A_126 = arith.constant 0 : i32
        %dma_wait3A_127 = tpu.memref_slice %arg9[%add3A_93, %dma_wait3A_126] : memref<160x125xi32, #tpu.memory_space<vmem>> -> memref<1x125xi32, #tpu.memory_space<vmem>>
        %dma_wait3A_128 = tpu.memref_squeeze %dma_wait3A_127 : memref<1x125xi32, #tpu.memory_space<vmem>> -> memref<125xi32, #tpu.memory_space<vmem>>
        %dma_wait3A_129 = arith.constant 0 : i32
        %dma_wait3A_130 = arith.constant 0 : i32
        %dma_wait3A_131 = tpu.memref_slice %arg23[%dma_wait3A_129, %dma_wait3A_130] : memref<10240x32xf32, #tpu.memory_space<vmem_shared>> -> memref<10240x32xf32, #tpu.memory_space<vmem_shared>>
        tpu.wait_indirect_dma semaphore(%arg21 : memref<!tpu.dma_semaphore, #tpu.memory_space<semaphore_mem>>) src(%arg13 : memref<125x32xf32, #tpu.memory_space<vmem>>) dst(%dma_wait3A_131 : memref<10240x32xf32, #tpu.memory_space<vmem_shared>>)
        %dma_wait3A_132 = arith.constant 0 : i32
        %dma_wait3A_133 = tpu.memref_slice %arg9[%add3A_107, %dma_wait3A_132] : memref<160x125xi32, #tpu.memory_space<vmem>> -> memref<1x125xi32, #tpu.memory_space<vmem>>
        %dma_wait3A_134 = tpu.memref_squeeze %dma_wait3A_133 : memref<1x125xi32, #tpu.memory_space<vmem>> -> memref<125xi32, #tpu.memory_space<vmem>>
        %dma_wait3A_135 = arith.constant 0 : i32
        %dma_wait3A_136 = arith.constant 0 : i32
        %dma_wait3A_137 = tpu.memref_slice %arg23[%dma_wait3A_135, %dma_wait3A_136] : memref<10240x32xf32, #tpu.memory_space<vmem_shared>> -> memref<10240x32xf32, #tpu.memory_space<vmem_shared>>
        tpu.wait_indirect_dma semaphore(%arg22 : memref<!tpu.dma_semaphore, #tpu.memory_space<semaphore_mem>>) src(%arg14 : memref<125x32xf32, #tpu.memory_space<vmem>>) dst(%dma_wait3A_137 : memref<10240x32xf32, #tpu.memory_space<vmem_shared>>)
      }
      %scan3A_25 = arith.constant 40 : i32
    } else {
    }
    %barrier3A_10 = arith.constant 0 : index
    tpu.barrier barrier_id(%barrier3A_10)
    %eq3A_11 = arith.constant 0 : i32
    %eq3A_12 = arith.cmpi eq, %arg0, %eq3A_11 : i32
    %convert_element_type3A_13 = arith.extui %eq3A_12 : i1 to i32
    %cond3A_14 = arith.constant 0 : i32
    %cond3A_15 = arith.cmpi ne, %convert_element_type3A_13, %cond3A_14 : i32
    scf.if %cond3A_15 {
      %mul3A_21 = arith.constant 640 : i32
      %mul3A_22 = arith.muli %arg1, %mul3A_21 : i32
      %mul3A_23 = arith.constant 640 : i32
      %mul3A_24 = arith.muli %arg1, %mul3A_23 : i32
      "tpu.region"() ({
        %run_scoped3A = tpu.sem_alloc : memref<!tpu.dma_semaphore, #tpu.memory_space<semaphore_mem>>
        %dma_start3A = arith.constant 0 : i32
        %dma_start3A_25 = tpu.memref_slice %arg7[%mul3A_24, %dma_start3A] : memref<10240x32xf32, #tpu.memory_space<hbm>> -> memref<640x32xf32, #tpu.memory_space<hbm>>
        %dma_start3A_26 = arith.constant 0 : i32
        %dma_start3A_27 = tpu.memref_slice %arg23[%mul3A_22, %dma_start3A_26] : memref<10240x32xf32, #tpu.memory_space<vmem_shared>> -> memref<640x32xf32, #tpu.memory_space<vmem_shared>>
        tpu.enqueue_dma source(%dma_start3A_27 : memref<640x32xf32, #tpu.memory_space<vmem_shared>>) target(%dma_start3A_25 : memref<640x32xf32, #tpu.memory_space<hbm>>) target_semaphore(%run_scoped3A : memref<!tpu.dma_semaphore, #tpu.memory_space<semaphore_mem>>)
        %dma_wait3A = arith.constant 0 : i32
        %dma_wait3A_28 = tpu.memref_slice %arg7[%mul3A_24, %dma_wait3A] : memref<10240x32xf32, #tpu.memory_space<hbm>> -> memref<640x32xf32, #tpu.memory_space<hbm>>
        %dma_wait3A_29 = arith.constant 0 : i32
        %dma_wait3A_30 = tpu.memref_slice %arg23[%mul3A_22, %dma_wait3A_29] : memref<10240x32xf32, #tpu.memory_space<vmem_shared>> -> memref<640x32xf32, #tpu.memory_space<vmem_shared>>
        tpu.wait_dma2 semaphore(%run_scoped3A : memref<!tpu.dma_semaphore, #tpu.memory_space<semaphore_mem>>) src(%dma_wait3A_30 : memref<640x32xf32, #tpu.memory_space<vmem_shared>>) dst(%dma_wait3A_28 : memref<640x32xf32, #tpu.memory_space<hbm>>)
        tpu.yield
      }) : () -> ()
    } else {
    }
    %eq3A_16 = arith.constant 1 : i32
    %eq3A_17 = arith.cmpi eq, %arg0, %eq3A_16 : i32
    %convert_element_type3A_18 = arith.extui %eq3A_17 : i1 to i32
    %cond3A_19 = arith.constant 0 : i32
    %cond3A_20 = arith.cmpi ne, %convert_element_type3A_18, %cond3A_19 : i32
    scf.if %cond3A_20 {
      %mul3A_21 = arith.constant 640 : i32
      %mul3A_22 = arith.muli %arg1, %mul3A_21 : i32
      %mul3A_23 = arith.constant 640 : i32
      %mul3A_24 = arith.muli %arg1, %mul3A_23 : i32
      "tpu.region"() ({
        %run_scoped3A = tpu.sem_alloc : memref<!tpu.dma_semaphore, #tpu.memory_space<semaphore_mem>>
        %dma_start3A = arith.constant 0 : i32
        %dma_start3A_25 = tpu.memref_slice %arg8[%mul3A_24, %dma_start3A] : memref<10240x32xf32, #tpu.memory_space<hbm>> -> memref<640x32xf32, #tpu.memory_space<hbm>>
        %dma_start3A_26 = arith.constant 0 : i32
        %dma_start3A_27 = tpu.memref_slice %arg23[%mul3A_22, %dma_start3A_26] : memref<10240x32xf32, #tpu.memory_space<vmem_shared>> -> memref<640x32xf32, #tpu.memory_space<vmem_shared>>
        tpu.enqueue_dma source(%dma_start3A_27 : memref<640x32xf32, #tpu.memory_space<vmem_shared>>) target(%dma_start3A_25 : memref<640x32xf32, #tpu.memory_space<hbm>>) target_semaphore(%run_scoped3A : memref<!tpu.dma_semaphore, #tpu.memory_space<semaphore_mem>>)
        %dma_wait3A = arith.constant 0 : i32
        %dma_wait3A_28 = tpu.memref_slice %arg8[%mul3A_24, %dma_wait3A] : memref<10240x32xf32, #tpu.memory_space<hbm>> -> memref<640x32xf32, #tpu.memory_space<hbm>>
        %dma_wait3A_29 = arith.constant 0 : i32
        %dma_wait3A_30 = tpu.memref_slice %arg23[%mul3A_22, %dma_wait3A_29] : memref<10240x32xf32, #tpu.memory_space<vmem_shared>> -> memref<640x32xf32, #tpu.memory_space<vmem_shared>>
        tpu.wait_dma2 semaphore(%run_scoped3A : memref<!tpu.dma_semaphore, #tpu.memory_space<semaphore_mem>>) src(%dma_wait3A_30 : memref<640x32xf32, #tpu.memory_space<vmem_shared>>) dst(%dma_wait3A_28 : memref<640x32xf32, #tpu.memory_space<hbm>>)
        tpu.yield
      }) : () -> ()
    } else {
    }
    return
  }
}

#map = affine_map<(d0, d1) -> (0, 0)>
#map1 = affine_map<(d0, d1) -> (0, 0, 0)>
module attributes {stable_mosaic.version = 14 : i64} {
  func.func @_sc_agg_body(%arg0: i32, %arg1: i32, %arg2: memref<10000x32xf32, #tpu.memory_space<hbm>>, %arg3: memref<10000x32xf32, #tpu.memory_space<hbm>>, %arg4: memref<16x160x125xi32, #tpu.memory_space<hbm>>, %arg5: memref<16x160x125xi32, #tpu.memory_space<hbm>>, %arg6: memref<10240x32xf32, #tpu.memory_space<hbm>>, %arg7: memref<10240x32xf32, #tpu.memory_space<hbm>>, %arg8: memref<10240x32xf32, #tpu.memory_space<hbm>>, %arg9: memref<160x125xi32, #tpu.memory_space<vmem>>, %arg10: memref<160x125xi32, #tpu.memory_space<vmem>>, %arg11: memref<125x32xf32, #tpu.memory_space<vmem>>, %arg12: memref<125x32xf32, #tpu.memory_space<vmem>>, %arg13: memref<125x32xf32, #tpu.memory_space<vmem>>, %arg14: memref<125x32xf32, #tpu.memory_space<vmem>>, %arg15: memref<!tpu.dma_semaphore, #tpu.memory_space<semaphore_mem>>, %arg16: memref<!tpu.dma_semaphore, #tpu.memory_space<semaphore_mem>>, %arg17: memref<!tpu.dma_semaphore, #tpu.memory_space<semaphore_mem>>, %arg18: memref<!tpu.dma_semaphore, #tpu.memory_space<semaphore_mem>>, %arg19: memref<!tpu.dma_semaphore, #tpu.memory_space<semaphore_mem>>, %arg20: memref<!tpu.dma_semaphore, #tpu.memory_space<semaphore_mem>>, %arg21: memref<!tpu.dma_semaphore, #tpu.memory_space<semaphore_mem>>, %arg22: memref<!tpu.dma_semaphore, #tpu.memory_space<semaphore_mem>>, %arg23: memref<10240x32xf32, #tpu.memory_space<vmem_shared>>) attributes {dimension_semantics = [#tpu.dimension_semantics<core_parallel>, #tpu.dimension_semantics<subcore_parallel>], iteration_bounds = array<i64: 2, 16>, scalar_prefetch = 0 : i64, scratch_operands = 15 : i64, tpu.core_type = #tpu.core_type<sc_vector_subcore>, window_params = [{transform_indices = #map}, {transform_indices = #map}, {transform_indices = #map1}, {transform_indices = #map1}, {transform_indices = #map}, {transform_indices = #map}, {transform_indices = #map}]} {
    "tpu.region"() ({
      %run_scoped3A = tpu.sem_alloc : memref<!tpu.dma_semaphore, #tpu.memory_space<semaphore_mem>>
      %dma_start3A = arith.constant 0 : i32
      %dma_start3A_21 = arith.constant 0 : i32
      %dma_start3A_22 = tpu.memref_slice %arg4[%arg1, %dma_start3A, %dma_start3A_21] : memref<16x160x125xi32, #tpu.memory_space<hbm>> -> memref<1x160x125xi32, #tpu.memory_space<hbm>>
      %dma_start3A_23 = tpu.memref_squeeze %dma_start3A_22 : memref<1x160x125xi32, #tpu.memory_space<hbm>> -> memref<160x125xi32, #tpu.memory_space<hbm>>
      %dma_start3A_24 = arith.constant 0 : i32
      %dma_start3A_25 = arith.constant 0 : i32
      %dma_start3A_26 = tpu.memref_slice %arg4[%arg1, %dma_start3A_24, %dma_start3A_25] : memref<16x160x125xi32, #tpu.memory_space<hbm>> -> memref<1x160x125xi32, #tpu.memory_space<hbm>>
      %dma_start3A_27 = tpu.memref_squeeze %dma_start3A_26 : memref<1x160x125xi32, #tpu.memory_space<hbm>> -> memref<160x125xi32, #tpu.memory_space<hbm>>
      tpu.enqueue_dma source(%dma_start3A_27 : memref<160x125xi32, #tpu.memory_space<hbm>>) target(%arg9 : memref<160x125xi32, #tpu.memory_space<vmem>>) target_semaphore(%run_scoped3A : memref<!tpu.dma_semaphore, #tpu.memory_space<semaphore_mem>>)
      %dma_wait3A = arith.constant 0 : i32
      %dma_wait3A_28 = arith.constant 0 : i32
      %dma_wait3A_29 = tpu.memref_slice %arg4[%arg1, %dma_wait3A, %dma_wait3A_28] : memref<16x160x125xi32, #tpu.memory_space<hbm>> -> memref<1x160x125xi32, #tpu.memory_space<hbm>>
      %dma_wait3A_30 = tpu.memref_squeeze %dma_wait3A_29 : memref<1x160x125xi32, #tpu.memory_space<hbm>> -> memref<160x125xi32, #tpu.memory_space<hbm>>
      %dma_wait3A_31 = arith.constant 0 : i32
      %dma_wait3A_32 = arith.constant 0 : i32
      %dma_wait3A_33 = tpu.memref_slice %arg4[%arg1, %dma_wait3A_31, %dma_wait3A_32] : memref<16x160x125xi32, #tpu.memory_space<hbm>> -> memref<1x160x125xi32, #tpu.memory_space<hbm>>
      %dma_wait3A_34 = tpu.memref_squeeze %dma_wait3A_33 : memref<1x160x125xi32, #tpu.memory_space<hbm>> -> memref<160x125xi32, #tpu.memory_space<hbm>>
      tpu.wait_dma2 semaphore(%run_scoped3A : memref<!tpu.dma_semaphore, #tpu.memory_space<semaphore_mem>>) src(%dma_wait3A_34 : memref<160x125xi32, #tpu.memory_space<hbm>>) dst(%arg9 : memref<160x125xi32, #tpu.memory_space<vmem>>)
      tpu.yield
    }) : () -> ()
    "tpu.region"() ({
      %run_scoped3A = tpu.sem_alloc : memref<!tpu.dma_semaphore, #tpu.memory_space<semaphore_mem>>
      %dma_start3A = arith.constant 0 : i32
      %dma_start3A_21 = arith.constant 0 : i32
      %dma_start3A_22 = tpu.memref_slice %arg5[%arg1, %dma_start3A, %dma_start3A_21] : memref<16x160x125xi32, #tpu.memory_space<hbm>> -> memref<1x160x125xi32, #tpu.memory_space<hbm>>
      %dma_start3A_23 = tpu.memref_squeeze %dma_start3A_22 : memref<1x160x125xi32, #tpu.memory_space<hbm>> -> memref<160x125xi32, #tpu.memory_space<hbm>>
      %dma_start3A_24 = arith.constant 0 : i32
      %dma_start3A_25 = arith.constant 0 : i32
      %dma_start3A_26 = tpu.memref_slice %arg5[%arg1, %dma_start3A_24, %dma_start3A_25] : memref<16x160x125xi32, #tpu.memory_space<hbm>> -> memref<1x160x125xi32, #tpu.memory_space<hbm>>
      %dma_start3A_27 = tpu.memref_squeeze %dma_start3A_26 : memref<1x160x125xi32, #tpu.memory_space<hbm>> -> memref<160x125xi32, #tpu.memory_space<hbm>>
      tpu.enqueue_dma source(%dma_start3A_27 : memref<160x125xi32, #tpu.memory_space<hbm>>) target(%arg10 : memref<160x125xi32, #tpu.memory_space<vmem>>) target_semaphore(%run_scoped3A : memref<!tpu.dma_semaphore, #tpu.memory_space<semaphore_mem>>)
      %dma_wait3A = arith.constant 0 : i32
      %dma_wait3A_28 = arith.constant 0 : i32
      %dma_wait3A_29 = tpu.memref_slice %arg5[%arg1, %dma_wait3A, %dma_wait3A_28] : memref<16x160x125xi32, #tpu.memory_space<hbm>> -> memref<1x160x125xi32, #tpu.memory_space<hbm>>
      %dma_wait3A_30 = tpu.memref_squeeze %dma_wait3A_29 : memref<1x160x125xi32, #tpu.memory_space<hbm>> -> memref<160x125xi32, #tpu.memory_space<hbm>>
      %dma_wait3A_31 = arith.constant 0 : i32
      %dma_wait3A_32 = arith.constant 0 : i32
      %dma_wait3A_33 = tpu.memref_slice %arg5[%arg1, %dma_wait3A_31, %dma_wait3A_32] : memref<16x160x125xi32, #tpu.memory_space<hbm>> -> memref<1x160x125xi32, #tpu.memory_space<hbm>>
      %dma_wait3A_34 = tpu.memref_squeeze %dma_wait3A_33 : memref<1x160x125xi32, #tpu.memory_space<hbm>> -> memref<160x125xi32, #tpu.memory_space<hbm>>
      tpu.wait_dma2 semaphore(%run_scoped3A : memref<!tpu.dma_semaphore, #tpu.memory_space<semaphore_mem>>) src(%dma_wait3A_34 : memref<160x125xi32, #tpu.memory_space<hbm>>) dst(%arg10 : memref<160x125xi32, #tpu.memory_space<vmem>>)
      tpu.yield
    }) : () -> ()
    %mul3A = arith.constant 640 : i32
    %mul3A_0 = arith.muli %arg1, %mul3A : i32
    %mul3A_1 = arith.constant 640 : i32
    %mul3A_2 = arith.muli %arg1, %mul3A_1 : i32
    "tpu.region"() ({
      %run_scoped3A = tpu.sem_alloc : memref<!tpu.dma_semaphore, #tpu.memory_space<semaphore_mem>>
      %dma_start3A = arith.constant 0 : i32
      %dma_start3A_21 = tpu.memref_slice %arg23[%mul3A_2, %dma_start3A] : memref<10240x32xf32, #tpu.memory_space<vmem_shared>> -> memref<640x32xf32, #tpu.memory_space<vmem_shared>>
      %dma_start3A_22 = arith.constant 0 : i32
      %dma_start3A_23 = tpu.memref_slice %arg6[%mul3A_0, %dma_start3A_22] : memref<10240x32xf32, #tpu.memory_space<hbm>> -> memref<640x32xf32, #tpu.memory_space<hbm>>
      tpu.enqueue_dma source(%dma_start3A_23 : memref<640x32xf32, #tpu.memory_space<hbm>>) target(%dma_start3A_21 : memref<640x32xf32, #tpu.memory_space<vmem_shared>>) target_semaphore(%run_scoped3A : memref<!tpu.dma_semaphore, #tpu.memory_space<semaphore_mem>>)
      %dma_wait3A = arith.constant 0 : i32
      %dma_wait3A_24 = tpu.memref_slice %arg23[%mul3A_2, %dma_wait3A] : memref<10240x32xf32, #tpu.memory_space<vmem_shared>> -> memref<640x32xf32, #tpu.memory_space<vmem_shared>>
      %dma_wait3A_25 = arith.constant 0 : i32
      %dma_wait3A_26 = tpu.memref_slice %arg6[%mul3A_0, %dma_wait3A_25] : memref<10240x32xf32, #tpu.memory_space<hbm>> -> memref<640x32xf32, #tpu.memory_space<hbm>>
      tpu.wait_dma2 semaphore(%run_scoped3A : memref<!tpu.dma_semaphore, #tpu.memory_space<semaphore_mem>>) src(%dma_wait3A_26 : memref<640x32xf32, #tpu.memory_space<hbm>>) dst(%dma_wait3A_24 : memref<640x32xf32, #tpu.memory_space<vmem_shared>>)
      tpu.yield
    }) : () -> ()
    %barrier3A = arith.constant 0 : index
    tpu.barrier barrier_id(%barrier3A)
    %eq3A = arith.constant 0 : i32
    %eq3A_3 = arith.cmpi eq, %arg0, %eq3A : i32
    %convert_element_type3A = arith.extui %eq3A_3 : i1 to i32
    %cond3A = arith.constant 0 : i32
    %cond3A_4 = arith.cmpi ne, %convert_element_type3A, %cond3A : i32
    scf.if %cond3A_4 {
      %scan3A = arith.constant 0 : i32
      %scan3A_21 = arith.constant 0 : i32
      %scan3A_22 = arith.constant 40 : i32
      %scan3A_23 = arith.addi %scan3A_21, %scan3A_22 : i32
      %scan3A_24 = arith.constant 1 : i32
      scf.for %scan3A_26 = %scan3A_21 to %scan3A_23 step %scan3A_24  : i32 {
        %mul3A_27 = arith.constant 4 : i32
        %mul3A_28 = arith.muli %scan3A_26, %mul3A_27 : i32
        %add3A = arith.constant 0 : i32
        %add3A_29 = arith.addi %mul3A_28, %add3A : i32
        %dma_start3A = arith.constant 0 : i32
        %dma_start3A_30 = tpu.memref_slice %arg9[%add3A_29, %dma_start3A] : memref<160x125xi32, #tpu.memory_space<vmem>> -> memref<1x125xi32, #tpu.memory_space<vmem>>
        %dma_start3A_31 = tpu.memref_squeeze %dma_start3A_30 : memref<1x125xi32, #tpu.memory_space<vmem>> -> memref<125xi32, #tpu.memory_space<vmem>>
        %dma_start3A_32 = arith.constant 0 : i32
        %dma_start3A_33 = arith.constant 0 : i32
        %dma_start3A_34 = tpu.memref_slice %arg2[%dma_start3A_32, %dma_start3A_33] : memref<10000x32xf32, #tpu.memory_space<hbm>> -> memref<10000x32xf32, #tpu.memory_space<hbm>>
        tpu.enqueue_indirect_dma source(%dma_start3A_34 : memref<10000x32xf32, #tpu.memory_space<hbm>>) target(%arg11 : memref<125x32xf32, #tpu.memory_space<vmem>>) offsets(%dma_start3A_31 : memref<125xi32, #tpu.memory_space<vmem>>) semaphore(%arg15 : memref<!tpu.dma_semaphore, #tpu.memory_space<semaphore_mem>>)
        %add3A_35 = arith.constant 1 : i32
        %add3A_36 = arith.addi %mul3A_28, %add3A_35 : i32
        %dma_start3A_37 = arith.constant 0 : i32
        %dma_start3A_38 = tpu.memref_slice %arg9[%add3A_36, %dma_start3A_37] : memref<160x125xi32, #tpu.memory_space<vmem>> -> memref<1x125xi32, #tpu.memory_space<vmem>>
        %dma_start3A_39 = tpu.memref_squeeze %dma_start3A_38 : memref<1x125xi32, #tpu.memory_space<vmem>> -> memref<125xi32, #tpu.memory_space<vmem>>
        %dma_start3A_40 = arith.constant 0 : i32
        %dma_start3A_41 = arith.constant 0 : i32
        %dma_start3A_42 = tpu.memref_slice %arg2[%dma_start3A_40, %dma_start3A_41] : memref<10000x32xf32, #tpu.memory_space<hbm>> -> memref<10000x32xf32, #tpu.memory_space<hbm>>
        tpu.enqueue_indirect_dma source(%dma_start3A_42 : memref<10000x32xf32, #tpu.memory_space<hbm>>) target(%arg12 : memref<125x32xf32, #tpu.memory_space<vmem>>) offsets(%dma_start3A_39 : memref<125xi32, #tpu.memory_space<vmem>>) semaphore(%arg16 : memref<!tpu.dma_semaphore, #tpu.memory_space<semaphore_mem>>)
        %add3A_43 = arith.constant 2 : i32
        %add3A_44 = arith.addi %mul3A_28, %add3A_43 : i32
        %dma_start3A_45 = arith.constant 0 : i32
        %dma_start3A_46 = tpu.memref_slice %arg9[%add3A_44, %dma_start3A_45] : memref<160x125xi32, #tpu.memory_space<vmem>> -> memref<1x125xi32, #tpu.memory_space<vmem>>
        %dma_start3A_47 = tpu.memref_squeeze %dma_start3A_46 : memref<1x125xi32, #tpu.memory_space<vmem>> -> memref<125xi32, #tpu.memory_space<vmem>>
        %dma_start3A_48 = arith.constant 0 : i32
        %dma_start3A_49 = arith.constant 0 : i32
        %dma_start3A_50 = tpu.memref_slice %arg2[%dma_start3A_48, %dma_start3A_49] : memref<10000x32xf32, #tpu.memory_space<hbm>> -> memref<10000x32xf32, #tpu.memory_space<hbm>>
        tpu.enqueue_indirect_dma source(%dma_start3A_50 : memref<10000x32xf32, #tpu.memory_space<hbm>>) target(%arg13 : memref<125x32xf32, #tpu.memory_space<vmem>>) offsets(%dma_start3A_47 : memref<125xi32, #tpu.memory_space<vmem>>) semaphore(%arg17 : memref<!tpu.dma_semaphore, #tpu.memory_space<semaphore_mem>>)
        %add3A_51 = arith.constant 3 : i32
        %add3A_52 = arith.addi %mul3A_28, %add3A_51 : i32
        %dma_start3A_53 = arith.constant 0 : i32
        %dma_start3A_54 = tpu.memref_slice %arg9[%add3A_52, %dma_start3A_53] : memref<160x125xi32, #tpu.memory_space<vmem>> -> memref<1x125xi32, #tpu.memory_space<vmem>>
        %dma_start3A_55 = tpu.memref_squeeze %dma_start3A_54 : memref<1x125xi32, #tpu.memory_space<vmem>> -> memref<125xi32, #tpu.memory_space<vmem>>
        %dma_start3A_56 = arith.constant 0 : i32
        %dma_start3A_57 = arith.constant 0 : i32
        %dma_start3A_58 = tpu.memref_slice %arg2[%dma_start3A_56, %dma_start3A_57] : memref<10000x32xf32, #tpu.memory_space<hbm>> -> memref<10000x32xf32, #tpu.memory_space<hbm>>
        tpu.enqueue_indirect_dma source(%dma_start3A_58 : memref<10000x32xf32, #tpu.memory_space<hbm>>) target(%arg14 : memref<125x32xf32, #tpu.memory_space<vmem>>) offsets(%dma_start3A_55 : memref<125xi32, #tpu.memory_space<vmem>>) semaphore(%arg18 : memref<!tpu.dma_semaphore, #tpu.memory_space<semaphore_mem>>)
        %dma_wait3A = arith.constant 0 : i32
        %dma_wait3A_59 = tpu.memref_slice %arg9[%add3A_29, %dma_wait3A] : memref<160x125xi32, #tpu.memory_space<vmem>> -> memref<1x125xi32, #tpu.memory_space<vmem>>
        %dma_wait3A_60 = tpu.memref_squeeze %dma_wait3A_59 : memref<1x125xi32, #tpu.memory_space<vmem>> -> memref<125xi32, #tpu.memory_space<vmem>>
        %dma_wait3A_61 = arith.constant 0 : i32
        %dma_wait3A_62 = arith.constant 0 : i32
        %dma_wait3A_63 = tpu.memref_slice %arg2[%dma_wait3A_61, %dma_wait3A_62] : memref<10000x32xf32, #tpu.memory_space<hbm>> -> memref<10000x32xf32, #tpu.memory_space<hbm>>
        tpu.wait_indirect_dma semaphore(%arg15 : memref<!tpu.dma_semaphore, #tpu.memory_space<semaphore_mem>>) src(%dma_wait3A_63 : memref<10000x32xf32, #tpu.memory_space<hbm>>) dst(%arg11 : memref<125x32xf32, #tpu.memory_space<vmem>>)
        %add3A_64 = arith.constant 0 : i32
        %add3A_65 = arith.addi %mul3A_28, %add3A_64 : i32
        %dma_start3A_66 = arith.constant 0 : i32
        %dma_start3A_67 = tpu.memref_slice %arg10[%add3A_65, %dma_start3A_66] : memref<160x125xi32, #tpu.memory_space<vmem>> -> memref<1x125xi32, #tpu.memory_space<vmem>>
        %dma_start3A_68 = tpu.memref_squeeze %dma_start3A_67 : memref<1x125xi32, #tpu.memory_space<vmem>> -> memref<125xi32, #tpu.memory_space<vmem>>
        %dma_start3A_69 = arith.constant 0 : i32
        %dma_start3A_70 = arith.constant 0 : i32
        %dma_start3A_71 = tpu.memref_slice %arg23[%dma_start3A_69, %dma_start3A_70] : memref<10240x32xf32, #tpu.memory_space<vmem_shared>> -> memref<10240x32xf32, #tpu.memory_space<vmem_shared>>
        tpu.enqueue_indirect_dma source(%arg11 : memref<125x32xf32, #tpu.memory_space<vmem>>) target(%dma_start3A_71 : memref<10240x32xf32, #tpu.memory_space<vmem_shared>>) offsets(%dma_start3A_68 : memref<125xi32, #tpu.memory_space<vmem>>) semaphore(%arg19 : memref<!tpu.dma_semaphore, #tpu.memory_space<semaphore_mem>>) {add = true}
        %dma_wait3A_72 = arith.constant 0 : i32
        %dma_wait3A_73 = tpu.memref_slice %arg9[%add3A_36, %dma_wait3A_72] : memref<160x125xi32, #tpu.memory_space<vmem>> -> memref<1x125xi32, #tpu.memory_space<vmem>>
        %dma_wait3A_74 = tpu.memref_squeeze %dma_wait3A_73 : memref<1x125xi32, #tpu.memory_space<vmem>> -> memref<125xi32, #tpu.memory_space<vmem>>
        %dma_wait3A_75 = arith.constant 0 : i32
        %dma_wait3A_76 = arith.constant 0 : i32
        %dma_wait3A_77 = tpu.memref_slice %arg2[%dma_wait3A_75, %dma_wait3A_76] : memref<10000x32xf32, #tpu.memory_space<hbm>> -> memref<10000x32xf32, #tpu.memory_space<hbm>>
        tpu.wait_indirect_dma semaphore(%arg16 : memref<!tpu.dma_semaphore, #tpu.memory_space<semaphore_mem>>) src(%dma_wait3A_77 : memref<10000x32xf32, #tpu.memory_space<hbm>>) dst(%arg12 : memref<125x32xf32, #tpu.memory_space<vmem>>)
        %add3A_78 = arith.constant 1 : i32
        %add3A_79 = arith.addi %mul3A_28, %add3A_78 : i32
        %dma_start3A_80 = arith.constant 0 : i32
        %dma_start3A_81 = tpu.memref_slice %arg10[%add3A_79, %dma_start3A_80] : memref<160x125xi32, #tpu.memory_space<vmem>> -> memref<1x125xi32, #tpu.memory_space<vmem>>
        %dma_start3A_82 = tpu.memref_squeeze %dma_start3A_81 : memref<1x125xi32, #tpu.memory_space<vmem>> -> memref<125xi32, #tpu.memory_space<vmem>>
        %dma_start3A_83 = arith.constant 0 : i32
        %dma_start3A_84 = arith.constant 0 : i32
        %dma_start3A_85 = tpu.memref_slice %arg23[%dma_start3A_83, %dma_start3A_84] : memref<10240x32xf32, #tpu.memory_space<vmem_shared>> -> memref<10240x32xf32, #tpu.memory_space<vmem_shared>>
        tpu.enqueue_indirect_dma source(%arg12 : memref<125x32xf32, #tpu.memory_space<vmem>>) target(%dma_start3A_85 : memref<10240x32xf32, #tpu.memory_space<vmem_shared>>) offsets(%dma_start3A_82 : memref<125xi32, #tpu.memory_space<vmem>>) semaphore(%arg20 : memref<!tpu.dma_semaphore, #tpu.memory_space<semaphore_mem>>) {add = true}
        %dma_wait3A_86 = arith.constant 0 : i32
        %dma_wait3A_87 = tpu.memref_slice %arg9[%add3A_44, %dma_wait3A_86] : memref<160x125xi32, #tpu.memory_space<vmem>> -> memref<1x125xi32, #tpu.memory_space<vmem>>
        %dma_wait3A_88 = tpu.memref_squeeze %dma_wait3A_87 : memref<1x125xi32, #tpu.memory_space<vmem>> -> memref<125xi32, #tpu.memory_space<vmem>>
        %dma_wait3A_89 = arith.constant 0 : i32
        %dma_wait3A_90 = arith.constant 0 : i32
        %dma_wait3A_91 = tpu.memref_slice %arg2[%dma_wait3A_89, %dma_wait3A_90] : memref<10000x32xf32, #tpu.memory_space<hbm>> -> memref<10000x32xf32, #tpu.memory_space<hbm>>
        tpu.wait_indirect_dma semaphore(%arg17 : memref<!tpu.dma_semaphore, #tpu.memory_space<semaphore_mem>>) src(%dma_wait3A_91 : memref<10000x32xf32, #tpu.memory_space<hbm>>) dst(%arg13 : memref<125x32xf32, #tpu.memory_space<vmem>>)
        %add3A_92 = arith.constant 2 : i32
        %add3A_93 = arith.addi %mul3A_28, %add3A_92 : i32
        %dma_start3A_94 = arith.constant 0 : i32
        %dma_start3A_95 = tpu.memref_slice %arg10[%add3A_93, %dma_start3A_94] : memref<160x125xi32, #tpu.memory_space<vmem>> -> memref<1x125xi32, #tpu.memory_space<vmem>>
        %dma_start3A_96 = tpu.memref_squeeze %dma_start3A_95 : memref<1x125xi32, #tpu.memory_space<vmem>> -> memref<125xi32, #tpu.memory_space<vmem>>
        %dma_start3A_97 = arith.constant 0 : i32
        %dma_start3A_98 = arith.constant 0 : i32
        %dma_start3A_99 = tpu.memref_slice %arg23[%dma_start3A_97, %dma_start3A_98] : memref<10240x32xf32, #tpu.memory_space<vmem_shared>> -> memref<10240x32xf32, #tpu.memory_space<vmem_shared>>
        tpu.enqueue_indirect_dma source(%arg13 : memref<125x32xf32, #tpu.memory_space<vmem>>) target(%dma_start3A_99 : memref<10240x32xf32, #tpu.memory_space<vmem_shared>>) offsets(%dma_start3A_96 : memref<125xi32, #tpu.memory_space<vmem>>) semaphore(%arg21 : memref<!tpu.dma_semaphore, #tpu.memory_space<semaphore_mem>>) {add = true}
        %dma_wait3A_100 = arith.constant 0 : i32
        %dma_wait3A_101 = tpu.memref_slice %arg9[%add3A_52, %dma_wait3A_100] : memref<160x125xi32, #tpu.memory_space<vmem>> -> memref<1x125xi32, #tpu.memory_space<vmem>>
        %dma_wait3A_102 = tpu.memref_squeeze %dma_wait3A_101 : memref<1x125xi32, #tpu.memory_space<vmem>> -> memref<125xi32, #tpu.memory_space<vmem>>
        %dma_wait3A_103 = arith.constant 0 : i32
        %dma_wait3A_104 = arith.constant 0 : i32
        %dma_wait3A_105 = tpu.memref_slice %arg2[%dma_wait3A_103, %dma_wait3A_104] : memref<10000x32xf32, #tpu.memory_space<hbm>> -> memref<10000x32xf32, #tpu.memory_space<hbm>>
        tpu.wait_indirect_dma semaphore(%arg18 : memref<!tpu.dma_semaphore, #tpu.memory_space<semaphore_mem>>) src(%dma_wait3A_105 : memref<10000x32xf32, #tpu.memory_space<hbm>>) dst(%arg14 : memref<125x32xf32, #tpu.memory_space<vmem>>)
        %add3A_106 = arith.constant 3 : i32
        %add3A_107 = arith.addi %mul3A_28, %add3A_106 : i32
        %dma_start3A_108 = arith.constant 0 : i32
        %dma_start3A_109 = tpu.memref_slice %arg10[%add3A_107, %dma_start3A_108] : memref<160x125xi32, #tpu.memory_space<vmem>> -> memref<1x125xi32, #tpu.memory_space<vmem>>
        %dma_start3A_110 = tpu.memref_squeeze %dma_start3A_109 : memref<1x125xi32, #tpu.memory_space<vmem>> -> memref<125xi32, #tpu.memory_space<vmem>>
        %dma_start3A_111 = arith.constant 0 : i32
        %dma_start3A_112 = arith.constant 0 : i32
        %dma_start3A_113 = tpu.memref_slice %arg23[%dma_start3A_111, %dma_start3A_112] : memref<10240x32xf32, #tpu.memory_space<vmem_shared>> -> memref<10240x32xf32, #tpu.memory_space<vmem_shared>>
        tpu.enqueue_indirect_dma source(%arg14 : memref<125x32xf32, #tpu.memory_space<vmem>>) target(%dma_start3A_113 : memref<10240x32xf32, #tpu.memory_space<vmem_shared>>) offsets(%dma_start3A_110 : memref<125xi32, #tpu.memory_space<vmem>>) semaphore(%arg22 : memref<!tpu.dma_semaphore, #tpu.memory_space<semaphore_mem>>) {add = true}
        %dma_wait3A_114 = arith.constant 0 : i32
        %dma_wait3A_115 = tpu.memref_slice %arg10[%add3A_65, %dma_wait3A_114] : memref<160x125xi32, #tpu.memory_space<vmem>> -> memref<1x125xi32, #tpu.memory_space<vmem>>
        %dma_wait3A_116 = tpu.memref_squeeze %dma_wait3A_115 : memref<1x125xi32, #tpu.memory_space<vmem>> -> memref<125xi32, #tpu.memory_space<vmem>>
        %dma_wait3A_117 = arith.constant 0 : i32
        %dma_wait3A_118 = arith.constant 0 : i32
        %dma_wait3A_119 = tpu.memref_slice %arg23[%dma_wait3A_117, %dma_wait3A_118] : memref<10240x32xf32, #tpu.memory_space<vmem_shared>> -> memref<10240x32xf32, #tpu.memory_space<vmem_shared>>
        tpu.wait_indirect_dma semaphore(%arg19 : memref<!tpu.dma_semaphore, #tpu.memory_space<semaphore_mem>>) src(%arg11 : memref<125x32xf32, #tpu.memory_space<vmem>>) dst(%dma_wait3A_119 : memref<10240x32xf32, #tpu.memory_space<vmem_shared>>)
        %dma_wait3A_120 = arith.constant 0 : i32
        %dma_wait3A_121 = tpu.memref_slice %arg10[%add3A_79, %dma_wait3A_120] : memref<160x125xi32, #tpu.memory_space<vmem>> -> memref<1x125xi32, #tpu.memory_space<vmem>>
        %dma_wait3A_122 = tpu.memref_squeeze %dma_wait3A_121 : memref<1x125xi32, #tpu.memory_space<vmem>> -> memref<125xi32, #tpu.memory_space<vmem>>
        %dma_wait3A_123 = arith.constant 0 : i32
        %dma_wait3A_124 = arith.constant 0 : i32
        %dma_wait3A_125 = tpu.memref_slice %arg23[%dma_wait3A_123, %dma_wait3A_124] : memref<10240x32xf32, #tpu.memory_space<vmem_shared>> -> memref<10240x32xf32, #tpu.memory_space<vmem_shared>>
        tpu.wait_indirect_dma semaphore(%arg20 : memref<!tpu.dma_semaphore, #tpu.memory_space<semaphore_mem>>) src(%arg12 : memref<125x32xf32, #tpu.memory_space<vmem>>) dst(%dma_wait3A_125 : memref<10240x32xf32, #tpu.memory_space<vmem_shared>>)
        %dma_wait3A_126 = arith.constant 0 : i32
        %dma_wait3A_127 = tpu.memref_slice %arg10[%add3A_93, %dma_wait3A_126] : memref<160x125xi32, #tpu.memory_space<vmem>> -> memref<1x125xi32, #tpu.memory_space<vmem>>
        %dma_wait3A_128 = tpu.memref_squeeze %dma_wait3A_127 : memref<1x125xi32, #tpu.memory_space<vmem>> -> memref<125xi32, #tpu.memory_space<vmem>>
        %dma_wait3A_129 = arith.constant 0 : i32
        %dma_wait3A_130 = arith.constant 0 : i32
        %dma_wait3A_131 = tpu.memref_slice %arg23[%dma_wait3A_129, %dma_wait3A_130] : memref<10240x32xf32, #tpu.memory_space<vmem_shared>> -> memref<10240x32xf32, #tpu.memory_space<vmem_shared>>
        tpu.wait_indirect_dma semaphore(%arg21 : memref<!tpu.dma_semaphore, #tpu.memory_space<semaphore_mem>>) src(%arg13 : memref<125x32xf32, #tpu.memory_space<vmem>>) dst(%dma_wait3A_131 : memref<10240x32xf32, #tpu.memory_space<vmem_shared>>)
        %dma_wait3A_132 = arith.constant 0 : i32
        %dma_wait3A_133 = tpu.memref_slice %arg10[%add3A_107, %dma_wait3A_132] : memref<160x125xi32, #tpu.memory_space<vmem>> -> memref<1x125xi32, #tpu.memory_space<vmem>>
        %dma_wait3A_134 = tpu.memref_squeeze %dma_wait3A_133 : memref<1x125xi32, #tpu.memory_space<vmem>> -> memref<125xi32, #tpu.memory_space<vmem>>
        %dma_wait3A_135 = arith.constant 0 : i32
        %dma_wait3A_136 = arith.constant 0 : i32
        %dma_wait3A_137 = tpu.memref_slice %arg23[%dma_wait3A_135, %dma_wait3A_136] : memref<10240x32xf32, #tpu.memory_space<vmem_shared>> -> memref<10240x32xf32, #tpu.memory_space<vmem_shared>>
        tpu.wait_indirect_dma semaphore(%arg22 : memref<!tpu.dma_semaphore, #tpu.memory_space<semaphore_mem>>) src(%arg14 : memref<125x32xf32, #tpu.memory_space<vmem>>) dst(%dma_wait3A_137 : memref<10240x32xf32, #tpu.memory_space<vmem_shared>>)
      }
      %scan3A_25 = arith.constant 40 : i32
    } else {
    }
    %eq3A_5 = arith.constant 1 : i32
    %eq3A_6 = arith.cmpi eq, %arg0, %eq3A_5 : i32
    %convert_element_type3A_7 = arith.extui %eq3A_6 : i1 to i32
    %cond3A_8 = arith.constant 0 : i32
    %cond3A_9 = arith.cmpi ne, %convert_element_type3A_7, %cond3A_8 : i32
    scf.if %cond3A_9 {
      %scan3A = arith.constant 0 : i32
      %scan3A_21 = arith.constant 0 : i32
      %scan3A_22 = arith.constant 40 : i32
      %scan3A_23 = arith.addi %scan3A_21, %scan3A_22 : i32
      %scan3A_24 = arith.constant 1 : i32
      scf.for %scan3A_26 = %scan3A_21 to %scan3A_23 step %scan3A_24  : i32 {
        %mul3A_27 = arith.constant 4 : i32
        %mul3A_28 = arith.muli %scan3A_26, %mul3A_27 : i32
        %add3A = arith.constant 0 : i32
        %add3A_29 = arith.addi %mul3A_28, %add3A : i32
        %dma_start3A = arith.constant 0 : i32
        %dma_start3A_30 = tpu.memref_slice %arg10[%add3A_29, %dma_start3A] : memref<160x125xi32, #tpu.memory_space<vmem>> -> memref<1x125xi32, #tpu.memory_space<vmem>>
        %dma_start3A_31 = tpu.memref_squeeze %dma_start3A_30 : memref<1x125xi32, #tpu.memory_space<vmem>> -> memref<125xi32, #tpu.memory_space<vmem>>
        %dma_start3A_32 = arith.constant 0 : i32
        %dma_start3A_33 = arith.constant 0 : i32
        %dma_start3A_34 = tpu.memref_slice %arg3[%dma_start3A_32, %dma_start3A_33] : memref<10000x32xf32, #tpu.memory_space<hbm>> -> memref<10000x32xf32, #tpu.memory_space<hbm>>
        tpu.enqueue_indirect_dma source(%dma_start3A_34 : memref<10000x32xf32, #tpu.memory_space<hbm>>) target(%arg11 : memref<125x32xf32, #tpu.memory_space<vmem>>) offsets(%dma_start3A_31 : memref<125xi32, #tpu.memory_space<vmem>>) semaphore(%arg15 : memref<!tpu.dma_semaphore, #tpu.memory_space<semaphore_mem>>)
        %add3A_35 = arith.constant 1 : i32
        %add3A_36 = arith.addi %mul3A_28, %add3A_35 : i32
        %dma_start3A_37 = arith.constant 0 : i32
        %dma_start3A_38 = tpu.memref_slice %arg10[%add3A_36, %dma_start3A_37] : memref<160x125xi32, #tpu.memory_space<vmem>> -> memref<1x125xi32, #tpu.memory_space<vmem>>
        %dma_start3A_39 = tpu.memref_squeeze %dma_start3A_38 : memref<1x125xi32, #tpu.memory_space<vmem>> -> memref<125xi32, #tpu.memory_space<vmem>>
        %dma_start3A_40 = arith.constant 0 : i32
        %dma_start3A_41 = arith.constant 0 : i32
        %dma_start3A_42 = tpu.memref_slice %arg3[%dma_start3A_40, %dma_start3A_41] : memref<10000x32xf32, #tpu.memory_space<hbm>> -> memref<10000x32xf32, #tpu.memory_space<hbm>>
        tpu.enqueue_indirect_dma source(%dma_start3A_42 : memref<10000x32xf32, #tpu.memory_space<hbm>>) target(%arg12 : memref<125x32xf32, #tpu.memory_space<vmem>>) offsets(%dma_start3A_39 : memref<125xi32, #tpu.memory_space<vmem>>) semaphore(%arg16 : memref<!tpu.dma_semaphore, #tpu.memory_space<semaphore_mem>>)
        %add3A_43 = arith.constant 2 : i32
        %add3A_44 = arith.addi %mul3A_28, %add3A_43 : i32
        %dma_start3A_45 = arith.constant 0 : i32
        %dma_start3A_46 = tpu.memref_slice %arg10[%add3A_44, %dma_start3A_45] : memref<160x125xi32, #tpu.memory_space<vmem>> -> memref<1x125xi32, #tpu.memory_space<vmem>>
        %dma_start3A_47 = tpu.memref_squeeze %dma_start3A_46 : memref<1x125xi32, #tpu.memory_space<vmem>> -> memref<125xi32, #tpu.memory_space<vmem>>
        %dma_start3A_48 = arith.constant 0 : i32
        %dma_start3A_49 = arith.constant 0 : i32
        %dma_start3A_50 = tpu.memref_slice %arg3[%dma_start3A_48, %dma_start3A_49] : memref<10000x32xf32, #tpu.memory_space<hbm>> -> memref<10000x32xf32, #tpu.memory_space<hbm>>
        tpu.enqueue_indirect_dma source(%dma_start3A_50 : memref<10000x32xf32, #tpu.memory_space<hbm>>) target(%arg13 : memref<125x32xf32, #tpu.memory_space<vmem>>) offsets(%dma_start3A_47 : memref<125xi32, #tpu.memory_space<vmem>>) semaphore(%arg17 : memref<!tpu.dma_semaphore, #tpu.memory_space<semaphore_mem>>)
        %add3A_51 = arith.constant 3 : i32
        %add3A_52 = arith.addi %mul3A_28, %add3A_51 : i32
        %dma_start3A_53 = arith.constant 0 : i32
        %dma_start3A_54 = tpu.memref_slice %arg10[%add3A_52, %dma_start3A_53] : memref<160x125xi32, #tpu.memory_space<vmem>> -> memref<1x125xi32, #tpu.memory_space<vmem>>
        %dma_start3A_55 = tpu.memref_squeeze %dma_start3A_54 : memref<1x125xi32, #tpu.memory_space<vmem>> -> memref<125xi32, #tpu.memory_space<vmem>>
        %dma_start3A_56 = arith.constant 0 : i32
        %dma_start3A_57 = arith.constant 0 : i32
        %dma_start3A_58 = tpu.memref_slice %arg3[%dma_start3A_56, %dma_start3A_57] : memref<10000x32xf32, #tpu.memory_space<hbm>> -> memref<10000x32xf32, #tpu.memory_space<hbm>>
        tpu.enqueue_indirect_dma source(%dma_start3A_58 : memref<10000x32xf32, #tpu.memory_space<hbm>>) target(%arg14 : memref<125x32xf32, #tpu.memory_space<vmem>>) offsets(%dma_start3A_55 : memref<125xi32, #tpu.memory_space<vmem>>) semaphore(%arg18 : memref<!tpu.dma_semaphore, #tpu.memory_space<semaphore_mem>>)
        %dma_wait3A = arith.constant 0 : i32
        %dma_wait3A_59 = tpu.memref_slice %arg10[%add3A_29, %dma_wait3A] : memref<160x125xi32, #tpu.memory_space<vmem>> -> memref<1x125xi32, #tpu.memory_space<vmem>>
        %dma_wait3A_60 = tpu.memref_squeeze %dma_wait3A_59 : memref<1x125xi32, #tpu.memory_space<vmem>> -> memref<125xi32, #tpu.memory_space<vmem>>
        %dma_wait3A_61 = arith.constant 0 : i32
        %dma_wait3A_62 = arith.constant 0 : i32
        %dma_wait3A_63 = tpu.memref_slice %arg3[%dma_wait3A_61, %dma_wait3A_62] : memref<10000x32xf32, #tpu.memory_space<hbm>> -> memref<10000x32xf32, #tpu.memory_space<hbm>>
        tpu.wait_indirect_dma semaphore(%arg15 : memref<!tpu.dma_semaphore, #tpu.memory_space<semaphore_mem>>) src(%dma_wait3A_63 : memref<10000x32xf32, #tpu.memory_space<hbm>>) dst(%arg11 : memref<125x32xf32, #tpu.memory_space<vmem>>)
        %add3A_64 = arith.constant 0 : i32
        %add3A_65 = arith.addi %mul3A_28, %add3A_64 : i32
        %dma_start3A_66 = arith.constant 0 : i32
        %dma_start3A_67 = tpu.memref_slice %arg9[%add3A_65, %dma_start3A_66] : memref<160x125xi32, #tpu.memory_space<vmem>> -> memref<1x125xi32, #tpu.memory_space<vmem>>
        %dma_start3A_68 = tpu.memref_squeeze %dma_start3A_67 : memref<1x125xi32, #tpu.memory_space<vmem>> -> memref<125xi32, #tpu.memory_space<vmem>>
        %dma_start3A_69 = arith.constant 0 : i32
        %dma_start3A_70 = arith.constant 0 : i32
        %dma_start3A_71 = tpu.memref_slice %arg23[%dma_start3A_69, %dma_start3A_70] : memref<10240x32xf32, #tpu.memory_space<vmem_shared>> -> memref<10240x32xf32, #tpu.memory_space<vmem_shared>>
        tpu.enqueue_indirect_dma source(%arg11 : memref<125x32xf32, #tpu.memory_space<vmem>>) target(%dma_start3A_71 : memref<10240x32xf32, #tpu.memory_space<vmem_shared>>) offsets(%dma_start3A_68 : memref<125xi32, #tpu.memory_space<vmem>>) semaphore(%arg19 : memref<!tpu.dma_semaphore, #tpu.memory_space<semaphore_mem>>) {add = true}
        %dma_wait3A_72 = arith.constant 0 : i32
        %dma_wait3A_73 = tpu.memref_slice %arg10[%add3A_36, %dma_wait3A_72] : memref<160x125xi32, #tpu.memory_space<vmem>> -> memref<1x125xi32, #tpu.memory_space<vmem>>
        %dma_wait3A_74 = tpu.memref_squeeze %dma_wait3A_73 : memref<1x125xi32, #tpu.memory_space<vmem>> -> memref<125xi32, #tpu.memory_space<vmem>>
        %dma_wait3A_75 = arith.constant 0 : i32
        %dma_wait3A_76 = arith.constant 0 : i32
        %dma_wait3A_77 = tpu.memref_slice %arg3[%dma_wait3A_75, %dma_wait3A_76] : memref<10000x32xf32, #tpu.memory_space<hbm>> -> memref<10000x32xf32, #tpu.memory_space<hbm>>
        tpu.wait_indirect_dma semaphore(%arg16 : memref<!tpu.dma_semaphore, #tpu.memory_space<semaphore_mem>>) src(%dma_wait3A_77 : memref<10000x32xf32, #tpu.memory_space<hbm>>) dst(%arg12 : memref<125x32xf32, #tpu.memory_space<vmem>>)
        %add3A_78 = arith.constant 1 : i32
        %add3A_79 = arith.addi %mul3A_28, %add3A_78 : i32
        %dma_start3A_80 = arith.constant 0 : i32
        %dma_start3A_81 = tpu.memref_slice %arg9[%add3A_79, %dma_start3A_80] : memref<160x125xi32, #tpu.memory_space<vmem>> -> memref<1x125xi32, #tpu.memory_space<vmem>>
        %dma_start3A_82 = tpu.memref_squeeze %dma_start3A_81 : memref<1x125xi32, #tpu.memory_space<vmem>> -> memref<125xi32, #tpu.memory_space<vmem>>
        %dma_start3A_83 = arith.constant 0 : i32
        %dma_start3A_84 = arith.constant 0 : i32
        %dma_start3A_85 = tpu.memref_slice %arg23[%dma_start3A_83, %dma_start3A_84] : memref<10240x32xf32, #tpu.memory_space<vmem_shared>> -> memref<10240x32xf32, #tpu.memory_space<vmem_shared>>
        tpu.enqueue_indirect_dma source(%arg12 : memref<125x32xf32, #tpu.memory_space<vmem>>) target(%dma_start3A_85 : memref<10240x32xf32, #tpu.memory_space<vmem_shared>>) offsets(%dma_start3A_82 : memref<125xi32, #tpu.memory_space<vmem>>) semaphore(%arg20 : memref<!tpu.dma_semaphore, #tpu.memory_space<semaphore_mem>>) {add = true}
        %dma_wait3A_86 = arith.constant 0 : i32
        %dma_wait3A_87 = tpu.memref_slice %arg10[%add3A_44, %dma_wait3A_86] : memref<160x125xi32, #tpu.memory_space<vmem>> -> memref<1x125xi32, #tpu.memory_space<vmem>>
        %dma_wait3A_88 = tpu.memref_squeeze %dma_wait3A_87 : memref<1x125xi32, #tpu.memory_space<vmem>> -> memref<125xi32, #tpu.memory_space<vmem>>
        %dma_wait3A_89 = arith.constant 0 : i32
        %dma_wait3A_90 = arith.constant 0 : i32
        %dma_wait3A_91 = tpu.memref_slice %arg3[%dma_wait3A_89, %dma_wait3A_90] : memref<10000x32xf32, #tpu.memory_space<hbm>> -> memref<10000x32xf32, #tpu.memory_space<hbm>>
        tpu.wait_indirect_dma semaphore(%arg17 : memref<!tpu.dma_semaphore, #tpu.memory_space<semaphore_mem>>) src(%dma_wait3A_91 : memref<10000x32xf32, #tpu.memory_space<hbm>>) dst(%arg13 : memref<125x32xf32, #tpu.memory_space<vmem>>)
        %add3A_92 = arith.constant 2 : i32
        %add3A_93 = arith.addi %mul3A_28, %add3A_92 : i32
        %dma_start3A_94 = arith.constant 0 : i32
        %dma_start3A_95 = tpu.memref_slice %arg9[%add3A_93, %dma_start3A_94] : memref<160x125xi32, #tpu.memory_space<vmem>> -> memref<1x125xi32, #tpu.memory_space<vmem>>
        %dma_start3A_96 = tpu.memref_squeeze %dma_start3A_95 : memref<1x125xi32, #tpu.memory_space<vmem>> -> memref<125xi32, #tpu.memory_space<vmem>>
        %dma_start3A_97 = arith.constant 0 : i32
        %dma_start3A_98 = arith.constant 0 : i32
        %dma_start3A_99 = tpu.memref_slice %arg23[%dma_start3A_97, %dma_start3A_98] : memref<10240x32xf32, #tpu.memory_space<vmem_shared>> -> memref<10240x32xf32, #tpu.memory_space<vmem_shared>>
        tpu.enqueue_indirect_dma source(%arg13 : memref<125x32xf32, #tpu.memory_space<vmem>>) target(%dma_start3A_99 : memref<10240x32xf32, #tpu.memory_space<vmem_shared>>) offsets(%dma_start3A_96 : memref<125xi32, #tpu.memory_space<vmem>>) semaphore(%arg21 : memref<!tpu.dma_semaphore, #tpu.memory_space<semaphore_mem>>) {add = true}
        %dma_wait3A_100 = arith.constant 0 : i32
        %dma_wait3A_101 = tpu.memref_slice %arg10[%add3A_52, %dma_wait3A_100] : memref<160x125xi32, #tpu.memory_space<vmem>> -> memref<1x125xi32, #tpu.memory_space<vmem>>
        %dma_wait3A_102 = tpu.memref_squeeze %dma_wait3A_101 : memref<1x125xi32, #tpu.memory_space<vmem>> -> memref<125xi32, #tpu.memory_space<vmem>>
        %dma_wait3A_103 = arith.constant 0 : i32
        %dma_wait3A_104 = arith.constant 0 : i32
        %dma_wait3A_105 = tpu.memref_slice %arg3[%dma_wait3A_103, %dma_wait3A_104] : memref<10000x32xf32, #tpu.memory_space<hbm>> -> memref<10000x32xf32, #tpu.memory_space<hbm>>
        tpu.wait_indirect_dma semaphore(%arg18 : memref<!tpu.dma_semaphore, #tpu.memory_space<semaphore_mem>>) src(%dma_wait3A_105 : memref<10000x32xf32, #tpu.memory_space<hbm>>) dst(%arg14 : memref<125x32xf32, #tpu.memory_space<vmem>>)
        %add3A_106 = arith.constant 3 : i32
        %add3A_107 = arith.addi %mul3A_28, %add3A_106 : i32
        %dma_start3A_108 = arith.constant 0 : i32
        %dma_start3A_109 = tpu.memref_slice %arg9[%add3A_107, %dma_start3A_108] : memref<160x125xi32, #tpu.memory_space<vmem>> -> memref<1x125xi32, #tpu.memory_space<vmem>>
        %dma_start3A_110 = tpu.memref_squeeze %dma_start3A_109 : memref<1x125xi32, #tpu.memory_space<vmem>> -> memref<125xi32, #tpu.memory_space<vmem>>
        %dma_start3A_111 = arith.constant 0 : i32
        %dma_start3A_112 = arith.constant 0 : i32
        %dma_start3A_113 = tpu.memref_slice %arg23[%dma_start3A_111, %dma_start3A_112] : memref<10240x32xf32, #tpu.memory_space<vmem_shared>> -> memref<10240x32xf32, #tpu.memory_space<vmem_shared>>
        tpu.enqueue_indirect_dma source(%arg14 : memref<125x32xf32, #tpu.memory_space<vmem>>) target(%dma_start3A_113 : memref<10240x32xf32, #tpu.memory_space<vmem_shared>>) offsets(%dma_start3A_110 : memref<125xi32, #tpu.memory_space<vmem>>) semaphore(%arg22 : memref<!tpu.dma_semaphore, #tpu.memory_space<semaphore_mem>>) {add = true}
        %dma_wait3A_114 = arith.constant 0 : i32
        %dma_wait3A_115 = tpu.memref_slice %arg9[%add3A_65, %dma_wait3A_114] : memref<160x125xi32, #tpu.memory_space<vmem>> -> memref<1x125xi32, #tpu.memory_space<vmem>>
        %dma_wait3A_116 = tpu.memref_squeeze %dma_wait3A_115 : memref<1x125xi32, #tpu.memory_space<vmem>> -> memref<125xi32, #tpu.memory_space<vmem>>
        %dma_wait3A_117 = arith.constant 0 : i32
        %dma_wait3A_118 = arith.constant 0 : i32
        %dma_wait3A_119 = tpu.memref_slice %arg23[%dma_wait3A_117, %dma_wait3A_118] : memref<10240x32xf32, #tpu.memory_space<vmem_shared>> -> memref<10240x32xf32, #tpu.memory_space<vmem_shared>>
        tpu.wait_indirect_dma semaphore(%arg19 : memref<!tpu.dma_semaphore, #tpu.memory_space<semaphore_mem>>) src(%arg11 : memref<125x32xf32, #tpu.memory_space<vmem>>) dst(%dma_wait3A_119 : memref<10240x32xf32, #tpu.memory_space<vmem_shared>>)
        %dma_wait3A_120 = arith.constant 0 : i32
        %dma_wait3A_121 = tpu.memref_slice %arg9[%add3A_79, %dma_wait3A_120] : memref<160x125xi32, #tpu.memory_space<vmem>> -> memref<1x125xi32, #tpu.memory_space<vmem>>
        %dma_wait3A_122 = tpu.memref_squeeze %dma_wait3A_121 : memref<1x125xi32, #tpu.memory_space<vmem>> -> memref<125xi32, #tpu.memory_space<vmem>>
        %dma_wait3A_123 = arith.constant 0 : i32
        %dma_wait3A_124 = arith.constant 0 : i32
        %dma_wait3A_125 = tpu.memref_slice %arg23[%dma_wait3A_123, %dma_wait3A_124] : memref<10240x32xf32, #tpu.memory_space<vmem_shared>> -> memref<10240x32xf32, #tpu.memory_space<vmem_shared>>
        tpu.wait_indirect_dma semaphore(%arg20 : memref<!tpu.dma_semaphore, #tpu.memory_space<semaphore_mem>>) src(%arg12 : memref<125x32xf32, #tpu.memory_space<vmem>>) dst(%dma_wait3A_125 : memref<10240x32xf32, #tpu.memory_space<vmem_shared>>)
        %dma_wait3A_126 = arith.constant 0 : i32
        %dma_wait3A_127 = tpu.memref_slice %arg9[%add3A_93, %dma_wait3A_126] : memref<160x125xi32, #tpu.memory_space<vmem>> -> memref<1x125xi32, #tpu.memory_space<vmem>>
        %dma_wait3A_128 = tpu.memref_squeeze %dma_wait3A_127 : memref<1x125xi32, #tpu.memory_space<vmem>> -> memref<125xi32, #tpu.memory_space<vmem>>
        %dma_wait3A_129 = arith.constant 0 : i32
        %dma_wait3A_130 = arith.constant 0 : i32
        %dma_wait3A_131 = tpu.memref_slice %arg23[%dma_wait3A_129, %dma_wait3A_130] : memref<10240x32xf32, #tpu.memory_space<vmem_shared>> -> memref<10240x32xf32, #tpu.memory_space<vmem_shared>>
        tpu.wait_indirect_dma semaphore(%arg21 : memref<!tpu.dma_semaphore, #tpu.memory_space<semaphore_mem>>) src(%arg13 : memref<125x32xf32, #tpu.memory_space<vmem>>) dst(%dma_wait3A_131 : memref<10240x32xf32, #tpu.memory_space<vmem_shared>>)
        %dma_wait3A_132 = arith.constant 0 : i32
        %dma_wait3A_133 = tpu.memref_slice %arg9[%add3A_107, %dma_wait3A_132] : memref<160x125xi32, #tpu.memory_space<vmem>> -> memref<1x125xi32, #tpu.memory_space<vmem>>
        %dma_wait3A_134 = tpu.memref_squeeze %dma_wait3A_133 : memref<1x125xi32, #tpu.memory_space<vmem>> -> memref<125xi32, #tpu.memory_space<vmem>>
        %dma_wait3A_135 = arith.constant 0 : i32
        %dma_wait3A_136 = arith.constant 0 : i32
        %dma_wait3A_137 = tpu.memref_slice %arg23[%dma_wait3A_135, %dma_wait3A_136] : memref<10240x32xf32, #tpu.memory_space<vmem_shared>> -> memref<10240x32xf32, #tpu.memory_space<vmem_shared>>
        tpu.wait_indirect_dma semaphore(%arg22 : memref<!tpu.dma_semaphore, #tpu.memory_space<semaphore_mem>>) src(%arg14 : memref<125x32xf32, #tpu.memory_space<vmem>>) dst(%dma_wait3A_137 : memref<10240x32xf32, #tpu.memory_space<vmem_shared>>)
      }
      %scan3A_25 = arith.constant 40 : i32
    } else {
    }
    %barrier3A_10 = arith.constant 0 : index
    tpu.barrier barrier_id(%barrier3A_10)
    %eq3A_11 = arith.constant 0 : i32
    %eq3A_12 = arith.cmpi eq, %arg0, %eq3A_11 : i32
    %convert_element_type3A_13 = arith.extui %eq3A_12 : i1 to i32
    %cond3A_14 = arith.constant 0 : i32
    %cond3A_15 = arith.cmpi ne, %convert_element_type3A_13, %cond3A_14 : i32
    scf.if %cond3A_15 {
      %mul3A_21 = arith.constant 640 : i32
      %mul3A_22 = arith.muli %arg1, %mul3A_21 : i32
      %mul3A_23 = arith.constant 640 : i32
      %mul3A_24 = arith.muli %arg1, %mul3A_23 : i32
      "tpu.region"() ({
        %run_scoped3A = tpu.sem_alloc : memref<!tpu.dma_semaphore, #tpu.memory_space<semaphore_mem>>
        %dma_start3A = arith.constant 0 : i32
        %dma_start3A_25 = tpu.memref_slice %arg7[%mul3A_24, %dma_start3A] : memref<10240x32xf32, #tpu.memory_space<hbm>> -> memref<640x32xf32, #tpu.memory_space<hbm>>
        %dma_start3A_26 = arith.constant 0 : i32
        %dma_start3A_27 = tpu.memref_slice %arg23[%mul3A_22, %dma_start3A_26] : memref<10240x32xf32, #tpu.memory_space<vmem_shared>> -> memref<640x32xf32, #tpu.memory_space<vmem_shared>>
        tpu.enqueue_dma source(%dma_start3A_27 : memref<640x32xf32, #tpu.memory_space<vmem_shared>>) target(%dma_start3A_25 : memref<640x32xf32, #tpu.memory_space<hbm>>) target_semaphore(%run_scoped3A : memref<!tpu.dma_semaphore, #tpu.memory_space<semaphore_mem>>)
        %dma_wait3A = arith.constant 0 : i32
        %dma_wait3A_28 = tpu.memref_slice %arg7[%mul3A_24, %dma_wait3A] : memref<10240x32xf32, #tpu.memory_space<hbm>> -> memref<640x32xf32, #tpu.memory_space<hbm>>
        %dma_wait3A_29 = arith.constant 0 : i32
        %dma_wait3A_30 = tpu.memref_slice %arg23[%mul3A_22, %dma_wait3A_29] : memref<10240x32xf32, #tpu.memory_space<vmem_shared>> -> memref<640x32xf32, #tpu.memory_space<vmem_shared>>
        tpu.wait_dma2 semaphore(%run_scoped3A : memref<!tpu.dma_semaphore, #tpu.memory_space<semaphore_mem>>) src(%dma_wait3A_30 : memref<640x32xf32, #tpu.memory_space<vmem_shared>>) dst(%dma_wait3A_28 : memref<640x32xf32, #tpu.memory_space<hbm>>)
        tpu.yield
      }) : () -> ()
    } else {
    }
    %eq3A_16 = arith.constant 1 : i32
    %eq3A_17 = arith.cmpi eq, %arg0, %eq3A_16 : i32
    %convert_element_type3A_18 = arith.extui %eq3A_17 : i1 to i32
    %cond3A_19 = arith.constant 0 : i32
    %cond3A_20 = arith.cmpi ne, %convert_element_type3A_18, %cond3A_19 : i32
    scf.if %cond3A_20 {
      %mul3A_21 = arith.constant 640 : i32
      %mul3A_22 = arith.muli %arg1, %mul3A_21 : i32
      %mul3A_23 = arith.constant 640 : i32
      %mul3A_24 = arith.muli %arg1, %mul3A_23 : i32
      "tpu.region"() ({
        %run_scoped3A = tpu.sem_alloc : memref<!tpu.dma_semaphore, #tpu.memory_space<semaphore_mem>>
        %dma_start3A = arith.constant 0 : i32
        %dma_start3A_25 = tpu.memref_slice %arg8[%mul3A_24, %dma_start3A] : memref<10240x32xf32, #tpu.memory_space<hbm>> -> memref<640x32xf32, #tpu.memory_space<hbm>>
        %dma_start3A_26 = arith.constant 0 : i32
        %dma_start3A_27 = tpu.memref_slice %arg23[%mul3A_22, %dma_start3A_26] : memref<10240x32xf32, #tpu.memory_space<vmem_shared>> -> memref<640x32xf32, #tpu.memory_space<vmem_shared>>
        tpu.enqueue_dma source(%dma_start3A_27 : memref<640x32xf32, #tpu.memory_space<vmem_shared>>) target(%dma_start3A_25 : memref<640x32xf32, #tpu.memory_space<hbm>>) target_semaphore(%run_scoped3A : memref<!tpu.dma_semaphore, #tpu.memory_space<semaphore_mem>>)
        %dma_wait3A = arith.constant 0 : i32
        %dma_wait3A_28 = tpu.memref_slice %arg8[%mul3A_24, %dma_wait3A] : memref<10240x32xf32, #tpu.memory_space<hbm>> -> memref<640x32xf32, #tpu.memory_space<hbm>>
        %dma_wait3A_29 = arith.constant 0 : i32
        %dma_wait3A_30 = tpu.memref_slice %arg23[%mul3A_22, %dma_wait3A_29] : memref<10240x32xf32, #tpu.memory_space<vmem_shared>> -> memref<640x32xf32, #tpu.memory_space<vmem_shared>>
        tpu.wait_dma2 semaphore(%run_scoped3A : memref<!tpu.dma_semaphore, #tpu.memory_space<semaphore_mem>>) src(%dma_wait3A_30 : memref<640x32xf32, #tpu.memory_space<vmem_shared>>) dst(%dma_wait3A_28 : memref<640x32xf32, #tpu.memory_space<hbm>>)
        tpu.yield
      }) : () -> ()
    } else {
    }
    return
  }
}

#map = affine_map<(d0, d1) -> (0, 0)>
#map1 = affine_map<(d0, d1) -> (0, 0, 0)>
module attributes {stable_mosaic.version = 14 : i64} {
  func.func @_sc_agg_body(%arg0: i32, %arg1: i32, %arg2: memref<10000x32xf32, #tpu.memory_space<hbm>>, %arg3: memref<10000x32xf32, #tpu.memory_space<hbm>>, %arg4: memref<16x160x125xi32, #tpu.memory_space<hbm>>, %arg5: memref<16x160x125xi32, #tpu.memory_space<hbm>>, %arg6: memref<10240x32xf32, #tpu.memory_space<hbm>>, %arg7: memref<10240x32xf32, #tpu.memory_space<hbm>>, %arg8: memref<10240x32xf32, #tpu.memory_space<hbm>>, %arg9: memref<160x125xi32, #tpu.memory_space<vmem>>, %arg10: memref<160x125xi32, #tpu.memory_space<vmem>>, %arg11: memref<125x32xf32, #tpu.memory_space<vmem>>, %arg12: memref<125x32xf32, #tpu.memory_space<vmem>>, %arg13: memref<125x32xf32, #tpu.memory_space<vmem>>, %arg14: memref<125x32xf32, #tpu.memory_space<vmem>>, %arg15: memref<!tpu.dma_semaphore, #tpu.memory_space<semaphore_mem>>, %arg16: memref<!tpu.dma_semaphore, #tpu.memory_space<semaphore_mem>>, %arg17: memref<!tpu.dma_semaphore, #tpu.memory_space<semaphore_mem>>, %arg18: memref<!tpu.dma_semaphore, #tpu.memory_space<semaphore_mem>>, %arg19: memref<!tpu.dma_semaphore, #tpu.memory_space<semaphore_mem>>, %arg20: memref<!tpu.dma_semaphore, #tpu.memory_space<semaphore_mem>>, %arg21: memref<!tpu.dma_semaphore, #tpu.memory_space<semaphore_mem>>, %arg22: memref<!tpu.dma_semaphore, #tpu.memory_space<semaphore_mem>>, %arg23: memref<10240x32xf32, #tpu.memory_space<vmem_shared>>) attributes {dimension_semantics = [#tpu.dimension_semantics<core_parallel>, #tpu.dimension_semantics<subcore_parallel>], iteration_bounds = array<i64: 2, 16>, scalar_prefetch = 0 : i64, scratch_operands = 15 : i64, tpu.core_type = #tpu.core_type<sc_vector_subcore>, window_params = [{transform_indices = #map}, {transform_indices = #map}, {transform_indices = #map1}, {transform_indices = #map1}, {transform_indices = #map}, {transform_indices = #map}, {transform_indices = #map}]} {
    "tpu.region"() ({
      %run_scoped3A = tpu.sem_alloc : memref<!tpu.dma_semaphore, #tpu.memory_space<semaphore_mem>>
      %dma_start3A = arith.constant 0 : i32
      %dma_start3A_21 = arith.constant 0 : i32
      %dma_start3A_22 = tpu.memref_slice %arg4[%arg1, %dma_start3A, %dma_start3A_21] : memref<16x160x125xi32, #tpu.memory_space<hbm>> -> memref<1x160x125xi32, #tpu.memory_space<hbm>>
      %dma_start3A_23 = tpu.memref_squeeze %dma_start3A_22 : memref<1x160x125xi32, #tpu.memory_space<hbm>> -> memref<160x125xi32, #tpu.memory_space<hbm>>
      %dma_start3A_24 = arith.constant 0 : i32
      %dma_start3A_25 = arith.constant 0 : i32
      %dma_start3A_26 = tpu.memref_slice %arg4[%arg1, %dma_start3A_24, %dma_start3A_25] : memref<16x160x125xi32, #tpu.memory_space<hbm>> -> memref<1x160x125xi32, #tpu.memory_space<hbm>>
      %dma_start3A_27 = tpu.memref_squeeze %dma_start3A_26 : memref<1x160x125xi32, #tpu.memory_space<hbm>> -> memref<160x125xi32, #tpu.memory_space<hbm>>
      tpu.enqueue_dma source(%dma_start3A_27 : memref<160x125xi32, #tpu.memory_space<hbm>>) target(%arg9 : memref<160x125xi32, #tpu.memory_space<vmem>>) target_semaphore(%run_scoped3A : memref<!tpu.dma_semaphore, #tpu.memory_space<semaphore_mem>>)
      %dma_wait3A = arith.constant 0 : i32
      %dma_wait3A_28 = arith.constant 0 : i32
      %dma_wait3A_29 = tpu.memref_slice %arg4[%arg1, %dma_wait3A, %dma_wait3A_28] : memref<16x160x125xi32, #tpu.memory_space<hbm>> -> memref<1x160x125xi32, #tpu.memory_space<hbm>>
      %dma_wait3A_30 = tpu.memref_squeeze %dma_wait3A_29 : memref<1x160x125xi32, #tpu.memory_space<hbm>> -> memref<160x125xi32, #tpu.memory_space<hbm>>
      %dma_wait3A_31 = arith.constant 0 : i32
      %dma_wait3A_32 = arith.constant 0 : i32
      %dma_wait3A_33 = tpu.memref_slice %arg4[%arg1, %dma_wait3A_31, %dma_wait3A_32] : memref<16x160x125xi32, #tpu.memory_space<hbm>> -> memref<1x160x125xi32, #tpu.memory_space<hbm>>
      %dma_wait3A_34 = tpu.memref_squeeze %dma_wait3A_33 : memref<1x160x125xi32, #tpu.memory_space<hbm>> -> memref<160x125xi32, #tpu.memory_space<hbm>>
      tpu.wait_dma2 semaphore(%run_scoped3A : memref<!tpu.dma_semaphore, #tpu.memory_space<semaphore_mem>>) src(%dma_wait3A_34 : memref<160x125xi32, #tpu.memory_space<hbm>>) dst(%arg9 : memref<160x125xi32, #tpu.memory_space<vmem>>)
      tpu.yield
    }) : () -> ()
    "tpu.region"() ({
      %run_scoped3A = tpu.sem_alloc : memref<!tpu.dma_semaphore, #tpu.memory_space<semaphore_mem>>
      %dma_start3A = arith.constant 0 : i32
      %dma_start3A_21 = arith.constant 0 : i32
      %dma_start3A_22 = tpu.memref_slice %arg5[%arg1, %dma_start3A, %dma_start3A_21] : memref<16x160x125xi32, #tpu.memory_space<hbm>> -> memref<1x160x125xi32, #tpu.memory_space<hbm>>
      %dma_start3A_23 = tpu.memref_squeeze %dma_start3A_22 : memref<1x160x125xi32, #tpu.memory_space<hbm>> -> memref<160x125xi32, #tpu.memory_space<hbm>>
      %dma_start3A_24 = arith.constant 0 : i32
      %dma_start3A_25 = arith.constant 0 : i32
      %dma_start3A_26 = tpu.memref_slice %arg5[%arg1, %dma_start3A_24, %dma_start3A_25] : memref<16x160x125xi32, #tpu.memory_space<hbm>> -> memref<1x160x125xi32, #tpu.memory_space<hbm>>
      %dma_start3A_27 = tpu.memref_squeeze %dma_start3A_26 : memref<1x160x125xi32, #tpu.memory_space<hbm>> -> memref<160x125xi32, #tpu.memory_space<hbm>>
      tpu.enqueue_dma source(%dma_start3A_27 : memref<160x125xi32, #tpu.memory_space<hbm>>) target(%arg10 : memref<160x125xi32, #tpu.memory_space<vmem>>) target_semaphore(%run_scoped3A : memref<!tpu.dma_semaphore, #tpu.memory_space<semaphore_mem>>)
      %dma_wait3A = arith.constant 0 : i32
      %dma_wait3A_28 = arith.constant 0 : i32
      %dma_wait3A_29 = tpu.memref_slice %arg5[%arg1, %dma_wait3A, %dma_wait3A_28] : memref<16x160x125xi32, #tpu.memory_space<hbm>> -> memref<1x160x125xi32, #tpu.memory_space<hbm>>
      %dma_wait3A_30 = tpu.memref_squeeze %dma_wait3A_29 : memref<1x160x125xi32, #tpu.memory_space<hbm>> -> memref<160x125xi32, #tpu.memory_space<hbm>>
      %dma_wait3A_31 = arith.constant 0 : i32
      %dma_wait3A_32 = arith.constant 0 : i32
      %dma_wait3A_33 = tpu.memref_slice %arg5[%arg1, %dma_wait3A_31, %dma_wait3A_32] : memref<16x160x125xi32, #tpu.memory_space<hbm>> -> memref<1x160x125xi32, #tpu.memory_space<hbm>>
      %dma_wait3A_34 = tpu.memref_squeeze %dma_wait3A_33 : memref<1x160x125xi32, #tpu.memory_space<hbm>> -> memref<160x125xi32, #tpu.memory_space<hbm>>
      tpu.wait_dma2 semaphore(%run_scoped3A : memref<!tpu.dma_semaphore, #tpu.memory_space<semaphore_mem>>) src(%dma_wait3A_34 : memref<160x125xi32, #tpu.memory_space<hbm>>) dst(%arg10 : memref<160x125xi32, #tpu.memory_space<vmem>>)
      tpu.yield
    }) : () -> ()
    %mul3A = arith.constant 640 : i32
    %mul3A_0 = arith.muli %arg1, %mul3A : i32
    %mul3A_1 = arith.constant 640 : i32
    %mul3A_2 = arith.muli %arg1, %mul3A_1 : i32
    "tpu.region"() ({
      %run_scoped3A = tpu.sem_alloc : memref<!tpu.dma_semaphore, #tpu.memory_space<semaphore_mem>>
      %dma_start3A = arith.constant 0 : i32
      %dma_start3A_21 = tpu.memref_slice %arg23[%mul3A_2, %dma_start3A] : memref<10240x32xf32, #tpu.memory_space<vmem_shared>> -> memref<640x32xf32, #tpu.memory_space<vmem_shared>>
      %dma_start3A_22 = arith.constant 0 : i32
      %dma_start3A_23 = tpu.memref_slice %arg6[%mul3A_0, %dma_start3A_22] : memref<10240x32xf32, #tpu.memory_space<hbm>> -> memref<640x32xf32, #tpu.memory_space<hbm>>
      tpu.enqueue_dma source(%dma_start3A_23 : memref<640x32xf32, #tpu.memory_space<hbm>>) target(%dma_start3A_21 : memref<640x32xf32, #tpu.memory_space<vmem_shared>>) target_semaphore(%run_scoped3A : memref<!tpu.dma_semaphore, #tpu.memory_space<semaphore_mem>>)
      %dma_wait3A = arith.constant 0 : i32
      %dma_wait3A_24 = tpu.memref_slice %arg23[%mul3A_2, %dma_wait3A] : memref<10240x32xf32, #tpu.memory_space<vmem_shared>> -> memref<640x32xf32, #tpu.memory_space<vmem_shared>>
      %dma_wait3A_25 = arith.constant 0 : i32
      %dma_wait3A_26 = tpu.memref_slice %arg6[%mul3A_0, %dma_wait3A_25] : memref<10240x32xf32, #tpu.memory_space<hbm>> -> memref<640x32xf32, #tpu.memory_space<hbm>>
      tpu.wait_dma2 semaphore(%run_scoped3A : memref<!tpu.dma_semaphore, #tpu.memory_space<semaphore_mem>>) src(%dma_wait3A_26 : memref<640x32xf32, #tpu.memory_space<hbm>>) dst(%dma_wait3A_24 : memref<640x32xf32, #tpu.memory_space<vmem_shared>>)
      tpu.yield
    }) : () -> ()
    %barrier3A = arith.constant 0 : index
    tpu.barrier barrier_id(%barrier3A)
    %eq3A = arith.constant 0 : i32
    %eq3A_3 = arith.cmpi eq, %arg0, %eq3A : i32
    %convert_element_type3A = arith.extui %eq3A_3 : i1 to i32
    %cond3A = arith.constant 0 : i32
    %cond3A_4 = arith.cmpi ne, %convert_element_type3A, %cond3A : i32
    scf.if %cond3A_4 {
      %scan3A = arith.constant 0 : i32
      %scan3A_21 = arith.constant 0 : i32
      %scan3A_22 = arith.constant 40 : i32
      %scan3A_23 = arith.addi %scan3A_21, %scan3A_22 : i32
      %scan3A_24 = arith.constant 1 : i32
      scf.for %scan3A_26 = %scan3A_21 to %scan3A_23 step %scan3A_24  : i32 {
        %mul3A_27 = arith.constant 4 : i32
        %mul3A_28 = arith.muli %scan3A_26, %mul3A_27 : i32
        %add3A = arith.constant 0 : i32
        %add3A_29 = arith.addi %mul3A_28, %add3A : i32
        %dma_start3A = arith.constant 0 : i32
        %dma_start3A_30 = tpu.memref_slice %arg9[%add3A_29, %dma_start3A] : memref<160x125xi32, #tpu.memory_space<vmem>> -> memref<1x125xi32, #tpu.memory_space<vmem>>
        %dma_start3A_31 = tpu.memref_squeeze %dma_start3A_30 : memref<1x125xi32, #tpu.memory_space<vmem>> -> memref<125xi32, #tpu.memory_space<vmem>>
        %dma_start3A_32 = arith.constant 0 : i32
        %dma_start3A_33 = arith.constant 0 : i32
        %dma_start3A_34 = tpu.memref_slice %arg2[%dma_start3A_32, %dma_start3A_33] : memref<10000x32xf32, #tpu.memory_space<hbm>> -> memref<10000x32xf32, #tpu.memory_space<hbm>>
        tpu.enqueue_indirect_dma source(%dma_start3A_34 : memref<10000x32xf32, #tpu.memory_space<hbm>>) target(%arg11 : memref<125x32xf32, #tpu.memory_space<vmem>>) offsets(%dma_start3A_31 : memref<125xi32, #tpu.memory_space<vmem>>) semaphore(%arg15 : memref<!tpu.dma_semaphore, #tpu.memory_space<semaphore_mem>>)
        %add3A_35 = arith.constant 1 : i32
        %add3A_36 = arith.addi %mul3A_28, %add3A_35 : i32
        %dma_start3A_37 = arith.constant 0 : i32
        %dma_start3A_38 = tpu.memref_slice %arg9[%add3A_36, %dma_start3A_37] : memref<160x125xi32, #tpu.memory_space<vmem>> -> memref<1x125xi32, #tpu.memory_space<vmem>>
        %dma_start3A_39 = tpu.memref_squeeze %dma_start3A_38 : memref<1x125xi32, #tpu.memory_space<vmem>> -> memref<125xi32, #tpu.memory_space<vmem>>
        %dma_start3A_40 = arith.constant 0 : i32
        %dma_start3A_41 = arith.constant 0 : i32
        %dma_start3A_42 = tpu.memref_slice %arg2[%dma_start3A_40, %dma_start3A_41] : memref<10000x32xf32, #tpu.memory_space<hbm>> -> memref<10000x32xf32, #tpu.memory_space<hbm>>
        tpu.enqueue_indirect_dma source(%dma_start3A_42 : memref<10000x32xf32, #tpu.memory_space<hbm>>) target(%arg12 : memref<125x32xf32, #tpu.memory_space<vmem>>) offsets(%dma_start3A_39 : memref<125xi32, #tpu.memory_space<vmem>>) semaphore(%arg16 : memref<!tpu.dma_semaphore, #tpu.memory_space<semaphore_mem>>)
        %add3A_43 = arith.constant 2 : i32
        %add3A_44 = arith.addi %mul3A_28, %add3A_43 : i32
        %dma_start3A_45 = arith.constant 0 : i32
        %dma_start3A_46 = tpu.memref_slice %arg9[%add3A_44, %dma_start3A_45] : memref<160x125xi32, #tpu.memory_space<vmem>> -> memref<1x125xi32, #tpu.memory_space<vmem>>
        %dma_start3A_47 = tpu.memref_squeeze %dma_start3A_46 : memref<1x125xi32, #tpu.memory_space<vmem>> -> memref<125xi32, #tpu.memory_space<vmem>>
        %dma_start3A_48 = arith.constant 0 : i32
        %dma_start3A_49 = arith.constant 0 : i32
        %dma_start3A_50 = tpu.memref_slice %arg2[%dma_start3A_48, %dma_start3A_49] : memref<10000x32xf32, #tpu.memory_space<hbm>> -> memref<10000x32xf32, #tpu.memory_space<hbm>>
        tpu.enqueue_indirect_dma source(%dma_start3A_50 : memref<10000x32xf32, #tpu.memory_space<hbm>>) target(%arg13 : memref<125x32xf32, #tpu.memory_space<vmem>>) offsets(%dma_start3A_47 : memref<125xi32, #tpu.memory_space<vmem>>) semaphore(%arg17 : memref<!tpu.dma_semaphore, #tpu.memory_space<semaphore_mem>>)
        %add3A_51 = arith.constant 3 : i32
        %add3A_52 = arith.addi %mul3A_28, %add3A_51 : i32
        %dma_start3A_53 = arith.constant 0 : i32
        %dma_start3A_54 = tpu.memref_slice %arg9[%add3A_52, %dma_start3A_53] : memref<160x125xi32, #tpu.memory_space<vmem>> -> memref<1x125xi32, #tpu.memory_space<vmem>>
        %dma_start3A_55 = tpu.memref_squeeze %dma_start3A_54 : memref<1x125xi32, #tpu.memory_space<vmem>> -> memref<125xi32, #tpu.memory_space<vmem>>
        %dma_start3A_56 = arith.constant 0 : i32
        %dma_start3A_57 = arith.constant 0 : i32
        %dma_start3A_58 = tpu.memref_slice %arg2[%dma_start3A_56, %dma_start3A_57] : memref<10000x32xf32, #tpu.memory_space<hbm>> -> memref<10000x32xf32, #tpu.memory_space<hbm>>
        tpu.enqueue_indirect_dma source(%dma_start3A_58 : memref<10000x32xf32, #tpu.memory_space<hbm>>) target(%arg14 : memref<125x32xf32, #tpu.memory_space<vmem>>) offsets(%dma_start3A_55 : memref<125xi32, #tpu.memory_space<vmem>>) semaphore(%arg18 : memref<!tpu.dma_semaphore, #tpu.memory_space<semaphore_mem>>)
        %dma_wait3A = arith.constant 0 : i32
        %dma_wait3A_59 = tpu.memref_slice %arg9[%add3A_29, %dma_wait3A] : memref<160x125xi32, #tpu.memory_space<vmem>> -> memref<1x125xi32, #tpu.memory_space<vmem>>
        %dma_wait3A_60 = tpu.memref_squeeze %dma_wait3A_59 : memref<1x125xi32, #tpu.memory_space<vmem>> -> memref<125xi32, #tpu.memory_space<vmem>>
        %dma_wait3A_61 = arith.constant 0 : i32
        %dma_wait3A_62 = arith.constant 0 : i32
        %dma_wait3A_63 = tpu.memref_slice %arg2[%dma_wait3A_61, %dma_wait3A_62] : memref<10000x32xf32, #tpu.memory_space<hbm>> -> memref<10000x32xf32, #tpu.memory_space<hbm>>
        tpu.wait_indirect_dma semaphore(%arg15 : memref<!tpu.dma_semaphore, #tpu.memory_space<semaphore_mem>>) src(%dma_wait3A_63 : memref<10000x32xf32, #tpu.memory_space<hbm>>) dst(%arg11 : memref<125x32xf32, #tpu.memory_space<vmem>>)
        %add3A_64 = arith.constant 0 : i32
        %add3A_65 = arith.addi %mul3A_28, %add3A_64 : i32
        %dma_start3A_66 = arith.constant 0 : i32
        %dma_start3A_67 = tpu.memref_slice %arg10[%add3A_65, %dma_start3A_66] : memref<160x125xi32, #tpu.memory_space<vmem>> -> memref<1x125xi32, #tpu.memory_space<vmem>>
        %dma_start3A_68 = tpu.memref_squeeze %dma_start3A_67 : memref<1x125xi32, #tpu.memory_space<vmem>> -> memref<125xi32, #tpu.memory_space<vmem>>
        %dma_start3A_69 = arith.constant 0 : i32
        %dma_start3A_70 = arith.constant 0 : i32
        %dma_start3A_71 = tpu.memref_slice %arg23[%dma_start3A_69, %dma_start3A_70] : memref<10240x32xf32, #tpu.memory_space<vmem_shared>> -> memref<10240x32xf32, #tpu.memory_space<vmem_shared>>
        tpu.enqueue_indirect_dma source(%arg11 : memref<125x32xf32, #tpu.memory_space<vmem>>) target(%dma_start3A_71 : memref<10240x32xf32, #tpu.memory_space<vmem_shared>>) offsets(%dma_start3A_68 : memref<125xi32, #tpu.memory_space<vmem>>) semaphore(%arg19 : memref<!tpu.dma_semaphore, #tpu.memory_space<semaphore_mem>>) {add = true}
        %dma_wait3A_72 = arith.constant 0 : i32
        %dma_wait3A_73 = tpu.memref_slice %arg9[%add3A_36, %dma_wait3A_72] : memref<160x125xi32, #tpu.memory_space<vmem>> -> memref<1x125xi32, #tpu.memory_space<vmem>>
        %dma_wait3A_74 = tpu.memref_squeeze %dma_wait3A_73 : memref<1x125xi32, #tpu.memory_space<vmem>> -> memref<125xi32, #tpu.memory_space<vmem>>
        %dma_wait3A_75 = arith.constant 0 : i32
        %dma_wait3A_76 = arith.constant 0 : i32
        %dma_wait3A_77 = tpu.memref_slice %arg2[%dma_wait3A_75, %dma_wait3A_76] : memref<10000x32xf32, #tpu.memory_space<hbm>> -> memref<10000x32xf32, #tpu.memory_space<hbm>>
        tpu.wait_indirect_dma semaphore(%arg16 : memref<!tpu.dma_semaphore, #tpu.memory_space<semaphore_mem>>) src(%dma_wait3A_77 : memref<10000x32xf32, #tpu.memory_space<hbm>>) dst(%arg12 : memref<125x32xf32, #tpu.memory_space<vmem>>)
        %add3A_78 = arith.constant 1 : i32
        %add3A_79 = arith.addi %mul3A_28, %add3A_78 : i32
        %dma_start3A_80 = arith.constant 0 : i32
        %dma_start3A_81 = tpu.memref_slice %arg10[%add3A_79, %dma_start3A_80] : memref<160x125xi32, #tpu.memory_space<vmem>> -> memref<1x125xi32, #tpu.memory_space<vmem>>
        %dma_start3A_82 = tpu.memref_squeeze %dma_start3A_81 : memref<1x125xi32, #tpu.memory_space<vmem>> -> memref<125xi32, #tpu.memory_space<vmem>>
        %dma_start3A_83 = arith.constant 0 : i32
        %dma_start3A_84 = arith.constant 0 : i32
        %dma_start3A_85 = tpu.memref_slice %arg23[%dma_start3A_83, %dma_start3A_84] : memref<10240x32xf32, #tpu.memory_space<vmem_shared>> -> memref<10240x32xf32, #tpu.memory_space<vmem_shared>>
        tpu.enqueue_indirect_dma source(%arg12 : memref<125x32xf32, #tpu.memory_space<vmem>>) target(%dma_start3A_85 : memref<10240x32xf32, #tpu.memory_space<vmem_shared>>) offsets(%dma_start3A_82 : memref<125xi32, #tpu.memory_space<vmem>>) semaphore(%arg20 : memref<!tpu.dma_semaphore, #tpu.memory_space<semaphore_mem>>) {add = true}
        %dma_wait3A_86 = arith.constant 0 : i32
        %dma_wait3A_87 = tpu.memref_slice %arg9[%add3A_44, %dma_wait3A_86] : memref<160x125xi32, #tpu.memory_space<vmem>> -> memref<1x125xi32, #tpu.memory_space<vmem>>
        %dma_wait3A_88 = tpu.memref_squeeze %dma_wait3A_87 : memref<1x125xi32, #tpu.memory_space<vmem>> -> memref<125xi32, #tpu.memory_space<vmem>>
        %dma_wait3A_89 = arith.constant 0 : i32
        %dma_wait3A_90 = arith.constant 0 : i32
        %dma_wait3A_91 = tpu.memref_slice %arg2[%dma_wait3A_89, %dma_wait3A_90] : memref<10000x32xf32, #tpu.memory_space<hbm>> -> memref<10000x32xf32, #tpu.memory_space<hbm>>
        tpu.wait_indirect_dma semaphore(%arg17 : memref<!tpu.dma_semaphore, #tpu.memory_space<semaphore_mem>>) src(%dma_wait3A_91 : memref<10000x32xf32, #tpu.memory_space<hbm>>) dst(%arg13 : memref<125x32xf32, #tpu.memory_space<vmem>>)
        %add3A_92 = arith.constant 2 : i32
        %add3A_93 = arith.addi %mul3A_28, %add3A_92 : i32
        %dma_start3A_94 = arith.constant 0 : i32
        %dma_start3A_95 = tpu.memref_slice %arg10[%add3A_93, %dma_start3A_94] : memref<160x125xi32, #tpu.memory_space<vmem>> -> memref<1x125xi32, #tpu.memory_space<vmem>>
        %dma_start3A_96 = tpu.memref_squeeze %dma_start3A_95 : memref<1x125xi32, #tpu.memory_space<vmem>> -> memref<125xi32, #tpu.memory_space<vmem>>
        %dma_start3A_97 = arith.constant 0 : i32
        %dma_start3A_98 = arith.constant 0 : i32
        %dma_start3A_99 = tpu.memref_slice %arg23[%dma_start3A_97, %dma_start3A_98] : memref<10240x32xf32, #tpu.memory_space<vmem_shared>> -> memref<10240x32xf32, #tpu.memory_space<vmem_shared>>
        tpu.enqueue_indirect_dma source(%arg13 : memref<125x32xf32, #tpu.memory_space<vmem>>) target(%dma_start3A_99 : memref<10240x32xf32, #tpu.memory_space<vmem_shared>>) offsets(%dma_start3A_96 : memref<125xi32, #tpu.memory_space<vmem>>) semaphore(%arg21 : memref<!tpu.dma_semaphore, #tpu.memory_space<semaphore_mem>>) {add = true}
        %dma_wait3A_100 = arith.constant 0 : i32
        %dma_wait3A_101 = tpu.memref_slice %arg9[%add3A_52, %dma_wait3A_100] : memref<160x125xi32, #tpu.memory_space<vmem>> -> memref<1x125xi32, #tpu.memory_space<vmem>>
        %dma_wait3A_102 = tpu.memref_squeeze %dma_wait3A_101 : memref<1x125xi32, #tpu.memory_space<vmem>> -> memref<125xi32, #tpu.memory_space<vmem>>
        %dma_wait3A_103 = arith.constant 0 : i32
        %dma_wait3A_104 = arith.constant 0 : i32
        %dma_wait3A_105 = tpu.memref_slice %arg2[%dma_wait3A_103, %dma_wait3A_104] : memref<10000x32xf32, #tpu.memory_space<hbm>> -> memref<10000x32xf32, #tpu.memory_space<hbm>>
        tpu.wait_indirect_dma semaphore(%arg18 : memref<!tpu.dma_semaphore, #tpu.memory_space<semaphore_mem>>) src(%dma_wait3A_105 : memref<10000x32xf32, #tpu.memory_space<hbm>>) dst(%arg14 : memref<125x32xf32, #tpu.memory_space<vmem>>)
        %add3A_106 = arith.constant 3 : i32
        %add3A_107 = arith.addi %mul3A_28, %add3A_106 : i32
        %dma_start3A_108 = arith.constant 0 : i32
        %dma_start3A_109 = tpu.memref_slice %arg10[%add3A_107, %dma_start3A_108] : memref<160x125xi32, #tpu.memory_space<vmem>> -> memref<1x125xi32, #tpu.memory_space<vmem>>
        %dma_start3A_110 = tpu.memref_squeeze %dma_start3A_109 : memref<1x125xi32, #tpu.memory_space<vmem>> -> memref<125xi32, #tpu.memory_space<vmem>>
        %dma_start3A_111 = arith.constant 0 : i32
        %dma_start3A_112 = arith.constant 0 : i32
        %dma_start3A_113 = tpu.memref_slice %arg23[%dma_start3A_111, %dma_start3A_112] : memref<10240x32xf32, #tpu.memory_space<vmem_shared>> -> memref<10240x32xf32, #tpu.memory_space<vmem_shared>>
        tpu.enqueue_indirect_dma source(%arg14 : memref<125x32xf32, #tpu.memory_space<vmem>>) target(%dma_start3A_113 : memref<10240x32xf32, #tpu.memory_space<vmem_shared>>) offsets(%dma_start3A_110 : memref<125xi32, #tpu.memory_space<vmem>>) semaphore(%arg22 : memref<!tpu.dma_semaphore, #tpu.memory_space<semaphore_mem>>) {add = true}
        %dma_wait3A_114 = arith.constant 0 : i32
        %dma_wait3A_115 = tpu.memref_slice %arg10[%add3A_65, %dma_wait3A_114] : memref<160x125xi32, #tpu.memory_space<vmem>> -> memref<1x125xi32, #tpu.memory_space<vmem>>
        %dma_wait3A_116 = tpu.memref_squeeze %dma_wait3A_115 : memref<1x125xi32, #tpu.memory_space<vmem>> -> memref<125xi32, #tpu.memory_space<vmem>>
        %dma_wait3A_117 = arith.constant 0 : i32
        %dma_wait3A_118 = arith.constant 0 : i32
        %dma_wait3A_119 = tpu.memref_slice %arg23[%dma_wait3A_117, %dma_wait3A_118] : memref<10240x32xf32, #tpu.memory_space<vmem_shared>> -> memref<10240x32xf32, #tpu.memory_space<vmem_shared>>
        tpu.wait_indirect_dma semaphore(%arg19 : memref<!tpu.dma_semaphore, #tpu.memory_space<semaphore_mem>>) src(%arg11 : memref<125x32xf32, #tpu.memory_space<vmem>>) dst(%dma_wait3A_119 : memref<10240x32xf32, #tpu.memory_space<vmem_shared>>)
        %dma_wait3A_120 = arith.constant 0 : i32
        %dma_wait3A_121 = tpu.memref_slice %arg10[%add3A_79, %dma_wait3A_120] : memref<160x125xi32, #tpu.memory_space<vmem>> -> memref<1x125xi32, #tpu.memory_space<vmem>>
        %dma_wait3A_122 = tpu.memref_squeeze %dma_wait3A_121 : memref<1x125xi32, #tpu.memory_space<vmem>> -> memref<125xi32, #tpu.memory_space<vmem>>
        %dma_wait3A_123 = arith.constant 0 : i32
        %dma_wait3A_124 = arith.constant 0 : i32
        %dma_wait3A_125 = tpu.memref_slice %arg23[%dma_wait3A_123, %dma_wait3A_124] : memref<10240x32xf32, #tpu.memory_space<vmem_shared>> -> memref<10240x32xf32, #tpu.memory_space<vmem_shared>>
        tpu.wait_indirect_dma semaphore(%arg20 : memref<!tpu.dma_semaphore, #tpu.memory_space<semaphore_mem>>) src(%arg12 : memref<125x32xf32, #tpu.memory_space<vmem>>) dst(%dma_wait3A_125 : memref<10240x32xf32, #tpu.memory_space<vmem_shared>>)
        %dma_wait3A_126 = arith.constant 0 : i32
        %dma_wait3A_127 = tpu.memref_slice %arg10[%add3A_93, %dma_wait3A_126] : memref<160x125xi32, #tpu.memory_space<vmem>> -> memref<1x125xi32, #tpu.memory_space<vmem>>
        %dma_wait3A_128 = tpu.memref_squeeze %dma_wait3A_127 : memref<1x125xi32, #tpu.memory_space<vmem>> -> memref<125xi32, #tpu.memory_space<vmem>>
        %dma_wait3A_129 = arith.constant 0 : i32
        %dma_wait3A_130 = arith.constant 0 : i32
        %dma_wait3A_131 = tpu.memref_slice %arg23[%dma_wait3A_129, %dma_wait3A_130] : memref<10240x32xf32, #tpu.memory_space<vmem_shared>> -> memref<10240x32xf32, #tpu.memory_space<vmem_shared>>
        tpu.wait_indirect_dma semaphore(%arg21 : memref<!tpu.dma_semaphore, #tpu.memory_space<semaphore_mem>>) src(%arg13 : memref<125x32xf32, #tpu.memory_space<vmem>>) dst(%dma_wait3A_131 : memref<10240x32xf32, #tpu.memory_space<vmem_shared>>)
        %dma_wait3A_132 = arith.constant 0 : i32
        %dma_wait3A_133 = tpu.memref_slice %arg10[%add3A_107, %dma_wait3A_132] : memref<160x125xi32, #tpu.memory_space<vmem>> -> memref<1x125xi32, #tpu.memory_space<vmem>>
        %dma_wait3A_134 = tpu.memref_squeeze %dma_wait3A_133 : memref<1x125xi32, #tpu.memory_space<vmem>> -> memref<125xi32, #tpu.memory_space<vmem>>
        %dma_wait3A_135 = arith.constant 0 : i32
        %dma_wait3A_136 = arith.constant 0 : i32
        %dma_wait3A_137 = tpu.memref_slice %arg23[%dma_wait3A_135, %dma_wait3A_136] : memref<10240x32xf32, #tpu.memory_space<vmem_shared>> -> memref<10240x32xf32, #tpu.memory_space<vmem_shared>>
        tpu.wait_indirect_dma semaphore(%arg22 : memref<!tpu.dma_semaphore, #tpu.memory_space<semaphore_mem>>) src(%arg14 : memref<125x32xf32, #tpu.memory_space<vmem>>) dst(%dma_wait3A_137 : memref<10240x32xf32, #tpu.memory_space<vmem_shared>>)
      }
      %scan3A_25 = arith.constant 40 : i32
    } else {
    }
    %eq3A_5 = arith.constant 1 : i32
    %eq3A_6 = arith.cmpi eq, %arg0, %eq3A_5 : i32
    %convert_element_type3A_7 = arith.extui %eq3A_6 : i1 to i32
    %cond3A_8 = arith.constant 0 : i32
    %cond3A_9 = arith.cmpi ne, %convert_element_type3A_7, %cond3A_8 : i32
    scf.if %cond3A_9 {
      %scan3A = arith.constant 0 : i32
      %scan3A_21 = arith.constant 0 : i32
      %scan3A_22 = arith.constant 40 : i32
      %scan3A_23 = arith.addi %scan3A_21, %scan3A_22 : i32
      %scan3A_24 = arith.constant 1 : i32
      scf.for %scan3A_26 = %scan3A_21 to %scan3A_23 step %scan3A_24  : i32 {
        %mul3A_27 = arith.constant 4 : i32
        %mul3A_28 = arith.muli %scan3A_26, %mul3A_27 : i32
        %add3A = arith.constant 0 : i32
        %add3A_29 = arith.addi %mul3A_28, %add3A : i32
        %dma_start3A = arith.constant 0 : i32
        %dma_start3A_30 = tpu.memref_slice %arg10[%add3A_29, %dma_start3A] : memref<160x125xi32, #tpu.memory_space<vmem>> -> memref<1x125xi32, #tpu.memory_space<vmem>>
        %dma_start3A_31 = tpu.memref_squeeze %dma_start3A_30 : memref<1x125xi32, #tpu.memory_space<vmem>> -> memref<125xi32, #tpu.memory_space<vmem>>
        %dma_start3A_32 = arith.constant 0 : i32
        %dma_start3A_33 = arith.constant 0 : i32
        %dma_start3A_34 = tpu.memref_slice %arg3[%dma_start3A_32, %dma_start3A_33] : memref<10000x32xf32, #tpu.memory_space<hbm>> -> memref<10000x32xf32, #tpu.memory_space<hbm>>
        tpu.enqueue_indirect_dma source(%dma_start3A_34 : memref<10000x32xf32, #tpu.memory_space<hbm>>) target(%arg11 : memref<125x32xf32, #tpu.memory_space<vmem>>) offsets(%dma_start3A_31 : memref<125xi32, #tpu.memory_space<vmem>>) semaphore(%arg15 : memref<!tpu.dma_semaphore, #tpu.memory_space<semaphore_mem>>)
        %add3A_35 = arith.constant 1 : i32
        %add3A_36 = arith.addi %mul3A_28, %add3A_35 : i32
        %dma_start3A_37 = arith.constant 0 : i32
        %dma_start3A_38 = tpu.memref_slice %arg10[%add3A_36, %dma_start3A_37] : memref<160x125xi32, #tpu.memory_space<vmem>> -> memref<1x125xi32, #tpu.memory_space<vmem>>
        %dma_start3A_39 = tpu.memref_squeeze %dma_start3A_38 : memref<1x125xi32, #tpu.memory_space<vmem>> -> memref<125xi32, #tpu.memory_space<vmem>>
        %dma_start3A_40 = arith.constant 0 : i32
        %dma_start3A_41 = arith.constant 0 : i32
        %dma_start3A_42 = tpu.memref_slice %arg3[%dma_start3A_40, %dma_start3A_41] : memref<10000x32xf32, #tpu.memory_space<hbm>> -> memref<10000x32xf32, #tpu.memory_space<hbm>>
        tpu.enqueue_indirect_dma source(%dma_start3A_42 : memref<10000x32xf32, #tpu.memory_space<hbm>>) target(%arg12 : memref<125x32xf32, #tpu.memory_space<vmem>>) offsets(%dma_start3A_39 : memref<125xi32, #tpu.memory_space<vmem>>) semaphore(%arg16 : memref<!tpu.dma_semaphore, #tpu.memory_space<semaphore_mem>>)
        %add3A_43 = arith.constant 2 : i32
        %add3A_44 = arith.addi %mul3A_28, %add3A_43 : i32
        %dma_start3A_45 = arith.constant 0 : i32
        %dma_start3A_46 = tpu.memref_slice %arg10[%add3A_44, %dma_start3A_45] : memref<160x125xi32, #tpu.memory_space<vmem>> -> memref<1x125xi32, #tpu.memory_space<vmem>>
        %dma_start3A_47 = tpu.memref_squeeze %dma_start3A_46 : memref<1x125xi32, #tpu.memory_space<vmem>> -> memref<125xi32, #tpu.memory_space<vmem>>
        %dma_start3A_48 = arith.constant 0 : i32
        %dma_start3A_49 = arith.constant 0 : i32
        %dma_start3A_50 = tpu.memref_slice %arg3[%dma_start3A_48, %dma_start3A_49] : memref<10000x32xf32, #tpu.memory_space<hbm>> -> memref<10000x32xf32, #tpu.memory_space<hbm>>
        tpu.enqueue_indirect_dma source(%dma_start3A_50 : memref<10000x32xf32, #tpu.memory_space<hbm>>) target(%arg13 : memref<125x32xf32, #tpu.memory_space<vmem>>) offsets(%dma_start3A_47 : memref<125xi32, #tpu.memory_space<vmem>>) semaphore(%arg17 : memref<!tpu.dma_semaphore, #tpu.memory_space<semaphore_mem>>)
        %add3A_51 = arith.constant 3 : i32
        %add3A_52 = arith.addi %mul3A_28, %add3A_51 : i32
        %dma_start3A_53 = arith.constant 0 : i32
        %dma_start3A_54 = tpu.memref_slice %arg10[%add3A_52, %dma_start3A_53] : memref<160x125xi32, #tpu.memory_space<vmem>> -> memref<1x125xi32, #tpu.memory_space<vmem>>
        %dma_start3A_55 = tpu.memref_squeeze %dma_start3A_54 : memref<1x125xi32, #tpu.memory_space<vmem>> -> memref<125xi32, #tpu.memory_space<vmem>>
        %dma_start3A_56 = arith.constant 0 : i32
        %dma_start3A_57 = arith.constant 0 : i32
        %dma_start3A_58 = tpu.memref_slice %arg3[%dma_start3A_56, %dma_start3A_57] : memref<10000x32xf32, #tpu.memory_space<hbm>> -> memref<10000x32xf32, #tpu.memory_space<hbm>>
        tpu.enqueue_indirect_dma source(%dma_start3A_58 : memref<10000x32xf32, #tpu.memory_space<hbm>>) target(%arg14 : memref<125x32xf32, #tpu.memory_space<vmem>>) offsets(%dma_start3A_55 : memref<125xi32, #tpu.memory_space<vmem>>) semaphore(%arg18 : memref<!tpu.dma_semaphore, #tpu.memory_space<semaphore_mem>>)
        %dma_wait3A = arith.constant 0 : i32
        %dma_wait3A_59 = tpu.memref_slice %arg10[%add3A_29, %dma_wait3A] : memref<160x125xi32, #tpu.memory_space<vmem>> -> memref<1x125xi32, #tpu.memory_space<vmem>>
        %dma_wait3A_60 = tpu.memref_squeeze %dma_wait3A_59 : memref<1x125xi32, #tpu.memory_space<vmem>> -> memref<125xi32, #tpu.memory_space<vmem>>
        %dma_wait3A_61 = arith.constant 0 : i32
        %dma_wait3A_62 = arith.constant 0 : i32
        %dma_wait3A_63 = tpu.memref_slice %arg3[%dma_wait3A_61, %dma_wait3A_62] : memref<10000x32xf32, #tpu.memory_space<hbm>> -> memref<10000x32xf32, #tpu.memory_space<hbm>>
        tpu.wait_indirect_dma semaphore(%arg15 : memref<!tpu.dma_semaphore, #tpu.memory_space<semaphore_mem>>) src(%dma_wait3A_63 : memref<10000x32xf32, #tpu.memory_space<hbm>>) dst(%arg11 : memref<125x32xf32, #tpu.memory_space<vmem>>)
        %add3A_64 = arith.constant 0 : i32
        %add3A_65 = arith.addi %mul3A_28, %add3A_64 : i32
        %dma_start3A_66 = arith.constant 0 : i32
        %dma_start3A_67 = tpu.memref_slice %arg9[%add3A_65, %dma_start3A_66] : memref<160x125xi32, #tpu.memory_space<vmem>> -> memref<1x125xi32, #tpu.memory_space<vmem>>
        %dma_start3A_68 = tpu.memref_squeeze %dma_start3A_67 : memref<1x125xi32, #tpu.memory_space<vmem>> -> memref<125xi32, #tpu.memory_space<vmem>>
        %dma_start3A_69 = arith.constant 0 : i32
        %dma_start3A_70 = arith.constant 0 : i32
        %dma_start3A_71 = tpu.memref_slice %arg23[%dma_start3A_69, %dma_start3A_70] : memref<10240x32xf32, #tpu.memory_space<vmem_shared>> -> memref<10240x32xf32, #tpu.memory_space<vmem_shared>>
        tpu.enqueue_indirect_dma source(%arg11 : memref<125x32xf32, #tpu.memory_space<vmem>>) target(%dma_start3A_71 : memref<10240x32xf32, #tpu.memory_space<vmem_shared>>) offsets(%dma_start3A_68 : memref<125xi32, #tpu.memory_space<vmem>>) semaphore(%arg19 : memref<!tpu.dma_semaphore, #tpu.memory_space<semaphore_mem>>) {add = true}
        %dma_wait3A_72 = arith.constant 0 : i32
        %dma_wait3A_73 = tpu.memref_slice %arg10[%add3A_36, %dma_wait3A_72] : memref<160x125xi32, #tpu.memory_space<vmem>> -> memref<1x125xi32, #tpu.memory_space<vmem>>
        %dma_wait3A_74 = tpu.memref_squeeze %dma_wait3A_73 : memref<1x125xi32, #tpu.memory_space<vmem>> -> memref<125xi32, #tpu.memory_space<vmem>>
        %dma_wait3A_75 = arith.constant 0 : i32
        %dma_wait3A_76 = arith.constant 0 : i32
        %dma_wait3A_77 = tpu.memref_slice %arg3[%dma_wait3A_75, %dma_wait3A_76] : memref<10000x32xf32, #tpu.memory_space<hbm>> -> memref<10000x32xf32, #tpu.memory_space<hbm>>
        tpu.wait_indirect_dma semaphore(%arg16 : memref<!tpu.dma_semaphore, #tpu.memory_space<semaphore_mem>>) src(%dma_wait3A_77 : memref<10000x32xf32, #tpu.memory_space<hbm>>) dst(%arg12 : memref<125x32xf32, #tpu.memory_space<vmem>>)
        %add3A_78 = arith.constant 1 : i32
        %add3A_79 = arith.addi %mul3A_28, %add3A_78 : i32
        %dma_start3A_80 = arith.constant 0 : i32
        %dma_start3A_81 = tpu.memref_slice %arg9[%add3A_79, %dma_start3A_80] : memref<160x125xi32, #tpu.memory_space<vmem>> -> memref<1x125xi32, #tpu.memory_space<vmem>>
        %dma_start3A_82 = tpu.memref_squeeze %dma_start3A_81 : memref<1x125xi32, #tpu.memory_space<vmem>> -> memref<125xi32, #tpu.memory_space<vmem>>
        %dma_start3A_83 = arith.constant 0 : i32
        %dma_start3A_84 = arith.constant 0 : i32
        %dma_start3A_85 = tpu.memref_slice %arg23[%dma_start3A_83, %dma_start3A_84] : memref<10240x32xf32, #tpu.memory_space<vmem_shared>> -> memref<10240x32xf32, #tpu.memory_space<vmem_shared>>
        tpu.enqueue_indirect_dma source(%arg12 : memref<125x32xf32, #tpu.memory_space<vmem>>) target(%dma_start3A_85 : memref<10240x32xf32, #tpu.memory_space<vmem_shared>>) offsets(%dma_start3A_82 : memref<125xi32, #tpu.memory_space<vmem>>) semaphore(%arg20 : memref<!tpu.dma_semaphore, #tpu.memory_space<semaphore_mem>>) {add = true}
        %dma_wait3A_86 = arith.constant 0 : i32
        %dma_wait3A_87 = tpu.memref_slice %arg10[%add3A_44, %dma_wait3A_86] : memref<160x125xi32, #tpu.memory_space<vmem>> -> memref<1x125xi32, #tpu.memory_space<vmem>>
        %dma_wait3A_88 = tpu.memref_squeeze %dma_wait3A_87 : memref<1x125xi32, #tpu.memory_space<vmem>> -> memref<125xi32, #tpu.memory_space<vmem>>
        %dma_wait3A_89 = arith.constant 0 : i32
        %dma_wait3A_90 = arith.constant 0 : i32
        %dma_wait3A_91 = tpu.memref_slice %arg3[%dma_wait3A_89, %dma_wait3A_90] : memref<10000x32xf32, #tpu.memory_space<hbm>> -> memref<10000x32xf32, #tpu.memory_space<hbm>>
        tpu.wait_indirect_dma semaphore(%arg17 : memref<!tpu.dma_semaphore, #tpu.memory_space<semaphore_mem>>) src(%dma_wait3A_91 : memref<10000x32xf32, #tpu.memory_space<hbm>>) dst(%arg13 : memref<125x32xf32, #tpu.memory_space<vmem>>)
        %add3A_92 = arith.constant 2 : i32
        %add3A_93 = arith.addi %mul3A_28, %add3A_92 : i32
        %dma_start3A_94 = arith.constant 0 : i32
        %dma_start3A_95 = tpu.memref_slice %arg9[%add3A_93, %dma_start3A_94] : memref<160x125xi32, #tpu.memory_space<vmem>> -> memref<1x125xi32, #tpu.memory_space<vmem>>
        %dma_start3A_96 = tpu.memref_squeeze %dma_start3A_95 : memref<1x125xi32, #tpu.memory_space<vmem>> -> memref<125xi32, #tpu.memory_space<vmem>>
        %dma_start3A_97 = arith.constant 0 : i32
        %dma_start3A_98 = arith.constant 0 : i32
        %dma_start3A_99 = tpu.memref_slice %arg23[%dma_start3A_97, %dma_start3A_98] : memref<10240x32xf32, #tpu.memory_space<vmem_shared>> -> memref<10240x32xf32, #tpu.memory_space<vmem_shared>>
        tpu.enqueue_indirect_dma source(%arg13 : memref<125x32xf32, #tpu.memory_space<vmem>>) target(%dma_start3A_99 : memref<10240x32xf32, #tpu.memory_space<vmem_shared>>) offsets(%dma_start3A_96 : memref<125xi32, #tpu.memory_space<vmem>>) semaphore(%arg21 : memref<!tpu.dma_semaphore, #tpu.memory_space<semaphore_mem>>) {add = true}
        %dma_wait3A_100 = arith.constant 0 : i32
        %dma_wait3A_101 = tpu.memref_slice %arg10[%add3A_52, %dma_wait3A_100] : memref<160x125xi32, #tpu.memory_space<vmem>> -> memref<1x125xi32, #tpu.memory_space<vmem>>
        %dma_wait3A_102 = tpu.memref_squeeze %dma_wait3A_101 : memref<1x125xi32, #tpu.memory_space<vmem>> -> memref<125xi32, #tpu.memory_space<vmem>>
        %dma_wait3A_103 = arith.constant 0 : i32
        %dma_wait3A_104 = arith.constant 0 : i32
        %dma_wait3A_105 = tpu.memref_slice %arg3[%dma_wait3A_103, %dma_wait3A_104] : memref<10000x32xf32, #tpu.memory_space<hbm>> -> memref<10000x32xf32, #tpu.memory_space<hbm>>
        tpu.wait_indirect_dma semaphore(%arg18 : memref<!tpu.dma_semaphore, #tpu.memory_space<semaphore_mem>>) src(%dma_wait3A_105 : memref<10000x32xf32, #tpu.memory_space<hbm>>) dst(%arg14 : memref<125x32xf32, #tpu.memory_space<vmem>>)
        %add3A_106 = arith.constant 3 : i32
        %add3A_107 = arith.addi %mul3A_28, %add3A_106 : i32
        %dma_start3A_108 = arith.constant 0 : i32
        %dma_start3A_109 = tpu.memref_slice %arg9[%add3A_107, %dma_start3A_108] : memref<160x125xi32, #tpu.memory_space<vmem>> -> memref<1x125xi32, #tpu.memory_space<vmem>>
        %dma_start3A_110 = tpu.memref_squeeze %dma_start3A_109 : memref<1x125xi32, #tpu.memory_space<vmem>> -> memref<125xi32, #tpu.memory_space<vmem>>
        %dma_start3A_111 = arith.constant 0 : i32
        %dma_start3A_112 = arith.constant 0 : i32
        %dma_start3A_113 = tpu.memref_slice %arg23[%dma_start3A_111, %dma_start3A_112] : memref<10240x32xf32, #tpu.memory_space<vmem_shared>> -> memref<10240x32xf32, #tpu.memory_space<vmem_shared>>
        tpu.enqueue_indirect_dma source(%arg14 : memref<125x32xf32, #tpu.memory_space<vmem>>) target(%dma_start3A_113 : memref<10240x32xf32, #tpu.memory_space<vmem_shared>>) offsets(%dma_start3A_110 : memref<125xi32, #tpu.memory_space<vmem>>) semaphore(%arg22 : memref<!tpu.dma_semaphore, #tpu.memory_space<semaphore_mem>>) {add = true}
        %dma_wait3A_114 = arith.constant 0 : i32
        %dma_wait3A_115 = tpu.memref_slice %arg9[%add3A_65, %dma_wait3A_114] : memref<160x125xi32, #tpu.memory_space<vmem>> -> memref<1x125xi32, #tpu.memory_space<vmem>>
        %dma_wait3A_116 = tpu.memref_squeeze %dma_wait3A_115 : memref<1x125xi32, #tpu.memory_space<vmem>> -> memref<125xi32, #tpu.memory_space<vmem>>
        %dma_wait3A_117 = arith.constant 0 : i32
        %dma_wait3A_118 = arith.constant 0 : i32
        %dma_wait3A_119 = tpu.memref_slice %arg23[%dma_wait3A_117, %dma_wait3A_118] : memref<10240x32xf32, #tpu.memory_space<vmem_shared>> -> memref<10240x32xf32, #tpu.memory_space<vmem_shared>>
        tpu.wait_indirect_dma semaphore(%arg19 : memref<!tpu.dma_semaphore, #tpu.memory_space<semaphore_mem>>) src(%arg11 : memref<125x32xf32, #tpu.memory_space<vmem>>) dst(%dma_wait3A_119 : memref<10240x32xf32, #tpu.memory_space<vmem_shared>>)
        %dma_wait3A_120 = arith.constant 0 : i32
        %dma_wait3A_121 = tpu.memref_slice %arg9[%add3A_79, %dma_wait3A_120] : memref<160x125xi32, #tpu.memory_space<vmem>> -> memref<1x125xi32, #tpu.memory_space<vmem>>
        %dma_wait3A_122 = tpu.memref_squeeze %dma_wait3A_121 : memref<1x125xi32, #tpu.memory_space<vmem>> -> memref<125xi32, #tpu.memory_space<vmem>>
        %dma_wait3A_123 = arith.constant 0 : i32
        %dma_wait3A_124 = arith.constant 0 : i32
        %dma_wait3A_125 = tpu.memref_slice %arg23[%dma_wait3A_123, %dma_wait3A_124] : memref<10240x32xf32, #tpu.memory_space<vmem_shared>> -> memref<10240x32xf32, #tpu.memory_space<vmem_shared>>
        tpu.wait_indirect_dma semaphore(%arg20 : memref<!tpu.dma_semaphore, #tpu.memory_space<semaphore_mem>>) src(%arg12 : memref<125x32xf32, #tpu.memory_space<vmem>>) dst(%dma_wait3A_125 : memref<10240x32xf32, #tpu.memory_space<vmem_shared>>)
        %dma_wait3A_126 = arith.constant 0 : i32
        %dma_wait3A_127 = tpu.memref_slice %arg9[%add3A_93, %dma_wait3A_126] : memref<160x125xi32, #tpu.memory_space<vmem>> -> memref<1x125xi32, #tpu.memory_space<vmem>>
        %dma_wait3A_128 = tpu.memref_squeeze %dma_wait3A_127 : memref<1x125xi32, #tpu.memory_space<vmem>> -> memref<125xi32, #tpu.memory_space<vmem>>
        %dma_wait3A_129 = arith.constant 0 : i32
        %dma_wait3A_130 = arith.constant 0 : i32
        %dma_wait3A_131 = tpu.memref_slice %arg23[%dma_wait3A_129, %dma_wait3A_130] : memref<10240x32xf32, #tpu.memory_space<vmem_shared>> -> memref<10240x32xf32, #tpu.memory_space<vmem_shared>>
        tpu.wait_indirect_dma semaphore(%arg21 : memref<!tpu.dma_semaphore, #tpu.memory_space<semaphore_mem>>) src(%arg13 : memref<125x32xf32, #tpu.memory_space<vmem>>) dst(%dma_wait3A_131 : memref<10240x32xf32, #tpu.memory_space<vmem_shared>>)
        %dma_wait3A_132 = arith.constant 0 : i32
        %dma_wait3A_133 = tpu.memref_slice %arg9[%add3A_107, %dma_wait3A_132] : memref<160x125xi32, #tpu.memory_space<vmem>> -> memref<1x125xi32, #tpu.memory_space<vmem>>
        %dma_wait3A_134 = tpu.memref_squeeze %dma_wait3A_133 : memref<1x125xi32, #tpu.memory_space<vmem>> -> memref<125xi32, #tpu.memory_space<vmem>>
        %dma_wait3A_135 = arith.constant 0 : i32
        %dma_wait3A_136 = arith.constant 0 : i32
        %dma_wait3A_137 = tpu.memref_slice %arg23[%dma_wait3A_135, %dma_wait3A_136] : memref<10240x32xf32, #tpu.memory_space<vmem_shared>> -> memref<10240x32xf32, #tpu.memory_space<vmem_shared>>
        tpu.wait_indirect_dma semaphore(%arg22 : memref<!tpu.dma_semaphore, #tpu.memory_space<semaphore_mem>>) src(%arg14 : memref<125x32xf32, #tpu.memory_space<vmem>>) dst(%dma_wait3A_137 : memref<10240x32xf32, #tpu.memory_space<vmem_shared>>)
      }
      %scan3A_25 = arith.constant 40 : i32
    } else {
    }
    %barrier3A_10 = arith.constant 0 : index
    tpu.barrier barrier_id(%barrier3A_10)
    %eq3A_11 = arith.constant 0 : i32
    %eq3A_12 = arith.cmpi eq, %arg0, %eq3A_11 : i32
    %convert_element_type3A_13 = arith.extui %eq3A_12 : i1 to i32
    %cond3A_14 = arith.constant 0 : i32
    %cond3A_15 = arith.cmpi ne, %convert_element_type3A_13, %cond3A_14 : i32
    scf.if %cond3A_15 {
      %mul3A_21 = arith.constant 640 : i32
      %mul3A_22 = arith.muli %arg1, %mul3A_21 : i32
      %mul3A_23 = arith.constant 640 : i32
      %mul3A_24 = arith.muli %arg1, %mul3A_23 : i32
      "tpu.region"() ({
        %run_scoped3A = tpu.sem_alloc : memref<!tpu.dma_semaphore, #tpu.memory_space<semaphore_mem>>
        %dma_start3A = arith.constant 0 : i32
        %dma_start3A_25 = tpu.memref_slice %arg7[%mul3A_24, %dma_start3A] : memref<10240x32xf32, #tpu.memory_space<hbm>> -> memref<640x32xf32, #tpu.memory_space<hbm>>
        %dma_start3A_26 = arith.constant 0 : i32
        %dma_start3A_27 = tpu.memref_slice %arg23[%mul3A_22, %dma_start3A_26] : memref<10240x32xf32, #tpu.memory_space<vmem_shared>> -> memref<640x32xf32, #tpu.memory_space<vmem_shared>>
        tpu.enqueue_dma source(%dma_start3A_27 : memref<640x32xf32, #tpu.memory_space<vmem_shared>>) target(%dma_start3A_25 : memref<640x32xf32, #tpu.memory_space<hbm>>) target_semaphore(%run_scoped3A : memref<!tpu.dma_semaphore, #tpu.memory_space<semaphore_mem>>)
        %dma_wait3A = arith.constant 0 : i32
        %dma_wait3A_28 = tpu.memref_slice %arg7[%mul3A_24, %dma_wait3A] : memref<10240x32xf32, #tpu.memory_space<hbm>> -> memref<640x32xf32, #tpu.memory_space<hbm>>
        %dma_wait3A_29 = arith.constant 0 : i32
        %dma_wait3A_30 = tpu.memref_slice %arg23[%mul3A_22, %dma_wait3A_29] : memref<10240x32xf32, #tpu.memory_space<vmem_shared>> -> memref<640x32xf32, #tpu.memory_space<vmem_shared>>
        tpu.wait_dma2 semaphore(%run_scoped3A : memref<!tpu.dma_semaphore, #tpu.memory_space<semaphore_mem>>) src(%dma_wait3A_30 : memref<640x32xf32, #tpu.memory_space<vmem_shared>>) dst(%dma_wait3A_28 : memref<640x32xf32, #tpu.memory_space<hbm>>)
        tpu.yield
      }) : () -> ()
    } else {
    }
    %eq3A_16 = arith.constant 1 : i32
    %eq3A_17 = arith.cmpi eq, %arg0, %eq3A_16 : i32
    %convert_element_type3A_18 = arith.extui %eq3A_17 : i1 to i32
    %cond3A_19 = arith.constant 0 : i32
    %cond3A_20 = arith.cmpi ne, %convert_element_type3A_18, %cond3A_19 : i32
    scf.if %cond3A_20 {
      %mul3A_21 = arith.constant 640 : i32
      %mul3A_22 = arith.muli %arg1, %mul3A_21 : i32
      %mul3A_23 = arith.constant 640 : i32
      %mul3A_24 = arith.muli %arg1, %mul3A_23 : i32
      "tpu.region"() ({
        %run_scoped3A = tpu.sem_alloc : memref<!tpu.dma_semaphore, #tpu.memory_space<semaphore_mem>>
        %dma_start3A = arith.constant 0 : i32
        %dma_start3A_25 = tpu.memref_slice %arg8[%mul3A_24, %dma_start3A] : memref<10240x32xf32, #tpu.memory_space<hbm>> -> memref<640x32xf32, #tpu.memory_space<hbm>>
        %dma_start3A_26 = arith.constant 0 : i32
        %dma_start3A_27 = tpu.memref_slice %arg23[%mul3A_22, %dma_start3A_26] : memref<10240x32xf32, #tpu.memory_space<vmem_shared>> -> memref<640x32xf32, #tpu.memory_space<vmem_shared>>
        tpu.enqueue_dma source(%dma_start3A_27 : memref<640x32xf32, #tpu.memory_space<vmem_shared>>) target(%dma_start3A_25 : memref<640x32xf32, #tpu.memory_space<hbm>>) target_semaphore(%run_scoped3A : memref<!tpu.dma_semaphore, #tpu.memory_space<semaphore_mem>>)
        %dma_wait3A = arith.constant 0 : i32
        %dma_wait3A_28 = tpu.memref_slice %arg8[%mul3A_24, %dma_wait3A] : memref<10240x32xf32, #tpu.memory_space<hbm>> -> memref<640x32xf32, #tpu.memory_space<hbm>>
        %dma_wait3A_29 = arith.constant 0 : i32
        %dma_wait3A_30 = tpu.memref_slice %arg23[%mul3A_22, %dma_wait3A_29] : memref<10240x32xf32, #tpu.memory_space<vmem_shared>> -> memref<640x32xf32, #tpu.memory_space<vmem_shared>>
        tpu.wait_dma2 semaphore(%run_scoped3A : memref<!tpu.dma_semaphore, #tpu.memory_space<semaphore_mem>>) src(%dma_wait3A_30 : memref<640x32xf32, #tpu.memory_space<vmem_shared>>) dst(%dma_wait3A_28 : memref<640x32xf32, #tpu.memory_space<hbm>>)
        tpu.yield
      }) : () -> ()
    } else {
    }
    return
  }
}

#map = affine_map<(d0, d1) -> (0, 0)>
#map1 = affine_map<(d0, d1) -> (0, 0, 0)>
module attributes {stable_mosaic.version = 14 : i64} {
  func.func @_sc_agg_body(%arg0: i32, %arg1: i32, %arg2: memref<10000x32xf32, #tpu.memory_space<hbm>>, %arg3: memref<10000x32xf32, #tpu.memory_space<hbm>>, %arg4: memref<16x160x125xi32, #tpu.memory_space<hbm>>, %arg5: memref<16x160x125xi32, #tpu.memory_space<hbm>>, %arg6: memref<10240x32xf32, #tpu.memory_space<hbm>>, %arg7: memref<10240x32xf32, #tpu.memory_space<hbm>>, %arg8: memref<10240x32xf32, #tpu.memory_space<hbm>>, %arg9: memref<160x125xi32, #tpu.memory_space<vmem>>, %arg10: memref<160x125xi32, #tpu.memory_space<vmem>>, %arg11: memref<125x32xf32, #tpu.memory_space<vmem>>, %arg12: memref<125x32xf32, #tpu.memory_space<vmem>>, %arg13: memref<125x32xf32, #tpu.memory_space<vmem>>, %arg14: memref<125x32xf32, #tpu.memory_space<vmem>>, %arg15: memref<!tpu.dma_semaphore, #tpu.memory_space<semaphore_mem>>, %arg16: memref<!tpu.dma_semaphore, #tpu.memory_space<semaphore_mem>>, %arg17: memref<!tpu.dma_semaphore, #tpu.memory_space<semaphore_mem>>, %arg18: memref<!tpu.dma_semaphore, #tpu.memory_space<semaphore_mem>>, %arg19: memref<!tpu.dma_semaphore, #tpu.memory_space<semaphore_mem>>, %arg20: memref<!tpu.dma_semaphore, #tpu.memory_space<semaphore_mem>>, %arg21: memref<!tpu.dma_semaphore, #tpu.memory_space<semaphore_mem>>, %arg22: memref<!tpu.dma_semaphore, #tpu.memory_space<semaphore_mem>>, %arg23: memref<10240x32xf32, #tpu.memory_space<vmem_shared>>) attributes {dimension_semantics = [#tpu.dimension_semantics<core_parallel>, #tpu.dimension_semantics<subcore_parallel>], iteration_bounds = array<i64: 2, 16>, scalar_prefetch = 0 : i64, scratch_operands = 15 : i64, tpu.core_type = #tpu.core_type<sc_vector_subcore>, window_params = [{transform_indices = #map}, {transform_indices = #map}, {transform_indices = #map1}, {transform_indices = #map1}, {transform_indices = #map}, {transform_indices = #map}, {transform_indices = #map}]} {
    "tpu.region"() ({
      %run_scoped3A = tpu.sem_alloc : memref<!tpu.dma_semaphore, #tpu.memory_space<semaphore_mem>>
      %dma_start3A = arith.constant 0 : i32
      %dma_start3A_21 = arith.constant 0 : i32
      %dma_start3A_22 = tpu.memref_slice %arg4[%arg1, %dma_start3A, %dma_start3A_21] : memref<16x160x125xi32, #tpu.memory_space<hbm>> -> memref<1x160x125xi32, #tpu.memory_space<hbm>>
      %dma_start3A_23 = tpu.memref_squeeze %dma_start3A_22 : memref<1x160x125xi32, #tpu.memory_space<hbm>> -> memref<160x125xi32, #tpu.memory_space<hbm>>
      %dma_start3A_24 = arith.constant 0 : i32
      %dma_start3A_25 = arith.constant 0 : i32
      %dma_start3A_26 = tpu.memref_slice %arg4[%arg1, %dma_start3A_24, %dma_start3A_25] : memref<16x160x125xi32, #tpu.memory_space<hbm>> -> memref<1x160x125xi32, #tpu.memory_space<hbm>>
      %dma_start3A_27 = tpu.memref_squeeze %dma_start3A_26 : memref<1x160x125xi32, #tpu.memory_space<hbm>> -> memref<160x125xi32, #tpu.memory_space<hbm>>
      tpu.enqueue_dma source(%dma_start3A_27 : memref<160x125xi32, #tpu.memory_space<hbm>>) target(%arg9 : memref<160x125xi32, #tpu.memory_space<vmem>>) target_semaphore(%run_scoped3A : memref<!tpu.dma_semaphore, #tpu.memory_space<semaphore_mem>>)
      %dma_wait3A = arith.constant 0 : i32
      %dma_wait3A_28 = arith.constant 0 : i32
      %dma_wait3A_29 = tpu.memref_slice %arg4[%arg1, %dma_wait3A, %dma_wait3A_28] : memref<16x160x125xi32, #tpu.memory_space<hbm>> -> memref<1x160x125xi32, #tpu.memory_space<hbm>>
      %dma_wait3A_30 = tpu.memref_squeeze %dma_wait3A_29 : memref<1x160x125xi32, #tpu.memory_space<hbm>> -> memref<160x125xi32, #tpu.memory_space<hbm>>
      %dma_wait3A_31 = arith.constant 0 : i32
      %dma_wait3A_32 = arith.constant 0 : i32
      %dma_wait3A_33 = tpu.memref_slice %arg4[%arg1, %dma_wait3A_31, %dma_wait3A_32] : memref<16x160x125xi32, #tpu.memory_space<hbm>> -> memref<1x160x125xi32, #tpu.memory_space<hbm>>
      %dma_wait3A_34 = tpu.memref_squeeze %dma_wait3A_33 : memref<1x160x125xi32, #tpu.memory_space<hbm>> -> memref<160x125xi32, #tpu.memory_space<hbm>>
      tpu.wait_dma2 semaphore(%run_scoped3A : memref<!tpu.dma_semaphore, #tpu.memory_space<semaphore_mem>>) src(%dma_wait3A_34 : memref<160x125xi32, #tpu.memory_space<hbm>>) dst(%arg9 : memref<160x125xi32, #tpu.memory_space<vmem>>)
      tpu.yield
    }) : () -> ()
    "tpu.region"() ({
      %run_scoped3A = tpu.sem_alloc : memref<!tpu.dma_semaphore, #tpu.memory_space<semaphore_mem>>
      %dma_start3A = arith.constant 0 : i32
      %dma_start3A_21 = arith.constant 0 : i32
      %dma_start3A_22 = tpu.memref_slice %arg5[%arg1, %dma_start3A, %dma_start3A_21] : memref<16x160x125xi32, #tpu.memory_space<hbm>> -> memref<1x160x125xi32, #tpu.memory_space<hbm>>
      %dma_start3A_23 = tpu.memref_squeeze %dma_start3A_22 : memref<1x160x125xi32, #tpu.memory_space<hbm>> -> memref<160x125xi32, #tpu.memory_space<hbm>>
      %dma_start3A_24 = arith.constant 0 : i32
      %dma_start3A_25 = arith.constant 0 : i32
      %dma_start3A_26 = tpu.memref_slice %arg5[%arg1, %dma_start3A_24, %dma_start3A_25] : memref<16x160x125xi32, #tpu.memory_space<hbm>> -> memref<1x160x125xi32, #tpu.memory_space<hbm>>
      %dma_start3A_27 = tpu.memref_squeeze %dma_start3A_26 : memref<1x160x125xi32, #tpu.memory_space<hbm>> -> memref<160x125xi32, #tpu.memory_space<hbm>>
      tpu.enqueue_dma source(%dma_start3A_27 : memref<160x125xi32, #tpu.memory_space<hbm>>) target(%arg10 : memref<160x125xi32, #tpu.memory_space<vmem>>) target_semaphore(%run_scoped3A : memref<!tpu.dma_semaphore, #tpu.memory_space<semaphore_mem>>)
      %dma_wait3A = arith.constant 0 : i32
      %dma_wait3A_28 = arith.constant 0 : i32
      %dma_wait3A_29 = tpu.memref_slice %arg5[%arg1, %dma_wait3A, %dma_wait3A_28] : memref<16x160x125xi32, #tpu.memory_space<hbm>> -> memref<1x160x125xi32, #tpu.memory_space<hbm>>
      %dma_wait3A_30 = tpu.memref_squeeze %dma_wait3A_29 : memref<1x160x125xi32, #tpu.memory_space<hbm>> -> memref<160x125xi32, #tpu.memory_space<hbm>>
      %dma_wait3A_31 = arith.constant 0 : i32
      %dma_wait3A_32 = arith.constant 0 : i32
      %dma_wait3A_33 = tpu.memref_slice %arg5[%arg1, %dma_wait3A_31, %dma_wait3A_32] : memref<16x160x125xi32, #tpu.memory_space<hbm>> -> memref<1x160x125xi32, #tpu.memory_space<hbm>>
      %dma_wait3A_34 = tpu.memref_squeeze %dma_wait3A_33 : memref<1x160x125xi32, #tpu.memory_space<hbm>> -> memref<160x125xi32, #tpu.memory_space<hbm>>
      tpu.wait_dma2 semaphore(%run_scoped3A : memref<!tpu.dma_semaphore, #tpu.memory_space<semaphore_mem>>) src(%dma_wait3A_34 : memref<160x125xi32, #tpu.memory_space<hbm>>) dst(%arg10 : memref<160x125xi32, #tpu.memory_space<vmem>>)
      tpu.yield
    }) : () -> ()
    %mul3A = arith.constant 640 : i32
    %mul3A_0 = arith.muli %arg1, %mul3A : i32
    %mul3A_1 = arith.constant 640 : i32
    %mul3A_2 = arith.muli %arg1, %mul3A_1 : i32
    "tpu.region"() ({
      %run_scoped3A = tpu.sem_alloc : memref<!tpu.dma_semaphore, #tpu.memory_space<semaphore_mem>>
      %dma_start3A = arith.constant 0 : i32
      %dma_start3A_21 = tpu.memref_slice %arg23[%mul3A_2, %dma_start3A] : memref<10240x32xf32, #tpu.memory_space<vmem_shared>> -> memref<640x32xf32, #tpu.memory_space<vmem_shared>>
      %dma_start3A_22 = arith.constant 0 : i32
      %dma_start3A_23 = tpu.memref_slice %arg6[%mul3A_0, %dma_start3A_22] : memref<10240x32xf32, #tpu.memory_space<hbm>> -> memref<640x32xf32, #tpu.memory_space<hbm>>
      tpu.enqueue_dma source(%dma_start3A_23 : memref<640x32xf32, #tpu.memory_space<hbm>>) target(%dma_start3A_21 : memref<640x32xf32, #tpu.memory_space<vmem_shared>>) target_semaphore(%run_scoped3A : memref<!tpu.dma_semaphore, #tpu.memory_space<semaphore_mem>>)
      %dma_wait3A = arith.constant 0 : i32
      %dma_wait3A_24 = tpu.memref_slice %arg23[%mul3A_2, %dma_wait3A] : memref<10240x32xf32, #tpu.memory_space<vmem_shared>> -> memref<640x32xf32, #tpu.memory_space<vmem_shared>>
      %dma_wait3A_25 = arith.constant 0 : i32
      %dma_wait3A_26 = tpu.memref_slice %arg6[%mul3A_0, %dma_wait3A_25] : memref<10240x32xf32, #tpu.memory_space<hbm>> -> memref<640x32xf32, #tpu.memory_space<hbm>>
      tpu.wait_dma2 semaphore(%run_scoped3A : memref<!tpu.dma_semaphore, #tpu.memory_space<semaphore_mem>>) src(%dma_wait3A_26 : memref<640x32xf32, #tpu.memory_space<hbm>>) dst(%dma_wait3A_24 : memref<640x32xf32, #tpu.memory_space<vmem_shared>>)
      tpu.yield
    }) : () -> ()
    %barrier3A = arith.constant 0 : index
    tpu.barrier barrier_id(%barrier3A)
    %eq3A = arith.constant 0 : i32
    %eq3A_3 = arith.cmpi eq, %arg0, %eq3A : i32
    %convert_element_type3A = arith.extui %eq3A_3 : i1 to i32
    %cond3A = arith.constant 0 : i32
    %cond3A_4 = arith.cmpi ne, %convert_element_type3A, %cond3A : i32
    scf.if %cond3A_4 {
      %scan3A = arith.constant 0 : i32
      %scan3A_21 = arith.constant 0 : i32
      %scan3A_22 = arith.constant 40 : i32
      %scan3A_23 = arith.addi %scan3A_21, %scan3A_22 : i32
      %scan3A_24 = arith.constant 1 : i32
      scf.for %scan3A_26 = %scan3A_21 to %scan3A_23 step %scan3A_24  : i32 {
        %mul3A_27 = arith.constant 4 : i32
        %mul3A_28 = arith.muli %scan3A_26, %mul3A_27 : i32
        %add3A = arith.constant 0 : i32
        %add3A_29 = arith.addi %mul3A_28, %add3A : i32
        %dma_start3A = arith.constant 0 : i32
        %dma_start3A_30 = tpu.memref_slice %arg9[%add3A_29, %dma_start3A] : memref<160x125xi32, #tpu.memory_space<vmem>> -> memref<1x125xi32, #tpu.memory_space<vmem>>
        %dma_start3A_31 = tpu.memref_squeeze %dma_start3A_30 : memref<1x125xi32, #tpu.memory_space<vmem>> -> memref<125xi32, #tpu.memory_space<vmem>>
        %dma_start3A_32 = arith.constant 0 : i32
        %dma_start3A_33 = arith.constant 0 : i32
        %dma_start3A_34 = tpu.memref_slice %arg2[%dma_start3A_32, %dma_start3A_33] : memref<10000x32xf32, #tpu.memory_space<hbm>> -> memref<10000x32xf32, #tpu.memory_space<hbm>>
        tpu.enqueue_indirect_dma source(%dma_start3A_34 : memref<10000x32xf32, #tpu.memory_space<hbm>>) target(%arg11 : memref<125x32xf32, #tpu.memory_space<vmem>>) offsets(%dma_start3A_31 : memref<125xi32, #tpu.memory_space<vmem>>) semaphore(%arg15 : memref<!tpu.dma_semaphore, #tpu.memory_space<semaphore_mem>>)
        %add3A_35 = arith.constant 1 : i32
        %add3A_36 = arith.addi %mul3A_28, %add3A_35 : i32
        %dma_start3A_37 = arith.constant 0 : i32
        %dma_start3A_38 = tpu.memref_slice %arg9[%add3A_36, %dma_start3A_37] : memref<160x125xi32, #tpu.memory_space<vmem>> -> memref<1x125xi32, #tpu.memory_space<vmem>>
        %dma_start3A_39 = tpu.memref_squeeze %dma_start3A_38 : memref<1x125xi32, #tpu.memory_space<vmem>> -> memref<125xi32, #tpu.memory_space<vmem>>
        %dma_start3A_40 = arith.constant 0 : i32
        %dma_start3A_41 = arith.constant 0 : i32
        %dma_start3A_42 = tpu.memref_slice %arg2[%dma_start3A_40, %dma_start3A_41] : memref<10000x32xf32, #tpu.memory_space<hbm>> -> memref<10000x32xf32, #tpu.memory_space<hbm>>
        tpu.enqueue_indirect_dma source(%dma_start3A_42 : memref<10000x32xf32, #tpu.memory_space<hbm>>) target(%arg12 : memref<125x32xf32, #tpu.memory_space<vmem>>) offsets(%dma_start3A_39 : memref<125xi32, #tpu.memory_space<vmem>>) semaphore(%arg16 : memref<!tpu.dma_semaphore, #tpu.memory_space<semaphore_mem>>)
        %add3A_43 = arith.constant 2 : i32
        %add3A_44 = arith.addi %mul3A_28, %add3A_43 : i32
        %dma_start3A_45 = arith.constant 0 : i32
        %dma_start3A_46 = tpu.memref_slice %arg9[%add3A_44, %dma_start3A_45] : memref<160x125xi32, #tpu.memory_space<vmem>> -> memref<1x125xi32, #tpu.memory_space<vmem>>
        %dma_start3A_47 = tpu.memref_squeeze %dma_start3A_46 : memref<1x125xi32, #tpu.memory_space<vmem>> -> memref<125xi32, #tpu.memory_space<vmem>>
        %dma_start3A_48 = arith.constant 0 : i32
        %dma_start3A_49 = arith.constant 0 : i32
        %dma_start3A_50 = tpu.memref_slice %arg2[%dma_start3A_48, %dma_start3A_49] : memref<10000x32xf32, #tpu.memory_space<hbm>> -> memref<10000x32xf32, #tpu.memory_space<hbm>>
        tpu.enqueue_indirect_dma source(%dma_start3A_50 : memref<10000x32xf32, #tpu.memory_space<hbm>>) target(%arg13 : memref<125x32xf32, #tpu.memory_space<vmem>>) offsets(%dma_start3A_47 : memref<125xi32, #tpu.memory_space<vmem>>) semaphore(%arg17 : memref<!tpu.dma_semaphore, #tpu.memory_space<semaphore_mem>>)
        %add3A_51 = arith.constant 3 : i32
        %add3A_52 = arith.addi %mul3A_28, %add3A_51 : i32
        %dma_start3A_53 = arith.constant 0 : i32
        %dma_start3A_54 = tpu.memref_slice %arg9[%add3A_52, %dma_start3A_53] : memref<160x125xi32, #tpu.memory_space<vmem>> -> memref<1x125xi32, #tpu.memory_space<vmem>>
        %dma_start3A_55 = tpu.memref_squeeze %dma_start3A_54 : memref<1x125xi32, #tpu.memory_space<vmem>> -> memref<125xi32, #tpu.memory_space<vmem>>
        %dma_start3A_56 = arith.constant 0 : i32
        %dma_start3A_57 = arith.constant 0 : i32
        %dma_start3A_58 = tpu.memref_slice %arg2[%dma_start3A_56, %dma_start3A_57] : memref<10000x32xf32, #tpu.memory_space<hbm>> -> memref<10000x32xf32, #tpu.memory_space<hbm>>
        tpu.enqueue_indirect_dma source(%dma_start3A_58 : memref<10000x32xf32, #tpu.memory_space<hbm>>) target(%arg14 : memref<125x32xf32, #tpu.memory_space<vmem>>) offsets(%dma_start3A_55 : memref<125xi32, #tpu.memory_space<vmem>>) semaphore(%arg18 : memref<!tpu.dma_semaphore, #tpu.memory_space<semaphore_mem>>)
        %dma_wait3A = arith.constant 0 : i32
        %dma_wait3A_59 = tpu.memref_slice %arg9[%add3A_29, %dma_wait3A] : memref<160x125xi32, #tpu.memory_space<vmem>> -> memref<1x125xi32, #tpu.memory_space<vmem>>
        %dma_wait3A_60 = tpu.memref_squeeze %dma_wait3A_59 : memref<1x125xi32, #tpu.memory_space<vmem>> -> memref<125xi32, #tpu.memory_space<vmem>>
        %dma_wait3A_61 = arith.constant 0 : i32
        %dma_wait3A_62 = arith.constant 0 : i32
        %dma_wait3A_63 = tpu.memref_slice %arg2[%dma_wait3A_61, %dma_wait3A_62] : memref<10000x32xf32, #tpu.memory_space<hbm>> -> memref<10000x32xf32, #tpu.memory_space<hbm>>
        tpu.wait_indirect_dma semaphore(%arg15 : memref<!tpu.dma_semaphore, #tpu.memory_space<semaphore_mem>>) src(%dma_wait3A_63 : memref<10000x32xf32, #tpu.memory_space<hbm>>) dst(%arg11 : memref<125x32xf32, #tpu.memory_space<vmem>>)
        %add3A_64 = arith.constant 0 : i32
        %add3A_65 = arith.addi %mul3A_28, %add3A_64 : i32
        %dma_start3A_66 = arith.constant 0 : i32
        %dma_start3A_67 = tpu.memref_slice %arg10[%add3A_65, %dma_start3A_66] : memref<160x125xi32, #tpu.memory_space<vmem>> -> memref<1x125xi32, #tpu.memory_space<vmem>>
        %dma_start3A_68 = tpu.memref_squeeze %dma_start3A_67 : memref<1x125xi32, #tpu.memory_space<vmem>> -> memref<125xi32, #tpu.memory_space<vmem>>
        %dma_start3A_69 = arith.constant 0 : i32
        %dma_start3A_70 = arith.constant 0 : i32
        %dma_start3A_71 = tpu.memref_slice %arg23[%dma_start3A_69, %dma_start3A_70] : memref<10240x32xf32, #tpu.memory_space<vmem_shared>> -> memref<10240x32xf32, #tpu.memory_space<vmem_shared>>
        tpu.enqueue_indirect_dma source(%arg11 : memref<125x32xf32, #tpu.memory_space<vmem>>) target(%dma_start3A_71 : memref<10240x32xf32, #tpu.memory_space<vmem_shared>>) offsets(%dma_start3A_68 : memref<125xi32, #tpu.memory_space<vmem>>) semaphore(%arg19 : memref<!tpu.dma_semaphore, #tpu.memory_space<semaphore_mem>>) {add = true}
        %dma_wait3A_72 = arith.constant 0 : i32
        %dma_wait3A_73 = tpu.memref_slice %arg9[%add3A_36, %dma_wait3A_72] : memref<160x125xi32, #tpu.memory_space<vmem>> -> memref<1x125xi32, #tpu.memory_space<vmem>>
        %dma_wait3A_74 = tpu.memref_squeeze %dma_wait3A_73 : memref<1x125xi32, #tpu.memory_space<vmem>> -> memref<125xi32, #tpu.memory_space<vmem>>
        %dma_wait3A_75 = arith.constant 0 : i32
        %dma_wait3A_76 = arith.constant 0 : i32
        %dma_wait3A_77 = tpu.memref_slice %arg2[%dma_wait3A_75, %dma_wait3A_76] : memref<10000x32xf32, #tpu.memory_space<hbm>> -> memref<10000x32xf32, #tpu.memory_space<hbm>>
        tpu.wait_indirect_dma semaphore(%arg16 : memref<!tpu.dma_semaphore, #tpu.memory_space<semaphore_mem>>) src(%dma_wait3A_77 : memref<10000x32xf32, #tpu.memory_space<hbm>>) dst(%arg12 : memref<125x32xf32, #tpu.memory_space<vmem>>)
        %add3A_78 = arith.constant 1 : i32
        %add3A_79 = arith.addi %mul3A_28, %add3A_78 : i32
        %dma_start3A_80 = arith.constant 0 : i32
        %dma_start3A_81 = tpu.memref_slice %arg10[%add3A_79, %dma_start3A_80] : memref<160x125xi32, #tpu.memory_space<vmem>> -> memref<1x125xi32, #tpu.memory_space<vmem>>
        %dma_start3A_82 = tpu.memref_squeeze %dma_start3A_81 : memref<1x125xi32, #tpu.memory_space<vmem>> -> memref<125xi32, #tpu.memory_space<vmem>>
        %dma_start3A_83 = arith.constant 0 : i32
        %dma_start3A_84 = arith.constant 0 : i32
        %dma_start3A_85 = tpu.memref_slice %arg23[%dma_start3A_83, %dma_start3A_84] : memref<10240x32xf32, #tpu.memory_space<vmem_shared>> -> memref<10240x32xf32, #tpu.memory_space<vmem_shared>>
        tpu.enqueue_indirect_dma source(%arg12 : memref<125x32xf32, #tpu.memory_space<vmem>>) target(%dma_start3A_85 : memref<10240x32xf32, #tpu.memory_space<vmem_shared>>) offsets(%dma_start3A_82 : memref<125xi32, #tpu.memory_space<vmem>>) semaphore(%arg20 : memref<!tpu.dma_semaphore, #tpu.memory_space<semaphore_mem>>) {add = true}
        %dma_wait3A_86 = arith.constant 0 : i32
        %dma_wait3A_87 = tpu.memref_slice %arg9[%add3A_44, %dma_wait3A_86] : memref<160x125xi32, #tpu.memory_space<vmem>> -> memref<1x125xi32, #tpu.memory_space<vmem>>
        %dma_wait3A_88 = tpu.memref_squeeze %dma_wait3A_87 : memref<1x125xi32, #tpu.memory_space<vmem>> -> memref<125xi32, #tpu.memory_space<vmem>>
        %dma_wait3A_89 = arith.constant 0 : i32
        %dma_wait3A_90 = arith.constant 0 : i32
        %dma_wait3A_91 = tpu.memref_slice %arg2[%dma_wait3A_89, %dma_wait3A_90] : memref<10000x32xf32, #tpu.memory_space<hbm>> -> memref<10000x32xf32, #tpu.memory_space<hbm>>
        tpu.wait_indirect_dma semaphore(%arg17 : memref<!tpu.dma_semaphore, #tpu.memory_space<semaphore_mem>>) src(%dma_wait3A_91 : memref<10000x32xf32, #tpu.memory_space<hbm>>) dst(%arg13 : memref<125x32xf32, #tpu.memory_space<vmem>>)
        %add3A_92 = arith.constant 2 : i32
        %add3A_93 = arith.addi %mul3A_28, %add3A_92 : i32
        %dma_start3A_94 = arith.constant 0 : i32
        %dma_start3A_95 = tpu.memref_slice %arg10[%add3A_93, %dma_start3A_94] : memref<160x125xi32, #tpu.memory_space<vmem>> -> memref<1x125xi32, #tpu.memory_space<vmem>>
        %dma_start3A_96 = tpu.memref_squeeze %dma_start3A_95 : memref<1x125xi32, #tpu.memory_space<vmem>> -> memref<125xi32, #tpu.memory_space<vmem>>
        %dma_start3A_97 = arith.constant 0 : i32
        %dma_start3A_98 = arith.constant 0 : i32
        %dma_start3A_99 = tpu.memref_slice %arg23[%dma_start3A_97, %dma_start3A_98] : memref<10240x32xf32, #tpu.memory_space<vmem_shared>> -> memref<10240x32xf32, #tpu.memory_space<vmem_shared>>
        tpu.enqueue_indirect_dma source(%arg13 : memref<125x32xf32, #tpu.memory_space<vmem>>) target(%dma_start3A_99 : memref<10240x32xf32, #tpu.memory_space<vmem_shared>>) offsets(%dma_start3A_96 : memref<125xi32, #tpu.memory_space<vmem>>) semaphore(%arg21 : memref<!tpu.dma_semaphore, #tpu.memory_space<semaphore_mem>>) {add = true}
        %dma_wait3A_100 = arith.constant 0 : i32
        %dma_wait3A_101 = tpu.memref_slice %arg9[%add3A_52, %dma_wait3A_100] : memref<160x125xi32, #tpu.memory_space<vmem>> -> memref<1x125xi32, #tpu.memory_space<vmem>>
        %dma_wait3A_102 = tpu.memref_squeeze %dma_wait3A_101 : memref<1x125xi32, #tpu.memory_space<vmem>> -> memref<125xi32, #tpu.memory_space<vmem>>
        %dma_wait3A_103 = arith.constant 0 : i32
        %dma_wait3A_104 = arith.constant 0 : i32
        %dma_wait3A_105 = tpu.memref_slice %arg2[%dma_wait3A_103, %dma_wait3A_104] : memref<10000x32xf32, #tpu.memory_space<hbm>> -> memref<10000x32xf32, #tpu.memory_space<hbm>>
        tpu.wait_indirect_dma semaphore(%arg18 : memref<!tpu.dma_semaphore, #tpu.memory_space<semaphore_mem>>) src(%dma_wait3A_105 : memref<10000x32xf32, #tpu.memory_space<hbm>>) dst(%arg14 : memref<125x32xf32, #tpu.memory_space<vmem>>)
        %add3A_106 = arith.constant 3 : i32
        %add3A_107 = arith.addi %mul3A_28, %add3A_106 : i32
        %dma_start3A_108 = arith.constant 0 : i32
        %dma_start3A_109 = tpu.memref_slice %arg10[%add3A_107, %dma_start3A_108] : memref<160x125xi32, #tpu.memory_space<vmem>> -> memref<1x125xi32, #tpu.memory_space<vmem>>
        %dma_start3A_110 = tpu.memref_squeeze %dma_start3A_109 : memref<1x125xi32, #tpu.memory_space<vmem>> -> memref<125xi32, #tpu.memory_space<vmem>>
        %dma_start3A_111 = arith.constant 0 : i32
        %dma_start3A_112 = arith.constant 0 : i32
        %dma_start3A_113 = tpu.memref_slice %arg23[%dma_start3A_111, %dma_start3A_112] : memref<10240x32xf32, #tpu.memory_space<vmem_shared>> -> memref<10240x32xf32, #tpu.memory_space<vmem_shared>>
        tpu.enqueue_indirect_dma source(%arg14 : memref<125x32xf32, #tpu.memory_space<vmem>>) target(%dma_start3A_113 : memref<10240x32xf32, #tpu.memory_space<vmem_shared>>) offsets(%dma_start3A_110 : memref<125xi32, #tpu.memory_space<vmem>>) semaphore(%arg22 : memref<!tpu.dma_semaphore, #tpu.memory_space<semaphore_mem>>) {add = true}
        %dma_wait3A_114 = arith.constant 0 : i32
        %dma_wait3A_115 = tpu.memref_slice %arg10[%add3A_65, %dma_wait3A_114] : memref<160x125xi32, #tpu.memory_space<vmem>> -> memref<1x125xi32, #tpu.memory_space<vmem>>
        %dma_wait3A_116 = tpu.memref_squeeze %dma_wait3A_115 : memref<1x125xi32, #tpu.memory_space<vmem>> -> memref<125xi32, #tpu.memory_space<vmem>>
        %dma_wait3A_117 = arith.constant 0 : i32
        %dma_wait3A_118 = arith.constant 0 : i32
        %dma_wait3A_119 = tpu.memref_slice %arg23[%dma_wait3A_117, %dma_wait3A_118] : memref<10240x32xf32, #tpu.memory_space<vmem_shared>> -> memref<10240x32xf32, #tpu.memory_space<vmem_shared>>
        tpu.wait_indirect_dma semaphore(%arg19 : memref<!tpu.dma_semaphore, #tpu.memory_space<semaphore_mem>>) src(%arg11 : memref<125x32xf32, #tpu.memory_space<vmem>>) dst(%dma_wait3A_119 : memref<10240x32xf32, #tpu.memory_space<vmem_shared>>)
        %dma_wait3A_120 = arith.constant 0 : i32
        %dma_wait3A_121 = tpu.memref_slice %arg10[%add3A_79, %dma_wait3A_120] : memref<160x125xi32, #tpu.memory_space<vmem>> -> memref<1x125xi32, #tpu.memory_space<vmem>>
        %dma_wait3A_122 = tpu.memref_squeeze %dma_wait3A_121 : memref<1x125xi32, #tpu.memory_space<vmem>> -> memref<125xi32, #tpu.memory_space<vmem>>
        %dma_wait3A_123 = arith.constant 0 : i32
        %dma_wait3A_124 = arith.constant 0 : i32
        %dma_wait3A_125 = tpu.memref_slice %arg23[%dma_wait3A_123, %dma_wait3A_124] : memref<10240x32xf32, #tpu.memory_space<vmem_shared>> -> memref<10240x32xf32, #tpu.memory_space<vmem_shared>>
        tpu.wait_indirect_dma semaphore(%arg20 : memref<!tpu.dma_semaphore, #tpu.memory_space<semaphore_mem>>) src(%arg12 : memref<125x32xf32, #tpu.memory_space<vmem>>) dst(%dma_wait3A_125 : memref<10240x32xf32, #tpu.memory_space<vmem_shared>>)
        %dma_wait3A_126 = arith.constant 0 : i32
        %dma_wait3A_127 = tpu.memref_slice %arg10[%add3A_93, %dma_wait3A_126] : memref<160x125xi32, #tpu.memory_space<vmem>> -> memref<1x125xi32, #tpu.memory_space<vmem>>
        %dma_wait3A_128 = tpu.memref_squeeze %dma_wait3A_127 : memref<1x125xi32, #tpu.memory_space<vmem>> -> memref<125xi32, #tpu.memory_space<vmem>>
        %dma_wait3A_129 = arith.constant 0 : i32
        %dma_wait3A_130 = arith.constant 0 : i32
        %dma_wait3A_131 = tpu.memref_slice %arg23[%dma_wait3A_129, %dma_wait3A_130] : memref<10240x32xf32, #tpu.memory_space<vmem_shared>> -> memref<10240x32xf32, #tpu.memory_space<vmem_shared>>
        tpu.wait_indirect_dma semaphore(%arg21 : memref<!tpu.dma_semaphore, #tpu.memory_space<semaphore_mem>>) src(%arg13 : memref<125x32xf32, #tpu.memory_space<vmem>>) dst(%dma_wait3A_131 : memref<10240x32xf32, #tpu.memory_space<vmem_shared>>)
        %dma_wait3A_132 = arith.constant 0 : i32
        %dma_wait3A_133 = tpu.memref_slice %arg10[%add3A_107, %dma_wait3A_132] : memref<160x125xi32, #tpu.memory_space<vmem>> -> memref<1x125xi32, #tpu.memory_space<vmem>>
        %dma_wait3A_134 = tpu.memref_squeeze %dma_wait3A_133 : memref<1x125xi32, #tpu.memory_space<vmem>> -> memref<125xi32, #tpu.memory_space<vmem>>
        %dma_wait3A_135 = arith.constant 0 : i32
        %dma_wait3A_136 = arith.constant 0 : i32
        %dma_wait3A_137 = tpu.memref_slice %arg23[%dma_wait3A_135, %dma_wait3A_136] : memref<10240x32xf32, #tpu.memory_space<vmem_shared>> -> memref<10240x32xf32, #tpu.memory_space<vmem_shared>>
        tpu.wait_indirect_dma semaphore(%arg22 : memref<!tpu.dma_semaphore, #tpu.memory_space<semaphore_mem>>) src(%arg14 : memref<125x32xf32, #tpu.memory_space<vmem>>) dst(%dma_wait3A_137 : memref<10240x32xf32, #tpu.memory_space<vmem_shared>>)
      }
      %scan3A_25 = arith.constant 40 : i32
    } else {
    }
    %eq3A_5 = arith.constant 1 : i32
    %eq3A_6 = arith.cmpi eq, %arg0, %eq3A_5 : i32
    %convert_element_type3A_7 = arith.extui %eq3A_6 : i1 to i32
    %cond3A_8 = arith.constant 0 : i32
    %cond3A_9 = arith.cmpi ne, %convert_element_type3A_7, %cond3A_8 : i32
    scf.if %cond3A_9 {
      %scan3A = arith.constant 0 : i32
      %scan3A_21 = arith.constant 0 : i32
      %scan3A_22 = arith.constant 40 : i32
      %scan3A_23 = arith.addi %scan3A_21, %scan3A_22 : i32
      %scan3A_24 = arith.constant 1 : i32
      scf.for %scan3A_26 = %scan3A_21 to %scan3A_23 step %scan3A_24  : i32 {
        %mul3A_27 = arith.constant 4 : i32
        %mul3A_28 = arith.muli %scan3A_26, %mul3A_27 : i32
        %add3A = arith.constant 0 : i32
        %add3A_29 = arith.addi %mul3A_28, %add3A : i32
        %dma_start3A = arith.constant 0 : i32
        %dma_start3A_30 = tpu.memref_slice %arg10[%add3A_29, %dma_start3A] : memref<160x125xi32, #tpu.memory_space<vmem>> -> memref<1x125xi32, #tpu.memory_space<vmem>>
        %dma_start3A_31 = tpu.memref_squeeze %dma_start3A_30 : memref<1x125xi32, #tpu.memory_space<vmem>> -> memref<125xi32, #tpu.memory_space<vmem>>
        %dma_start3A_32 = arith.constant 0 : i32
        %dma_start3A_33 = arith.constant 0 : i32
        %dma_start3A_34 = tpu.memref_slice %arg3[%dma_start3A_32, %dma_start3A_33] : memref<10000x32xf32, #tpu.memory_space<hbm>> -> memref<10000x32xf32, #tpu.memory_space<hbm>>
        tpu.enqueue_indirect_dma source(%dma_start3A_34 : memref<10000x32xf32, #tpu.memory_space<hbm>>) target(%arg11 : memref<125x32xf32, #tpu.memory_space<vmem>>) offsets(%dma_start3A_31 : memref<125xi32, #tpu.memory_space<vmem>>) semaphore(%arg15 : memref<!tpu.dma_semaphore, #tpu.memory_space<semaphore_mem>>)
        %add3A_35 = arith.constant 1 : i32
        %add3A_36 = arith.addi %mul3A_28, %add3A_35 : i32
        %dma_start3A_37 = arith.constant 0 : i32
        %dma_start3A_38 = tpu.memref_slice %arg10[%add3A_36, %dma_start3A_37] : memref<160x125xi32, #tpu.memory_space<vmem>> -> memref<1x125xi32, #tpu.memory_space<vmem>>
        %dma_start3A_39 = tpu.memref_squeeze %dma_start3A_38 : memref<1x125xi32, #tpu.memory_space<vmem>> -> memref<125xi32, #tpu.memory_space<vmem>>
        %dma_start3A_40 = arith.constant 0 : i32
        %dma_start3A_41 = arith.constant 0 : i32
        %dma_start3A_42 = tpu.memref_slice %arg3[%dma_start3A_40, %dma_start3A_41] : memref<10000x32xf32, #tpu.memory_space<hbm>> -> memref<10000x32xf32, #tpu.memory_space<hbm>>
        tpu.enqueue_indirect_dma source(%dma_start3A_42 : memref<10000x32xf32, #tpu.memory_space<hbm>>) target(%arg12 : memref<125x32xf32, #tpu.memory_space<vmem>>) offsets(%dma_start3A_39 : memref<125xi32, #tpu.memory_space<vmem>>) semaphore(%arg16 : memref<!tpu.dma_semaphore, #tpu.memory_space<semaphore_mem>>)
        %add3A_43 = arith.constant 2 : i32
        %add3A_44 = arith.addi %mul3A_28, %add3A_43 : i32
        %dma_start3A_45 = arith.constant 0 : i32
        %dma_start3A_46 = tpu.memref_slice %arg10[%add3A_44, %dma_start3A_45] : memref<160x125xi32, #tpu.memory_space<vmem>> -> memref<1x125xi32, #tpu.memory_space<vmem>>
        %dma_start3A_47 = tpu.memref_squeeze %dma_start3A_46 : memref<1x125xi32, #tpu.memory_space<vmem>> -> memref<125xi32, #tpu.memory_space<vmem>>
        %dma_start3A_48 = arith.constant 0 : i32
        %dma_start3A_49 = arith.constant 0 : i32
        %dma_start3A_50 = tpu.memref_slice %arg3[%dma_start3A_48, %dma_start3A_49] : memref<10000x32xf32, #tpu.memory_space<hbm>> -> memref<10000x32xf32, #tpu.memory_space<hbm>>
        tpu.enqueue_indirect_dma source(%dma_start3A_50 : memref<10000x32xf32, #tpu.memory_space<hbm>>) target(%arg13 : memref<125x32xf32, #tpu.memory_space<vmem>>) offsets(%dma_start3A_47 : memref<125xi32, #tpu.memory_space<vmem>>) semaphore(%arg17 : memref<!tpu.dma_semaphore, #tpu.memory_space<semaphore_mem>>)
        %add3A_51 = arith.constant 3 : i32
        %add3A_52 = arith.addi %mul3A_28, %add3A_51 : i32
        %dma_start3A_53 = arith.constant 0 : i32
        %dma_start3A_54 = tpu.memref_slice %arg10[%add3A_52, %dma_start3A_53] : memref<160x125xi32, #tpu.memory_space<vmem>> -> memref<1x125xi32, #tpu.memory_space<vmem>>
        %dma_start3A_55 = tpu.memref_squeeze %dma_start3A_54 : memref<1x125xi32, #tpu.memory_space<vmem>> -> memref<125xi32, #tpu.memory_space<vmem>>
        %dma_start3A_56 = arith.constant 0 : i32
        %dma_start3A_57 = arith.constant 0 : i32
        %dma_start3A_58 = tpu.memref_slice %arg3[%dma_start3A_56, %dma_start3A_57] : memref<10000x32xf32, #tpu.memory_space<hbm>> -> memref<10000x32xf32, #tpu.memory_space<hbm>>
        tpu.enqueue_indirect_dma source(%dma_start3A_58 : memref<10000x32xf32, #tpu.memory_space<hbm>>) target(%arg14 : memref<125x32xf32, #tpu.memory_space<vmem>>) offsets(%dma_start3A_55 : memref<125xi32, #tpu.memory_space<vmem>>) semaphore(%arg18 : memref<!tpu.dma_semaphore, #tpu.memory_space<semaphore_mem>>)
        %dma_wait3A = arith.constant 0 : i32
        %dma_wait3A_59 = tpu.memref_slice %arg10[%add3A_29, %dma_wait3A] : memref<160x125xi32, #tpu.memory_space<vmem>> -> memref<1x125xi32, #tpu.memory_space<vmem>>
        %dma_wait3A_60 = tpu.memref_squeeze %dma_wait3A_59 : memref<1x125xi32, #tpu.memory_space<vmem>> -> memref<125xi32, #tpu.memory_space<vmem>>
        %dma_wait3A_61 = arith.constant 0 : i32
        %dma_wait3A_62 = arith.constant 0 : i32
        %dma_wait3A_63 = tpu.memref_slice %arg3[%dma_wait3A_61, %dma_wait3A_62] : memref<10000x32xf32, #tpu.memory_space<hbm>> -> memref<10000x32xf32, #tpu.memory_space<hbm>>
        tpu.wait_indirect_dma semaphore(%arg15 : memref<!tpu.dma_semaphore, #tpu.memory_space<semaphore_mem>>) src(%dma_wait3A_63 : memref<10000x32xf32, #tpu.memory_space<hbm>>) dst(%arg11 : memref<125x32xf32, #tpu.memory_space<vmem>>)
        %add3A_64 = arith.constant 0 : i32
        %add3A_65 = arith.addi %mul3A_28, %add3A_64 : i32
        %dma_start3A_66 = arith.constant 0 : i32
        %dma_start3A_67 = tpu.memref_slice %arg9[%add3A_65, %dma_start3A_66] : memref<160x125xi32, #tpu.memory_space<vmem>> -> memref<1x125xi32, #tpu.memory_space<vmem>>
        %dma_start3A_68 = tpu.memref_squeeze %dma_start3A_67 : memref<1x125xi32, #tpu.memory_space<vmem>> -> memref<125xi32, #tpu.memory_space<vmem>>
        %dma_start3A_69 = arith.constant 0 : i32
        %dma_start3A_70 = arith.constant 0 : i32
        %dma_start3A_71 = tpu.memref_slice %arg23[%dma_start3A_69, %dma_start3A_70] : memref<10240x32xf32, #tpu.memory_space<vmem_shared>> -> memref<10240x32xf32, #tpu.memory_space<vmem_shared>>
        tpu.enqueue_indirect_dma source(%arg11 : memref<125x32xf32, #tpu.memory_space<vmem>>) target(%dma_start3A_71 : memref<10240x32xf32, #tpu.memory_space<vmem_shared>>) offsets(%dma_start3A_68 : memref<125xi32, #tpu.memory_space<vmem>>) semaphore(%arg19 : memref<!tpu.dma_semaphore, #tpu.memory_space<semaphore_mem>>) {add = true}
        %dma_wait3A_72 = arith.constant 0 : i32
        %dma_wait3A_73 = tpu.memref_slice %arg10[%add3A_36, %dma_wait3A_72] : memref<160x125xi32, #tpu.memory_space<vmem>> -> memref<1x125xi32, #tpu.memory_space<vmem>>
        %dma_wait3A_74 = tpu.memref_squeeze %dma_wait3A_73 : memref<1x125xi32, #tpu.memory_space<vmem>> -> memref<125xi32, #tpu.memory_space<vmem>>
        %dma_wait3A_75 = arith.constant 0 : i32
        %dma_wait3A_76 = arith.constant 0 : i32
        %dma_wait3A_77 = tpu.memref_slice %arg3[%dma_wait3A_75, %dma_wait3A_76] : memref<10000x32xf32, #tpu.memory_space<hbm>> -> memref<10000x32xf32, #tpu.memory_space<hbm>>
        tpu.wait_indirect_dma semaphore(%arg16 : memref<!tpu.dma_semaphore, #tpu.memory_space<semaphore_mem>>) src(%dma_wait3A_77 : memref<10000x32xf32, #tpu.memory_space<hbm>>) dst(%arg12 : memref<125x32xf32, #tpu.memory_space<vmem>>)
        %add3A_78 = arith.constant 1 : i32
        %add3A_79 = arith.addi %mul3A_28, %add3A_78 : i32
        %dma_start3A_80 = arith.constant 0 : i32
        %dma_start3A_81 = tpu.memref_slice %arg9[%add3A_79, %dma_start3A_80] : memref<160x125xi32, #tpu.memory_space<vmem>> -> memref<1x125xi32, #tpu.memory_space<vmem>>
        %dma_start3A_82 = tpu.memref_squeeze %dma_start3A_81 : memref<1x125xi32, #tpu.memory_space<vmem>> -> memref<125xi32, #tpu.memory_space<vmem>>
        %dma_start3A_83 = arith.constant 0 : i32
        %dma_start3A_84 = arith.constant 0 : i32
        %dma_start3A_85 = tpu.memref_slice %arg23[%dma_start3A_83, %dma_start3A_84] : memref<10240x32xf32, #tpu.memory_space<vmem_shared>> -> memref<10240x32xf32, #tpu.memory_space<vmem_shared>>
        tpu.enqueue_indirect_dma source(%arg12 : memref<125x32xf32, #tpu.memory_space<vmem>>) target(%dma_start3A_85 : memref<10240x32xf32, #tpu.memory_space<vmem_shared>>) offsets(%dma_start3A_82 : memref<125xi32, #tpu.memory_space<vmem>>) semaphore(%arg20 : memref<!tpu.dma_semaphore, #tpu.memory_space<semaphore_mem>>) {add = true}
        %dma_wait3A_86 = arith.constant 0 : i32
        %dma_wait3A_87 = tpu.memref_slice %arg10[%add3A_44, %dma_wait3A_86] : memref<160x125xi32, #tpu.memory_space<vmem>> -> memref<1x125xi32, #tpu.memory_space<vmem>>
        %dma_wait3A_88 = tpu.memref_squeeze %dma_wait3A_87 : memref<1x125xi32, #tpu.memory_space<vmem>> -> memref<125xi32, #tpu.memory_space<vmem>>
        %dma_wait3A_89 = arith.constant 0 : i32
        %dma_wait3A_90 = arith.constant 0 : i32
        %dma_wait3A_91 = tpu.memref_slice %arg3[%dma_wait3A_89, %dma_wait3A_90] : memref<10000x32xf32, #tpu.memory_space<hbm>> -> memref<10000x32xf32, #tpu.memory_space<hbm>>
        tpu.wait_indirect_dma semaphore(%arg17 : memref<!tpu.dma_semaphore, #tpu.memory_space<semaphore_mem>>) src(%dma_wait3A_91 : memref<10000x32xf32, #tpu.memory_space<hbm>>) dst(%arg13 : memref<125x32xf32, #tpu.memory_space<vmem>>)
        %add3A_92 = arith.constant 2 : i32
        %add3A_93 = arith.addi %mul3A_28, %add3A_92 : i32
        %dma_start3A_94 = arith.constant 0 : i32
        %dma_start3A_95 = tpu.memref_slice %arg9[%add3A_93, %dma_start3A_94] : memref<160x125xi32, #tpu.memory_space<vmem>> -> memref<1x125xi32, #tpu.memory_space<vmem>>
        %dma_start3A_96 = tpu.memref_squeeze %dma_start3A_95 : memref<1x125xi32, #tpu.memory_space<vmem>> -> memref<125xi32, #tpu.memory_space<vmem>>
        %dma_start3A_97 = arith.constant 0 : i32
        %dma_start3A_98 = arith.constant 0 : i32
        %dma_start3A_99 = tpu.memref_slice %arg23[%dma_start3A_97, %dma_start3A_98] : memref<10240x32xf32, #tpu.memory_space<vmem_shared>> -> memref<10240x32xf32, #tpu.memory_space<vmem_shared>>
        tpu.enqueue_indirect_dma source(%arg13 : memref<125x32xf32, #tpu.memory_space<vmem>>) target(%dma_start3A_99 : memref<10240x32xf32, #tpu.memory_space<vmem_shared>>) offsets(%dma_start3A_96 : memref<125xi32, #tpu.memory_space<vmem>>) semaphore(%arg21 : memref<!tpu.dma_semaphore, #tpu.memory_space<semaphore_mem>>) {add = true}
        %dma_wait3A_100 = arith.constant 0 : i32
        %dma_wait3A_101 = tpu.memref_slice %arg10[%add3A_52, %dma_wait3A_100] : memref<160x125xi32, #tpu.memory_space<vmem>> -> memref<1x125xi32, #tpu.memory_space<vmem>>
        %dma_wait3A_102 = tpu.memref_squeeze %dma_wait3A_101 : memref<1x125xi32, #tpu.memory_space<vmem>> -> memref<125xi32, #tpu.memory_space<vmem>>
        %dma_wait3A_103 = arith.constant 0 : i32
        %dma_wait3A_104 = arith.constant 0 : i32
        %dma_wait3A_105 = tpu.memref_slice %arg3[%dma_wait3A_103, %dma_wait3A_104] : memref<10000x32xf32, #tpu.memory_space<hbm>> -> memref<10000x32xf32, #tpu.memory_space<hbm>>
        tpu.wait_indirect_dma semaphore(%arg18 : memref<!tpu.dma_semaphore, #tpu.memory_space<semaphore_mem>>) src(%dma_wait3A_105 : memref<10000x32xf32, #tpu.memory_space<hbm>>) dst(%arg14 : memref<125x32xf32, #tpu.memory_space<vmem>>)
        %add3A_106 = arith.constant 3 : i32
        %add3A_107 = arith.addi %mul3A_28, %add3A_106 : i32
        %dma_start3A_108 = arith.constant 0 : i32
        %dma_start3A_109 = tpu.memref_slice %arg9[%add3A_107, %dma_start3A_108] : memref<160x125xi32, #tpu.memory_space<vmem>> -> memref<1x125xi32, #tpu.memory_space<vmem>>
        %dma_start3A_110 = tpu.memref_squeeze %dma_start3A_109 : memref<1x125xi32, #tpu.memory_space<vmem>> -> memref<125xi32, #tpu.memory_space<vmem>>
        %dma_start3A_111 = arith.constant 0 : i32
        %dma_start3A_112 = arith.constant 0 : i32
        %dma_start3A_113 = tpu.memref_slice %arg23[%dma_start3A_111, %dma_start3A_112] : memref<10240x32xf32, #tpu.memory_space<vmem_shared>> -> memref<10240x32xf32, #tpu.memory_space<vmem_shared>>
        tpu.enqueue_indirect_dma source(%arg14 : memref<125x32xf32, #tpu.memory_space<vmem>>) target(%dma_start3A_113 : memref<10240x32xf32, #tpu.memory_space<vmem_shared>>) offsets(%dma_start3A_110 : memref<125xi32, #tpu.memory_space<vmem>>) semaphore(%arg22 : memref<!tpu.dma_semaphore, #tpu.memory_space<semaphore_mem>>) {add = true}
        %dma_wait3A_114 = arith.constant 0 : i32
        %dma_wait3A_115 = tpu.memref_slice %arg9[%add3A_65, %dma_wait3A_114] : memref<160x125xi32, #tpu.memory_space<vmem>> -> memref<1x125xi32, #tpu.memory_space<vmem>>
        %dma_wait3A_116 = tpu.memref_squeeze %dma_wait3A_115 : memref<1x125xi32, #tpu.memory_space<vmem>> -> memref<125xi32, #tpu.memory_space<vmem>>
        %dma_wait3A_117 = arith.constant 0 : i32
        %dma_wait3A_118 = arith.constant 0 : i32
        %dma_wait3A_119 = tpu.memref_slice %arg23[%dma_wait3A_117, %dma_wait3A_118] : memref<10240x32xf32, #tpu.memory_space<vmem_shared>> -> memref<10240x32xf32, #tpu.memory_space<vmem_shared>>
        tpu.wait_indirect_dma semaphore(%arg19 : memref<!tpu.dma_semaphore, #tpu.memory_space<semaphore_mem>>) src(%arg11 : memref<125x32xf32, #tpu.memory_space<vmem>>) dst(%dma_wait3A_119 : memref<10240x32xf32, #tpu.memory_space<vmem_shared>>)
        %dma_wait3A_120 = arith.constant 0 : i32
        %dma_wait3A_121 = tpu.memref_slice %arg9[%add3A_79, %dma_wait3A_120] : memref<160x125xi32, #tpu.memory_space<vmem>> -> memref<1x125xi32, #tpu.memory_space<vmem>>
        %dma_wait3A_122 = tpu.memref_squeeze %dma_wait3A_121 : memref<1x125xi32, #tpu.memory_space<vmem>> -> memref<125xi32, #tpu.memory_space<vmem>>
        %dma_wait3A_123 = arith.constant 0 : i32
        %dma_wait3A_124 = arith.constant 0 : i32
        %dma_wait3A_125 = tpu.memref_slice %arg23[%dma_wait3A_123, %dma_wait3A_124] : memref<10240x32xf32, #tpu.memory_space<vmem_shared>> -> memref<10240x32xf32, #tpu.memory_space<vmem_shared>>
        tpu.wait_indirect_dma semaphore(%arg20 : memref<!tpu.dma_semaphore, #tpu.memory_space<semaphore_mem>>) src(%arg12 : memref<125x32xf32, #tpu.memory_space<vmem>>) dst(%dma_wait3A_125 : memref<10240x32xf32, #tpu.memory_space<vmem_shared>>)
        %dma_wait3A_126 = arith.constant 0 : i32
        %dma_wait3A_127 = tpu.memref_slice %arg9[%add3A_93, %dma_wait3A_126] : memref<160x125xi32, #tpu.memory_space<vmem>> -> memref<1x125xi32, #tpu.memory_space<vmem>>
        %dma_wait3A_128 = tpu.memref_squeeze %dma_wait3A_127 : memref<1x125xi32, #tpu.memory_space<vmem>> -> memref<125xi32, #tpu.memory_space<vmem>>
        %dma_wait3A_129 = arith.constant 0 : i32
        %dma_wait3A_130 = arith.constant 0 : i32
        %dma_wait3A_131 = tpu.memref_slice %arg23[%dma_wait3A_129, %dma_wait3A_130] : memref<10240x32xf32, #tpu.memory_space<vmem_shared>> -> memref<10240x32xf32, #tpu.memory_space<vmem_shared>>
        tpu.wait_indirect_dma semaphore(%arg21 : memref<!tpu.dma_semaphore, #tpu.memory_space<semaphore_mem>>) src(%arg13 : memref<125x32xf32, #tpu.memory_space<vmem>>) dst(%dma_wait3A_131 : memref<10240x32xf32, #tpu.memory_space<vmem_shared>>)
        %dma_wait3A_132 = arith.constant 0 : i32
        %dma_wait3A_133 = tpu.memref_slice %arg9[%add3A_107, %dma_wait3A_132] : memref<160x125xi32, #tpu.memory_space<vmem>> -> memref<1x125xi32, #tpu.memory_space<vmem>>
        %dma_wait3A_134 = tpu.memref_squeeze %dma_wait3A_133 : memref<1x125xi32, #tpu.memory_space<vmem>> -> memref<125xi32, #tpu.memory_space<vmem>>
        %dma_wait3A_135 = arith.constant 0 : i32
        %dma_wait3A_136 = arith.constant 0 : i32
        %dma_wait3A_137 = tpu.memref_slice %arg23[%dma_wait3A_135, %dma_wait3A_136] : memref<10240x32xf32, #tpu.memory_space<vmem_shared>> -> memref<10240x32xf32, #tpu.memory_space<vmem_shared>>
        tpu.wait_indirect_dma semaphore(%arg22 : memref<!tpu.dma_semaphore, #tpu.memory_space<semaphore_mem>>) src(%arg14 : memref<125x32xf32, #tpu.memory_space<vmem>>) dst(%dma_wait3A_137 : memref<10240x32xf32, #tpu.memory_space<vmem_shared>>)
      }
      %scan3A_25 = arith.constant 40 : i32
    } else {
    }
    %barrier3A_10 = arith.constant 0 : index
    tpu.barrier barrier_id(%barrier3A_10)
    %eq3A_11 = arith.constant 0 : i32
    %eq3A_12 = arith.cmpi eq, %arg0, %eq3A_11 : i32
    %convert_element_type3A_13 = arith.extui %eq3A_12 : i1 to i32
    %cond3A_14 = arith.constant 0 : i32
    %cond3A_15 = arith.cmpi ne, %convert_element_type3A_13, %cond3A_14 : i32
    scf.if %cond3A_15 {
      %mul3A_21 = arith.constant 640 : i32
      %mul3A_22 = arith.muli %arg1, %mul3A_21 : i32
      %mul3A_23 = arith.constant 640 : i32
      %mul3A_24 = arith.muli %arg1, %mul3A_23 : i32
      "tpu.region"() ({
        %run_scoped3A = tpu.sem_alloc : memref<!tpu.dma_semaphore, #tpu.memory_space<semaphore_mem>>
        %dma_start3A = arith.constant 0 : i32
        %dma_start3A_25 = tpu.memref_slice %arg7[%mul3A_24, %dma_start3A] : memref<10240x32xf32, #tpu.memory_space<hbm>> -> memref<640x32xf32, #tpu.memory_space<hbm>>
        %dma_start3A_26 = arith.constant 0 : i32
        %dma_start3A_27 = tpu.memref_slice %arg23[%mul3A_22, %dma_start3A_26] : memref<10240x32xf32, #tpu.memory_space<vmem_shared>> -> memref<640x32xf32, #tpu.memory_space<vmem_shared>>
        tpu.enqueue_dma source(%dma_start3A_27 : memref<640x32xf32, #tpu.memory_space<vmem_shared>>) target(%dma_start3A_25 : memref<640x32xf32, #tpu.memory_space<hbm>>) target_semaphore(%run_scoped3A : memref<!tpu.dma_semaphore, #tpu.memory_space<semaphore_mem>>)
        %dma_wait3A = arith.constant 0 : i32
        %dma_wait3A_28 = tpu.memref_slice %arg7[%mul3A_24, %dma_wait3A] : memref<10240x32xf32, #tpu.memory_space<hbm>> -> memref<640x32xf32, #tpu.memory_space<hbm>>
        %dma_wait3A_29 = arith.constant 0 : i32
        %dma_wait3A_30 = tpu.memref_slice %arg23[%mul3A_22, %dma_wait3A_29] : memref<10240x32xf32, #tpu.memory_space<vmem_shared>> -> memref<640x32xf32, #tpu.memory_space<vmem_shared>>
        tpu.wait_dma2 semaphore(%run_scoped3A : memref<!tpu.dma_semaphore, #tpu.memory_space<semaphore_mem>>) src(%dma_wait3A_30 : memref<640x32xf32, #tpu.memory_space<vmem_shared>>) dst(%dma_wait3A_28 : memref<640x32xf32, #tpu.memory_space<hbm>>)
        tpu.yield
      }) : () -> ()
    } else {
    }
    %eq3A_16 = arith.constant 1 : i32
    %eq3A_17 = arith.cmpi eq, %arg0, %eq3A_16 : i32
    %convert_element_type3A_18 = arith.extui %eq3A_17 : i1 to i32
    %cond3A_19 = arith.constant 0 : i32
    %cond3A_20 = arith.cmpi ne, %convert_element_type3A_18, %cond3A_19 : i32
    scf.if %cond3A_20 {
      %mul3A_21 = arith.constant 640 : i32
      %mul3A_22 = arith.muli %arg1, %mul3A_21 : i32
      %mul3A_23 = arith.constant 640 : i32
      %mul3A_24 = arith.muli %arg1, %mul3A_23 : i32
      "tpu.region"() ({
        %run_scoped3A = tpu.sem_alloc : memref<!tpu.dma_semaphore, #tpu.memory_space<semaphore_mem>>
        %dma_start3A = arith.constant 0 : i32
        %dma_start3A_25 = tpu.memref_slice %arg8[%mul3A_24, %dma_start3A] : memref<10240x32xf32, #tpu.memory_space<hbm>> -> memref<640x32xf32, #tpu.memory_space<hbm>>
        %dma_start3A_26 = arith.constant 0 : i32
        %dma_start3A_27 = tpu.memref_slice %arg23[%mul3A_22, %dma_start3A_26] : memref<10240x32xf32, #tpu.memory_space<vmem_shared>> -> memref<640x32xf32, #tpu.memory_space<vmem_shared>>
        tpu.enqueue_dma source(%dma_start3A_27 : memref<640x32xf32, #tpu.memory_space<vmem_shared>>) target(%dma_start3A_25 : memref<640x32xf32, #tpu.memory_space<hbm>>) target_semaphore(%run_scoped3A : memref<!tpu.dma_semaphore, #tpu.memory_space<semaphore_mem>>)
        %dma_wait3A = arith.constant 0 : i32
        %dma_wait3A_28 = tpu.memref_slice %arg8[%mul3A_24, %dma_wait3A] : memref<10240x32xf32, #tpu.memory_space<hbm>> -> memref<640x32xf32, #tpu.memory_space<hbm>>
        %dma_wait3A_29 = arith.constant 0 : i32
        %dma_wait3A_30 = tpu.memref_slice %arg23[%mul3A_22, %dma_wait3A_29] : memref<10240x32xf32, #tpu.memory_space<vmem_shared>> -> memref<640x32xf32, #tpu.memory_space<vmem_shared>>
        tpu.wait_dma2 semaphore(%run_scoped3A : memref<!tpu.dma_semaphore, #tpu.memory_space<semaphore_mem>>) src(%dma_wait3A_30 : memref<640x32xf32, #tpu.memory_space<vmem_shared>>) dst(%dma_wait3A_28 : memref<640x32xf32, #tpu.memory_space<hbm>>)
        tpu.yield
      }) : () -> ()
    } else {
    }
    return
  }
}

module attributes {stable_mosaic.version = 14 : i64} {
  func.func @_tc_pre_body(%arg0: i32, %arg1: memref<1000x128xf32, #tpu.memory_space<vmem>>, %arg2: memref<128x32xf32, #tpu.memory_space<vmem>>, %arg3: memref<1000x32xf32, #tpu.memory_space<vmem>>, %arg4: memref<1000x32xf32, #tpu.memory_space<vmem>>, %arg5: memref<1000x32xf32, #tpu.memory_space<vmem>>, %arg6: memref<1000x32xf32, #tpu.memory_space<vmem>>) attributes {dimension_semantics = [#tpu.dimension_semantics<arbitrary>], iteration_bounds = array<i64: 10>, scalar_prefetch = 0 : i64, scratch_operands = 0 : i64, tpu.core_type = #tpu.core_type<tc>, window_params = [{transform_indices = @transform_0, window_bounds = array<i64: 1000, 128>}, {pipeline_mode = #tpu.pipeline_mode<synchronous>, transform_indices = @transform_1, window_bounds = array<i64: 128, 32>}, {transform_indices = @transform_2, window_bounds = array<i64: 1000, 32>}, {transform_indices = @transform_3, window_bounds = array<i64: 1000, 32>}, {transform_indices = @transform_4, window_bounds = array<i64: 1000, 32>}, {transform_indices = @transform_5, window_bounds = array<i64: 1000, 32>}]} {
    %get3A = arith.constant 0 : index
    %get3A_0 = arith.constant 0 : index
    %get3A_1 = vector.load %arg1[%get3A, %get3A_0] : memref<1000x128xf32, #tpu.memory_space<vmem>>, vector<1000x128xf32>
    %get3A_2 = arith.constant 0 : index
    %get3A_3 = arith.constant 0 : index
    %get3A_4 = vector.load %arg2[%get3A_2, %get3A_3] : memref<128x32xf32, #tpu.memory_space<vmem>>, vector<128x32xf32>
    %get3A_5 = arith.constant 0 : index
    %get3A_6 = arith.constant 0 : index
    %get3A_7 = vector.load %arg3[%get3A_5, %get3A_6] : memref<1000x32xf32, #tpu.memory_space<vmem>>, vector<1000x32xf32>
    %max3A = arith.constant 1.000000e+00 : f32
    %max3A_8 = vector.broadcast %max3A : f32 to vector<1000x32xf32>
    %max3A_9 = arith.maximumf %get3A_7, %max3A_8 : vector<1000x32xf32>
    %rsqrt3A = math.rsqrt %max3A_9 : vector<1000x32xf32>
    %slice3A = vector.extract_strided_slice %rsqrt3A {offsets = [0, 0], sizes = [1000, 1], strides = [1, 1]} : vector<1000x32xf32> to vector<1000x1xf32>
    %get3A_10 = arith.constant 0 : index
    %get3A_11 = arith.constant 0 : index
    %get3A_12 = vector.load %arg4[%get3A_10, %get3A_11] : memref<1000x32xf32, #tpu.memory_space<vmem>>, vector<1000x32xf32>
    %max3A_13 = arith.constant 1.000000e+00 : f32
    %max3A_14 = vector.broadcast %max3A_13 : f32 to vector<1000x32xf32>
    %max3A_15 = arith.maximumf %get3A_12, %max3A_14 : vector<1000x32xf32>
    %rsqrt3A_16 = math.rsqrt %max3A_15 : vector<1000x32xf32>
    %slice3A_17 = vector.extract_strided_slice %rsqrt3A_16 {offsets = [0, 0], sizes = [1000, 1], strides = [1, 1]} : vector<1000x32xf32> to vector<1000x1xf32>
    %mul3A = vector.broadcast %slice3A : vector<1000x1xf32> to vector<1000x128xf32>
    %mul3A_18 = arith.mulf %get3A_1, %mul3A : vector<1000x128xf32>
    %convert_element_type3A = arith.truncf %mul3A_18 : vector<1000x128xf32> to vector<1000x128xbf16>
    %convert_element_type3A_19 = arith.truncf %get3A_4 : vector<128x32xf32> to vector<128x32xbf16>
    %dot_general3A = arith.constant dense<0.000000e+00> : vector<1000x32xf32>
    %dot_general3A_20 = tpu.matmul %convert_element_type3A, %convert_element_type3A_19, %dot_general3A {dimension_numbers = #tpu.dot_dimension_numbers<[1], [0], [0], [1], [0, 0, 1, 1], [], []>, transpose_lhs_hint = false} : vector<1000x128xbf16>, vector<128x32xbf16>, vector<1000x32xf32> -> vector<1000x32xf32>
    %swap3A = arith.constant 0 : index
    %swap3A_21 = arith.constant 0 : index
    %swap3A_22 = vector.load %arg5[%swap3A, %swap3A_21] : memref<1000x32xf32, #tpu.memory_space<vmem>>, vector<1000x32xf32>
    tpu.vector_store %arg5[%swap3A, %swap3A_21], %dot_general3A_20 {strides = array<i32>} : memref<1000x32xf32, #tpu.memory_space<vmem>>, vector<1000x32xf32>,
    %mul3A_23 = vector.broadcast %slice3A_17 : vector<1000x1xf32> to vector<1000x128xf32>
    %mul3A_24 = arith.mulf %get3A_1, %mul3A_23 : vector<1000x128xf32>
    %convert_element_type3A_25 = arith.truncf %mul3A_24 : vector<1000x128xf32> to vector<1000x128xbf16>
    %convert_element_type3A_26 = arith.truncf %get3A_4 : vector<128x32xf32> to vector<128x32xbf16>
    %dot_general3A_27 = arith.constant dense<0.000000e+00> : vector<1000x32xf32>
    %dot_general3A_28 = tpu.matmul %convert_element_type3A_25, %convert_element_type3A_26, %dot_general3A_27 {dimension_numbers = #tpu.dot_dimension_numbers<[1], [0], [0], [1], [0, 0, 1, 1], [], []>, transpose_lhs_hint = false} : vector<1000x128xbf16>, vector<128x32xbf16>, vector<1000x32xf32> -> vector<1000x32xf32>
    %swap3A_29 = arith.constant 0 : index
    %swap3A_30 = arith.constant 0 : index
    %swap3A_31 = vector.load %arg6[%swap3A_29, %swap3A_30] : memref<1000x32xf32, #tpu.memory_space<vmem>>, vector<1000x32xf32>
    tpu.vector_store %arg6[%swap3A_29, %swap3A_30], %dot_general3A_28 {strides = array<i32>} : memref<1000x32xf32, #tpu.memory_space<vmem>>, vector<1000x32xf32>,
    return
  }
  func.func @transform_0(%arg0: i32) -> (i32, i32) {
    %c0_i32 = arith.constant 0 : i32
    %c0_i32_0 = arith.constant 0 : i32
    return %arg0, %c0_i32 : i32, i32
  }
  func.func @transform_1(%arg0: i32) -> (i32, i32) {
    %c0_i32 = arith.constant 0 : i32
    %c0_i32_0 = arith.constant 0 : i32
    %c0_i32_1 = arith.constant 0 : i32
    return %c0_i32, %c0_i32_0 : i32, i32
  }
  func.func @transform_2(%arg0: i32) -> (i32, i32) {
    %c0_i32 = arith.constant 0 : i32
    %c0_i32_0 = arith.constant 0 : i32
    return %arg0, %c0_i32 : i32, i32
  }
  func.func @transform_3(%arg0: i32) -> (i32, i32) {
    %c0_i32 = arith.constant 0 : i32
    %c0_i32_0 = arith.constant 0 : i32
    return %arg0, %c0_i32 : i32, i32
  }
  func.func @transform_4(%arg0: i32) -> (i32, i32) {
    %c0_i32 = arith.constant 0 : i32
    %c0_i32_0 = arith.constant 0 : i32
    return %arg0, %c0_i32 : i32, i32
  }
  func.func @transform_5(%arg0: i32) -> (i32, i32) {
    %c0_i32 = arith.constant 0 : i32
    %c0_i32_0 = arith.constant 0 : i32
    return %arg0, %c0_i32 : i32, i32
  }
}

module attributes {stable_mosaic.version = 14 : i64} {
  func.func @_tc_mid_body(%arg0: i32, %arg1: i32, %arg2: memref<1000x32xf32, #tpu.memory_space<vmem>>, %arg3: memref<1000x32xf32, #tpu.memory_space<vmem>>, %arg4: memref<1000x32xf32, #tpu.memory_space<vmem>>, %arg5: memref<1000x32xf32, #tpu.memory_space<vmem>>, %arg6: memref<64x32xf32, #tpu.memory_space<vmem>>, %arg7: memref<1x32xf32, #tpu.memory_space<vmem>>, %arg8: memref<1x32xf32, #tpu.memory_space<vmem>>, %arg9: memref<32x32xf32, #tpu.memory_space<vmem>>, %arg10: memref<1000x32xf32, #tpu.memory_space<vmem>>, %arg11: memref<1000x32xf32, #tpu.memory_space<vmem>>, %arg12: memref<1000x32xf32, #tpu.memory_space<vmem>>, %arg13: memref<10000x32xf32, #tpu.memory_space<vmem>>, %arg14: memref<1x32xf32, #tpu.memory_space<vmem>>, %arg15: memref<1x32xf32, #tpu.memory_space<vmem>>) attributes {dimension_semantics = [#tpu.dimension_semantics<arbitrary>, #tpu.dimension_semantics<arbitrary>], iteration_bounds = array<i64: 3, 10>, scalar_prefetch = 0 : i64, scratch_operands = 3 : i64, tpu.core_type = #tpu.core_type<tc>, window_params = [{transform_indices = @transform_0, window_bounds = array<i64: 1000, 32>}, {transform_indices = @transform_1, window_bounds = array<i64: 1000, 32>}, {transform_indices = @transform_2, window_bounds = array<i64: 1000, 32>}, {transform_indices = @transform_3, window_bounds = array<i64: 1000, 32>}, {pipeline_mode = #tpu.pipeline_mode<synchronous>, transform_indices = @transform_4, window_bounds = array<i64: 64, 32>}, {pipeline_mode = #tpu.pipeline_mode<synchronous>, transform_indices = @transform_5, window_bounds = array<i64: 1, 32>}, {pipeline_mode = #tpu.pipeline_mode<synchronous>, transform_indices = @transform_6, window_bounds = array<i64: 1, 32>}, {pipeline_mode = #tpu.pipeline_mode<synchronous>, transform_indices = @transform_7, window_bounds = array<i64: 32, 32>}, {transform_indices = @transform_8, window_bounds = array<i64: 1000, 32>}, {transform_indices = @transform_9, window_bounds = array<i64: 1000, 32>}, {transform_indices = @transform_10, window_bounds = array<i64: 1000, 32>}]} {
    %get3A = arith.constant 0 : index
    %get3A_0 = arith.constant 0 : index
    %get3A_1 = vector.load %arg4[%get3A, %get3A_0] : memref<1000x32xf32, #tpu.memory_space<vmem>>, vector<1000x32xf32>
    %max3A = arith.constant 1.000000e+00 : f32
    %max3A_2 = vector.broadcast %max3A : f32 to vector<1000x32xf32>
    %max3A_3 = arith.maximumf %get3A_1, %max3A_2 : vector<1000x32xf32>
    %rsqrt3A = math.rsqrt %max3A_3 : vector<1000x32xf32>
    %get3A_4 = arith.constant 0 : index
    %get3A_5 = arith.constant 0 : index
    %get3A_6 = vector.load %arg5[%get3A_4, %get3A_5] : memref<1000x32xf32, #tpu.memory_space<vmem>>, vector<1000x32xf32>
    %max3A_7 = arith.constant 1.000000e+00 : f32
    %max3A_8 = vector.broadcast %max3A_7 : f32 to vector<1000x32xf32>
    %max3A_9 = arith.maximumf %get3A_6, %max3A_8 : vector<1000x32xf32>
    %rsqrt3A_10 = math.rsqrt %max3A_9 : vector<1000x32xf32>
    %eq3A = arith.constant 0 : i32
    %eq3A_11 = arith.cmpi eq, %arg0, %eq3A : i32
    %convert_element_type3A = arith.extui %eq3A_11 : i1 to i32
    %cond3A = arith.constant 0 : i32
    %cond3A_12 = arith.cmpi ne, %convert_element_type3A, %cond3A : i32
    scf.if %cond3A_12 {
      %eq3A_23 = arith.constant 0 : i32
      %eq3A_24 = arith.cmpi eq, %arg1, %eq3A_23 : i32
      %convert_element_type3A_25 = arith.extui %eq3A_24 : i1 to i32
      %cond3A_26 = arith.constant 0 : i32
      %cond3A_27 = arith.cmpi ne, %convert_element_type3A_25, %cond3A_26 : i32
      scf.if %cond3A_27 {
        %broadcast_in_dim3A_52 = arith.constant 0.000000e+00 : f32
        %broadcast_in_dim3A_53 = vector.broadcast %broadcast_in_dim3A_52 : f32 to vector<1x32xf32>
        %swap3A_54 = arith.constant 0 : index
        %swap3A_55 = arith.constant 0 : index
        %swap3A_56 = vector.load %arg14[%swap3A_54, %swap3A_55] : memref<1x32xf32, #tpu.memory_space<vmem>>, vector<1x32xf32>
        tpu.vector_store %arg14[%swap3A_54, %swap3A_55], %broadcast_in_dim3A_53 {strides = array<i32>} : memref<1x32xf32, #tpu.memory_space<vmem>>, vector<1x32xf32>,
        %broadcast_in_dim3A_57 = arith.constant 0.000000e+00 : f32
        %broadcast_in_dim3A_58 = vector.broadcast %broadcast_in_dim3A_57 : f32 to vector<1x32xf32>
        %swap3A_59 = arith.constant 0 : index
        %swap3A_60 = arith.constant 0 : index
        %swap3A_61 = vector.load %arg15[%swap3A_59, %swap3A_60] : memref<1x32xf32, #tpu.memory_space<vmem>>, vector<1x32xf32>
        tpu.vector_store %arg15[%swap3A_59, %swap3A_60], %broadcast_in_dim3A_58 {strides = array<i32>} : memref<1x32xf32, #tpu.memory_space<vmem>>, vector<1x32xf32>,
      } else {
      }
      %get3A_28 = arith.constant 0 : index
      %get3A_29 = arith.constant 0 : index
      %get3A_30 = vector.load %arg2[%get3A_28, %get3A_29] : memref<1000x32xf32, #tpu.memory_space<vmem>>, vector<1000x32xf32>
      %mul3A = arith.mulf %get3A_30, %rsqrt3A_10 : vector<1000x32xf32>
      %get3A_31 = arith.constant 0 : index
      %get3A_32 = arith.constant 0 : index
      %get3A_33 = vector.load %arg3[%get3A_31, %get3A_32] : memref<1000x32xf32, #tpu.memory_space<vmem>>, vector<1000x32xf32>
      %mul3A_34 = arith.mulf %get3A_33, %rsqrt3A : vector<1000x32xf32>
      %concatenate3A = tpu.concatenate %mul3A, %mul3A_34 in 1 : vector<1000x32xf32>, vector<1000x32xf32> -> vector<1000x64xf32>
      %get3A_35 = arith.constant 0 : index
      %get3A_36 = arith.constant 0 : index
      %get3A_37 = vector.load %arg6[%get3A_35, %get3A_36] : memref<64x32xf32, #tpu.memory_space<vmem>>, vector<64x32xf32>
      %convert_element_type3A_38 = arith.truncf %concatenate3A : vector<1000x64xf32> to vector<1000x64xbf16>
      %convert_element_type3A_39 = arith.truncf %get3A_37 : vector<64x32xf32> to vector<64x32xbf16>
      %dot_general3A = arith.constant dense<0.000000e+00> : vector<1000x32xf32>
      %dot_general3A_40 = tpu.matmul %convert_element_type3A_38, %convert_element_type3A_39, %dot_general3A {dimension_numbers = #tpu.dot_dimension_numbers<[1], [0], [0], [1], [0, 0, 1, 1], [], []>, transpose_lhs_hint = false} : vector<1000x64xbf16>, vector<64x32xbf16>, vector<1000x32xf32> -> vector<1000x32xf32>
      %mul3A_41 = arith.constant 1000 : i32
      %mul3A_42 = arith.muli %arg1, %mul3A_41 : i32
      %swap3A = arith.index_cast %mul3A_42 : i32 to index
      %swap3A_43 = arith.constant 0 : index
      %swap3A_44 = vector.load %arg13[%swap3A, %swap3A_43] : memref<10000x32xf32, #tpu.memory_space<vmem>>, vector<1000x32xf32>
      tpu.vector_store %arg13[%swap3A, %swap3A_43], %dot_general3A_40 {strides = array<i32>} : memref<10000x32xf32, #tpu.memory_space<vmem>>, vector<1000x32xf32>,
      %get3A_45 = arith.constant 0 : index
      %get3A_46 = arith.constant 0 : index
      %get3A_47 = vector.load %arg14[%get3A_45, %get3A_46] : memref<1x32xf32, #tpu.memory_space<vmem>>, vector<1x32xf32>
      %reduce_sum3A = arith.constant dense<0.000000e+00> : vector<32xf32>
      %reduce_sum3A_48 = vector.multi_reduction <add>, %dot_general3A_40, %reduce_sum3A [0] : vector<1000x32xf32> to vector<32xf32>
      %broadcast_in_dim3A = vector.shape_cast %reduce_sum3A_48 : vector<32xf32> to vector<1x32xf32>
      %add3A = arith.addf %get3A_47, %broadcast_in_dim3A : vector<1x32xf32>
      %swap3A_49 = arith.constant 0 : index
      %swap3A_50 = arith.constant 0 : index
      %swap3A_51 = vector.load %arg14[%swap3A_49, %swap3A_50] : memref<1x32xf32, #tpu.memory_space<vmem>>, vector<1x32xf32>
      tpu.vector_store %arg14[%swap3A_49, %swap3A_50], %add3A {strides = array<i32>} : memref<1x32xf32, #tpu.memory_space<vmem>>, vector<1x32xf32>,
    } else {
    }
    %eq3A_13 = arith.constant 1 : i32
    %eq3A_14 = arith.cmpi eq, %arg0, %eq3A_13 : i32
    %convert_element_type3A_15 = arith.extui %eq3A_14 : i1 to i32
    %cond3A_16 = arith.constant 0 : i32
    %cond3A_17 = arith.cmpi ne, %convert_element_type3A_15, %cond3A_16 : i32
    scf.if %cond3A_17 {
      %get3A_23 = arith.constant 0 : index
      %get3A_24 = arith.constant 0 : index
      %get3A_25 = vector.load %arg14[%get3A_23, %get3A_24] : memref<1x32xf32, #tpu.memory_space<vmem>>, vector<1x32xf32>
      %mul3A = arith.constant 9.99999974E-5 : f32
      %mul3A_26 = vector.broadcast %mul3A : f32 to vector<1x32xf32>
      %mul3A_27 = arith.mulf %get3A_25, %mul3A_26 : vector<1x32xf32>
      %mul3A_28 = arith.constant 1000 : i32
      %mul3A_29 = arith.muli %arg1, %mul3A_28 : i32
      %get3A_30 = arith.index_cast %mul3A_29 : i32 to index
      %get3A_31 = arith.constant 0 : index
      %get3A_32 = vector.load %arg13[%get3A_30, %get3A_31] : memref<10000x32xf32, #tpu.memory_space<vmem>>, vector<1000x32xf32>
      %sub3A = vector.broadcast %mul3A_27 : vector<1x32xf32> to vector<1000x32xf32>
      %sub3A_33 = arith.subf %get3A_32, %sub3A : vector<1000x32xf32>
      %get3A_34 = arith.constant 0 : index
      %get3A_35 = arith.constant 0 : index
      %get3A_36 = vector.load %arg15[%get3A_34, %get3A_35] : memref<1x32xf32, #tpu.memory_space<vmem>>, vector<1x32xf32>
      %mul3A_37 = arith.mulf %sub3A_33, %sub3A_33 : vector<1000x32xf32>
      %reduce_sum3A = arith.constant dense<0.000000e+00> : vector<32xf32>
      %reduce_sum3A_38 = vector.multi_reduction <add>, %mul3A_37, %reduce_sum3A [0] : vector<1000x32xf32> to vector<32xf32>
      %broadcast_in_dim3A = vector.shape_cast %reduce_sum3A_38 : vector<32xf32> to vector<1x32xf32>
      %add3A = arith.addf %get3A_36, %broadcast_in_dim3A : vector<1x32xf32>
      %swap3A = arith.constant 0 : index
      %swap3A_39 = arith.constant 0 : index
      %swap3A_40 = vector.load %arg15[%swap3A, %swap3A_39] : memref<1x32xf32, #tpu.memory_space<vmem>>, vector<1x32xf32>
      tpu.vector_store %arg15[%swap3A, %swap3A_39], %add3A {strides = array<i32>} : memref<1x32xf32, #tpu.memory_space<vmem>>, vector<1x32xf32>,
    } else {
    }
    %eq3A_18 = arith.constant 2 : i32
    %eq3A_19 = arith.cmpi eq, %arg0, %eq3A_18 : i32
    %convert_element_type3A_20 = arith.extui %eq3A_19 : i1 to i32
    %cond3A_21 = arith.constant 0 : i32
    %cond3A_22 = arith.cmpi ne, %convert_element_type3A_20, %cond3A_21 : i32
    scf.if %cond3A_22 {
      %get3A_23 = arith.constant 0 : index
      %get3A_24 = arith.constant 0 : index
      %get3A_25 = vector.load %arg14[%get3A_23, %get3A_24] : memref<1x32xf32, #tpu.memory_space<vmem>>, vector<1x32xf32>
      %mul3A = arith.constant 9.99999974E-5 : f32
      %mul3A_26 = vector.broadcast %mul3A : f32 to vector<1x32xf32>
      %mul3A_27 = arith.mulf %get3A_25, %mul3A_26 : vector<1x32xf32>
      %get3A_28 = arith.constant 0 : index
      %get3A_29 = arith.constant 0 : index
      %get3A_30 = vector.load %arg15[%get3A_28, %get3A_29] : memref<1x32xf32, #tpu.memory_space<vmem>>, vector<1x32xf32>
      %mul3A_31 = arith.constant 9.99999974E-5 : f32
      %mul3A_32 = vector.broadcast %mul3A_31 : f32 to vector<1x32xf32>
      %mul3A_33 = arith.mulf %get3A_30, %mul3A_32 : vector<1x32xf32>
      %mul3A_34 = arith.constant 1000 : i32
      %mul3A_35 = arith.muli %arg1, %mul3A_34 : i32
      %get3A_36 = arith.index_cast %mul3A_35 : i32 to index
      %get3A_37 = arith.constant 0 : index
      %get3A_38 = vector.load %arg13[%get3A_36, %get3A_37] : memref<10000x32xf32, #tpu.memory_space<vmem>>, vector<1000x32xf32>
      %sub3A = vector.broadcast %mul3A_27 : vector<1x32xf32> to vector<1000x32xf32>
      %sub3A_39 = arith.subf %get3A_38, %sub3A : vector<1000x32xf32>
      %add3A = arith.constant 9.99999974E-6 : f32
      %add3A_40 = vector.broadcast %add3A : f32 to vector<1x32xf32>
      %add3A_41 = arith.addf %mul3A_33, %add3A_40 : vector<1x32xf32>
      %rsqrt3A_42 = math.rsqrt %add3A_41 : vector<1x32xf32>
      %mul3A_43 = vector.broadcast %rsqrt3A_42 : vector<1x32xf32> to vector<1000x32xf32>
      %mul3A_44 = arith.mulf %sub3A_39, %mul3A_43 : vector<1000x32xf32>
      %get3A_45 = arith.constant 0 : index
      %get3A_46 = arith.constant 0 : index
      %get3A_47 = vector.load %arg7[%get3A_45, %get3A_46] : memref<1x32xf32, #tpu.memory_space<vmem>>, vector<1x32xf32>
      %mul3A_48 = vector.broadcast %get3A_47 : vector<1x32xf32> to vector<1000x32xf32>
      %mul3A_49 = arith.mulf %mul3A_44, %mul3A_48 : vector<1000x32xf32>
      %get3A_50 = arith.constant 0 : index
      %get3A_51 = arith.constant 0 : index
      %get3A_52 = vector.load %arg8[%get3A_50, %get3A_51] : memref<1x32xf32, #tpu.memory_space<vmem>>, vector<1x32xf32>
      %add3A_53 = vector.broadcast %get3A_52 : vector<1x32xf32> to vector<1000x32xf32>
      %add3A_54 = arith.addf %mul3A_49, %add3A_53 : vector<1000x32xf32>
      %max3A_55 = arith.constant 0.000000e+00 : f32
      %max3A_56 = vector.broadcast %max3A_55 : f32 to vector<1000x32xf32>
      %max3A_57 = arith.maximumf %add3A_54, %max3A_56 : vector<1000x32xf32>
      %swap3A = arith.constant 0 : index
      %swap3A_58 = arith.constant 0 : index
      %swap3A_59 = vector.load %arg10[%swap3A, %swap3A_58] : memref<1000x32xf32, #tpu.memory_space<vmem>>, vector<1000x32xf32>
      tpu.vector_store %arg10[%swap3A, %swap3A_58], %max3A_57 {strides = array<i32>} : memref<1000x32xf32, #tpu.memory_space<vmem>>, vector<1000x32xf32>,
      %get3A_60 = arith.constant 0 : index
      %get3A_61 = arith.constant 0 : index
      %get3A_62 = vector.load %arg9[%get3A_60, %get3A_61] : memref<32x32xf32, #tpu.memory_space<vmem>>, vector<32x32xf32>
      %mul3A_63 = arith.mulf %max3A_57, %rsqrt3A : vector<1000x32xf32>
      %convert_element_type3A_64 = arith.truncf %mul3A_63 : vector<1000x32xf32> to vector<1000x32xbf16>
      %convert_element_type3A_65 = arith.truncf %get3A_62 : vector<32x32xf32> to vector<32x32xbf16>
      %dot_general3A = arith.constant dense<0.000000e+00> : vector<1000x32xf32>
      %dot_general3A_66 = tpu.matmul %convert_element_type3A_64, %convert_element_type3A_65, %dot_general3A {dimension_numbers = #tpu.dot_dimension_numbers<[1], [0], [0], [1], [0, 0, 1, 1], [], []>, transpose_lhs_hint = false} : vector<1000x32xbf16>, vector<32x32xbf16>, vector<1000x32xf32> -> vector<1000x32xf32>
      %swap3A_67 = arith.constant 0 : index
      %swap3A_68 = arith.constant 0 : index
      %swap3A_69 = vector.load %arg11[%swap3A_67, %swap3A_68] : memref<1000x32xf32, #tpu.memory_space<vmem>>, vector<1000x32xf32>
      tpu.vector_store %arg11[%swap3A_67, %swap3A_68], %dot_general3A_66 {strides = array<i32>} : memref<1000x32xf32, #tpu.memory_space<vmem>>, vector<1000x32xf32>,
      %mul3A_70 = arith.mulf %max3A_57, %rsqrt3A_10 : vector<1000x32xf32>
      %convert_element_type3A_71 = arith.truncf %mul3A_70 : vector<1000x32xf32> to vector<1000x32xbf16>
      %convert_element_type3A_72 = arith.truncf %get3A_62 : vector<32x32xf32> to vector<32x32xbf16>
      %dot_general3A_73 = arith.constant dense<0.000000e+00> : vector<1000x32xf32>
      %dot_general3A_74 = tpu.matmul %convert_element_type3A_71, %convert_element_type3A_72, %dot_general3A_73 {dimension_numbers = #tpu.dot_dimension_numbers<[1], [0], [0], [1], [0, 0, 1, 1], [], []>, transpose_lhs_hint = false} : vector<1000x32xbf16>, vector<32x32xbf16>, vector<1000x32xf32> -> vector<1000x32xf32>
      %swap3A_75 = arith.constant 0 : index
      %swap3A_76 = arith.constant 0 : index
      %swap3A_77 = vector.load %arg12[%swap3A_75, %swap3A_76] : memref<1000x32xf32, #tpu.memory_space<vmem>>, vector<1000x32xf32>
      tpu.vector_store %arg12[%swap3A_75, %swap3A_76], %dot_general3A_74 {strides = array<i32>} : memref<1000x32xf32, #tpu.memory_space<vmem>>, vector<1000x32xf32>,
    } else {
    }
    return
  }
  func.func @transform_0(%arg0: i32, %arg1: i32) -> (i32, i32) {
    %c0_i32 = arith.constant 0 : i32
    %c0_i32_0 = arith.constant 0 : i32
    return %arg1, %c0_i32 : i32, i32
  }
  func.func @transform_1(%arg0: i32, %arg1: i32) -> (i32, i32) {
    %c0_i32 = arith.constant 0 : i32
    %c0_i32_0 = arith.constant 0 : i32
    return %arg1, %c0_i32 : i32, i32
  }
  func.func @transform_2(%arg0: i32, %arg1: i32) -> (i32, i32) {
    %c0_i32 = arith.constant 0 : i32
    %c0_i32_0 = arith.constant 0 : i32
    return %arg1, %c0_i32 : i32, i32
  }
  func.func @transform_3(%arg0: i32, %arg1: i32) -> (i32, i32) {
    %c0_i32 = arith.constant 0 : i32
    %c0_i32_0 = arith.constant 0 : i32
    return %arg1, %c0_i32 : i32, i32
  }
  func.func @transform_4(%arg0: i32, %arg1: i32) -> (i32, i32) {
    %c0_i32 = arith.constant 0 : i32
    %c0_i32_0 = arith.constant 0 : i32
    %c0_i32_1 = arith.constant 0 : i32
    return %c0_i32, %c0_i32_0 : i32, i32
  }
  func.func @transform_5(%arg0: i32, %arg1: i32) -> (i32, i32) {
    %c0_i32 = arith.constant 0 : i32
    %c0_i32_0 = arith.constant 0 : i32
    %c0_i32_1 = arith.constant 0 : i32
    return %c0_i32, %c0_i32_0 : i32, i32
  }
  func.func @transform_6(%arg0: i32, %arg1: i32) -> (i32, i32) {
    %c0_i32 = arith.constant 0 : i32
    %c0_i32_0 = arith.constant 0 : i32
    %c0_i32_1 = arith.constant 0 : i32
    return %c0_i32, %c0_i32_0 : i32, i32
  }
  func.func @transform_7(%arg0: i32, %arg1: i32) -> (i32, i32) {
    %c0_i32 = arith.constant 0 : i32
    %c0_i32_0 = arith.constant 0 : i32
    %c0_i32_1 = arith.constant 0 : i32
    return %c0_i32, %c0_i32_0 : i32, i32
  }
  func.func @transform_8(%arg0: i32, %arg1: i32) -> (i32, i32) {
    %eq3A = arith.constant 2 : i32
    %eq3A_0 = arith.cmpi eq, %arg0, %eq3A : i32
    %jit3A = arith.constant 0 : i32
    %select_n3A = arith.select %eq3A_0, %arg1, %jit3A : i32
    %c0_i32 = arith.constant 0 : i32
    %c0_i32_1 = arith.constant 0 : i32
    return %select_n3A, %c0_i32 : i32, i32
  }
  func.func @transform_9(%arg0: i32, %arg1: i32) -> (i32, i32) {
    %eq3A = arith.constant 2 : i32
    %eq3A_0 = arith.cmpi eq, %arg0, %eq3A : i32
    %jit3A = arith.constant 0 : i32
    %select_n3A = arith.select %eq3A_0, %arg1, %jit3A : i32
    %c0_i32 = arith.constant 0 : i32
    %c0_i32_1 = arith.constant 0 : i32
    return %select_n3A, %c0_i32 : i32, i32
  }
  func.func @transform_10(%arg0: i32, %arg1: i32) -> (i32, i32) {
    %eq3A = arith.constant 2 : i32
    %eq3A_0 = arith.cmpi eq, %arg0, %eq3A : i32
    %jit3A = arith.constant 0 : i32
    %select_n3A = arith.select %eq3A_0, %arg1, %jit3A : i32
    %c0_i32 = arith.constant 0 : i32
    %c0_i32_1 = arith.constant 0 : i32
    return %select_n3A, %c0_i32 : i32, i32
  }
}

module attributes {stable_mosaic.version = 14 : i64} {
  func.func @_tc_mid_body(%arg0: i32, %arg1: i32, %arg2: memref<1000x32xf32, #tpu.memory_space<vmem>>, %arg3: memref<1000x32xf32, #tpu.memory_space<vmem>>, %arg4: memref<1000x32xf32, #tpu.memory_space<vmem>>, %arg5: memref<1000x32xf32, #tpu.memory_space<vmem>>, %arg6: memref<64x32xf32, #tpu.memory_space<vmem>>, %arg7: memref<1x32xf32, #tpu.memory_space<vmem>>, %arg8: memref<1x32xf32, #tpu.memory_space<vmem>>, %arg9: memref<1000x32xf32, #tpu.memory_space<vmem>>, %arg10: memref<32x32xf32, #tpu.memory_space<vmem>>, %arg11: memref<1000x32xf32, #tpu.memory_space<vmem>>, %arg12: memref<1000x32xf32, #tpu.memory_space<vmem>>, %arg13: memref<1000x32xf32, #tpu.memory_space<vmem>>, %arg14: memref<10000x32xf32, #tpu.memory_space<vmem>>, %arg15: memref<1x32xf32, #tpu.memory_space<vmem>>, %arg16: memref<1x32xf32, #tpu.memory_space<vmem>>) attributes {dimension_semantics = [#tpu.dimension_semantics<arbitrary>, #tpu.dimension_semantics<arbitrary>], iteration_bounds = array<i64: 3, 10>, scalar_prefetch = 0 : i64, scratch_operands = 3 : i64, tpu.core_type = #tpu.core_type<tc>, window_params = [{transform_indices = @transform_0, window_bounds = array<i64: 1000, 32>}, {transform_indices = @transform_1, window_bounds = array<i64: 1000, 32>}, {transform_indices = @transform_2, window_bounds = array<i64: 1000, 32>}, {transform_indices = @transform_3, window_bounds = array<i64: 1000, 32>}, {pipeline_mode = #tpu.pipeline_mode<synchronous>, transform_indices = @transform_4, window_bounds = array<i64: 64, 32>}, {pipeline_mode = #tpu.pipeline_mode<synchronous>, transform_indices = @transform_5, window_bounds = array<i64: 1, 32>}, {pipeline_mode = #tpu.pipeline_mode<synchronous>, transform_indices = @transform_6, window_bounds = array<i64: 1, 32>}, {transform_indices = @transform_7, window_bounds = array<i64: 1000, 32>}, {pipeline_mode = #tpu.pipeline_mode<synchronous>, transform_indices = @transform_8, window_bounds = array<i64: 32, 32>}, {transform_indices = @transform_9, window_bounds = array<i64: 1000, 32>}, {transform_indices = @transform_10, window_bounds = array<i64: 1000, 32>}, {transform_indices = @transform_11, window_bounds = array<i64: 1000, 32>}]} {
    %get3A = arith.constant 0 : index
    %get3A_0 = arith.constant 0 : index
    %get3A_1 = vector.load %arg4[%get3A, %get3A_0] : memref<1000x32xf32, #tpu.memory_space<vmem>>, vector<1000x32xf32>
    %max3A = arith.constant 1.000000e+00 : f32
    %max3A_2 = vector.broadcast %max3A : f32 to vector<1000x32xf32>
    %max3A_3 = arith.maximumf %get3A_1, %max3A_2 : vector<1000x32xf32>
    %rsqrt3A = math.rsqrt %max3A_3 : vector<1000x32xf32>
    %get3A_4 = arith.constant 0 : index
    %get3A_5 = arith.constant 0 : index
    %get3A_6 = vector.load %arg5[%get3A_4, %get3A_5] : memref<1000x32xf32, #tpu.memory_space<vmem>>, vector<1000x32xf32>
    %max3A_7 = arith.constant 1.000000e+00 : f32
    %max3A_8 = vector.broadcast %max3A_7 : f32 to vector<1000x32xf32>
    %max3A_9 = arith.maximumf %get3A_6, %max3A_8 : vector<1000x32xf32>
    %rsqrt3A_10 = math.rsqrt %max3A_9 : vector<1000x32xf32>
    %eq3A = arith.constant 0 : i32
    %eq3A_11 = arith.cmpi eq, %arg0, %eq3A : i32
    %convert_element_type3A = arith.extui %eq3A_11 : i1 to i32
    %cond3A = arith.constant 0 : i32
    %cond3A_12 = arith.cmpi ne, %convert_element_type3A, %cond3A : i32
    scf.if %cond3A_12 {
      %eq3A_23 = arith.constant 0 : i32
      %eq3A_24 = arith.cmpi eq, %arg1, %eq3A_23 : i32
      %convert_element_type3A_25 = arith.extui %eq3A_24 : i1 to i32
      %cond3A_26 = arith.constant 0 : i32
      %cond3A_27 = arith.cmpi ne, %convert_element_type3A_25, %cond3A_26 : i32
      scf.if %cond3A_27 {
        %broadcast_in_dim3A_52 = arith.constant 0.000000e+00 : f32
        %broadcast_in_dim3A_53 = vector.broadcast %broadcast_in_dim3A_52 : f32 to vector<1x32xf32>
        %swap3A_54 = arith.constant 0 : index
        %swap3A_55 = arith.constant 0 : index
        %swap3A_56 = vector.load %arg15[%swap3A_54, %swap3A_55] : memref<1x32xf32, #tpu.memory_space<vmem>>, vector<1x32xf32>
        tpu.vector_store %arg15[%swap3A_54, %swap3A_55], %broadcast_in_dim3A_53 {strides = array<i32>} : memref<1x32xf32, #tpu.memory_space<vmem>>, vector<1x32xf32>,
        %broadcast_in_dim3A_57 = arith.constant 0.000000e+00 : f32
        %broadcast_in_dim3A_58 = vector.broadcast %broadcast_in_dim3A_57 : f32 to vector<1x32xf32>
        %swap3A_59 = arith.constant 0 : index
        %swap3A_60 = arith.constant 0 : index
        %swap3A_61 = vector.load %arg16[%swap3A_59, %swap3A_60] : memref<1x32xf32, #tpu.memory_space<vmem>>, vector<1x32xf32>
        tpu.vector_store %arg16[%swap3A_59, %swap3A_60], %broadcast_in_dim3A_58 {strides = array<i32>} : memref<1x32xf32, #tpu.memory_space<vmem>>, vector<1x32xf32>,
      } else {
      }
      %get3A_28 = arith.constant 0 : index
      %get3A_29 = arith.constant 0 : index
      %get3A_30 = vector.load %arg2[%get3A_28, %get3A_29] : memref<1000x32xf32, #tpu.memory_space<vmem>>, vector<1000x32xf32>
      %mul3A = arith.mulf %get3A_30, %rsqrt3A_10 : vector<1000x32xf32>
      %get3A_31 = arith.constant 0 : index
      %get3A_32 = arith.constant 0 : index
      %get3A_33 = vector.load %arg3[%get3A_31, %get3A_32] : memref<1000x32xf32, #tpu.memory_space<vmem>>, vector<1000x32xf32>
      %mul3A_34 = arith.mulf %get3A_33, %rsqrt3A : vector<1000x32xf32>
      %concatenate3A = tpu.concatenate %mul3A, %mul3A_34 in 1 : vector<1000x32xf32>, vector<1000x32xf32> -> vector<1000x64xf32>
      %get3A_35 = arith.constant 0 : index
      %get3A_36 = arith.constant 0 : index
      %get3A_37 = vector.load %arg6[%get3A_35, %get3A_36] : memref<64x32xf32, #tpu.memory_space<vmem>>, vector<64x32xf32>
      %convert_element_type3A_38 = arith.truncf %concatenate3A : vector<1000x64xf32> to vector<1000x64xbf16>
      %convert_element_type3A_39 = arith.truncf %get3A_37 : vector<64x32xf32> to vector<64x32xbf16>
      %dot_general3A = arith.constant dense<0.000000e+00> : vector<1000x32xf32>
      %dot_general3A_40 = tpu.matmul %convert_element_type3A_38, %convert_element_type3A_39, %dot_general3A {dimension_numbers = #tpu.dot_dimension_numbers<[1], [0], [0], [1], [0, 0, 1, 1], [], []>, transpose_lhs_hint = false} : vector<1000x64xbf16>, vector<64x32xbf16>, vector<1000x32xf32> -> vector<1000x32xf32>
      %mul3A_41 = arith.constant 1000 : i32
      %mul3A_42 = arith.muli %arg1, %mul3A_41 : i32
      %swap3A = arith.index_cast %mul3A_42 : i32 to index
      %swap3A_43 = arith.constant 0 : index
      %swap3A_44 = vector.load %arg14[%swap3A, %swap3A_43] : memref<10000x32xf32, #tpu.memory_space<vmem>>, vector<1000x32xf32>
      tpu.vector_store %arg14[%swap3A, %swap3A_43], %dot_general3A_40 {strides = array<i32>} : memref<10000x32xf32, #tpu.memory_space<vmem>>, vector<1000x32xf32>,
      %get3A_45 = arith.constant 0 : index
      %get3A_46 = arith.constant 0 : index
      %get3A_47 = vector.load %arg15[%get3A_45, %get3A_46] : memref<1x32xf32, #tpu.memory_space<vmem>>, vector<1x32xf32>
      %reduce_sum3A = arith.constant dense<0.000000e+00> : vector<32xf32>
      %reduce_sum3A_48 = vector.multi_reduction <add>, %dot_general3A_40, %reduce_sum3A [0] : vector<1000x32xf32> to vector<32xf32>
      %broadcast_in_dim3A = vector.shape_cast %reduce_sum3A_48 : vector<32xf32> to vector<1x32xf32>
      %add3A = arith.addf %get3A_47, %broadcast_in_dim3A : vector<1x32xf32>
      %swap3A_49 = arith.constant 0 : index
      %swap3A_50 = arith.constant 0 : index
      %swap3A_51 = vector.load %arg15[%swap3A_49, %swap3A_50] : memref<1x32xf32, #tpu.memory_space<vmem>>, vector<1x32xf32>
      tpu.vector_store %arg15[%swap3A_49, %swap3A_50], %add3A {strides = array<i32>} : memref<1x32xf32, #tpu.memory_space<vmem>>, vector<1x32xf32>,
    } else {
    }
    %eq3A_13 = arith.constant 1 : i32
    %eq3A_14 = arith.cmpi eq, %arg0, %eq3A_13 : i32
    %convert_element_type3A_15 = arith.extui %eq3A_14 : i1 to i32
    %cond3A_16 = arith.constant 0 : i32
    %cond3A_17 = arith.cmpi ne, %convert_element_type3A_15, %cond3A_16 : i32
    scf.if %cond3A_17 {
      %get3A_23 = arith.constant 0 : index
      %get3A_24 = arith.constant 0 : index
      %get3A_25 = vector.load %arg15[%get3A_23, %get3A_24] : memref<1x32xf32, #tpu.memory_space<vmem>>, vector<1x32xf32>
      %mul3A = arith.constant 9.99999974E-5 : f32
      %mul3A_26 = vector.broadcast %mul3A : f32 to vector<1x32xf32>
      %mul3A_27 = arith.mulf %get3A_25, %mul3A_26 : vector<1x32xf32>
      %mul3A_28 = arith.constant 1000 : i32
      %mul3A_29 = arith.muli %arg1, %mul3A_28 : i32
      %get3A_30 = arith.index_cast %mul3A_29 : i32 to index
      %get3A_31 = arith.constant 0 : index
      %get3A_32 = vector.load %arg14[%get3A_30, %get3A_31] : memref<10000x32xf32, #tpu.memory_space<vmem>>, vector<1000x32xf32>
      %sub3A = vector.broadcast %mul3A_27 : vector<1x32xf32> to vector<1000x32xf32>
      %sub3A_33 = arith.subf %get3A_32, %sub3A : vector<1000x32xf32>
      %get3A_34 = arith.constant 0 : index
      %get3A_35 = arith.constant 0 : index
      %get3A_36 = vector.load %arg16[%get3A_34, %get3A_35] : memref<1x32xf32, #tpu.memory_space<vmem>>, vector<1x32xf32>
      %mul3A_37 = arith.mulf %sub3A_33, %sub3A_33 : vector<1000x32xf32>
      %reduce_sum3A = arith.constant dense<0.000000e+00> : vector<32xf32>
      %reduce_sum3A_38 = vector.multi_reduction <add>, %mul3A_37, %reduce_sum3A [0] : vector<1000x32xf32> to vector<32xf32>
      %broadcast_in_dim3A = vector.shape_cast %reduce_sum3A_38 : vector<32xf32> to vector<1x32xf32>
      %add3A = arith.addf %get3A_36, %broadcast_in_dim3A : vector<1x32xf32>
      %swap3A = arith.constant 0 : index
      %swap3A_39 = arith.constant 0 : index
      %swap3A_40 = vector.load %arg16[%swap3A, %swap3A_39] : memref<1x32xf32, #tpu.memory_space<vmem>>, vector<1x32xf32>
      tpu.vector_store %arg16[%swap3A, %swap3A_39], %add3A {strides = array<i32>} : memref<1x32xf32, #tpu.memory_space<vmem>>, vector<1x32xf32>,
    } else {
    }
    %eq3A_18 = arith.constant 2 : i32
    %eq3A_19 = arith.cmpi eq, %arg0, %eq3A_18 : i32
    %convert_element_type3A_20 = arith.extui %eq3A_19 : i1 to i32
    %cond3A_21 = arith.constant 0 : i32
    %cond3A_22 = arith.cmpi ne, %convert_element_type3A_20, %cond3A_21 : i32
    scf.if %cond3A_22 {
      %get3A_23 = arith.constant 0 : index
      %get3A_24 = arith.constant 0 : index
      %get3A_25 = vector.load %arg15[%get3A_23, %get3A_24] : memref<1x32xf32, #tpu.memory_space<vmem>>, vector<1x32xf32>
      %mul3A = arith.constant 9.99999974E-5 : f32
      %mul3A_26 = vector.broadcast %mul3A : f32 to vector<1x32xf32>
      %mul3A_27 = arith.mulf %get3A_25, %mul3A_26 : vector<1x32xf32>
      %get3A_28 = arith.constant 0 : index
      %get3A_29 = arith.constant 0 : index
      %get3A_30 = vector.load %arg16[%get3A_28, %get3A_29] : memref<1x32xf32, #tpu.memory_space<vmem>>, vector<1x32xf32>
      %mul3A_31 = arith.constant 9.99999974E-5 : f32
      %mul3A_32 = vector.broadcast %mul3A_31 : f32 to vector<1x32xf32>
      %mul3A_33 = arith.mulf %get3A_30, %mul3A_32 : vector<1x32xf32>
      %mul3A_34 = arith.constant 1000 : i32
      %mul3A_35 = arith.muli %arg1, %mul3A_34 : i32
      %get3A_36 = arith.index_cast %mul3A_35 : i32 to index
      %get3A_37 = arith.constant 0 : index
      %get3A_38 = vector.load %arg14[%get3A_36, %get3A_37] : memref<10000x32xf32, #tpu.memory_space<vmem>>, vector<1000x32xf32>
      %sub3A = vector.broadcast %mul3A_27 : vector<1x32xf32> to vector<1000x32xf32>
      %sub3A_39 = arith.subf %get3A_38, %sub3A : vector<1000x32xf32>
      %add3A = arith.constant 9.99999974E-6 : f32
      %add3A_40 = vector.broadcast %add3A : f32 to vector<1x32xf32>
      %add3A_41 = arith.addf %mul3A_33, %add3A_40 : vector<1x32xf32>
      %rsqrt3A_42 = math.rsqrt %add3A_41 : vector<1x32xf32>
      %mul3A_43 = vector.broadcast %rsqrt3A_42 : vector<1x32xf32> to vector<1000x32xf32>
      %mul3A_44 = arith.mulf %sub3A_39, %mul3A_43 : vector<1000x32xf32>
      %get3A_45 = arith.constant 0 : index
      %get3A_46 = arith.constant 0 : index
      %get3A_47 = vector.load %arg7[%get3A_45, %get3A_46] : memref<1x32xf32, #tpu.memory_space<vmem>>, vector<1x32xf32>
      %mul3A_48 = vector.broadcast %get3A_47 : vector<1x32xf32> to vector<1000x32xf32>
      %mul3A_49 = arith.mulf %mul3A_44, %mul3A_48 : vector<1000x32xf32>
      %get3A_50 = arith.constant 0 : index
      %get3A_51 = arith.constant 0 : index
      %get3A_52 = vector.load %arg8[%get3A_50, %get3A_51] : memref<1x32xf32, #tpu.memory_space<vmem>>, vector<1x32xf32>
      %add3A_53 = vector.broadcast %get3A_52 : vector<1x32xf32> to vector<1000x32xf32>
      %add3A_54 = arith.addf %mul3A_49, %add3A_53 : vector<1000x32xf32>
      %get3A_55 = arith.constant 0 : index
      %get3A_56 = arith.constant 0 : index
      %get3A_57 = vector.load %arg9[%get3A_55, %get3A_56] : memref<1000x32xf32, #tpu.memory_space<vmem>>, vector<1000x32xf32>
      %add3A_58 = arith.addf %add3A_54, %get3A_57 : vector<1000x32xf32>
      %max3A_59 = arith.constant 0.000000e+00 : f32
      %max3A_60 = vector.broadcast %max3A_59 : f32 to vector<1000x32xf32>
      %max3A_61 = arith.maximumf %add3A_58, %max3A_60 : vector<1000x32xf32>
      %swap3A = arith.constant 0 : index
      %swap3A_62 = arith.constant 0 : index
      %swap3A_63 = vector.load %arg11[%swap3A, %swap3A_62] : memref<1000x32xf32, #tpu.memory_space<vmem>>, vector<1000x32xf32>
      tpu.vector_store %arg11[%swap3A, %swap3A_62], %max3A_61 {strides = array<i32>} : memref<1000x32xf32, #tpu.memory_space<vmem>>, vector<1000x32xf32>,
      %get3A_64 = arith.constant 0 : index
      %get3A_65 = arith.constant 0 : index
      %get3A_66 = vector.load %arg10[%get3A_64, %get3A_65] : memref<32x32xf32, #tpu.memory_space<vmem>>, vector<32x32xf32>
      %mul3A_67 = arith.mulf %max3A_61, %rsqrt3A : vector<1000x32xf32>
      %convert_element_type3A_68 = arith.truncf %mul3A_67 : vector<1000x32xf32> to vector<1000x32xbf16>
      %convert_element_type3A_69 = arith.truncf %get3A_66 : vector<32x32xf32> to vector<32x32xbf16>
      %dot_general3A = arith.constant dense<0.000000e+00> : vector<1000x32xf32>
      %dot_general3A_70 = tpu.matmul %convert_element_type3A_68, %convert_element_type3A_69, %dot_general3A {dimension_numbers = #tpu.dot_dimension_numbers<[1], [0], [0], [1], [0, 0, 1, 1], [], []>, transpose_lhs_hint = false} : vector<1000x32xbf16>, vector<32x32xbf16>, vector<1000x32xf32> -> vector<1000x32xf32>
      %swap3A_71 = arith.constant 0 : index
      %swap3A_72 = arith.constant 0 : index
      %swap3A_73 = vector.load %arg12[%swap3A_71, %swap3A_72] : memref<1000x32xf32, #tpu.memory_space<vmem>>, vector<1000x32xf32>
      tpu.vector_store %arg12[%swap3A_71, %swap3A_72], %dot_general3A_70 {strides = array<i32>} : memref<1000x32xf32, #tpu.memory_space<vmem>>, vector<1000x32xf32>,
      %mul3A_74 = arith.mulf %max3A_61, %rsqrt3A_10 : vector<1000x32xf32>
      %convert_element_type3A_75 = arith.truncf %mul3A_74 : vector<1000x32xf32> to vector<1000x32xbf16>
      %convert_element_type3A_76 = arith.truncf %get3A_66 : vector<32x32xf32> to vector<32x32xbf16>
      %dot_general3A_77 = arith.constant dense<0.000000e+00> : vector<1000x32xf32>
      %dot_general3A_78 = tpu.matmul %convert_element_type3A_75, %convert_element_type3A_76, %dot_general3A_77 {dimension_numbers = #tpu.dot_dimension_numbers<[1], [0], [0], [1], [0, 0, 1, 1], [], []>, transpose_lhs_hint = false} : vector<1000x32xbf16>, vector<32x32xbf16>, vector<1000x32xf32> -> vector<1000x32xf32>
      %swap3A_79 = arith.constant 0 : index
      %swap3A_80 = arith.constant 0 : index
      %swap3A_81 = vector.load %arg13[%swap3A_79, %swap3A_80] : memref<1000x32xf32, #tpu.memory_space<vmem>>, vector<1000x32xf32>
      tpu.vector_store %arg13[%swap3A_79, %swap3A_80], %dot_general3A_78 {strides = array<i32>} : memref<1000x32xf32, #tpu.memory_space<vmem>>, vector<1000x32xf32>,
    } else {
    }
    return
  }
  func.func @transform_0(%arg0: i32, %arg1: i32) -> (i32, i32) {
    %c0_i32 = arith.constant 0 : i32
    %c0_i32_0 = arith.constant 0 : i32
    return %arg1, %c0_i32 : i32, i32
  }
  func.func @transform_1(%arg0: i32, %arg1: i32) -> (i32, i32) {
    %c0_i32 = arith.constant 0 : i32
    %c0_i32_0 = arith.constant 0 : i32
    return %arg1, %c0_i32 : i32, i32
  }
  func.func @transform_2(%arg0: i32, %arg1: i32) -> (i32, i32) {
    %c0_i32 = arith.constant 0 : i32
    %c0_i32_0 = arith.constant 0 : i32
    return %arg1, %c0_i32 : i32, i32
  }
  func.func @transform_3(%arg0: i32, %arg1: i32) -> (i32, i32) {
    %c0_i32 = arith.constant 0 : i32
    %c0_i32_0 = arith.constant 0 : i32
    return %arg1, %c0_i32 : i32, i32
  }
  func.func @transform_4(%arg0: i32, %arg1: i32) -> (i32, i32) {
    %c0_i32 = arith.constant 0 : i32
    %c0_i32_0 = arith.constant 0 : i32
    %c0_i32_1 = arith.constant 0 : i32
    return %c0_i32, %c0_i32_0 : i32, i32
  }
  func.func @transform_5(%arg0: i32, %arg1: i32) -> (i32, i32) {
    %c0_i32 = arith.constant 0 : i32
    %c0_i32_0 = arith.constant 0 : i32
    %c0_i32_1 = arith.constant 0 : i32
    return %c0_i32, %c0_i32_0 : i32, i32
  }
  func.func @transform_6(%arg0: i32, %arg1: i32) -> (i32, i32) {
    %c0_i32 = arith.constant 0 : i32
    %c0_i32_0 = arith.constant 0 : i32
    %c0_i32_1 = arith.constant 0 : i32
    return %c0_i32, %c0_i32_0 : i32, i32
  }
  func.func @transform_7(%arg0: i32, %arg1: i32) -> (i32, i32) {
    %c0_i32 = arith.constant 0 : i32
    %c0_i32_0 = arith.constant 0 : i32
    return %arg1, %c0_i32 : i32, i32
  }
  func.func @transform_8(%arg0: i32, %arg1: i32) -> (i32, i32) {
    %c0_i32 = arith.constant 0 : i32
    %c0_i32_0 = arith.constant 0 : i32
    %c0_i32_1 = arith.constant 0 : i32
    return %c0_i32, %c0_i32_0 : i32, i32
  }
  func.func @transform_9(%arg0: i32, %arg1: i32) -> (i32, i32) {
    %eq3A = arith.constant 2 : i32
    %eq3A_0 = arith.cmpi eq, %arg0, %eq3A : i32
    %jit3A = arith.constant 0 : i32
    %select_n3A = arith.select %eq3A_0, %arg1, %jit3A : i32
    %c0_i32 = arith.constant 0 : i32
    %c0_i32_1 = arith.constant 0 : i32
    return %select_n3A, %c0_i32 : i32, i32
  }
  func.func @transform_10(%arg0: i32, %arg1: i32) -> (i32, i32) {
    %eq3A = arith.constant 2 : i32
    %eq3A_0 = arith.cmpi eq, %arg0, %eq3A : i32
    %jit3A = arith.constant 0 : i32
    %select_n3A = arith.select %eq3A_0, %arg1, %jit3A : i32
    %c0_i32 = arith.constant 0 : i32
    %c0_i32_1 = arith.constant 0 : i32
    return %select_n3A, %c0_i32 : i32, i32
  }
  func.func @transform_11(%arg0: i32, %arg1: i32) -> (i32, i32) {
    %eq3A = arith.constant 2 : i32
    %eq3A_0 = arith.cmpi eq, %arg0, %eq3A : i32
    %jit3A = arith.constant 0 : i32
    %select_n3A = arith.select %eq3A_0, %arg1, %jit3A : i32
    %c0_i32 = arith.constant 0 : i32
    %c0_i32_1 = arith.constant 0 : i32
    return %select_n3A, %c0_i32 : i32, i32
  }
}

module attributes {stable_mosaic.version = 14 : i64} {
  func.func @_tc_fin_body(%arg0: i32, %arg1: i32, %arg2: memref<1000x32xf32, #tpu.memory_space<vmem>>, %arg3: memref<1000x32xf32, #tpu.memory_space<vmem>>, %arg4: memref<1000x32xf32, #tpu.memory_space<vmem>>, %arg5: memref<1000x32xf32, #tpu.memory_space<vmem>>, %arg6: memref<64x32xf32, #tpu.memory_space<vmem>>, %arg7: memref<1x32xf32, #tpu.memory_space<vmem>>, %arg8: memref<1x32xf32, #tpu.memory_space<vmem>>, %arg9: memref<1000x32xf32, #tpu.memory_space<vmem>>, %arg10: memref<32x1xf32, #tpu.memory_space<vmem>>, %arg11: memref<1x1xf32, #tpu.memory_space<vmem>>, %arg12: memref<1000x1xf32, #tpu.memory_space<vmem>>, %arg13: memref<10000x32xf32, #tpu.memory_space<vmem>>, %arg14: memref<1x32xf32, #tpu.memory_space<vmem>>, %arg15: memref<1x32xf32, #tpu.memory_space<vmem>>) attributes {dimension_semantics = [#tpu.dimension_semantics<arbitrary>, #tpu.dimension_semantics<arbitrary>], iteration_bounds = array<i64: 3, 10>, scalar_prefetch = 0 : i64, scratch_operands = 3 : i64, tpu.core_type = #tpu.core_type<tc>, window_params = [{transform_indices = @transform_0, window_bounds = array<i64: 1000, 32>}, {transform_indices = @transform_1, window_bounds = array<i64: 1000, 32>}, {transform_indices = @transform_2, window_bounds = array<i64: 1000, 32>}, {transform_indices = @transform_3, window_bounds = array<i64: 1000, 32>}, {pipeline_mode = #tpu.pipeline_mode<synchronous>, transform_indices = @transform_4, window_bounds = array<i64: 64, 32>}, {pipeline_mode = #tpu.pipeline_mode<synchronous>, transform_indices = @transform_5, window_bounds = array<i64: 1, 32>}, {pipeline_mode = #tpu.pipeline_mode<synchronous>, transform_indices = @transform_6, window_bounds = array<i64: 1, 32>}, {transform_indices = @transform_7, window_bounds = array<i64: 1000, 32>}, {pipeline_mode = #tpu.pipeline_mode<synchronous>, transform_indices = @transform_8, window_bounds = array<i64: 32, 1>}, {pipeline_mode = #tpu.pipeline_mode<synchronous>, transform_indices = @transform_9, window_bounds = array<i64: 1, 1>}, {transform_indices = @transform_10, window_bounds = array<i64: 1000, 1>}]} {
    %eq3A = arith.constant 0 : i32
    %eq3A_0 = arith.cmpi eq, %arg0, %eq3A : i32
    %convert_element_type3A = arith.extui %eq3A_0 : i1 to i32
    %cond3A = arith.constant 0 : i32
    %cond3A_1 = arith.cmpi ne, %convert_element_type3A, %cond3A : i32
    scf.if %cond3A_1 {
      %eq3A_12 = arith.constant 0 : i32
      %eq3A_13 = arith.cmpi eq, %arg1, %eq3A_12 : i32
      %convert_element_type3A_14 = arith.extui %eq3A_13 : i1 to i32
      %cond3A_15 = arith.constant 0 : i32
      %cond3A_16 = arith.cmpi ne, %convert_element_type3A_14, %cond3A_15 : i32
      scf.if %cond3A_16 {
        %broadcast_in_dim3A_56 = arith.constant 0.000000e+00 : f32
        %broadcast_in_dim3A_57 = vector.broadcast %broadcast_in_dim3A_56 : f32 to vector<1x32xf32>
        %swap3A_58 = arith.constant 0 : index
        %swap3A_59 = arith.constant 0 : index
        %swap3A_60 = vector.load %arg14[%swap3A_58, %swap3A_59] : memref<1x32xf32, #tpu.memory_space<vmem>>, vector<1x32xf32>
        tpu.vector_store %arg14[%swap3A_58, %swap3A_59], %broadcast_in_dim3A_57 {strides = array<i32>} : memref<1x32xf32, #tpu.memory_space<vmem>>, vector<1x32xf32>,
        %broadcast_in_dim3A_61 = arith.constant 0.000000e+00 : f32
        %broadcast_in_dim3A_62 = vector.broadcast %broadcast_in_dim3A_61 : f32 to vector<1x32xf32>
        %swap3A_63 = arith.constant 0 : index
        %swap3A_64 = arith.constant 0 : index
        %swap3A_65 = vector.load %arg15[%swap3A_63, %swap3A_64] : memref<1x32xf32, #tpu.memory_space<vmem>>, vector<1x32xf32>
        tpu.vector_store %arg15[%swap3A_63, %swap3A_64], %broadcast_in_dim3A_62 {strides = array<i32>} : memref<1x32xf32, #tpu.memory_space<vmem>>, vector<1x32xf32>,
      } else {
      }
      %get3A = arith.constant 0 : index
      %get3A_17 = arith.constant 0 : index
      %get3A_18 = vector.load %arg2[%get3A, %get3A_17] : memref<1000x32xf32, #tpu.memory_space<vmem>>, vector<1000x32xf32>
      %get3A_19 = arith.constant 0 : index
      %get3A_20 = arith.constant 0 : index
      %get3A_21 = vector.load %arg5[%get3A_19, %get3A_20] : memref<1000x32xf32, #tpu.memory_space<vmem>>, vector<1000x32xf32>
      %max3A = arith.constant 1.000000e+00 : f32
      %max3A_22 = vector.broadcast %max3A : f32 to vector<1000x32xf32>
      %max3A_23 = arith.maximumf %get3A_21, %max3A_22 : vector<1000x32xf32>
      %rsqrt3A = math.rsqrt %max3A_23 : vector<1000x32xf32>
      %mul3A = arith.mulf %get3A_18, %rsqrt3A : vector<1000x32xf32>
      %get3A_24 = arith.constant 0 : index
      %get3A_25 = arith.constant 0 : index
      %get3A_26 = vector.load %arg3[%get3A_24, %get3A_25] : memref<1000x32xf32, #tpu.memory_space<vmem>>, vector<1000x32xf32>
      %get3A_27 = arith.constant 0 : index
      %get3A_28 = arith.constant 0 : index
      %get3A_29 = vector.load %arg4[%get3A_27, %get3A_28] : memref<1000x32xf32, #tpu.memory_space<vmem>>, vector<1000x32xf32>
      %max3A_30 = arith.constant 1.000000e+00 : f32
      %max3A_31 = vector.broadcast %max3A_30 : f32 to vector<1000x32xf32>
      %max3A_32 = arith.maximumf %get3A_29, %max3A_31 : vector<1000x32xf32>
      %rsqrt3A_33 = math.rsqrt %max3A_32 : vector<1000x32xf32>
      %mul3A_34 = arith.mulf %get3A_26, %rsqrt3A_33 : vector<1000x32xf32>
      %concatenate3A = tpu.concatenate %mul3A, %mul3A_34 in 1 : vector<1000x32xf32>, vector<1000x32xf32> -> vector<1000x64xf32>
      %get3A_35 = arith.constant 0 : index
      %get3A_36 = arith.constant 0 : index
      %get3A_37 = vector.load %arg6[%get3A_35, %get3A_36] : memref<64x32xf32, #tpu.memory_space<vmem>>, vector<64x32xf32>
      %convert_element_type3A_38 = arith.truncf %concatenate3A : vector<1000x64xf32> to vector<1000x64xbf16>
      %convert_element_type3A_39 = arith.truncf %get3A_37 : vector<64x32xf32> to vector<64x32xbf16>
      %dot_general3A = arith.constant dense<0.000000e+00> : vector<1000x32xf32>
      %dot_general3A_40 = tpu.matmul %convert_element_type3A_38, %convert_element_type3A_39, %dot_general3A {dimension_numbers = #tpu.dot_dimension_numbers<[1], [0], [0], [1], [0, 0, 1, 1], [], []>, transpose_lhs_hint = false} : vector<1000x64xbf16>, vector<64x32xbf16>, vector<1000x32xf32> -> vector<1000x32xf32>
      %get3A_41 = arith.constant 0 : index
      %get3A_42 = arith.constant 0 : index
      %get3A_43 = vector.load %arg9[%get3A_41, %get3A_42] : memref<1000x32xf32, #tpu.memory_space<vmem>>, vector<1000x32xf32>
      %add3A = arith.addf %dot_general3A_40, %get3A_43 : vector<1000x32xf32>
      %mul3A_44 = arith.constant 1000 : i32
      %mul3A_45 = arith.muli %arg1, %mul3A_44 : i32
      %swap3A = arith.index_cast %mul3A_45 : i32 to index
      %swap3A_46 = arith.constant 0 : index
      %swap3A_47 = vector.load %arg13[%swap3A, %swap3A_46] : memref<10000x32xf32, #tpu.memory_space<vmem>>, vector<1000x32xf32>
      tpu.vector_store %arg13[%swap3A, %swap3A_46], %add3A {strides = array<i32>} : memref<10000x32xf32, #tpu.memory_space<vmem>>, vector<1000x32xf32>,
      %get3A_48 = arith.constant 0 : index
      %get3A_49 = arith.constant 0 : index
      %get3A_50 = vector.load %arg14[%get3A_48, %get3A_49] : memref<1x32xf32, #tpu.memory_space<vmem>>, vector<1x32xf32>
      %reduce_sum3A = arith.constant dense<0.000000e+00> : vector<32xf32>
      %reduce_sum3A_51 = vector.multi_reduction <add>, %add3A, %reduce_sum3A [0] : vector<1000x32xf32> to vector<32xf32>
      %broadcast_in_dim3A = vector.shape_cast %reduce_sum3A_51 : vector<32xf32> to vector<1x32xf32>
      %add3A_52 = arith.addf %get3A_50, %broadcast_in_dim3A : vector<1x32xf32>
      %swap3A_53 = arith.constant 0 : index
      %swap3A_54 = arith.constant 0 : index
      %swap3A_55 = vector.load %arg14[%swap3A_53, %swap3A_54] : memref<1x32xf32, #tpu.memory_space<vmem>>, vector<1x32xf32>
      tpu.vector_store %arg14[%swap3A_53, %swap3A_54], %add3A_52 {strides = array<i32>} : memref<1x32xf32, #tpu.memory_space<vmem>>, vector<1x32xf32>,
    } else {
    }
    %eq3A_2 = arith.constant 1 : i32
    %eq3A_3 = arith.cmpi eq, %arg0, %eq3A_2 : i32
    %convert_element_type3A_4 = arith.extui %eq3A_3 : i1 to i32
    %cond3A_5 = arith.constant 0 : i32
    %cond3A_6 = arith.cmpi ne, %convert_element_type3A_4, %cond3A_5 : i32
    scf.if %cond3A_6 {
      %get3A = arith.constant 0 : index
      %get3A_12 = arith.constant 0 : index
      %get3A_13 = vector.load %arg14[%get3A, %get3A_12] : memref<1x32xf32, #tpu.memory_space<vmem>>, vector<1x32xf32>
      %mul3A = arith.constant 9.99999974E-5 : f32
      %mul3A_14 = vector.broadcast %mul3A : f32 to vector<1x32xf32>
      %mul3A_15 = arith.mulf %get3A_13, %mul3A_14 : vector<1x32xf32>
      %mul3A_16 = arith.constant 1000 : i32
      %mul3A_17 = arith.muli %arg1, %mul3A_16 : i32
      %get3A_18 = arith.index_cast %mul3A_17 : i32 to index
      %get3A_19 = arith.constant 0 : index
      %get3A_20 = vector.load %arg13[%get3A_18, %get3A_19] : memref<10000x32xf32, #tpu.memory_space<vmem>>, vector<1000x32xf32>
      %sub3A = vector.broadcast %mul3A_15 : vector<1x32xf32> to vector<1000x32xf32>
      %sub3A_21 = arith.subf %get3A_20, %sub3A : vector<1000x32xf32>
      %get3A_22 = arith.constant 0 : index
      %get3A_23 = arith.constant 0 : index
      %get3A_24 = vector.load %arg15[%get3A_22, %get3A_23] : memref<1x32xf32, #tpu.memory_space<vmem>>, vector<1x32xf32>
      %mul3A_25 = arith.mulf %sub3A_21, %sub3A_21 : vector<1000x32xf32>
      %reduce_sum3A = arith.constant dense<0.000000e+00> : vector<32xf32>
      %reduce_sum3A_26 = vector.multi_reduction <add>, %mul3A_25, %reduce_sum3A [0] : vector<1000x32xf32> to vector<32xf32>
      %broadcast_in_dim3A = vector.shape_cast %reduce_sum3A_26 : vector<32xf32> to vector<1x32xf32>
      %add3A = arith.addf %get3A_24, %broadcast_in_dim3A : vector<1x32xf32>
      %swap3A = arith.constant 0 : index
      %swap3A_27 = arith.constant 0 : index
      %swap3A_28 = vector.load %arg15[%swap3A, %swap3A_27] : memref<1x32xf32, #tpu.memory_space<vmem>>, vector<1x32xf32>
      tpu.vector_store %arg15[%swap3A, %swap3A_27], %add3A {strides = array<i32>} : memref<1x32xf32, #tpu.memory_space<vmem>>, vector<1x32xf32>,
    } else {
    }
    %eq3A_7 = arith.constant 2 : i32
    %eq3A_8 = arith.cmpi eq, %arg0, %eq3A_7 : i32
    %convert_element_type3A_9 = arith.extui %eq3A_8 : i1 to i32
    %cond3A_10 = arith.constant 0 : i32
    %cond3A_11 = arith.cmpi ne, %convert_element_type3A_9, %cond3A_10 : i32
    scf.if %cond3A_11 {
      %get3A = arith.constant 0 : index
      %get3A_12 = arith.constant 0 : index
      %get3A_13 = vector.load %arg14[%get3A, %get3A_12] : memref<1x32xf32, #tpu.memory_space<vmem>>, vector<1x32xf32>
      %mul3A = arith.constant 9.99999974E-5 : f32
      %mul3A_14 = vector.broadcast %mul3A : f32 to vector<1x32xf32>
      %mul3A_15 = arith.mulf %get3A_13, %mul3A_14 : vector<1x32xf32>
      %get3A_16 = arith.constant 0 : index
      %get3A_17 = arith.constant 0 : index
      %get3A_18 = vector.load %arg15[%get3A_16, %get3A_17] : memref<1x32xf32, #tpu.memory_space<vmem>>, vector<1x32xf32>
      %mul3A_19 = arith.constant 9.99999974E-5 : f32
      %mul3A_20 = vector.broadcast %mul3A_19 : f32 to vector<1x32xf32>
      %mul3A_21 = arith.mulf %get3A_18, %mul3A_20 : vector<1x32xf32>
      %mul3A_22 = arith.constant 1000 : i32
      %mul3A_23 = arith.muli %arg1, %mul3A_22 : i32
      %get3A_24 = arith.index_cast %mul3A_23 : i32 to index
      %get3A_25 = arith.constant 0 : index
      %get3A_26 = vector.load %arg13[%get3A_24, %get3A_25] : memref<10000x32xf32, #tpu.memory_space<vmem>>, vector<1000x32xf32>
      %sub3A = vector.broadcast %mul3A_15 : vector<1x32xf32> to vector<1000x32xf32>
      %sub3A_27 = arith.subf %get3A_26, %sub3A : vector<1000x32xf32>
      %add3A = arith.constant 9.99999974E-6 : f32
      %add3A_28 = vector.broadcast %add3A : f32 to vector<1x32xf32>
      %add3A_29 = arith.addf %mul3A_21, %add3A_28 : vector<1x32xf32>
      %rsqrt3A = math.rsqrt %add3A_29 : vector<1x32xf32>
      %mul3A_30 = vector.broadcast %rsqrt3A : vector<1x32xf32> to vector<1000x32xf32>
      %mul3A_31 = arith.mulf %sub3A_27, %mul3A_30 : vector<1000x32xf32>
      %get3A_32 = arith.constant 0 : index
      %get3A_33 = arith.constant 0 : index
      %get3A_34 = vector.load %arg7[%get3A_32, %get3A_33] : memref<1x32xf32, #tpu.memory_space<vmem>>, vector<1x32xf32>
      %mul3A_35 = vector.broadcast %get3A_34 : vector<1x32xf32> to vector<1000x32xf32>
      %mul3A_36 = arith.mulf %mul3A_31, %mul3A_35 : vector<1000x32xf32>
      %get3A_37 = arith.constant 0 : index
      %get3A_38 = arith.constant 0 : index
      %get3A_39 = vector.load %arg8[%get3A_37, %get3A_38] : memref<1x32xf32, #tpu.memory_space<vmem>>, vector<1x32xf32>
      %add3A_40 = vector.broadcast %get3A_39 : vector<1x32xf32> to vector<1000x32xf32>
      %add3A_41 = arith.addf %mul3A_36, %add3A_40 : vector<1000x32xf32>
      %get3A_42 = arith.constant 0 : index
      %get3A_43 = arith.constant 0 : index
      %get3A_44 = vector.load %arg10[%get3A_42, %get3A_43] : memref<32x1xf32, #tpu.memory_space<vmem>>, vector<32x1xf32>
      %convert_element_type3A_45 = arith.truncf %add3A_41 : vector<1000x32xf32> to vector<1000x32xbf16>
      %convert_element_type3A_46 = arith.truncf %get3A_44 : vector<32x1xf32> to vector<32x1xbf16>
      %dot_general3A = arith.constant dense<0.000000e+00> : vector<1000x1xf32>
      %dot_general3A_47 = tpu.matmul %convert_element_type3A_45, %convert_element_type3A_46, %dot_general3A {dimension_numbers = #tpu.dot_dimension_numbers<[1], [0], [0], [1], [0, 0, 1, 1], [], []>, transpose_lhs_hint = false} : vector<1000x32xbf16>, vector<32x1xbf16>, vector<1000x1xf32> -> vector<1000x1xf32>
      %get3A_48 = arith.constant 0 : index
      %get3A_49 = arith.constant 0 : index
      %get3A_50 = vector.load %arg11[%get3A_48, %get3A_49] : memref<1x1xf32, #tpu.memory_space<vmem>>, vector<1x1xf32>
      %add3A_51 = vector.broadcast %get3A_50 : vector<1x1xf32> to vector<1000x1xf32>
      %add3A_52 = arith.addf %dot_general3A_47, %add3A_51 : vector<1000x1xf32>
      %swap3A = arith.constant 0 : index
      %swap3A_53 = arith.constant 0 : index
      %swap3A_54 = vector.load %arg12[%swap3A, %swap3A_53] : memref<1000x1xf32, #tpu.memory_space<vmem>>, vector<1000x1xf32>
      tpu.vector_store %arg12[%swap3A, %swap3A_53], %add3A_52 {strides = array<i32>} : memref<1000x1xf32, #tpu.memory_space<vmem>>, vector<1000x1xf32>,
    } else {
    }
    return
  }
  func.func @transform_0(%arg0: i32, %arg1: i32) -> (i32, i32) {
    %c0_i32 = arith.constant 0 : i32
    %c0_i32_0 = arith.constant 0 : i32
    return %arg1, %c0_i32 : i32, i32
  }
  func.func @transform_1(%arg0: i32, %arg1: i32) -> (i32, i32) {
    %c0_i32 = arith.constant 0 : i32
    %c0_i32_0 = arith.constant 0 : i32
    return %arg1, %c0_i32 : i32, i32
  }
  func.func @transform_2(%arg0: i32, %arg1: i32) -> (i32, i32) {
    %c0_i32 = arith.constant 0 : i32
    %c0_i32_0 = arith.constant 0 : i32
    return %arg1, %c0_i32 : i32, i32
  }
  func.func @transform_3(%arg0: i32, %arg1: i32) -> (i32, i32) {
    %c0_i32 = arith.constant 0 : i32
    %c0_i32_0 = arith.constant 0 : i32
    return %arg1, %c0_i32 : i32, i32
  }
  func.func @transform_4(%arg0: i32, %arg1: i32) -> (i32, i32) {
    %c0_i32 = arith.constant 0 : i32
    %c0_i32_0 = arith.constant 0 : i32
    %c0_i32_1 = arith.constant 0 : i32
    return %c0_i32, %c0_i32_0 : i32, i32
  }
  func.func @transform_5(%arg0: i32, %arg1: i32) -> (i32, i32) {
    %c0_i32 = arith.constant 0 : i32
    %c0_i32_0 = arith.constant 0 : i32
    %c0_i32_1 = arith.constant 0 : i32
    return %c0_i32, %c0_i32_0 : i32, i32
  }
  func.func @transform_6(%arg0: i32, %arg1: i32) -> (i32, i32) {
    %c0_i32 = arith.constant 0 : i32
    %c0_i32_0 = arith.constant 0 : i32
    %c0_i32_1 = arith.constant 0 : i32
    return %c0_i32, %c0_i32_0 : i32, i32
  }
  func.func @transform_7(%arg0: i32, %arg1: i32) -> (i32, i32) {
    %c0_i32 = arith.constant 0 : i32
    %c0_i32_0 = arith.constant 0 : i32
    return %arg1, %c0_i32 : i32, i32
  }
  func.func @transform_8(%arg0: i32, %arg1: i32) -> (i32, i32) {
    %c0_i32 = arith.constant 0 : i32
    %c0_i32_0 = arith.constant 0 : i32
    %c0_i32_1 = arith.constant 0 : i32
    return %c0_i32, %c0_i32_0 : i32, i32
  }
  func.func @transform_9(%arg0: i32, %arg1: i32) -> (i32, i32) {
    %c0_i32 = arith.constant 0 : i32
    %c0_i32_0 = arith.constant 0 : i32
    %c0_i32_1 = arith.constant 0 : i32
    return %c0_i32, %c0_i32_0 : i32, i32
  }
  func.func @transform_10(%arg0: i32, %arg1: i32) -> (i32, i32) {
    %eq3A = arith.constant 2 : i32
    %eq3A_0 = arith.cmpi eq, %arg0, %eq3A : i32
    %jit3A = arith.constant 0 : i32
    %select_n3A = arith.select %eq3A_0, %arg1, %jit3A : i32
    %c0_i32 = arith.constant 0 : i32
    %c0_i32_1 = arith.constant 0 : i32
    return %select_n3A, %c0_i32 : i32, i32
  }
}

module attributes {stable_mosaic.version = 14 : i64} {
  func.func @_tc_mid_body(%arg0: i32, %arg1: i32, %arg2: memref<1000x32xf32, #tpu.memory_space<vmem>>, %arg3: memref<1000x32xf32, #tpu.memory_space<vmem>>, %arg4: memref<1000x32xf32, #tpu.memory_space<vmem>>, %arg5: memref<1000x32xf32, #tpu.memory_space<vmem>>, %arg6: memref<64x32xf32, #tpu.memory_space<vmem>>, %arg7: memref<1x32xf32, #tpu.memory_space<vmem>>, %arg8: memref<1x32xf32, #tpu.memory_space<vmem>>, %arg9: memref<1000x32xf32, #tpu.memory_space<vmem>>, %arg10: memref<32x32xf32, #tpu.memory_space<vmem>>, %arg11: memref<1000x32xf32, #tpu.memory_space<vmem>>, %arg12: memref<1000x32xf32, #tpu.memory_space<vmem>>, %arg13: memref<10000x32xf32, #tpu.memory_space<vmem>>, %arg14: memref<1x32xf32, #tpu.memory_space<vmem>>, %arg15: memref<1x32xf32, #tpu.memory_space<vmem>>) attributes {dimension_semantics = [#tpu.dimension_semantics<arbitrary>, #tpu.dimension_semantics<arbitrary>], iteration_bounds = array<i64: 3, 10>, scalar_prefetch = 0 : i64, scratch_operands = 3 : i64, tpu.core_type = #tpu.core_type<tc>, window_params = [{transform_indices = @transform_0, window_bounds = array<i64: 1000, 32>}, {transform_indices = @transform_1, window_bounds = array<i64: 1000, 32>}, {transform_indices = @transform_2, window_bounds = array<i64: 1000, 32>}, {transform_indices = @transform_3, window_bounds = array<i64: 1000, 32>}, {pipeline_mode = #tpu.pipeline_mode<synchronous>, transform_indices = @transform_4, window_bounds = array<i64: 64, 32>}, {pipeline_mode = #tpu.pipeline_mode<synchronous>, transform_indices = @transform_5, window_bounds = array<i64: 1, 32>}, {pipeline_mode = #tpu.pipeline_mode<synchronous>, transform_indices = @transform_6, window_bounds = array<i64: 1, 32>}, {transform_indices = @transform_7, window_bounds = array<i64: 1000, 32>}, {pipeline_mode = #tpu.pipeline_mode<synchronous>, transform_indices = @transform_8, window_bounds = array<i64: 32, 32>}, {transform_indices = @transform_9, window_bounds = array<i64: 1000, 32>}, {transform_indices = @transform_10, window_bounds = array<i64: 1000, 32>}]} {
    %get3A = arith.constant 0 : index
    %get3A_0 = arith.constant 0 : index
    %get3A_1 = vector.load %arg4[%get3A, %get3A_0] : memref<1000x32xf32, #tpu.memory_space<vmem>>, vector<1000x32xf32>
    %max3A = arith.constant 1.000000e+00 : f32
    %max3A_2 = vector.broadcast %max3A : f32 to vector<1000x32xf32>
    %max3A_3 = arith.maximumf %get3A_1, %max3A_2 : vector<1000x32xf32>
    %rsqrt3A = math.rsqrt %max3A_3 : vector<1000x32xf32>
    %get3A_4 = arith.constant 0 : index
    %get3A_5 = arith.constant 0 : index
    %get3A_6 = vector.load %arg5[%get3A_4, %get3A_5] : memref<1000x32xf32, #tpu.memory_space<vmem>>, vector<1000x32xf32>
    %max3A_7 = arith.constant 1.000000e+00 : f32
    %max3A_8 = vector.broadcast %max3A_7 : f32 to vector<1000x32xf32>
    %max3A_9 = arith.maximumf %get3A_6, %max3A_8 : vector<1000x32xf32>
    %rsqrt3A_10 = math.rsqrt %max3A_9 : vector<1000x32xf32>
    %eq3A = arith.constant 0 : i32
    %eq3A_11 = arith.cmpi eq, %arg0, %eq3A : i32
    %convert_element_type3A = arith.extui %eq3A_11 : i1 to i32
    %cond3A = arith.constant 0 : i32
    %cond3A_12 = arith.cmpi ne, %convert_element_type3A, %cond3A : i32
    scf.if %cond3A_12 {
      %eq3A_23 = arith.constant 0 : i32
      %eq3A_24 = arith.cmpi eq, %arg1, %eq3A_23 : i32
      %convert_element_type3A_25 = arith.extui %eq3A_24 : i1 to i32
      %cond3A_26 = arith.constant 0 : i32
      %cond3A_27 = arith.cmpi ne, %convert_element_type3A_25, %cond3A_26 : i32
      scf.if %cond3A_27 {
        %broadcast_in_dim3A_52 = arith.constant 0.000000e+00 : f32
        %broadcast_in_dim3A_53 = vector.broadcast %broadcast_in_dim3A_52 : f32 to vector<1x32xf32>
        %swap3A_54 = arith.constant 0 : index
        %swap3A_55 = arith.constant 0 : index
        %swap3A_56 = vector.load %arg14[%swap3A_54, %swap3A_55] : memref<1x32xf32, #tpu.memory_space<vmem>>, vector<1x32xf32>
        tpu.vector_store %arg14[%swap3A_54, %swap3A_55], %broadcast_in_dim3A_53 {strides = array<i32>} : memref<1x32xf32, #tpu.memory_space<vmem>>, vector<1x32xf32>,
        %broadcast_in_dim3A_57 = arith.constant 0.000000e+00 : f32
        %broadcast_in_dim3A_58 = vector.broadcast %broadcast_in_dim3A_57 : f32 to vector<1x32xf32>
        %swap3A_59 = arith.constant 0 : index
        %swap3A_60 = arith.constant 0 : index
        %swap3A_61 = vector.load %arg15[%swap3A_59, %swap3A_60] : memref<1x32xf32, #tpu.memory_space<vmem>>, vector<1x32xf32>
        tpu.vector_store %arg15[%swap3A_59, %swap3A_60], %broadcast_in_dim3A_58 {strides = array<i32>} : memref<1x32xf32, #tpu.memory_space<vmem>>, vector<1x32xf32>,
      } else {
      }
      %get3A_28 = arith.constant 0 : index
      %get3A_29 = arith.constant 0 : index
      %get3A_30 = vector.load %arg2[%get3A_28, %get3A_29] : memref<1000x32xf32, #tpu.memory_space<vmem>>, vector<1000x32xf32>
      %mul3A = arith.mulf %get3A_30, %rsqrt3A_10 : vector<1000x32xf32>
      %get3A_31 = arith.constant 0 : index
      %get3A_32 = arith.constant 0 : index
      %get3A_33 = vector.load %arg3[%get3A_31, %get3A_32] : memref<1000x32xf32, #tpu.memory_space<vmem>>, vector<1000x32xf32>
      %mul3A_34 = arith.mulf %get3A_33, %rsqrt3A : vector<1000x32xf32>
      %concatenate3A = tpu.concatenate %mul3A, %mul3A_34 in 1 : vector<1000x32xf32>, vector<1000x32xf32> -> vector<1000x64xf32>
      %get3A_35 = arith.constant 0 : index
      %get3A_36 = arith.constant 0 : index
      %get3A_37 = vector.load %arg6[%get3A_35, %get3A_36] : memref<64x32xf32, #tpu.memory_space<vmem>>, vector<64x32xf32>
      %convert_element_type3A_38 = arith.truncf %concatenate3A : vector<1000x64xf32> to vector<1000x64xbf16>
      %convert_element_type3A_39 = arith.truncf %get3A_37 : vector<64x32xf32> to vector<64x32xbf16>
      %dot_general3A = arith.constant dense<0.000000e+00> : vector<1000x32xf32>
      %dot_general3A_40 = tpu.matmul %convert_element_type3A_38, %convert_element_type3A_39, %dot_general3A {dimension_numbers = #tpu.dot_dimension_numbers<[1], [0], [0], [1], [0, 0, 1, 1], [], []>, transpose_lhs_hint = false} : vector<1000x64xbf16>, vector<64x32xbf16>, vector<1000x32xf32> -> vector<1000x32xf32>
      %mul3A_41 = arith.constant 1000 : i32
      %mul3A_42 = arith.muli %arg1, %mul3A_41 : i32
      %swap3A = arith.index_cast %mul3A_42 : i32 to index
      %swap3A_43 = arith.constant 0 : index
      %swap3A_44 = vector.load %arg13[%swap3A, %swap3A_43] : memref<10000x32xf32, #tpu.memory_space<vmem>>, vector<1000x32xf32>
      tpu.vector_store %arg13[%swap3A, %swap3A_43], %dot_general3A_40 {strides = array<i32>} : memref<10000x32xf32, #tpu.memory_space<vmem>>, vector<1000x32xf32>,
      %get3A_45 = arith.constant 0 : index
      %get3A_46 = arith.constant 0 : index
      %get3A_47 = vector.load %arg14[%get3A_45, %get3A_46] : memref<1x32xf32, #tpu.memory_space<vmem>>, vector<1x32xf32>
      %reduce_sum3A = arith.constant dense<0.000000e+00> : vector<32xf32>
      %reduce_sum3A_48 = vector.multi_reduction <add>, %dot_general3A_40, %reduce_sum3A [0] : vector<1000x32xf32> to vector<32xf32>
      %broadcast_in_dim3A = vector.shape_cast %reduce_sum3A_48 : vector<32xf32> to vector<1x32xf32>
      %add3A = arith.addf %get3A_47, %broadcast_in_dim3A : vector<1x32xf32>
      %swap3A_49 = arith.constant 0 : index
      %swap3A_50 = arith.constant 0 : index
      %swap3A_51 = vector.load %arg14[%swap3A_49, %swap3A_50] : memref<1x32xf32, #tpu.memory_space<vmem>>, vector<1x32xf32>
      tpu.vector_store %arg14[%swap3A_49, %swap3A_50], %add3A {strides = array<i32>} : memref<1x32xf32, #tpu.memory_space<vmem>>, vector<1x32xf32>,
    } else {
    }
    %eq3A_13 = arith.constant 1 : i32
    %eq3A_14 = arith.cmpi eq, %arg0, %eq3A_13 : i32
    %convert_element_type3A_15 = arith.extui %eq3A_14 : i1 to i32
    %cond3A_16 = arith.constant 0 : i32
    %cond3A_17 = arith.cmpi ne, %convert_element_type3A_15, %cond3A_16 : i32
    scf.if %cond3A_17 {
      %get3A_23 = arith.constant 0 : index
      %get3A_24 = arith.constant 0 : index
      %get3A_25 = vector.load %arg14[%get3A_23, %get3A_24] : memref<1x32xf32, #tpu.memory_space<vmem>>, vector<1x32xf32>
      %mul3A = arith.constant 9.99999974E-5 : f32
      %mul3A_26 = vector.broadcast %mul3A : f32 to vector<1x32xf32>
      %mul3A_27 = arith.mulf %get3A_25, %mul3A_26 : vector<1x32xf32>
      %mul3A_28 = arith.constant 1000 : i32
      %mul3A_29 = arith.muli %arg1, %mul3A_28 : i32
      %get3A_30 = arith.index_cast %mul3A_29 : i32 to index
      %get3A_31 = arith.constant 0 : index
      %get3A_32 = vector.load %arg13[%get3A_30, %get3A_31] : memref<10000x32xf32, #tpu.memory_space<vmem>>, vector<1000x32xf32>
      %sub3A = vector.broadcast %mul3A_27 : vector<1x32xf32> to vector<1000x32xf32>
      %sub3A_33 = arith.subf %get3A_32, %sub3A : vector<1000x32xf32>
      %get3A_34 = arith.constant 0 : index
      %get3A_35 = arith.constant 0 : index
      %get3A_36 = vector.load %arg15[%get3A_34, %get3A_35] : memref<1x32xf32, #tpu.memory_space<vmem>>, vector<1x32xf32>
      %mul3A_37 = arith.mulf %sub3A_33, %sub3A_33 : vector<1000x32xf32>
      %reduce_sum3A = arith.constant dense<0.000000e+00> : vector<32xf32>
      %reduce_sum3A_38 = vector.multi_reduction <add>, %mul3A_37, %reduce_sum3A [0] : vector<1000x32xf32> to vector<32xf32>
      %broadcast_in_dim3A = vector.shape_cast %reduce_sum3A_38 : vector<32xf32> to vector<1x32xf32>
      %add3A = arith.addf %get3A_36, %broadcast_in_dim3A : vector<1x32xf32>
      %swap3A = arith.constant 0 : index
      %swap3A_39 = arith.constant 0 : index
      %swap3A_40 = vector.load %arg15[%swap3A, %swap3A_39] : memref<1x32xf32, #tpu.memory_space<vmem>>, vector<1x32xf32>
      tpu.vector_store %arg15[%swap3A, %swap3A_39], %add3A {strides = array<i32>} : memref<1x32xf32, #tpu.memory_space<vmem>>, vector<1x32xf32>,
    } else {
    }
    %eq3A_18 = arith.constant 2 : i32
    %eq3A_19 = arith.cmpi eq, %arg0, %eq3A_18 : i32
    %convert_element_type3A_20 = arith.extui %eq3A_19 : i1 to i32
    %cond3A_21 = arith.constant 0 : i32
    %cond3A_22 = arith.cmpi ne, %convert_element_type3A_20, %cond3A_21 : i32
    scf.if %cond3A_22 {
      %get3A_23 = arith.constant 0 : index
      %get3A_24 = arith.constant 0 : index
      %get3A_25 = vector.load %arg14[%get3A_23, %get3A_24] : memref<1x32xf32, #tpu.memory_space<vmem>>, vector<1x32xf32>
      %mul3A = arith.constant 9.99999974E-5 : f32
      %mul3A_26 = vector.broadcast %mul3A : f32 to vector<1x32xf32>
      %mul3A_27 = arith.mulf %get3A_25, %mul3A_26 : vector<1x32xf32>
      %get3A_28 = arith.constant 0 : index
      %get3A_29 = arith.constant 0 : index
      %get3A_30 = vector.load %arg15[%get3A_28, %get3A_29] : memref<1x32xf32, #tpu.memory_space<vmem>>, vector<1x32xf32>
      %mul3A_31 = arith.constant 9.99999974E-5 : f32
      %mul3A_32 = vector.broadcast %mul3A_31 : f32 to vector<1x32xf32>
      %mul3A_33 = arith.mulf %get3A_30, %mul3A_32 : vector<1x32xf32>
      %mul3A_34 = arith.constant 1000 : i32
      %mul3A_35 = arith.muli %arg1, %mul3A_34 : i32
      %get3A_36 = arith.index_cast %mul3A_35 : i32 to index
      %get3A_37 = arith.constant 0 : index
      %get3A_38 = vector.load %arg13[%get3A_36, %get3A_37] : memref<10000x32xf32, #tpu.memory_space<vmem>>, vector<1000x32xf32>
      %sub3A = vector.broadcast %mul3A_27 : vector<1x32xf32> to vector<1000x32xf32>
      %sub3A_39 = arith.subf %get3A_38, %sub3A : vector<1000x32xf32>
      %add3A = arith.constant 9.99999974E-6 : f32
      %add3A_40 = vector.broadcast %add3A : f32 to vector<1x32xf32>
      %add3A_41 = arith.addf %mul3A_33, %add3A_40 : vector<1x32xf32>
      %rsqrt3A_42 = math.rsqrt %add3A_41 : vector<1x32xf32>
      %mul3A_43 = vector.broadcast %rsqrt3A_42 : vector<1x32xf32> to vector<1000x32xf32>
      %mul3A_44 = arith.mulf %sub3A_39, %mul3A_43 : vector<1000x32xf32>
      %get3A_45 = arith.constant 0 : index
      %get3A_46 = arith.constant 0 : index
      %get3A_47 = vector.load %arg7[%get3A_45, %get3A_46] : memref<1x32xf32, #tpu.memory_space<vmem>>, vector<1x32xf32>
      %mul3A_48 = vector.broadcast %get3A_47 : vector<1x32xf32> to vector<1000x32xf32>
      %mul3A_49 = arith.mulf %mul3A_44, %mul3A_48 : vector<1000x32xf32>
      %get3A_50 = arith.constant 0 : index
      %get3A_51 = arith.constant 0 : index
      %get3A_52 = vector.load %arg8[%get3A_50, %get3A_51] : memref<1x32xf32, #tpu.memory_space<vmem>>, vector<1x32xf32>
      %add3A_53 = vector.broadcast %get3A_52 : vector<1x32xf32> to vector<1000x32xf32>
      %add3A_54 = arith.addf %mul3A_49, %add3A_53 : vector<1000x32xf32>
      %get3A_55 = arith.constant 0 : index
      %get3A_56 = arith.constant 0 : index
      %get3A_57 = vector.load %arg9[%get3A_55, %get3A_56] : memref<1000x32xf32, #tpu.memory_space<vmem>>, vector<1000x32xf32>
      %add3A_58 = arith.addf %add3A_54, %get3A_57 : vector<1000x32xf32>
      %max3A_59 = arith.constant 0.000000e+00 : f32
      %max3A_60 = vector.broadcast %max3A_59 : f32 to vector<1000x32xf32>
      %max3A_61 = arith.maximumf %add3A_58, %max3A_60 : vector<1000x32xf32>
      %get3A_62 = arith.constant 0 : index
      %get3A_63 = arith.constant 0 : index
      %get3A_64 = vector.load %arg10[%get3A_62, %get3A_63] : memref<32x32xf32, #tpu.memory_space<vmem>>, vector<32x32xf32>
      %mul3A_65 = arith.mulf %max3A_61, %rsqrt3A : vector<1000x32xf32>
      %convert_element_type3A_66 = arith.truncf %mul3A_65 : vector<1000x32xf32> to vector<1000x32xbf16>
      %convert_element_type3A_67 = arith.truncf %get3A_64 : vector<32x32xf32> to vector<32x32xbf16>
      %dot_general3A = arith.constant dense<0.000000e+00> : vector<1000x32xf32>
      %dot_general3A_68 = tpu.matmul %convert_element_type3A_66, %convert_element_type3A_67, %dot_general3A {dimension_numbers = #tpu.dot_dimension_numbers<[1], [0], [0], [1], [0, 0, 1, 1], [], []>, transpose_lhs_hint = false} : vector<1000x32xbf16>, vector<32x32xbf16>, vector<1000x32xf32> -> vector<1000x32xf32>
      %swap3A = arith.constant 0 : index
      %swap3A_69 = arith.constant 0 : index
      %swap3A_70 = vector.load %arg11[%swap3A, %swap3A_69] : memref<1000x32xf32, #tpu.memory_space<vmem>>, vector<1000x32xf32>
      tpu.vector_store %arg11[%swap3A, %swap3A_69], %dot_general3A_68 {strides = array<i32>} : memref<1000x32xf32, #tpu.memory_space<vmem>>, vector<1000x32xf32>,
      %mul3A_71 = arith.mulf %max3A_61, %rsqrt3A_10 : vector<1000x32xf32>
      %convert_element_type3A_72 = arith.truncf %mul3A_71 : vector<1000x32xf32> to vector<1000x32xbf16>
      %convert_element_type3A_73 = arith.truncf %get3A_64 : vector<32x32xf32> to vector<32x32xbf16>
      %dot_general3A_74 = arith.constant dense<0.000000e+00> : vector<1000x32xf32>
      %dot_general3A_75 = tpu.matmul %convert_element_type3A_72, %convert_element_type3A_73, %dot_general3A_74 {dimension_numbers = #tpu.dot_dimension_numbers<[1], [0], [0], [1], [0, 0, 1, 1], [], []>, transpose_lhs_hint = false} : vector<1000x32xbf16>, vector<32x32xbf16>, vector<1000x32xf32> -> vector<1000x32xf32>
      %swap3A_76 = arith.constant 0 : index
      %swap3A_77 = arith.constant 0 : index
      %swap3A_78 = vector.load %arg12[%swap3A_76, %swap3A_77] : memref<1000x32xf32, #tpu.memory_space<vmem>>, vector<1000x32xf32>
      tpu.vector_store %arg12[%swap3A_76, %swap3A_77], %dot_general3A_75 {strides = array<i32>} : memref<1000x32xf32, #tpu.memory_space<vmem>>, vector<1000x32xf32>,
    } else {
    }
    return
  }
  func.func @transform_0(%arg0: i32, %arg1: i32) -> (i32, i32) {
    %c0_i32 = arith.constant 0 : i32
    %c0_i32_0 = arith.constant 0 : i32
    return %arg1, %c0_i32 : i32, i32
  }
  func.func @transform_1(%arg0: i32, %arg1: i32) -> (i32, i32) {
    %c0_i32 = arith.constant 0 : i32
    %c0_i32_0 = arith.constant 0 : i32
    return %arg1, %c0_i32 : i32, i32
  }
  func.func @transform_2(%arg0: i32, %arg1: i32) -> (i32, i32) {
    %c0_i32 = arith.constant 0 : i32
    %c0_i32_0 = arith.constant 0 : i32
    return %arg1, %c0_i32 : i32, i32
  }
  func.func @transform_3(%arg0: i32, %arg1: i32) -> (i32, i32) {
    %c0_i32 = arith.constant 0 : i32
    %c0_i32_0 = arith.constant 0 : i32
    return %arg1, %c0_i32 : i32, i32
  }
  func.func @transform_4(%arg0: i32, %arg1: i32) -> (i32, i32) {
    %c0_i32 = arith.constant 0 : i32
    %c0_i32_0 = arith.constant 0 : i32
    %c0_i32_1 = arith.constant 0 : i32
    return %c0_i32, %c0_i32_0 : i32, i32
  }
  func.func @transform_5(%arg0: i32, %arg1: i32) -> (i32, i32) {
    %c0_i32 = arith.constant 0 : i32
    %c0_i32_0 = arith.constant 0 : i32
    %c0_i32_1 = arith.constant 0 : i32
    return %c0_i32, %c0_i32_0 : i32, i32
  }
  func.func @transform_6(%arg0: i32, %arg1: i32) -> (i32, i32) {
    %c0_i32 = arith.constant 0 : i32
    %c0_i32_0 = arith.constant 0 : i32
    %c0_i32_1 = arith.constant 0 : i32
    return %c0_i32, %c0_i32_0 : i32, i32
  }
  func.func @transform_7(%arg0: i32, %arg1: i32) -> (i32, i32) {
    %c0_i32 = arith.constant 0 : i32
    %c0_i32_0 = arith.constant 0 : i32
    return %arg1, %c0_i32 : i32, i32
  }
  func.func @transform_8(%arg0: i32, %arg1: i32) -> (i32, i32) {
    %c0_i32 = arith.constant 0 : i32
    %c0_i32_0 = arith.constant 0 : i32
    %c0_i32_1 = arith.constant 0 : i32
    return %c0_i32, %c0_i32_0 : i32, i32
  }
  func.func @transform_9(%arg0: i32, %arg1: i32) -> (i32, i32) {
    %eq3A = arith.constant 2 : i32
    %eq3A_0 = arith.cmpi eq, %arg0, %eq3A : i32
    %jit3A = arith.constant 0 : i32
    %select_n3A = arith.select %eq3A_0, %arg1, %jit3A : i32
    %c0_i32 = arith.constant 0 : i32
    %c0_i32_1 = arith.constant 0 : i32
    return %select_n3A, %c0_i32 : i32, i32
  }
  func.func @transform_10(%arg0: i32, %arg1: i32) -> (i32, i32) {
    %eq3A = arith.constant 2 : i32
    %eq3A_0 = arith.cmpi eq, %arg0, %eq3A : i32
    %jit3A = arith.constant 0 : i32
    %select_n3A = arith.select %eq3A_0, %arg1, %jit3A : i32
    %c0_i32 = arith.constant 0 : i32
    %c0_i32_1 = arith.constant 0 : i32
    return %select_n3A, %c0_i32 : i32, i32
  }
}

</mosaic_0001>

<sc_bundles>
// kernel: kernel.14.cloned.1.call-start
scs
__scs_entry_jumppad:
0x0: {  	(pc) =	sbr.rel $0x88, $3  }
0x1: {  	(tag) =	ssettag $0x0;
	lr =	simm.s32 $0x1  }
0x2: {  	[smem:$0x3F89] =	sst lr;
	_ =	strace $0xD0000000  }
0x3: {  	_ = 	snop  }
0x4: {  	_ = 	snop  }
0x5: {  	_ = 	snop  }
0x6: {  	_ = 	snop  }
0x7: {  	_ = 	snop  }
__scs_overlays_trampoline_lowered:
0x8: {  	[smem:$0x3F98] =	sst s0  }
0x9: {  	[smem:$0x3F99] =	sst s1  }
0xa: {  	[smem:$0x3F9A] =	sst s2  }
0xb: {  	[smem:$0x3F9B] =	sst s3  }
0xc: {  	[smem:$0x3F9C] =	sst s4  }
0xd: {  	[smem:$0x3F9D] =	sst s5  }
0xe: {  	[smem:$0x3F9E] =	sst s6  }
0xf: {  	[smem:$0x3F9F] =	sst s7  }
0x10: {  	[smem:$0x3FA0] =	sst s8  }
0x11: {  	[smem:$0x3FA1] =	sst s9;
	s0 =	simm.s32 @!p0 $0x0  }
0x12: {  	s1 =	sld [smem:$0x3F87];
	s0 =	simm.s32 @p0 $0x1  }
0x13: {  	[smem:$0x3FA2] =	sst s0;
	s0 =	simm.s32 @!p1 $0x0  }
0x14: {  	s2 =	sld [smem:$0x3F86];
	s0 =	simm.s32 @p1 $0x1  }
0x15: {  	[smem:$0x3FA3] =	sst s0;
	s0 =	simm.s32 @!p2 $0x0  }
0x16: {  	s3 =	sld [smem:$0x3FDB];
	s0 =	simm.s32 @p2 $0x1  }
0x17: {  	s4 =	simm.s32 $0x1BF5;
	[smem:$0x3FA5] =	sst s0  }
0x18: {  	s0 =	sld [smem:$0x3F88];
	_ =	swait.ge [sflag:s4], $0x0  }
0x19: {  	s7 =	sld [smem:$0x3F89]  }
0x1a: {  	s8 =	sadd.s32 $0xFFFFE003, lr  }
0x1b: {  	s9 =	sadd.s32 $0xFFFFFEF7, lr;
	s5 =	simm.s32 $0xFFFFFFFF;
	p2 =	slt.u32 s8, $0xFFFFF086  }
0x1c: {  	p1 =	slt.u32 s9, $0xF7A;
	s5 =	simm.s32 @!p2 $0x0  }
0x1d: {  	s5 =	simm.s32 @p1 $0x1;
	p0 =	seq.s32 s7, s2  }
0x1e: {  	s7 =	smul.u32 @!p0 $0xF7A, s2;
	p2 =	seq.s32 @!p0 s5, $0x0  }
0x1f: {  	s9 =	smul.u32 $0xF7A, s1;
	s8 =	simm.s32 @!p0 $0x1BF5;
	p2 =	por !p2, p0  }
0x20: {  	[sflag:s8] =	ssyncset.s32 @!p0 $0xFFFFF086;
	s6 =	sadd.s32 @!p0 s3, s7;
	s7 =	simm.s32 @!p0 $0x108  }
0x21: {  	s3 =	sadd.s32 s3, s9;
	s6 =	sadd.s32 @!p0 $0x88, s6;
	s7 =	simm.s32 @p2 $0x1082  }
0x22: {  	[simem:s7], [sflag:s8] =	dma.local @!p0 [hbm:s6], $0xF7A  }
0x23: {  	s9 =	sor.u32 $0xD0000000, s2;
	s6 =	simm.s32 $0x108;
	_ =	swait.ge @!p0 [sflag:s8], $0x0  }
0x24: {  	s3 =	sadd.s32 $0x88, s3;
	s6 =	simm.s32 @!p1 $0x1082;
	[sflag:s4] =	ssyncset.s32 $0xFFFFF086  }
0x25: {  	[simem:s6], [sflag:s4] =	dma.local [hbm:s3], $0xF7A  }
0x26: {  	[smem:$0x3F89] =	sst s1;
	(tag) =	ssettag s2;
	_ =	strace s9  }
0x27: {  	s1 =	sld [smem:$0x3F99]  }
0x28: {  	s2 =	sld [smem:$0x3F9A]  }
0x29: {  	s4 =	sld [smem:$0x3F9C]  }
0x2a: {  	p0 =	seq.s32 s5, $0x0;
	s5 =	sld [smem:$0x3F9D]  }
0x2b: {  	s6 =	sld [smem:$0x3F9E]  }
0x2c: {  	s7 =	sld [smem:$0x3F9F]  }
0x2d: {  	s3 =	simm.s32 $0x108;
	s8 =	sld [smem:$0x3FA0]  }
0x2e: {  	s3 =	simm.s32 @!p0 $0x1082;
	s9 =	sld [smem:$0x3FA1]  }
0x2f: {  	lr =	sadd.s32 s0, s3;
	s0 =	sld [smem:$0x3F98]  }
0x30: {  	s3 =	sld [smem:$0x3F9B]  }
0x31: {  	[smem:$0x3FA4] =	sst s10  }
0x32: {  	s10 =	sld [smem:$0x3FA2];
	_ =	sdelay $0x3  }
0x33: {  	p0 =	seq.s32 s10, $0x1;
	s10 =	sld [smem:$0x3FA4];
	_ =	sdelay $0x3  }
0x34: {  	[smem:$0x3FA4] =	sst s10  }
0x35: {  	s10 =	sld [smem:$0x3FA3];
	_ =	sdelay $0x3  }
0x36: {  	p1 =	seq.s32 s10, $0x1;
	s10 =	sld [smem:$0x3FA4];
	_ =	sdelay $0x3  }
0x37: {  	[smem:$0x3FA4] =	sst s10  }
0x38: {  	s10 =	sld [smem:$0x3FA5]  }
0x39: {  	_ = 	snop;
	(pc) =	sbr.ind lr, $3  }
0x3a: {  	_ = 	snop  }
0x3b: {  	_ = 	snop  }
0x3c: {  	p2 =	seq.s32 s10, $0x1;
	s10 =	sld [smem:$0x3FA4]  }
0x3d: {  	_ =	shalt  }
0x3e: {  	_ =	shalt  }
0x3f: {  	_ =	shalt  }
0x40: {  	_ =	shalt  }
0x41: {  	_ =	shalt  }
0x42: {  	_ =	shalt  }
0x43: {  	_ =	shalt  }
0x44: {  	_ =	shalt  }
0x45: {  	_ =	shalt  }
0x46: {  	_ =	shalt  }
0x47: {  	_ =	shalt  }
0x48: {  	_ =	shalt  }
0x49: {  	_ =	shalt  }
0x4a: {  	_ =	shalt  }
0x4b: {  	_ =	shalt  }
0x4c: {  	_ =	shalt  }
0x4d: {  	_ =	shalt  }
0x4e: {  	_ =	shalt  }
0x4f: {  	_ =	shalt  }
0x50: {  	_ =	shalt  }
0x51: {  	_ =	shalt  }
0x52: {  	_ =	shalt  }
0x53: {  	_ =	shalt  }
0x54: {  	_ =	shalt  }
0x55: {  	_ =	shalt  }
0x56: {  	_ =	shalt  }
0x57: {  	_ =	shalt  }
0x58: {  	_ =	shalt  }
0x59: {  	_ =	shalt  }
0x5a: {  	_ =	shalt  }
0x5b: {  	_ =	shalt  }
0x5c: {  	_ =	shalt  }
0x5d: {  	_ =	shalt  }
0x5e: {  	_ =	shalt  }
0x5f: {  	_ =	shalt  }
0x60: {  	_ =	shalt  }
0x61: {  	_ =	shalt  }
0x62: {  	_ =	shalt  }
0x63: {  	_ =	shalt  }
0x64: {  	_ =	shalt  }
0x65: {  	_ =	shalt  }
0x66: {  	_ =	shalt  }
0x67: {  	_ =	shalt  }
0x68: {  	_ =	shalt  }
0x69: {  	_ =	shalt  }
0x6a: {  	_ =	shalt  }
0x6b: {  	_ =	shalt  }
0x6c: {  	_ =	shalt  }
0x6d: {  	_ =	shalt  }
0x6e: {  	_ =	shalt  }
0x6f: {  	_ =	shalt  }
0x70: {  	_ =	shalt  }
0x71: {  	_ =	shalt  }
0x72: {  	_ =	shalt  }
0x73: {  	_ =	shalt  }
0x74: {  	_ =	shalt  }
0x75: {  	_ =	shalt  }
0x76: {  	_ =	shalt  }
0x77: {  	_ =	shalt  }
0x78: {  	_ =	shalt  }
0x79: {  	_ =	shalt  }
0x7a: {  	_ =	shalt  }
0x7b: {  	_ =	shalt  }
0x7c: {  	_ =	shalt  }
0x7d: {  	_ =	shalt  }
0x7e: {  	_ =	shalt  }
0x7f: {  	_ =	shalt  }
0x80: {  	_ =	shalt  }
0x81: {  	_ =	shalt  }
0x82: {  	_ =	shalt  }
0x83: {  	_ =	shalt  }
0x84: {  	_ =	shalt  }
0x85: {  	_ =	shalt  }
0x86: {  	_ =	shalt  }
0x87: {  	_ =	shalt  }
.Lfunc_end0:
.L_simem_size_0:
called_computation_lowered:
.L_overlay_start_0:
0x88: {  	s2 =	sld [smem:$0x3FD9]  }
0x89: {  	s3 =	sld [smem:$0x3FFE];
	_ =	sdelay $0x1  }
0x8a: {  	s1 =	srdreg.scid  }
0x8b: {  	s0 =	sand.u32 $0x1, s1  }
0x8c: {  	s17 =	sshll.u32 s0, $0xA;
	s2 =	sadd.s32 s3, s2  }
0x8d: {  	s2 =	sadd.s32 s2, s17  }
0x8e: {  	[smem:$0x3FB0] =	sst s2  }
0x8f: {  	_ = 	snop  }
0x90: {  	s2 =	sld [smem:$0x3FD0];
	(tm) =	ssettm $0x1  }
0x91: {  	s18 =	sld [smem:$0x3FFB];
	_ =	sdelay $0x3  }
0x92: {  	_ =	strace s18  }
0x93: {  	s3 =	sld [smem:$0x3FFC];
	_ =	sdelay $0x3  }
0x94: {  	_ =	strace s3  }
0x95: {  	s3 =	sld [smem:$0x3FFD];
	_ =	sdelay $0x3  }
0x96: {  	_ =	strace s3  }
0x97: {  	_ =	strace $0x8FFFFFFF  }
0x98: {  	s19 =	sld [smem:$0x3FDB];
	_ =	sdelay $0x1  }
0x99: {  	s4 =	simm.s32 $_scs_section_size  }
0x9a: {  	s5 =	simm.s32 $_size__tile_overlayer_lowered;
	s6 =	simm.s32 $_tile_overlayer_lowered  }
0x9b: {  	s22 =	simm.s32 $0x1BFF;
	s21 =	sshll.u32 s6, $0x1;
	s3 =	sadd.s32 s4, s19  }
0x9c: {  	s7 =	simm.s32 $0x0;
	s20 =	sshll.u32 s5, $0x1;
	s5 =	sadd.s32 s21, s3  }
0x9d: {  	[timem:s7], [sflag:s22] =	dma.local [hbm:s5], s20  }
0x9e: {  	_ =	swait.ge [sflag:s22], s20  }
0x9f: {  	s4 =	ssub.s32 $0x0, s20;
	[sflag:s22] =	ssyncset.done $0x0  }
0xa0: {  	[sflag:s22] =	ssyncadd.s32 s4;
	_ =	sdelay $0x1  }
0xa1: {  	s23 =	simm.s32 $0x1B8B  }
0xa2: {  	_ =	swait.ge [sflag:s23], $0x1  }
0xa3: {  	[sflag:s23] =	ssyncset.done $0x0  }
0xa4: {  	s25 =	simm.s32 $0x1B8E;
	s24 =	sld [smem:$0x3FFE];
	[sflag:s23] =	ssyncadd.s32 $0xFFFFFFFF  }
0xa5: {  	s26 =	simm.s32 $execute0_lowered;
	[smem:$0x3FD2] =	sst s25  }
0xa6: {  	s5 =	sshll.u32 s26, $0x1;
	_ =	strace $0x80000046;
	[dreg:$0x1] =	wrdreg $0xFFFFFFFF  }
0xa7: {  	s28 =	simm.s32 $_size_execute0_lowered;
	s3 =	sadd.s32 s3, s5;
	[dreg:$0x0] =	wrdreg $0x0  }
0xa8: {  	s5 =	sshll.u32 s28, $0x1;
	[dreg:$0x2] =	wrdreg s3  }
0xa9: {  	[dreg:$0x3] =	wrdreg s5  }
0xaa: {  	[dreg:$0x4] =	wrdreg $0xC0  }
0xab: {  	_ =	task [dreg:s7], $0x5FFFF  }
0xac: {  	[dreg:$0x1] =	wrdreg $0xFFFFFFFF  }
0xad: {  	[dreg:$0x0] =	wrdreg $0x60  }
0xae: {  	[dreg:$0x2] =	wrdreg s24  }
0xaf: {  	[dreg:$0x3] =	wrdreg s2  }
0xb0: {  	[dreg:$0x4] =	wrdreg $0xAFA00  }
0xb1: {  	[dreg:$0x5] =	wrdreg $0x9  }
0xb2: {  	_ =	task.clear_ibuf [dreg:s7], $0x6FFFF;
	_ =	strace $0x90000046  }
0xb3: {  	s29 =	simm.s32 $0x9;
	_ =	strace $0x80000048  }
0xb4: {  	_ =	swait.ge [sflag:s29], $0x1  }
0xb5: {  	[sflag:s29] =	ssyncadd.s32 $0xFFFFFFFF  }
0xb6: {  	_ =	strace $0x90000048  }
0xb7: {  	_ =	sfence  }
0xb8: {  	s30 =	sld [smem:$0x0];
	_ =	sdelay $0x2  }
0xb9: {  	s31 =	sshll.u32 s1, $0xD;
	s1 =	sshrl.u32 s1, $0x2  }
0xba: {  	s3 =	sand.u32 $0x4000, s31;
	s1 =	sadd.s32 s1, s30  }
0xbb: {  	s0 =	sor.u32 s3, s0;
	s1 =	sshll.u32 s1, $0x11  }
0xbc: {  	s0 =	sor.u32 s1, s0  }
0xbd: {  	s0 =	sadd.s32 $0x8F2B, s0  }
0xbe: {  	[sflag:s0] =	ssyncadd.remote.s32 $0x1  }
0xbf: {  	_ =	sfence.sel $0xFFFF  }
0xc0: {  	[dreg:$0x0] =	wrdreg $0xFFFFFFFF;
	(pc) =	sbr.abs _section_cstart, $3  }
0xc1: {  	[dreg:$0x1] =	wrdreg $0xFFFFFFFF  }
0xc2: {  	_ =	task.clear_ibuf [dreg:s7], $0x2FFFF;
	_ =	strace $0x9FFFFFFF  }
0xc3: {  	(tm) =	ssettm $0x7FFFFFFF  }
tec
execute0_lowered:
.L_overlay_start_1:
0x0: {  	(tag) =	ssettag $0x1  }
0x1: {  	s7 =	rddreg [dreg:$0x0]  }
0x2: {  	s2 =	rddreg [dreg:$0x1]  }
0x3: {  	s3 =	rddreg [dreg:$0x2]  }
0x4: {  	s0 =	rddreg [dreg:$0x3];
	s1 =	stileid.u32;
	s4 =	simm.s32 $0x0  }
0x5: {  	s5 =	srdreg.scid;
	s14 =	simm.s32 $0xA000;
	s17 =	simm.s32 $0x7D  }
0x6: {  	s18 =	simm.s32 $0x1;
	s19 =	simm.s32 $0x0;
	s10 =	smul.u32 $0x5000, s1  }
0x7: {  	[smem:$0x7FF] =	sst s4;
	s6 =	smul.u32 $0xA00, s1;
	s12 =	sand.u32 $0x1, s5  }
0x8: {  	s15 =	sshll.u32 s1, $0x6;
	_ =	strace $0x80000047;
	s8 =	ssub.s32 $0x2, s12  }
0x9: {  	p0 =	sne.s32 s12, $0x0;
	s12 =	simm.s32 $0x2;
	s15 =	sor.u32 $0x1C02, s15  }
.Ltmp0:
0xa: {  	s5 =	sshrl.u32 s10, $0x3;
	s9 =	sadd.s32 s6, s7;
	(pc) =	sbr.rel .LBB2_1-.Ltmp0, $4  }
0xb: {  	s13 =	sshrl.u32 s8, $0x1;
	s6 =	sadd.s32 $0x2FC00, s7;
	s16 =	sadd.s32 s10, s3  }
0xc: {  	s11 =	sadd.s32 s5, s7;
	s7 =	sadd.s32 $0x25C00, s7;
	s13 =	ssub.s32 s8, s13  }
0xd: {  	s8 =	sadd.s32 $0x11C00, s9;
	s9 =	sadd.s32 $0x7C00, s9;
	s16 =	sshrl.u32 s16, $0x3  }
0xe: {  	s10 =	sadd.s32 $0x1BC00, s11;
	s11 =	smax.u32 s13, $0x1;
	s13 =	simm.s32 $0x5000  }
.LBB2_7:
0xf: {  	s21 =	sadd.s32 $0x5000, s20;
	[sflag:s18] =	ssyncadd.s32 $0xFFFFF060  }
0x10: {  	[spmem:s3] =	stream.indirect.scatter.add.f32 [tilespmem:s14], [sflag:$0x1], $0x20, s21, s17, $0xb8;
	[tilespmem:$0xFFA0] =	vst v63  }
0x11: {  	s29 =	sadd.s32 $0x5080, s20  }
0x12: {  	[spmem:s3] =	stream.indirect.scatter.add.f32 [tilespmem:s14], [sflag:$0x1], $0x20, s29, s17, $0xb8;
	[tilespmem:$0xFFA0] =	vst v63  }
0x13: {  	s30 =	sadd.s32 $0x5100, s20  }
0x14: {  	[spmem:s3] =	stream.indirect.scatter.add.f32 [tilespmem:s14], [sflag:$0x1], $0x20, s30, s17, $0xb8;
	[tilespmem:$0xFFA0] =	vst v63  }
0x15: {  	s31 =	sadd.s32 $0x5180, s20  }
0x16: {  	[spmem:s3] =	stream.indirect.scatter.add.f32 [tilespmem:s14], [sflag:$0x1], $0x20, s31, s17, $0xb8;
	[tilespmem:$0xFFA0] =	vst v63  }
0x17: {  	_ =	swait.ge [sflag:s18], $0xFA0  }
0x18: {  	[sflag:s18] =	ssyncset.done $0x0  }
0x19: {  	[sflag:s18] =	ssyncadd.s32 $0xFFFFF060  }
0x1a: {  	_ =	swait.ge [sflag:s18], $0xFA0  }
0x1b: {  	[sflag:s18] =	ssyncset.done $0x0  }
0x1c: {  	[sflag:s18] =	ssyncadd.s32 $0xFFFFF060  }
0x1d: {  	_ =	swait.ge [sflag:s18], $0xFA0  }
0x1e: {  	[sflag:s18] =	ssyncset.done $0x0  }
0x1f: {  	[sflag:s18] =	ssyncadd.s32 $0xFFFFF060  }
0x20: {  	_ =	swait.ge [sflag:s18], $0xFA0  }
0x21: {  	[sflag:s18] =	ssyncset.done $0x0  }
0x22: {  	s20 =	smov.u32 s7;
	[sflag:s18] =	ssyncadd.s32 $0xFFFFF060  }
.LBB2_8:
0x23: {  	s19 =	sadd.s32 $0x1, s19  }
0x24: {  	p1 =	sne.s32 s19, s11  }
.Ltmp1:
0x25: {  	s20 =	sadd.s32 s20, s5;
	[bflag:$0x0] =	sbarrier.arrive $0xFFFF;
	(pc) =	sbr.rel @!p1 .LBB2_9-.Ltmp1, $4  }
0x26: {  	[hbm:s20], [sflag:s15] =	dma.local [spmem:s16], $0xA00  }
0x27: {  	_ =	swait.ge [sflag:s12], $0xA00  }
0x28: {  	[sflag:s12] =	ssyncset.done $0x0  }
0x29: {  	[sflag:s12] =	ssyncadd.s32 $0xFFFFF600  }
.LBB2_1:
0x2a: {  	[tilespmem:s4], [sflag:$0x2] =	stream.linear.gather [hbm4b:s8+s4], $0x5000, $0x38;
	[tilespmem:$0xFFA0] =	vst v63  }
0x2b: {  	_ =	swait.ge [sflag:s12], $0x5000  }
0x2c: {  	[sflag:s12] =	ssyncset.done $0x0  }
0x2d: {  	[sflag:s12] =	ssyncadd.s32 $0xFFFFB000  }
0x2e: {  	[tilespmem:s13], [sflag:$0x2] =	stream.linear.gather [hbm4b:s9+s4], $0x5000, $0x38;
	[tilespmem:$0xFFA0] =	vst v63  }
0x2f: {  	_ =	swait.ge [sflag:s12], $0x5000  }
0x30: {  	[sflag:s12] =	ssyncset.done $0x0  }
0x31: {  	[sflag:s12] =	ssyncadd.s32 $0xFFFFB000  }
0x32: {  	[tilespmem:s14], [sflag:$0x2] =	stream.linear.gather [hbm4b:s2+s4], $0xFA0, $0x38;
	[tilespmem:$0xFFA0] =	vst v63  }
0x33: {  	_ =	swait.ge [sflag:s12], $0xFA0  }
0x34: {  	[sflag:s12] =	ssyncset.done $0x0  }
0x35: {  	[sflag:s12] =	ssyncadd.s32 $0xFFFFF060  }
0x36: {  	[spmem:s16], [sflag:s15] =	dma.local [hbm:s10], $0xA00  }
.Ltmp2:
0x37: {  	_ =	swait.ge [sflag:s12], $0xA00;
	(pc) =	sbr.rel @p0 .LBB2_5-.Ltmp2, $3  }
0x38: {  	[sflag:s12] =	ssyncset.done $0x0  }
0x39: {  	[sflag:s12] =	ssyncadd.s32 $0xFFFFF600  }
0x3a: {  	[bflag:$0x0] =	sbarrier.arrive $0xFFFF;
	_ =	sdelay $0x1  }
0x3b: {  	s20 =	simm.s32 $0x0  }
0x3c: {  	[spmem:s3] =	stream.indirect.scatter.add.f32 [tilespmem:s14], [sflag:$0x1], $0x20, s20, s17, $0xb8;
	[tilespmem:$0xFFA0] =	vst v63  }
0x3d: {  	s29 =	simm.s32 $0x80  }
0x3e: {  	[spmem:s3] =	stream.indirect.scatter.add.f32 [tilespmem:s14], [sflag:$0x1], $0x20, s29, s17, $0xb8;
	[tilespmem:$0xFFA0] =	vst v63  }
0x3f: {  	s30 =	simm.s32 $0x100  }
0x40: {  	[spmem:s3] =	stream.indirect.scatter.add.f32 [tilespmem:s14], [sflag:$0x1], $0x20, s30, s17, $0xb8;
	[tilespmem:$0xFFA0] =	vst v63  }
0x41: {  	s31 =	simm.s32 $0x180  }
0x42: {  	[spmem:s3] =	stream.indirect.scatter.add.f32 [tilespmem:s14], [sflag:$0x1], $0x20, s31, s17, $0xb8;
	[tilespmem:$0xFFA0] =	vst v63  }
0x43: {  	_ =	swait.ge [sflag:s18], $0xFA0  }
0x44: {  	[sflag:s18] =	ssyncset.done $0x0  }
0x45: {  	[sflag:s18] =	ssyncadd.s32 $0xFFFFF060  }
0x46: {  	_ =	swait.ge [sflag:s18], $0xFA0  }
0x47: {  	[sflag:s18] =	ssyncset.done $0x0  }
0x48: {  	[sflag:s18] =	ssyncadd.s32 $0xFFFFF060  }
0x49: {  	_ =	swait.ge [sflag:s18], $0xFA0  }
0x4a: {  	[sflag:s18] =	ssyncset.done $0x0  }
0x4b: {  	[sflag:s18] =	ssyncadd.s32 $0xFFFFF060  }
0x4c: {  	_ =	swait.ge [sflag:s18], $0xFA0  }
0x4d: {  	s21 =	simm.s32 $0x1000;
	s20 =	simm.s32 $0x800;
	[sflag:s18] =	ssyncset.done $0x0  }
.LBB2_3:
0x4e: {  	s22 =	sshra.s32 s20, $0x2  }
0x4f: {  	[sflag:s18] =	ssyncadd.s32 $0xFFFFF060;
	s20 =	smov.u32 s21;
	s23 =	sadd.s32 $0x800, s21  }
0x50: {  	[spmem:s3] =	stream.indirect.scatter.add.f32 [tilespmem:s14], [sflag:$0x1], $0x20, s22, s17, $0xb8;
	[tilespmem:$0xFFA0] =	vst v63  }
0x51: {  	p1 =	seq.s32 s21, $0x13800;
	s21 =	sadd.s32 $0x80, s22  }
0x52: {  	[spmem:s3] =	stream.indirect.scatter.add.f32 [tilespmem:s14], [sflag:$0x1], $0x20, s21, s17, $0xb8;
	[tilespmem:$0xFFA0] =	vst v63  }
0x53: {  	s21 =	sadd.s32 $0x100, s22  }
0x54: {  	[spmem:s3] =	stream.indirect.scatter.add.f32 [tilespmem:s14], [sflag:$0x1], $0x20, s21, s17, $0xb8;
	[tilespmem:$0xFFA0] =	vst v63  }
0x55: {  	s21 =	sadd.s32 $0x180, s22  }
0x56: {  	[spmem:s3] =	stream.indirect.scatter.add.f32 [tilespmem:s14], [sflag:$0x1], $0x20, s21, s17, $0xb8;
	[tilespmem:$0xFFA0] =	vst v63  }
0x57: {  	_ =	swait.ge [sflag:s18], $0xFA0  }
0x58: {  	[sflag:s18] =	ssyncset.done $0x0  }
0x59: {  	[sflag:s18] =	ssyncadd.s32 $0xFFFFF060  }
0x5a: {  	_ =	swait.ge [sflag:s18], $0xFA0  }
0x5b: {  	[sflag:s18] =	ssyncset.done $0x0  }
0x5c: {  	[sflag:s18] =	ssyncadd.s32 $0xFFFFF060  }
.Ltmp3:
0x5d: {  	_ =	swait.ge [sflag:s18], $0xFA0;
	(pc) =	sbr.rel @!p1 .LBB2_3-.Ltmp3, $4  }
0x5e: {  	[sflag:s18] =	ssyncset.done $0x0  }
0x5f: {  	[sflag:s18] =	ssyncadd.s32 $0xFFFFF060  }
0x60: {  	_ =	swait.ge [sflag:s18], $0xFA0  }
0x61: {  	s21 =	smov.u32 s23;
	[sflag:s18] =	ssyncset.done $0x0  }
0x62: {  	s20 =	sshra.s32 s20, $0x2;
	[sflag:s18] =	ssyncadd.s32 $0xFFFFF060  }
0x63: {  	[spmem:s3] =	stream.indirect.scatter.add.f32 [tilespmem:s14], [sflag:$0x1], $0x20, s20, s17, $0xb8;
	[tilespmem:$0xFFA0] =	vst v63  }
0x64: {  	s21 =	sadd.s32 $0x80, s20  }
0x65: {  	[spmem:s3] =	stream.indirect.scatter.add.f32 [tilespmem:s14], [sflag:$0x1], $0x20, s21, s17, $0xb8;
	[tilespmem:$0xFFA0] =	vst v63  }
0x66: {  	s31 =	sadd.s32 $0x100, s20  }
0x67: {  	[spmem:s3] =	stream.indirect.scatter.add.f32 [tilespmem:s14], [sflag:$0x1], $0x20, s31, s17, $0xb8;
	[tilespmem:$0xFFA0] =	vst v63  }
0x68: {  	s20 =	sadd.s32 $0x180, s20  }
0x69: {  	[spmem:s3] =	stream.indirect.scatter.add.f32 [tilespmem:s14], [sflag:$0x1], $0x20, s20, s17, $0xb8;
	[tilespmem:$0xFFA0] =	vst v63  }
0x6a: {  	_ =	swait.ge [sflag:s18], $0xFA0  }
0x6b: {  	[sflag:s18] =	ssyncset.done $0x0  }
0x6c: {  	[sflag:s18] =	ssyncadd.s32 $0xFFFFF060  }
0x6d: {  	_ =	swait.ge [sflag:s18], $0xFA0  }
0x6e: {  	[sflag:s18] =	ssyncset.done $0x0  }
0x6f: {  	[sflag:s18] =	ssyncadd.s32 $0xFFFFF060  }
0x70: {  	_ =	swait.ge [sflag:s18], $0xFA0  }
.Ltmp4:
0x71: {  	[sflag:s18] =	ssyncset.done $0x0;
	(pc) =	sbr.rel .LBB2_8-.Ltmp4, $4  }
0x72: {  	[sflag:s18] =	ssyncadd.s32 $0xFFFFF060  }
0x73: {  	_ =	swait.ge [sflag:s18], $0xFA0  }
0x74: {  	[sflag:s18] =	ssyncset.done $0x0  }
0x75: {  	s20 =	smov.u32 s6;
	[sflag:s18] =	ssyncadd.s32 $0xFFFFF060  }
.LBB2_5:
0x76: {  	s20 =	simm.s32 $0x5000  }
0x77: {  	[spmem:s3] =	stream.indirect.scatter.add.f32 [tilespmem:s14], [sflag:$0x1], $0x20, s20, s17, $0xb8;
	[tilespmem:$0xFFA0] =	vst v63  }
0x78: {  	s29 =	simm.s32 $0x5080  }
0x79: {  	[spmem:s3] =	stream.indirect.scatter.add.f32 [tilespmem:s14], [sflag:$0x1], $0x20, s29, s17, $0xb8;
	[tilespmem:$0xFFA0] =	vst v63  }
0x7a: {  	s30 =	simm.s32 $0x5100  }
0x7b: {  	[spmem:s3] =	stream.indirect.scatter.add.f32 [tilespmem:s14], [sflag:$0x1], $0x20, s30, s17, $0xb8;
	[tilespmem:$0xFFA0] =	vst v63  }
0x7c: {  	s31 =	simm.s32 $0x5180  }
0x7d: {  	[spmem:s3] =	stream.indirect.scatter.add.f32 [tilespmem:s14], [sflag:$0x1], $0x20, s31, s17, $0xb8;
	[tilespmem:$0xFFA0] =	vst v63  }
0x7e: {  	_ =	swait.ge [sflag:s18], $0xFA0  }
0x7f: {  	[sflag:s18] =	ssyncset.done $0x0  }
0x80: {  	[sflag:s18] =	ssyncadd.s32 $0xFFFFF060  }
0x81: {  	_ =	swait.ge [sflag:s18], $0xFA0  }
0x82: {  	[sflag:s18] =	ssyncset.done $0x0  }
0x83: {  	[sflag:s18] =	ssyncadd.s32 $0xFFFFF060  }
0x84: {  	_ =	swait.ge [sflag:s18], $0xFA0  }
0x85: {  	[sflag:s18] =	ssyncset.done $0x0  }
0x86: {  	[sflag:s18] =	ssyncadd.s32 $0xFFFFF060  }
0x87: {  	_ =	swait.ge [sflag:s18], $0xFA0  }
0x88: {  	s21 =	simm.s32 $0x1000;
	s20 =	simm.s32 $0x200;
	[sflag:s18] =	ssyncset.done $0x0  }
.LBB2_6:
0x89: {  	s22 =	sadd.s32 $0x5000, s20  }
0x8a: {  	[sflag:s18] =	ssyncadd.s32 $0xFFFFF060;
	s23 =	smov.u32 s21;
	s24 =	sadd.s32 $0x800, s21  }
0x8b: {  	[spmem:s3] =	stream.indirect.scatter.add.f32 [tilespmem:s14], [sflag:$0x1], $0x20, s22, s17, $0xb8;
	[tilespmem:$0xFFA0] =	vst v63  }
0x8c: {  	p1 =	sne.s32 s21, $0x13800;
	s21 =	sadd.s32 $0x5080, s20  }
0x8d: {  	[spmem:s3] =	stream.indirect.scatter.add.f32 [tilespmem:s14], [sflag:$0x1], $0x20, s21, s17, $0xb8;
	[tilespmem:$0xFFA0] =	vst v63  }
0x8e: {  	s21 =	sadd.s32 $0x5100, s20  }
0x8f: {  	[spmem:s3] =	stream.indirect.scatter.add.f32 [tilespmem:s14], [sflag:$0x1], $0x20, s21, s17, $0xb8;
	[tilespmem:$0xFFA0] =	vst v63  }
0x90: {  	s20 =	sadd.s32 $0x5180, s20  }
0x91: {  	[spmem:s3] =	stream.indirect.scatter.add.f32 [tilespmem:s14], [sflag:$0x1], $0x20, s20, s17, $0xb8;
	[tilespmem:$0xFFA0] =	vst v63  }
0x92: {  	_ =	swait.ge [sflag:s18], $0xFA0  }
0x93: {  	[sflag:s18] =	ssyncset.done $0x0  }
0x94: {  	[sflag:s18] =	ssyncadd.s32 $0xFFFFF060  }
0x95: {  	_ =	swait.ge [sflag:s18], $0xFA0  }
0x96: {  	[sflag:s18] =	ssyncset.done $0x0  }
0x97: {  	[sflag:s18] =	ssyncadd.s32 $0xFFFFF060  }
.Ltmp5:
0x98: {  	_ =	swait.ge [sflag:s18], $0xFA0;
	(pc) =	sbr.rel @p1 .LBB2_6-.Ltmp5, $4  }
0x99: {  	[sflag:s18] =	ssyncset.done $0x0  }
0x9a: {  	[sflag:s18] =	ssyncadd.s32 $0xFFFFF060  }
0x9b: {  	_ =	swait.ge [sflag:s18], $0xFA0  }
0x9c: {  	s21 =	smov.u32 s24;
	s20 =	sshra.s32 s23, $0x2;
	[sflag:s18] =	ssyncset.done $0x0  }
.Ltmp6:
0x9d: {  	_ = 	snop;
	(pc) =	sbr.rel .LBB2_7-.Ltmp6, $1  }
0x9e: {  	_ =	sdelay $0x3  }
.LBB2_9:
0x9f: {  	_ =	sfence.sel $0x180000  }
0xa0: {  	[bflag:$0x0] =	sbarrier.arrive $0xFFFF  }
0xa1: {  	p0 =	sne.s32 s1, $0x0;
	_ =	strace $0x90000047  }
0xa2: {  	s0 =	sadd.s32 @!p0 $0x100000, s0;
	[bflag:$0x2] =	sbarrier.arrive $0xFFFF  }
0xa3: {  	[sflag:s0] =	ssyncadd.tile.s32 @!p0 $0x1;
	_ =	shalt  }
.Lfunc_end2:
_tile_overlayer_lowered:
.L_overlay_start_2:
0xa4: {  	(tag) =	ssettag $0x2  }
0xa5: {  	s0 =	rddreg [dreg:$0x0];
	s2 =	stileid.u32  }
0xa6: {  	s1 =	rddreg [dreg:$0x1];
	p0 =	sne.s32 s2, $0x0  }
0xa7: {  	s3 =	rddreg [dreg:$0x2];
	[bflag:$0x3] =	sbarrier.arrive $0xFFFF;
	s2 =	simm.s32 @!p0 $0x1C02  }
0xa8: {  	[timem:s3], [sflag:s2] =	dma.local @!p0 [hbm:s0], s1  }
0xa9: {  	s0 =	simm.s32 @!p0 $0x2  }
0xaa: {  	_ =	swait.ge @!p0 [sflag:s0], s1  }
0xab: {  	s1 =	ssub.s32 @!p0 $0x0, s1;
	[sflag:s0] =	ssyncset.done @!p0 $0x0  }
0xac: {  	[sflag:s0] =	ssyncadd.s32 @!p0 s1  }
0xad: {  	[bflag:$0x3] =	sbarrier.arrive $0xFFFF  }
0xae: {  	_ =	shalt  }

// kernel: kernel.17.cloned.1.call-start
scs
__scs_entry_jumppad:
0x0: {  	(pc) =	sbr.rel $0x88, $3  }
0x1: {  	(tag) =	ssettag $0x0;
	lr =	simm.s32 $0x1  }
0x2: {  	[smem:$0x3F89] =	sst lr;
	_ =	strace $0xD0000000  }
0x3: {  	_ = 	snop  }
0x4: {  	_ = 	snop  }
0x5: {  	_ = 	snop  }
0x6: {  	_ = 	snop  }
0x7: {  	_ = 	snop  }
__scs_overlays_trampoline_lowered:
0x8: {  	[smem:$0x3F98] =	sst s0  }
0x9: {  	[smem:$0x3F99] =	sst s1  }
0xa: {  	[smem:$0x3F9A] =	sst s2  }
0xb: {  	[smem:$0x3F9B] =	sst s3  }
0xc: {  	[smem:$0x3F9C] =	sst s4  }
0xd: {  	[smem:$0x3F9D] =	sst s5  }
0xe: {  	[smem:$0x3F9E] =	sst s6  }
0xf: {  	[smem:$0x3F9F] =	sst s7  }
0x10: {  	[smem:$0x3FA0] =	sst s8  }
0x11: {  	[smem:$0x3FA1] =	sst s9;
	s0 =	simm.s32 @!p0 $0x0  }
0x12: {  	s1 =	sld [smem:$0x3F87];
	s0 =	simm.s32 @p0 $0x1  }
0x13: {  	[smem:$0x3FA2] =	sst s0;
	s0 =	simm.s32 @!p1 $0x0  }
0x14: {  	s2 =	sld [smem:$0x3F86];
	s0 =	simm.s32 @p1 $0x1  }
0x15: {  	[smem:$0x3FA3] =	sst s0;
	s0 =	simm.s32 @!p2 $0x0  }
0x16: {  	s3 =	sld [smem:$0x3FDB];
	s0 =	simm.s32 @p2 $0x1  }
0x17: {  	s4 =	simm.s32 $0x1BF5;
	[smem:$0x3FA5] =	sst s0  }
0x18: {  	s0 =	sld [smem:$0x3F88];
	_ =	swait.ge [sflag:s4], $0x0  }
0x19: {  	s7 =	sld [smem:$0x3F89]  }
0x1a: {  	s8 =	sadd.s32 $0xFFFFE003, lr  }
0x1b: {  	s9 =	sadd.s32 $0xFFFFFEF7, lr;
	s5 =	simm.s32 $0xFFFFFFFF;
	p2 =	slt.u32 s8, $0xFFFFF086  }
0x1c: {  	p1 =	slt.u32 s9, $0xF7A;
	s5 =	simm.s32 @!p2 $0x0  }
0x1d: {  	s5 =	simm.s32 @p1 $0x1;
	p0 =	seq.s32 s7, s2  }
0x1e: {  	s7 =	smul.u32 @!p0 $0xF7A, s2;
	p2 =	seq.s32 @!p0 s5, $0x0  }
0x1f: {  	s9 =	smul.u32 $0xF7A, s1;
	s8 =	simm.s32 @!p0 $0x1BF5;
	p2 =	por !p2, p0  }
0x20: {  	[sflag:s8] =	ssyncset.s32 @!p0 $0xFFFFF086;
	s6 =	sadd.s32 @!p0 s3, s7;
	s7 =	simm.s32 @!p0 $0x108  }
0x21: {  	s3 =	sadd.s32 s3, s9;
	s6 =	sadd.s32 @!p0 $0x88, s6;
	s7 =	simm.s32 @p2 $0x1082  }
0x22: {  	[simem:s7], [sflag:s8] =	dma.local @!p0 [hbm:s6], $0xF7A  }
0x23: {  	s9 =	sor.u32 $0xD0000000, s2;
	s6 =	simm.s32 $0x108;
	_ =	swait.ge @!p0 [sflag:s8], $0x0  }
0x24: {  	s3 =	sadd.s32 $0x88, s3;
	s6 =	simm.s32 @!p1 $0x1082;
	[sflag:s4] =	ssyncset.s32 $0xFFFFF086  }
0x25: {  	[simem:s6], [sflag:s4] =	dma.local [hbm:s3], $0xF7A  }
0x26: {  	[smem:$0x3F89] =	sst s1;
	(tag) =	ssettag s2;
	_ =	strace s9  }
0x27: {  	s1 =	sld [smem:$0x3F99]  }
0x28: {  	s2 =	sld [smem:$0x3F9A]  }
0x29: {  	s4 =	sld [smem:$0x3F9C]  }
0x2a: {  	p0 =	seq.s32 s5, $0x0;
	s5 =	sld [smem:$0x3F9D]  }
0x2b: {  	s6 =	sld [smem:$0x3F9E]  }
0x2c: {  	s7 =	sld [smem:$0x3F9F]  }
0x2d: {  	s3 =	simm.s32 $0x108;
	s8 =	sld [smem:$0x3FA0]  }
0x2e: {  	s3 =	simm.s32 @!p0 $0x1082;
	s9 =	sld [smem:$0x3FA1]  }
0x2f: {  	lr =	sadd.s32 s0, s3;
	s0 =	sld [smem:$0x3F98]  }
0x30: {  	s3 =	sld [smem:$0x3F9B]  }
0x31: {  	[smem:$0x3FA4] =	sst s10  }
0x32: {  	s10 =	sld [smem:$0x3FA2];
	_ =	sdelay $0x3  }
0x33: {  	p0 =	seq.s32 s10, $0x1;
	s10 =	sld [smem:$0x3FA4];
	_ =	sdelay $0x3  }
0x34: {  	[smem:$0x3FA4] =	sst s10  }
0x35: {  	s10 =	sld [smem:$0x3FA3];
	_ =	sdelay $0x3  }
0x36: {  	p1 =	seq.s32 s10, $0x1;
	s10 =	sld [smem:$0x3FA4];
	_ =	sdelay $0x3  }
0x37: {  	[smem:$0x3FA4] =	sst s10  }
0x38: {  	s10 =	sld [smem:$0x3FA5]  }
0x39: {  	_ = 	snop;
	(pc) =	sbr.ind lr, $3  }
0x3a: {  	_ = 	snop  }
0x3b: {  	_ = 	snop  }
0x3c: {  	p2 =	seq.s32 s10, $0x1;
	s10 =	sld [smem:$0x3FA4]  }
0x3d: {  	_ =	shalt  }
0x3e: {  	_ =	shalt  }
0x3f: {  	_ =	shalt  }
0x40: {  	_ =	shalt  }
0x41: {  	_ =	shalt  }
0x42: {  	_ =	shalt  }
0x43: {  	_ =	shalt  }
0x44: {  	_ =	shalt  }
0x45: {  	_ =	shalt  }
0x46: {  	_ =	shalt  }
0x47: {  	_ =	shalt  }
0x48: {  	_ =	shalt  }
0x49: {  	_ =	shalt  }
0x4a: {  	_ =	shalt  }
0x4b: {  	_ =	shalt  }
0x4c: {  	_ =	shalt  }
0x4d: {  	_ =	shalt  }
0x4e: {  	_ =	shalt  }
0x4f: {  	_ =	shalt  }
0x50: {  	_ =	shalt  }
0x51: {  	_ =	shalt  }
0x52: {  	_ =	shalt  }
0x53: {  	_ =	shalt  }
0x54: {  	_ =	shalt  }
0x55: {  	_ =	shalt  }
0x56: {  	_ =	shalt  }
0x57: {  	_ =	shalt  }
0x58: {  	_ =	shalt  }
0x59: {  	_ =	shalt  }
0x5a: {  	_ =	shalt  }
0x5b: {  	_ =	shalt  }
0x5c: {  	_ =	shalt  }
0x5d: {  	_ =	shalt  }
0x5e: {  	_ =	shalt  }
0x5f: {  	_ =	shalt  }
0x60: {  	_ =	shalt  }
0x61: {  	_ =	shalt  }
0x62: {  	_ =	shalt  }
0x63: {  	_ =	shalt  }
0x64: {  	_ =	shalt  }
0x65: {  	_ =	shalt  }
0x66: {  	_ =	shalt  }
0x67: {  	_ =	shalt  }
0x68: {  	_ =	shalt  }
0x69: {  	_ =	shalt  }
0x6a: {  	_ =	shalt  }
0x6b: {  	_ =	shalt  }
0x6c: {  	_ =	shalt  }
0x6d: {  	_ =	shalt  }
0x6e: {  	_ =	shalt  }
0x6f: {  	_ =	shalt  }
0x70: {  	_ =	shalt  }
0x71: {  	_ =	shalt  }
0x72: {  	_ =	shalt  }
0x73: {  	_ =	shalt  }
0x74: {  	_ =	shalt  }
0x75: {  	_ =	shalt  }
0x76: {  	_ =	shalt  }
0x77: {  	_ =	shalt  }
0x78: {  	_ =	shalt  }
0x79: {  	_ =	shalt  }
0x7a: {  	_ =	shalt  }
0x7b: {  	_ =	shalt  }
0x7c: {  	_ =	shalt  }
0x7d: {  	_ =	shalt  }
0x7e: {  	_ =	shalt  }
0x7f: {  	_ =	shalt  }
0x80: {  	_ =	shalt  }
0x81: {  	_ =	shalt  }
0x82: {  	_ =	shalt  }
0x83: {  	_ =	shalt  }
0x84: {  	_ =	shalt  }
0x85: {  	_ =	shalt  }
0x86: {  	_ =	shalt  }
0x87: {  	_ =	shalt  }
.Lfunc_end0:
.L_simem_size_0:
called_computation.1_lowered:
.L_overlay_start_0:
0x88: {  	s2 =	sld [smem:$0x3FD9]  }
0x89: {  	s3 =	sld [smem:$0x3FFE];
	_ =	sdelay $0x1  }
0x8a: {  	s1 =	srdreg.scid  }
0x8b: {  	s0 =	sand.u32 $0x1, s1  }
0x8c: {  	s16 =	sshll.u32 s0, $0xA;
	s2 =	sadd.s32 s3, s2  }
0x8d: {  	s2 =	sadd.s32 s2, s16  }
0x8e: {  	[smem:$0x3FB0] =	sst s2  }
0x8f: {  	_ = 	snop  }
0x90: {  	(tm) =	ssettm $0x1  }
0x91: {  	s17 =	sld [smem:$0x3FFB];
	_ =	sdelay $0x3  }
0x92: {  	_ =	strace s17  }
0x93: {  	s2 =	sld [smem:$0x3FFC];
	_ =	sdelay $0x3  }
0x94: {  	_ =	strace s2  }
0x95: {  	s2 =	sld [smem:$0x3FFD];
	_ =	sdelay $0x3  }
0x96: {  	_ =	strace s2  }
0x97: {  	_ =	strace $0x8FFFFFFF  }
0x98: {  	s18 =	sld [smem:$0x3FDB];
	_ =	sdelay $0x1  }
0x99: {  	s19 =	simm.s32 $_scs_section_size  }
0x9a: {  	s4 =	simm.s32 $_size__tile_overlayer_lowered;
	s5 =	simm.s32 $_tile_overlayer_lowered  }
0x9b: {  	s22 =	simm.s32 $0x1BFF;
	s21 =	sshll.u32 s5, $0x1;
	s2 =	sadd.s32 s19, s18  }
0x9c: {  	s6 =	simm.s32 $0x0;
	s20 =	sshll.u32 s4, $0x1;
	s4 =	sadd.s32 s21, s2  }
0x9d: {  	[timem:s6], [sflag:s22] =	dma.local [hbm:s4], s20  }
0x9e: {  	_ =	swait.ge [sflag:s22], s20  }
0x9f: {  	s3 =	ssub.s32 $0x0, s20;
	[sflag:s22] =	ssyncset.done $0x0  }
0xa0: {  	[sflag:s22] =	ssyncadd.s32 s3;
	_ =	sdelay $0x1  }
0xa1: {  	s23 =	simm.s32 $0x1B8B  }
0xa2: {  	_ =	swait.ge [sflag:s23], $0x1  }
0xa3: {  	[sflag:s23] =	ssyncset.done $0x0  }
0xa4: {  	s25 =	simm.s32 $0x1B8E;
	s24 =	sld [smem:$0x3FFE];
	[sflag:s23] =	ssyncadd.s32 $0xFFFFFFFF  }
0xa5: {  	s26 =	simm.s32 $execute0_lowered;
	[smem:$0x3FD2] =	sst s25  }
0xa6: {  	s4 =	sshll.u32 s26, $0x1;
	_ =	strace $0x80000049;
	[dreg:$0x1] =	wrdreg $0xFFFFFFFF  }
0xa7: {  	s28 =	simm.s32 $_size_execute0_lowered;
	s2 =	sadd.s32 s2, s4;
	[dreg:$0x0] =	wrdreg $0x0  }
0xa8: {  	s4 =	sshll.u32 s28, $0x1;
	[dreg:$0x2] =	wrdreg s2  }
0xa9: {  	[dreg:$0x3] =	wrdreg s4  }
0xaa: {  	[dreg:$0x4] =	wrdreg $0xC0  }
0xab: {  	_ =	task [dreg:s6], $0x5FFFF  }
0xac: {  	[dreg:$0x1] =	wrdreg $0xFFFFFFFF  }
0xad: {  	[dreg:$0x0] =	wrdreg $0x60  }
0xae: {  	[dreg:$0x2] =	wrdreg s24  }
0xaf: {  	[dreg:$0x3] =	wrdreg $0xDE800  }
0xb0: {  	[dreg:$0x4] =	wrdreg $0x9  }
0xb1: {  	_ =	task.clear_ibuf [dreg:s6], $0x5FFFF;
	_ =	strace $0x90000049  }
0xb2: {  	s29 =	simm.s32 $0x9;
	_ =	strace $0x8000004B  }
0xb3: {  	_ =	swait.ge [sflag:s29], $0x1  }
0xb4: {  	[sflag:s29] =	ssyncadd.s32 $0xFFFFFFFF  }
0xb5: {  	_ =	strace $0x9000004B  }
0xb6: {  	_ =	sfence  }
0xb7: {  	s30 =	sld [smem:$0x0];
	_ =	sdelay $0x2  }
0xb8: {  	s31 =	sshll.u32 s1, $0xD;
	s1 =	sshrl.u32 s1, $0x2  }
0xb9: {  	s3 =	sand.u32 $0x4000, s31;
	s1 =	sadd.s32 s1, s30  }
0xba: {  	s0 =	sor.u32 s3, s0;
	s1 =	sshll.u32 s1, $0x11  }
0xbb: {  	s0 =	sor.u32 s1, s0  }
0xbc: {  	s0 =	sadd.s32 $0x8F2B, s0  }
0xbd: {  	[sflag:s0] =	ssyncadd.remote.s32 $0x1  }
0xbe: {  	_ =	sfence.sel $0xFFFF  }
0xbf: {  	[dreg:$0x0] =	wrdreg $0xFFFFFFFF;
	(pc) =	sbr.abs _section_cstart, $3  }
0xc0: {  	[dreg:$0x1] =	wrdreg $0xFFFFFFFF  }
0xc1: {  	_ =	task.clear_ibuf [dreg:s6], $0x2FFFF;
	_ =	strace $0x9FFFFFFF  }
0xc2: {  	(tm) =	ssettm $0x7FFFFFFF  }
0xc3: {  	_ =	shalt  }
tec
execute0_lowered:
.L_overlay_start_1:
0x0: {  	(tag) =	ssettag $0x1  }
0x1: {  	s0 =	rddreg [dreg:$0x0]  }
0x2: {  	s2 =	rddreg [dreg:$0x1];
	s3 =	simm.s32 $0x0  }
0x3: {  	s8 =	stileid.u32;
	s6 =	srdreg.scid;
	s17 =	simm.s32 $0x7D  }
0x4: {  	s18 =	simm.s32 $0xA000;
	s19 =	simm.s32 $0xAFA0;
	s20 =	simm.s32 $0xBF40  }
0x5: {  	s21 =	simm.s32 $0xCEE0;
	s22 =	simm.s32 $0x1;
	s28 =	simm.s32 $0x6  }
0x6: {  	s29 =	simm.s32 $0x7;
	s30 =	simm.s32 $0x8;
	s1 =	smul.u32 $0xA00, s8  }
0x7: {  	s31 =	simm.s32 $0x0;
	[smem:$0x7FF] =	sst s3;
	s7 =	smul.u32 $0x5000, s8  }
0x8: {  	s4 =	sadd.s32 $0x2FA00, s0;
	s5 =	sadd.s32 $0x25C00, s0;
	s13 =	sand.u32 $0x1, s6  }
0x9: {  	s10 =	sadd.s32 $0x93C00, s0;
	s26 =	sshll.u32 s8, $0x6;
	s8 =	simm.s32 $0x5000  }
0xa: {  	_ =	strace $0x8000004A;
	s9 =	ssub.s32 $0x2, s13;
	[dreg:$0x3] =	wrdreg s10  }
0xb: {  	p0 =	sne.s32 s13, $0x0;
	s13 =	simm.s32 $0x9;
	s15 =	sor.u32 $0x1C09, s26  }
0xc: {  	s26 =	simm.s32 $0x5;
	s1 =	sadd.s32 s1, s0;
	s6 =	sshrl.u32 s7, $0x3  }
.Ltmp0:
0xd: {  	s23 =	sshrl.u32 s9, $0x1;
	s25 =	sadd.s32 s7, s2;
	(pc) =	sbr.rel .LBB2_1-.Ltmp0, $4  }
0xe: {  	s11 =	sadd.s32 s6, s0;
	s0 =	sadd.s32 $0x89C00, s0;
	s24 =	ssub.s32 s9, s23  }
0xf: {  	s9 =	sadd.s32 $0x11C00, s1;
	s10 =	sadd.s32 $0x7C00, s1;
	s16 =	sshrl.u32 s25, $0x3  }
0x10: {  	s23 =	simm.s32 $0x2;
	s25 =	simm.s32 $0x4;
	[dreg:$0x4] =	wrdreg s0  }
0x11: {  	s11 =	sadd.s32 $0x1BC00, s11;
	s12 =	smax.u32 s24, $0x1;
	s24 =	simm.s32 $0x3  }
.LBB2_7:
0x12: {  	s1 =	sadd.s32 $0x5000, s0;
	[sflag:s30] =	ssyncadd.s32 $0xFFFFF060  }
0x13: {  	[tilespmem:s18], [sflag:$0x1] =	stream.indirect.gather [hbm4b:s5+s17], $0x20, s1, s17, $0xb8;
	[tilespmem:$0x12E80] =	vst v63  }
0x14: {  	s7 =	sadd.s32 $0x5080, s0  }
0x15: {  	[tilespmem:s19], [sflag:$0x2] =	stream.indirect.gather [hbm4b:s5+s17], $0x20, s7, s17, $0xb8;
	[tilespmem:$0x12E80] =	vst v63  }
0x16: {  	s8 =	sadd.s32 $0x5100, s0  }
0x17: {  	[tilespmem:s20], [sflag:$0x3] =	stream.indirect.gather [hbm4b:s5+s17], $0x20, s8, s17, $0xb8;
	[tilespmem:$0x12E80] =	vst v63  }
0x18: {  	s14 =	sadd.s32 $0x5180, s0  }
0x19: {  	[tilespmem:s21], [sflag:$0x4] =	stream.indirect.gather [hbm4b:s5+s17], $0x20, s14, s17, $0xb8;
	[tilespmem:$0x12E80] =	vst v63  }
0x1a: {  	_ =	swait.ge [sflag:s22], $0xFA0  }
0x1b: {  	[sflag:s22] =	ssyncset.done $0x0  }
0x1c: {  	[sflag:s22] =	ssyncadd.s32 $0xFFFFF060  }
0x1d: {  	[spmem:s2] =	stream.indirect.scatter.add.f32 [tilespmem:s18], [sflag:$0x5], $0x20, s0, s17, $0xb8;
	[tilespmem:$0x12E80] =	vst v63  }
0x1e: {  	_ =	swait.ge [sflag:s23], $0xFA0  }
0x1f: {  	[sflag:s23] =	ssyncset.done $0x0  }
0x20: {  	s7 =	sadd.s32 $0x80, s0;
	[sflag:s23] =	ssyncadd.s32 $0xFFFFF060  }
0x21: {  	[spmem:s2] =	stream.indirect.scatter.add.f32 [tilespmem:s19], [sflag:$0x6], $0x20, s7, s17, $0xb8;
	[tilespmem:$0x12E80] =	vst v63  }
0x22: {  	_ =	swait.ge [sflag:s24], $0xFA0  }
0x23: {  	[sflag:s24] =	ssyncset.done $0x0  }
0x24: {  	s8 =	sadd.s32 $0x100, s0;
	[sflag:s24] =	ssyncadd.s32 $0xFFFFF060  }
0x25: {  	[spmem:s2] =	stream.indirect.scatter.add.f32 [tilespmem:s20], [sflag:$0x7], $0x20, s8, s17, $0xb8;
	[tilespmem:$0x12E80] =	vst v63  }
0x26: {  	_ =	swait.ge [sflag:s25], $0xFA0  }
0x27: {  	[sflag:s25] =	ssyncset.done $0x0  }
0x28: {  	s14 =	sadd.s32 $0x180, s0;
	[sflag:s25] =	ssyncadd.s32 $0xFFFFF060  }
0x29: {  	[spmem:s2] =	stream.indirect.scatter.add.f32 [tilespmem:s21], [sflag:$0x8], $0x20, s14, s17, $0xb8;
	[tilespmem:$0x12E80] =	vst v63  }
0x2a: {  	_ =	swait.ge [sflag:s26], $0xFA0  }
0x2b: {  	[sflag:s26] =	ssyncset.done $0x0  }
0x2c: {  	[sflag:s26] =	ssyncadd.s32 $0xFFFFF060  }
0x2d: {  	_ =	swait.ge [sflag:s28], $0xFA0  }
0x2e: {  	[sflag:s28] =	ssyncset.done $0x0  }
0x2f: {  	[sflag:s28] =	ssyncadd.s32 $0xFFFFF060  }
0x30: {  	_ =	swait.ge [sflag:s29], $0xFA0  }
0x31: {  	[sflag:s29] =	ssyncset.done $0x0  }
0x32: {  	[sflag:s29] =	ssyncadd.s32 $0xFFFFF060  }
0x33: {  	_ =	swait.ge [sflag:s30], $0xFA0  }
0x34: {  	[sflag:s30] =	ssyncset.done $0x0  }
0x35: {  	s8 =	simm.s32 $0x5000;
	s0 =	rddreg [dreg:$0x4];
	[sflag:s30] =	ssyncadd.s32 $0xFFFFF060  }
.LBB2_8:
0x36: {  	s31 =	sadd.s32 $0x1, s31  }
0x37: {  	p1 =	sne.s32 s31, s12  }
.Ltmp1:
0x38: {  	s0 =	sadd.s32 s0, s6;
	[bflag:$0x0] =	sbarrier.arrive $0xFFFF;
	(pc) =	sbr.rel @!p1 .LBB2_9-.Ltmp1, $4  }
0x39: {  	[hbm:s0], [sflag:s15] =	dma.local [spmem:s16], $0xA00  }
0x3a: {  	_ =	swait.ge [sflag:s13], $0xA00  }
0x3b: {  	[sflag:s13] =	ssyncset.done $0x0  }
0x3c: {  	[sflag:s13] =	ssyncadd.s32 $0xFFFFF600  }
.LBB2_1:
0x3d: {  	[tilespmem:s3], [sflag:$0x9] =	stream.linear.gather [hbm4b:s9+s3], $0x5000, $0x38;
	[tilespmem:$0x12E80] =	vst v63  }
0x3e: {  	_ =	swait.ge [sflag:s13], $0x5000  }
0x3f: {  	[sflag:s13] =	ssyncset.done $0x0  }
0x40: {  	[sflag:s13] =	ssyncadd.s32 $0xFFFFB000  }
0x41: {  	[tilespmem:s8], [sflag:$0x9] =	stream.linear.gather [hbm4b:s10+s3], $0x5000, $0x38;
	[tilespmem:$0x12E80] =	vst v63  }
0x42: {  	_ =	swait.ge [sflag:s13], $0x5000  }
0x43: {  	[sflag:s13] =	ssyncset.done $0x0  }
0x44: {  	[sflag:s13] =	ssyncadd.s32 $0xFFFFB000  }
0x45: {  	[spmem:s16], [sflag:s15] =	dma.local [hbm:s11], $0xA00  }
.Ltmp2:
0x46: {  	_ =	swait.ge [sflag:s13], $0xA00;
	(pc) =	sbr.rel @p0 .LBB2_5-.Ltmp2, $3  }
0x47: {  	[sflag:s13] =	ssyncset.done $0x0  }
0x48: {  	[sflag:s13] =	ssyncadd.s32 $0xFFFFF600  }
0x49: {  	[bflag:$0x0] =	sbarrier.arrive $0xFFFF;
	_ =	sdelay $0x1  }
0x4a: {  	s0 =	simm.s32 $0x0  }
0x4b: {  	[tilespmem:s18], [sflag:$0x1] =	stream.indirect.gather [hbm4b:s4+s17], $0x20, s0, s17, $0xb8;
	[tilespmem:$0x12E80] =	vst v63  }
0x4c: {  	s14 =	simm.s32 $0x80  }
0x4d: {  	[tilespmem:s19], [sflag:$0x2] =	stream.indirect.gather [hbm4b:s4+s17], $0x20, s14, s17, $0xb8;
	[tilespmem:$0x12E80] =	vst v63  }
0x4e: {  	s1 =	simm.s32 $0x100  }
0x4f: {  	[tilespmem:s20], [sflag:$0x3] =	stream.indirect.gather [hbm4b:s4+s17], $0x20, s1, s17, $0xb8;
	[tilespmem:$0x12E80] =	vst v63  }
0x50: {  	s7 =	simm.s32 $0x180  }
0x51: {  	[tilespmem:s21], [sflag:$0x4] =	stream.indirect.gather [hbm4b:s4+s17], $0x20, s7, s17, $0xb8;
	[tilespmem:$0x12E80] =	vst v63  }
0x52: {  	_ =	swait.ge [sflag:s22], $0xFA0  }
0x53: {  	[sflag:s22] =	ssyncset.done $0x0  }
0x54: {  	s14 =	simm.s32 $0x5000;
	[sflag:s22] =	ssyncadd.s32 $0xFFFFF060  }
0x55: {  	[spmem:s2] =	stream.indirect.scatter.add.f32 [tilespmem:s18], [sflag:$0x5], $0x20, s14, s17, $0xb8;
	[tilespmem:$0x12E80] =	vst v63  }
0x56: {  	_ =	swait.ge [sflag:s23], $0xFA0  }
0x57: {  	[sflag:s23] =	ssyncset.done $0x0  }
0x58: {  	s1 =	simm.s32 $0x5080;
	[sflag:s23] =	ssyncadd.s32 $0xFFFFF060  }
0x59: {  	[spmem:s2] =	stream.indirect.scatter.add.f32 [tilespmem:s19], [sflag:$0x6], $0x20, s1, s17, $0xb8;
	[tilespmem:$0x12E80] =	vst v63  }
0x5a: {  	_ =	swait.ge [sflag:s24], $0xFA0  }
0x5b: {  	[sflag:s24] =	ssyncset.done $0x0  }
0x5c: {  	s7 =	simm.s32 $0x5100;
	[sflag:s24] =	ssyncadd.s32 $0xFFFFF060  }
0x5d: {  	[spmem:s2] =	stream.indirect.scatter.add.f32 [tilespmem:s20], [sflag:$0x7], $0x20, s7, s17, $0xb8;
	[tilespmem:$0x12E80] =	vst v63  }
0x5e: {  	_ =	swait.ge [sflag:s25], $0xFA0  }
0x5f: {  	[sflag:s25] =	ssyncset.done $0x0  }
0x60: {  	s14 =	simm.s32 $0x5180;
	[sflag:s25] =	ssyncadd.s32 $0xFFFFF060  }
0x61: {  	[spmem:s2] =	stream.indirect.scatter.add.f32 [tilespmem:s21], [sflag:$0x8], $0x20, s14, s17, $0xb8;
	[tilespmem:$0x12E80] =	vst v63  }
0x62: {  	_ =	swait.ge [sflag:s26], $0xFA0  }
0x63: {  	[sflag:s26] =	ssyncset.done $0x0  }
0x64: {  	[sflag:s26] =	ssyncadd.s32 $0xFFFFF060  }
0x65: {  	_ =	swait.ge [sflag:s28], $0xFA0  }
0x66: {  	[sflag:s28] =	ssyncset.done $0x0  }
0x67: {  	[sflag:s28] =	ssyncadd.s32 $0xFFFFF060  }
0x68: {  	_ =	swait.ge [sflag:s29], $0xFA0  }
0x69: {  	[sflag:s29] =	ssyncset.done $0x0  }
0x6a: {  	[sflag:s29] =	ssyncadd.s32 $0xFFFFF060  }
0x6b: {  	_ =	swait.ge [sflag:s30], $0xFA0  }
0x6c: {  	s0 =	simm.s32 $0x800;
	s7 =	simm.s32 $0x1000;
	[sflag:s30] =	ssyncset.done $0x0  }
.LBB2_3:
0x6d: {  	s14 =	sshra.s32 s0, $0x2  }
0x6e: {  	[sflag:s30] =	ssyncadd.s32 $0xFFFFF060;
	s0 =	smov.u32 s7;
	s1 =	sadd.s32 $0x800, s7  }
0x6f: {  	[tilespmem:s18], [sflag:$0x1] =	stream.indirect.gather [hbm4b:s4+s17], $0x20, s14, s17, $0xb8;
	[tilespmem:$0x12E80] =	vst v63  }
0x70: {  	p1 =	seq.s32 s7, $0x13800;
	s7 =	sadd.s32 $0x80, s14  }
0x71: {  	[tilespmem:s19], [sflag:$0x2] =	stream.indirect.gather [hbm4b:s4+s17], $0x20, s7, s17, $0xb8;
	[tilespmem:$0x12E80] =	vst v63  }
0x72: {  	s7 =	sadd.s32 $0x100, s14  }
0x73: {  	[tilespmem:s20], [sflag:$0x3] =	stream.indirect.gather [hbm4b:s4+s17], $0x20, s7, s17, $0xb8;
	[tilespmem:$0x12E80] =	vst v63  }
0x74: {  	s7 =	sadd.s32 $0x180, s14  }
0x75: {  	[tilespmem:s21], [sflag:$0x4] =	stream.indirect.gather [hbm4b:s4+s17], $0x20, s7, s17, $0xb8;
	[tilespmem:$0x12E80] =	vst v63  }
0x76: {  	_ =	swait.ge [sflag:s22], $0xFA0  }
0x77: {  	[sflag:s22] =	ssyncset.done $0x0  }
0x78: {  	s7 =	sadd.s32 $0x5000, s14;
	[sflag:s22] =	ssyncadd.s32 $0xFFFFF060  }
0x79: {  	[spmem:s2] =	stream.indirect.scatter.add.f32 [tilespmem:s18], [sflag:$0x5], $0x20, s7, s17, $0xb8;
	[tilespmem:$0x12E80] =	vst v63  }
0x7a: {  	_ =	swait.ge [sflag:s23], $0xFA0  }
0x7b: {  	[sflag:s23] =	ssyncset.done $0x0  }
0x7c: {  	s7 =	sadd.s32 $0x5080, s14;
	[sflag:s23] =	ssyncadd.s32 $0xFFFFF060  }
0x7d: {  	[spmem:s2] =	stream.indirect.scatter.add.f32 [tilespmem:s19], [sflag:$0x6], $0x20, s7, s17, $0xb8;
	[tilespmem:$0x12E80] =	vst v63  }
0x7e: {  	_ =	swait.ge [sflag:s24], $0xFA0  }
0x7f: {  	[sflag:s24] =	ssyncset.done $0x0  }
0x80: {  	s7 =	sadd.s32 $0x5100, s14;
	[sflag:s24] =	ssyncadd.s32 $0xFFFFF060  }
0x81: {  	[spmem:s2] =	stream.indirect.scatter.add.f32 [tilespmem:s20], [sflag:$0x7], $0x20, s7, s17, $0xb8;
	[tilespmem:$0x12E80] =	vst v63  }
0x82: {  	_ =	swait.ge [sflag:s25], $0xFA0  }
0x83: {  	[sflag:s25] =	ssyncset.done $0x0  }
0x84: {  	s7 =	sadd.s32 $0x5180, s14;
	[sflag:s25] =	ssyncadd.s32 $0xFFFFF060  }
0x85: {  	[spmem:s2] =	stream.indirect.scatter.add.f32 [tilespmem:s21], [sflag:$0x8], $0x20, s7, s17, $0xb8;
	[tilespmem:$0x12E80] =	vst v63  }
0x86: {  	_ =	swait.ge [sflag:s26], $0xFA0  }
0x87: {  	[sflag:s26] =	ssyncset.done $0x0  }
0x88: {  	[sflag:s26] =	ssyncadd.s32 $0xFFFFF060  }
0x89: {  	_ =	swait.ge [sflag:s28], $0xFA0  }
0x8a: {  	[sflag:s28] =	ssyncset.done $0x0  }
0x8b: {  	[sflag:s28] =	ssyncadd.s32 $0xFFFFF060  }
.Ltmp3:
0x8c: {  	_ =	swait.ge [sflag:s29], $0xFA0;
	(pc) =	sbr.rel @!p1 .LBB2_3-.Ltmp3, $4  }
0x8d: {  	[sflag:s29] =	ssyncset.done $0x0  }
0x8e: {  	[sflag:s29] =	ssyncadd.s32 $0xFFFFF060  }
0x8f: {  	_ =	swait.ge [sflag:s30], $0xFA0  }
0x90: {  	s7 =	smov.u32 s1;
	[sflag:s30] =	ssyncset.done $0x0  }
0x91: {  	s0 =	sshra.s32 s0, $0x2;
	[sflag:s30] =	ssyncadd.s32 $0xFFFFF060  }
0x92: {  	[tilespmem:s18], [sflag:$0x1] =	stream.indirect.gather [hbm4b:s4+s17], $0x20, s0, s17, $0xb8;
	[tilespmem:$0x12E80] =	vst v63  }
0x93: {  	s1 =	sadd.s32 $0x80, s0  }
0x94: {  	[tilespmem:s19], [sflag:$0x2] =	stream.indirect.gather [hbm4b:s4+s17], $0x20, s1, s17, $0xb8;
	[tilespmem:$0x12E80] =	vst v63  }
0x95: {  	s14 =	sadd.s32 $0x100, s0  }
0x96: {  	[tilespmem:s20], [sflag:$0x3] =	stream.indirect.gather [hbm4b:s4+s17], $0x20, s14, s17, $0xb8;
	[tilespmem:$0x12E80] =	vst v63  }
0x97: {  	s7 =	sadd.s32 $0x180, s0  }
0x98: {  	[tilespmem:s21], [sflag:$0x4] =	stream.indirect.gather [hbm4b:s4+s17], $0x20, s7, s17, $0xb8;
	[tilespmem:$0x12E80] =	vst v63  }
0x99: {  	_ =	swait.ge [sflag:s22], $0xFA0  }
0x9a: {  	[sflag:s22] =	ssyncset.done $0x0  }
0x9b: {  	s14 =	sadd.s32 $0x5000, s0;
	[sflag:s22] =	ssyncadd.s32 $0xFFFFF060  }
0x9c: {  	[spmem:s2] =	stream.indirect.scatter.add.f32 [tilespmem:s18], [sflag:$0x5], $0x20, s14, s17, $0xb8;
	[tilespmem:$0x12E80] =	vst v63  }
0x9d: {  	_ =	swait.ge [sflag:s23], $0xFA0  }
0x9e: {  	[sflag:s23] =	ssyncset.done $0x0  }
0x9f: {  	s7 =	sadd.s32 $0x5080, s0;
	[sflag:s23] =	ssyncadd.s32 $0xFFFFF060  }
0xa0: {  	[spmem:s2] =	stream.indirect.scatter.add.f32 [tilespmem:s19], [sflag:$0x6], $0x20, s7, s17, $0xb8;
	[tilespmem:$0x12E80] =	vst v63  }
0xa1: {  	_ =	swait.ge [sflag:s24], $0xFA0  }
0xa2: {  	[sflag:s24] =	ssyncset.done $0x0  }
0xa3: {  	s14 =	sadd.s32 $0x5100, s0;
	[sflag:s24] =	ssyncadd.s32 $0xFFFFF060  }
0xa4: {  	[spmem:s2] =	stream.indirect.scatter.add.f32 [tilespmem:s20], [sflag:$0x7], $0x20, s14, s17, $0xb8;
	[tilespmem:$0x12E80] =	vst v63  }
0xa5: {  	_ =	swait.ge [sflag:s25], $0xFA0  }
0xa6: {  	[sflag:s25] =	ssyncset.done $0x0  }
0xa7: {  	s0 =	sadd.s32 $0x5180, s0;
	[sflag:s25] =	ssyncadd.s32 $0xFFFFF060  }
0xa8: {  	[spmem:s2] =	stream.indirect.scatter.add.f32 [tilespmem:s21], [sflag:$0x8], $0x20, s0, s17, $0xb8;
	[tilespmem:$0x12E80] =	vst v63  }
0xa9: {  	_ =	swait.ge [sflag:s26], $0xFA0  }
0xaa: {  	[sflag:s26] =	ssyncset.done $0x0  }
0xab: {  	[sflag:s26] =	ssyncadd.s32 $0xFFFFF060  }
0xac: {  	_ =	swait.ge [sflag:s28], $0xFA0  }
0xad: {  	[sflag:s28] =	ssyncset.done $0x0  }
0xae: {  	[sflag:s28] =	ssyncadd.s32 $0xFFFFF060  }
0xaf: {  	_ =	swait.ge [sflag:s29], $0xFA0  }
.Ltmp4:
0xb0: {  	[sflag:s29] =	ssyncset.done $0x0;
	(pc) =	sbr.rel .LBB2_8-.Ltmp4, $4  }
0xb1: {  	[sflag:s29] =	ssyncadd.s32 $0xFFFFF060  }
0xb2: {  	_ =	swait.ge [sflag:s30], $0xFA0  }
0xb3: {  	[sflag:s30] =	ssyncset.done $0x0  }
0xb4: {  	s0 =	rddreg [dreg:$0x3];
	[sflag:s30] =	ssyncadd.s32 $0xFFFFF060  }
.LBB2_5:
0xb5: {  	s0 =	simm.s32 $0x5000  }
0xb6: {  	[tilespmem:s18], [sflag:$0x1] =	stream.indirect.gather [hbm4b:s5+s17], $0x20, s0, s17, $0xb8;
	[tilespmem:$0x12E80] =	vst v63  }
0xb7: {  	s7 =	simm.s32 $0x5080  }
0xb8: {  	[tilespmem:s19], [sflag:$0x2] =	stream.indirect.gather [hbm4b:s5+s17], $0x20, s7, s17, $0xb8;
	[tilespmem:$0x12E80] =	vst v63  }
0xb9: {  	s8 =	simm.s32 $0x5100  }
0xba: {  	[tilespmem:s20], [sflag:$0x3] =	stream.indirect.gather [hbm4b:s5+s17], $0x20, s8, s17, $0xb8;
	[tilespmem:$0x12E80] =	vst v63  }
0xbb: {  	s14 =	simm.s32 $0x5180  }
0xbc: {  	[tilespmem:s21], [sflag:$0x4] =	stream.indirect.gather [hbm4b:s5+s17], $0x20, s14, s17, $0xb8;
	[tilespmem:$0x12E80] =	vst v63  }
0xbd: {  	_ =	swait.ge [sflag:s22], $0xFA0  }
0xbe: {  	[sflag:s22] =	ssyncset.done $0x0  }
0xbf: {  	s1 =	simm.s32 $0x0;
	[sflag:s22] =	ssyncadd.s32 $0xFFFFF060  }
0xc0: {  	[spmem:s2] =	stream.indirect.scatter.add.f32 [tilespmem:s18], [sflag:$0x5], $0x20, s1, s17, $0xb8;
	[tilespmem:$0x12E80] =	vst v63  }
0xc1: {  	_ =	swait.ge [sflag:s23], $0xFA0  }
0xc2: {  	[sflag:s23] =	ssyncset.done $0x0  }
0xc3: {  	s7 =	simm.s32 $0x80;
	[sflag:s23] =	ssyncadd.s32 $0xFFFFF060  }
0xc4: {  	[spmem:s2] =	stream.indirect.scatter.add.f32 [tilespmem:s19], [sflag:$0x6], $0x20, s7, s17, $0xb8;
	[tilespmem:$0x12E80] =	vst v63  }
0xc5: {  	_ =	swait.ge [sflag:s24], $0xFA0  }
0xc6: {  	[sflag:s24] =	ssyncset.done $0x0  }
0xc7: {  	s8 =	simm.s32 $0x100;
	[sflag:s24] =	ssyncadd.s32 $0xFFFFF060  }
0xc8: {  	[spmem:s2] =	stream.indirect.scatter.add.f32 [tilespmem:s20], [sflag:$0x7], $0x20, s8, s17, $0xb8;
	[tilespmem:$0x12E80] =	vst v63  }
0xc9: {  	_ =	swait.ge [sflag:s25], $0xFA0  }
0xca: {  	[sflag:s25] =	ssyncset.done $0x0  }
0xcb: {  	s14 =	simm.s32 $0x180;
	[sflag:s25] =	ssyncadd.s32 $0xFFFFF060  }
0xcc: {  	[spmem:s2] =	stream.indirect.scatter.add.f32 [tilespmem:s21], [sflag:$0x8], $0x20, s14, s17, $0xb8;
	[tilespmem:$0x12E80] =	vst v63  }
0xcd: {  	_ =	swait.ge [sflag:s26], $0xFA0  }
0xce: {  	[sflag:s26] =	ssyncset.done $0x0  }
0xcf: {  	[sflag:s26] =	ssyncadd.s32 $0xFFFFF060  }
0xd0: {  	_ =	swait.ge [sflag:s28], $0xFA0  }
0xd1: {  	[sflag:s28] =	ssyncset.done $0x0  }
0xd2: {  	[sflag:s28] =	ssyncadd.s32 $0xFFFFF060  }
0xd3: {  	_ =	swait.ge [sflag:s29], $0xFA0  }
0xd4: {  	[sflag:s29] =	ssyncset.done $0x0  }
0xd5: {  	[sflag:s29] =	ssyncadd.s32 $0xFFFFF060  }
0xd6: {  	_ =	swait.ge [sflag:s30], $0xFA0  }
0xd7: {  	s0 =	simm.s32 $0x200;
	s1 =	simm.s32 $0x1000;
	[sflag:s30] =	ssyncset.done $0x0  }
.LBB2_6:
0xd8: {  	s8 =	sadd.s32 $0x5000, s0  }
0xd9: {  	[sflag:s30] =	ssyncadd.s32 $0xFFFFF060;
	s14 =	smov.u32 s1;
	s7 =	sadd.s32 $0x800, s1  }
0xda: {  	[tilespmem:s18], [sflag:$0x1] =	stream.indirect.gather [hbm4b:s5+s17], $0x20, s8, s17, $0xb8;
	[tilespmem:$0x12E80] =	vst v63  }
0xdb: {  	p1 =	sne.s32 s1, $0x13800;
	s1 =	sadd.s32 $0x5080, s0  }
0xdc: {  	[tilespmem:s19], [sflag:$0x2] =	stream.indirect.gather [hbm4b:s5+s17], $0x20, s1, s17, $0xb8;
	[tilespmem:$0x12E80] =	vst v63  }
0xdd: {  	s1 =	sadd.s32 $0x5100, s0  }
0xde: {  	[tilespmem:s20], [sflag:$0x3] =	stream.indirect.gather [hbm4b:s5+s17], $0x20, s1, s17, $0xb8;
	[tilespmem:$0x12E80] =	vst v63  }
0xdf: {  	s1 =	sadd.s32 $0x5180, s0  }
0xe0: {  	[tilespmem:s21], [sflag:$0x4] =	stream.indirect.gather [hbm4b:s5+s17], $0x20, s1, s17, $0xb8;
	[tilespmem:$0x12E80] =	vst v63  }
0xe1: {  	_ =	swait.ge [sflag:s22], $0xFA0  }
0xe2: {  	[sflag:s22] =	ssyncset.done $0x0  }
0xe3: {  	[sflag:s22] =	ssyncadd.s32 $0xFFFFF060  }
0xe4: {  	[spmem:s2] =	stream.indirect.scatter.add.f32 [tilespmem:s18], [sflag:$0x5], $0x20, s0, s17, $0xb8;
	[tilespmem:$0x12E80] =	vst v63  }
0xe5: {  	_ =	swait.ge [sflag:s23], $0xFA0  }
0xe6: {  	[sflag:s23] =	ssyncset.done $0x0  }
0xe7: {  	s1 =	sadd.s32 $0x80, s0;
	[sflag:s23] =	ssyncadd.s32 $0xFFFFF060  }
0xe8: {  	[spmem:s2] =	stream.indirect.scatter.add.f32 [tilespmem:s19], [sflag:$0x6], $0x20, s1, s17, $0xb8;
	[tilespmem:$0x12E80] =	vst v63  }
0xe9: {  	_ =	swait.ge [sflag:s24], $0xFA0  }
0xea: {  	[sflag:s24] =	ssyncset.done $0x0  }
0xeb: {  	s1 =	sadd.s32 $0x100, s0;
	[sflag:s24] =	ssyncadd.s32 $0xFFFFF060  }
0xec: {  	[spmem:s2] =	stream.indirect.scatter.add.f32 [tilespmem:s20], [sflag:$0x7], $0x20, s1, s17, $0xb8;
	[tilespmem:$0x12E80] =	vst v63  }
0xed: {  	_ =	swait.ge [sflag:s25], $0xFA0  }
0xee: {  	[sflag:s25] =	ssyncset.done $0x0  }
0xef: {  	s0 =	sadd.s32 $0x180, s0;
	[sflag:s25] =	ssyncadd.s32 $0xFFFFF060  }
0xf0: {  	[spmem:s2] =	stream.indirect.scatter.add.f32 [tilespmem:s21], [sflag:$0x8], $0x20, s0, s17, $0xb8;
	[tilespmem:$0x12E80] =	vst v63  }
0xf1: {  	_ =	swait.ge [sflag:s26], $0xFA0  }
0xf2: {  	[sflag:s26] =	ssyncset.done $0x0  }
0xf3: {  	[sflag:s26] =	ssyncadd.s32 $0xFFFFF060  }
0xf4: {  	_ =	swait.ge [sflag:s28], $0xFA0  }
0xf5: {  	[sflag:s28] =	ssyncset.done $0x0  }
0xf6: {  	[sflag:s28] =	ssyncadd.s32 $0xFFFFF060  }
.Ltmp5:
0xf7: {  	_ =	swait.ge [sflag:s29], $0xFA0;
	(pc) =	sbr.rel @p1 .LBB2_6-.Ltmp5, $4  }
0xf8: {  	[sflag:s29] =	ssyncset.done $0x0  }
0xf9: {  	[sflag:s29] =	ssyncadd.s32 $0xFFFFF060  }
0xfa: {  	_ =	swait.ge [sflag:s30], $0xFA0  }
0xfb: {  	s1 =	smov.u32 s7;
	s0 =	sshra.s32 s14, $0x2;
	[sflag:s30] =	ssyncset.done $0x0  }
.Ltmp6:
0xfc: {  	_ = 	snop;
	(pc) =	sbr.rel .LBB2_7-.Ltmp6, $1  }
0xfd: {  	_ =	sdelay $0x3  }
.LBB2_9:
0xfe: {  	_ =	sfence.sel $0x180000  }
0xff: {  	[bflag:$0x0] =	sbarrier.arrive $0xFFFF  }
0x100: {  	_ =	strace $0x9000004A  }
0x101: {  	s0 =	stileid.u32;
	[bflag:$0x2] =	sbarrier.arrive $0xFFFF  }
0x102: {  	p0 =	sne.s32 s0, $0x0;
	s0 =	rddreg [dreg:$0x2]  }
0x103: {  	s0 =	sadd.s32 @!p0 $0x100000, s0  }
0x104: {  	[sflag:s0] =	ssyncadd.tile.s32 @!p0 $0x1;
	_ =	shalt  }
.Lfunc_end2:
_tile_overlayer_lowered:
.L_overlay_start_2:
0x105: {  	(tag) =	ssettag $0x2  }
0x106: {  	s0 =	rddreg [dreg:$0x0];
	s2 =	stileid.u32  }
0x107: {  	s1 =	rddreg [dreg:$0x1];
	p0 =	sne.s32 s2, $0x0  }
0x108: {  	s3 =	rddreg [dreg:$0x2];
	[bflag:$0x3] =	sbarrier.arrive $0xFFFF;
	s2 =	simm.s32 @!p0 $0x1C09  }
0x109: {  	[timem:s3], [sflag:s2] =	dma.local @!p0 [hbm:s0], s1  }
0x10a: {  	s0 =	simm.s32 @!p0 $0x9  }
0x10b: {  	_ =	swait.ge @!p0 [sflag:s0], s1  }
0x10c: {  	s1 =	ssub.s32 @!p0 $0x0, s1;
	[sflag:s0] =	ssyncset.done @!p0 $0x0  }
0x10d: {  	[sflag:s0] =	ssyncadd.s32 @!p0 s1  }
0x10e: {  	[bflag:$0x3] =	sbarrier.arrive $0xFFFF  }
0x10f: {  	_ =	shalt  }

// kernel: kernel.20.cloned.1.call-start
scs
__scs_entry_jumppad:
0x0: {  	(pc) =	sbr.rel $0x88, $3  }
0x1: {  	(tag) =	ssettag $0x0;
	lr =	simm.s32 $0x1  }
0x2: {  	[smem:$0x3F89] =	sst lr;
	_ =	strace $0xD0000000  }
0x3: {  	_ = 	snop  }
0x4: {  	_ = 	snop  }
0x5: {  	_ = 	snop  }
0x6: {  	_ = 	snop  }
0x7: {  	_ = 	snop  }
__scs_overlays_trampoline_lowered:
0x8: {  	[smem:$0x3F98] =	sst s0  }
0x9: {  	[smem:$0x3F99] =	sst s1  }
0xa: {  	[smem:$0x3F9A] =	sst s2  }
0xb: {  	[smem:$0x3F9B] =	sst s3  }
0xc: {  	[smem:$0x3F9C] =	sst s4  }
0xd: {  	[smem:$0x3F9D] =	sst s5  }
0xe: {  	[smem:$0x3F9E] =	sst s6  }
0xf: {  	[smem:$0x3F9F] =	sst s7  }
0x10: {  	[smem:$0x3FA0] =	sst s8  }
0x11: {  	[smem:$0x3FA1] =	sst s9;
	s0 =	simm.s32 @!p0 $0x0  }
0x12: {  	s1 =	sld [smem:$0x3F87];
	s0 =	simm.s32 @p0 $0x1  }
0x13: {  	[smem:$0x3FA2] =	sst s0;
	s0 =	simm.s32 @!p1 $0x0  }
0x14: {  	s2 =	sld [smem:$0x3F86];
	s0 =	simm.s32 @p1 $0x1  }
0x15: {  	[smem:$0x3FA3] =	sst s0;
	s0 =	simm.s32 @!p2 $0x0  }
0x16: {  	s3 =	sld [smem:$0x3FDB];
	s0 =	simm.s32 @p2 $0x1  }
0x17: {  	s4 =	simm.s32 $0x1BF5;
	[smem:$0x3FA5] =	sst s0  }
0x18: {  	s0 =	sld [smem:$0x3F88];
	_ =	swait.ge [sflag:s4], $0x0  }
0x19: {  	s7 =	sld [smem:$0x3F89]  }
0x1a: {  	s8 =	sadd.s32 $0xFFFFE003, lr  }
0x1b: {  	s9 =	sadd.s32 $0xFFFFFEF7, lr;
	s5 =	simm.s32 $0xFFFFFFFF;
	p2 =	slt.u32 s8, $0xFFFFF086  }
0x1c: {  	p1 =	slt.u32 s9, $0xF7A;
	s5 =	simm.s32 @!p2 $0x0  }
0x1d: {  	s5 =	simm.s32 @p1 $0x1;
	p0 =	seq.s32 s7, s2  }
0x1e: {  	s7 =	smul.u32 @!p0 $0xF7A, s2;
	p2 =	seq.s32 @!p0 s5, $0x0  }
0x1f: {  	s9 =	smul.u32 $0xF7A, s1;
	s8 =	simm.s32 @!p0 $0x1BF5;
	p2 =	por !p2, p0  }
0x20: {  	[sflag:s8] =	ssyncset.s32 @!p0 $0xFFFFF086;
	s6 =	sadd.s32 @!p0 s3, s7;
	s7 =	simm.s32 @!p0 $0x108  }
0x21: {  	s3 =	sadd.s32 s3, s9;
	s6 =	sadd.s32 @!p0 $0x88, s6;
	s7 =	simm.s32 @p2 $0x1082  }
0x22: {  	[simem:s7], [sflag:s8] =	dma.local @!p0 [hbm:s6], $0xF7A  }
0x23: {  	s9 =	sor.u32 $0xD0000000, s2;
	s6 =	simm.s32 $0x108;
	_ =	swait.ge @!p0 [sflag:s8], $0x0  }
0x24: {  	s3 =	sadd.s32 $0x88, s3;
	s6 =	simm.s32 @!p1 $0x1082;
	[sflag:s4] =	ssyncset.s32 $0xFFFFF086  }
0x25: {  	[simem:s6], [sflag:s4] =	dma.local [hbm:s3], $0xF7A  }
0x26: {  	[smem:$0x3F89] =	sst s1;
	(tag) =	ssettag s2;
	_ =	strace s9  }
0x27: {  	s1 =	sld [smem:$0x3F99]  }
0x28: {  	s2 =	sld [smem:$0x3F9A]  }
0x29: {  	s4 =	sld [smem:$0x3F9C]  }
0x2a: {  	p0 =	seq.s32 s5, $0x0;
	s5 =	sld [smem:$0x3F9D]  }
0x2b: {  	s6 =	sld [smem:$0x3F9E]  }
0x2c: {  	s7 =	sld [smem:$0x3F9F]  }
0x2d: {  	s3 =	simm.s32 $0x108;
	s8 =	sld [smem:$0x3FA0]  }
0x2e: {  	s3 =	simm.s32 @!p0 $0x1082;
	s9 =	sld [smem:$0x3FA1]  }
0x2f: {  	lr =	sadd.s32 s0, s3;
	s0 =	sld [smem:$0x3F98]  }
0x30: {  	s3 =	sld [smem:$0x3F9B]  }
0x31: {  	[smem:$0x3FA4] =	sst s10  }
0x32: {  	s10 =	sld [smem:$0x3FA2];
	_ =	sdelay $0x3  }
0x33: {  	p0 =	seq.s32 s10, $0x1;
	s10 =	sld [smem:$0x3FA4];
	_ =	sdelay $0x3  }
0x34: {  	[smem:$0x3FA4] =	sst s10  }
0x35: {  	s10 =	sld [smem:$0x3FA3];
	_ =	sdelay $0x3  }
0x36: {  	p1 =	seq.s32 s10, $0x1;
	s10 =	sld [smem:$0x3FA4];
	_ =	sdelay $0x3  }
0x37: {  	[smem:$0x3FA4] =	sst s10  }
0x38: {  	s10 =	sld [smem:$0x3FA5]  }
0x39: {  	_ = 	snop;
	(pc) =	sbr.ind lr, $3  }
0x3a: {  	_ = 	snop  }
0x3b: {  	_ = 	snop  }
0x3c: {  	p2 =	seq.s32 s10, $0x1;
	s10 =	sld [smem:$0x3FA4]  }
0x3d: {  	_ =	shalt  }
0x3e: {  	_ =	shalt  }
0x3f: {  	_ =	shalt  }
0x40: {  	_ =	shalt  }
0x41: {  	_ =	shalt  }
0x42: {  	_ =	shalt  }
0x43: {  	_ =	shalt  }
0x44: {  	_ =	shalt  }
0x45: {  	_ =	shalt  }
0x46: {  	_ =	shalt  }
0x47: {  	_ =	shalt  }
0x48: {  	_ =	shalt  }
0x49: {  	_ =	shalt  }
0x4a: {  	_ =	shalt  }
0x4b: {  	_ =	shalt  }
0x4c: {  	_ =	shalt  }
0x4d: {  	_ =	shalt  }
0x4e: {  	_ =	shalt  }
0x4f: {  	_ =	shalt  }
0x50: {  	_ =	shalt  }
0x51: {  	_ =	shalt  }
0x52: {  	_ =	shalt  }
0x53: {  	_ =	shalt  }
0x54: {  	_ =	shalt  }
0x55: {  	_ =	shalt  }
0x56: {  	_ =	shalt  }
0x57: {  	_ =	shalt  }
0x58: {  	_ =	shalt  }
0x59: {  	_ =	shalt  }
0x5a: {  	_ =	shalt  }
0x5b: {  	_ =	shalt  }
0x5c: {  	_ =	shalt  }
0x5d: {  	_ =	shalt  }
0x5e: {  	_ =	shalt  }
0x5f: {  	_ =	shalt  }
0x60: {  	_ =	shalt  }
0x61: {  	_ =	shalt  }
0x62: {  	_ =	shalt  }
0x63: {  	_ =	shalt  }
0x64: {  	_ =	shalt  }
0x65: {  	_ =	shalt  }
0x66: {  	_ =	shalt  }
0x67: {  	_ =	shalt  }
0x68: {  	_ =	shalt  }
0x69: {  	_ =	shalt  }
0x6a: {  	_ =	shalt  }
0x6b: {  	_ =	shalt  }
0x6c: {  	_ =	shalt  }
0x6d: {  	_ =	shalt  }
0x6e: {  	_ =	shalt  }
0x6f: {  	_ =	shalt  }
0x70: {  	_ =	shalt  }
0x71: {  	_ =	shalt  }
0x72: {  	_ =	shalt  }
0x73: {  	_ =	shalt  }
0x74: {  	_ =	shalt  }
0x75: {  	_ =	shalt  }
0x76: {  	_ =	shalt  }
0x77: {  	_ =	shalt  }
0x78: {  	_ =	shalt  }
0x79: {  	_ =	shalt  }
0x7a: {  	_ =	shalt  }
0x7b: {  	_ =	shalt  }
0x7c: {  	_ =	shalt  }
0x7d: {  	_ =	shalt  }
0x7e: {  	_ =	shalt  }
0x7f: {  	_ =	shalt  }
0x80: {  	_ =	shalt  }
0x81: {  	_ =	shalt  }
0x82: {  	_ =	shalt  }
0x83: {  	_ =	shalt  }
0x84: {  	_ =	shalt  }
0x85: {  	_ =	shalt  }
0x86: {  	_ =	shalt  }
0x87: {  	_ =	shalt  }
.Lfunc_end0:
.L_simem_size_0:
called_computation.2_lowered:
.L_overlay_start_0:
0x88: {  	s2 =	sld [smem:$0x3FD9]  }
0x89: {  	s3 =	sld [smem:$0x3FFE];
	_ =	sdelay $0x1  }
0x8a: {  	s1 =	srdreg.scid  }
0x8b: {  	s0 =	sand.u32 $0x1, s1  }
0x8c: {  	s16 =	sshll.u32 s0, $0xA;
	s2 =	sadd.s32 s3, s2  }
0x8d: {  	s2 =	sadd.s32 s2, s16  }
0x8e: {  	[smem:$0x3FB0] =	sst s2  }
0x8f: {  	_ = 	snop  }
0x90: {  	(tm) =	ssettm $0x1  }
0x91: {  	s17 =	sld [smem:$0x3FFB];
	_ =	sdelay $0x3  }
0x92: {  	_ =	strace s17  }
0x93: {  	s2 =	sld [smem:$0x3FFC];
	_ =	sdelay $0x3  }
0x94: {  	_ =	strace s2  }
0x95: {  	s2 =	sld [smem:$0x3FFD];
	_ =	sdelay $0x3  }
0x96: {  	_ =	strace s2  }
0x97: {  	_ =	strace $0x8FFFFFFF  }
0x98: {  	s18 =	sld [smem:$0x3FDB];
	_ =	sdelay $0x1  }
0x99: {  	s19 =	simm.s32 $_scs_section_size  }
0x9a: {  	s4 =	simm.s32 $_size__tile_overlayer_lowered;
	s5 =	simm.s32 $_tile_overlayer_lowered  }
0x9b: {  	s22 =	simm.s32 $0x1BFF;
	s21 =	sshll.u32 s5, $0x1;
	s2 =	sadd.s32 s19, s18  }
0x9c: {  	s6 =	simm.s32 $0x0;
	s20 =	sshll.u32 s4, $0x1;
	s4 =	sadd.s32 s21, s2  }
0x9d: {  	[timem:s6], [sflag:s22] =	dma.local [hbm:s4], s20  }
0x9e: {  	_ =	swait.ge [sflag:s22], s20  }
0x9f: {  	s3 =	ssub.s32 $0x0, s20;
	[sflag:s22] =	ssyncset.done $0x0  }
0xa0: {  	[sflag:s22] =	ssyncadd.s32 s3;
	_ =	sdelay $0x1  }
0xa1: {  	s23 =	simm.s32 $0x1B8B  }
0xa2: {  	_ =	swait.ge [sflag:s23], $0x1  }
0xa3: {  	[sflag:s23] =	ssyncset.done $0x0  }
0xa4: {  	s25 =	simm.s32 $0x1B8E;
	s24 =	sld [smem:$0x3FFE];
	[sflag:s23] =	ssyncadd.s32 $0xFFFFFFFF  }
0xa5: {  	s26 =	simm.s32 $execute0_lowered;
	[smem:$0x3FD2] =	sst s25  }
0xa6: {  	s4 =	sshll.u32 s26, $0x1;
	_ =	strace $0x8000004C;
	[dreg:$0x1] =	wrdreg $0xFFFFFFFF  }
0xa7: {  	s28 =	simm.s32 $_size_execute0_lowered;
	s2 =	sadd.s32 s2, s4;
	[dreg:$0x0] =	wrdreg $0x0  }
0xa8: {  	s4 =	sshll.u32 s28, $0x1;
	[dreg:$0x2] =	wrdreg s2  }
0xa9: {  	[dreg:$0x3] =	wrdreg s4  }
0xaa: {  	[dreg:$0x4] =	wrdreg $0xC0  }
0xab: {  	_ =	task [dreg:s6], $0x5FFFF  }
0xac: {  	[dreg:$0x1] =	wrdreg $0xFFFFFFFF  }
0xad: {  	[dreg:$0x0] =	wrdreg $0x60  }
0xae: {  	[dreg:$0x2] =	wrdreg s24  }
0xaf: {  	[dreg:$0x3] =	wrdreg $0xDE800  }
0xb0: {  	[dreg:$0x4] =	wrdreg $0x9  }
0xb1: {  	_ =	task.clear_ibuf [dreg:s6], $0x5FFFF;
	_ =	strace $0x9000004C  }
0xb2: {  	s29 =	simm.s32 $0x9;
	_ =	strace $0x8000004E  }
0xb3: {  	_ =	swait.ge [sflag:s29], $0x1  }
0xb4: {  	[sflag:s29] =	ssyncadd.s32 $0xFFFFFFFF  }
0xb5: {  	_ =	strace $0x9000004E  }
0xb6: {  	_ =	sfence  }
0xb7: {  	s30 =	sld [smem:$0x0];
	_ =	sdelay $0x2  }
0xb8: {  	s31 =	sshll.u32 s1, $0xD;
	s1 =	sshrl.u32 s1, $0x2  }
0xb9: {  	s3 =	sand.u32 $0x4000, s31;
	s1 =	sadd.s32 s1, s30  }
0xba: {  	s0 =	sor.u32 s3, s0;
	s1 =	sshll.u32 s1, $0x11  }
0xbb: {  	s0 =	sor.u32 s1, s0  }
0xbc: {  	s0 =	sadd.s32 $0x8F2B, s0  }
0xbd: {  	[sflag:s0] =	ssyncadd.remote.s32 $0x1  }
0xbe: {  	_ =	sfence.sel $0xFFFF  }
0xbf: {  	[dreg:$0x0] =	wrdreg $0xFFFFFFFF;
	(pc) =	sbr.abs _section_cstart, $3  }
0xc0: {  	[dreg:$0x1] =	wrdreg $0xFFFFFFFF  }
0xc1: {  	_ =	task.clear_ibuf [dreg:s6], $0x2FFFF;
	_ =	strace $0x9FFFFFFF  }
0xc2: {  	(tm) =	ssettm $0x7FFFFFFF  }
0xc3: {  	_ =	shalt  }
tec
execute0_lowered:
.L_overlay_start_1:
0x0: {  	(tag) =	ssettag $0x1  }
0x1: {  	s0 =	rddreg [dreg:$0x0]  }
0x2: {  	s2 =	rddreg [dreg:$0x1];
	s3 =	simm.s32 $0x0  }
0x3: {  	s8 =	stileid.u32;
	s6 =	srdreg.scid;
	s17 =	simm.s32 $0x7D  }
0x4: {  	s18 =	simm.s32 $0xA000;
	s19 =	simm.s32 $0xAFA0;
	s20 =	simm.s32 $0xBF40  }
0x5: {  	s21 =	simm.s32 $0xCEE0;
	s22 =	simm.s32 $0x1;
	s28 =	simm.s32 $0x6  }
0x6: {  	s29 =	simm.s32 $0x7;
	s30 =	simm.s32 $0x8;
	s1 =	smul.u32 $0xA00, s8  }
0x7: {  	s31 =	simm.s32 $0x0;
	[smem:$0x7FF] =	sst s3;
	s7 =	smul.u32 $0x5000, s8  }
0x8: {  	s4 =	sadd.s32 $0x2FA00, s0;
	s5 =	sadd.s32 $0x25C00, s0;
	s13 =	sand.u32 $0x1, s6  }
0x9: {  	s10 =	sadd.s32 $0xBAE00, s0;
	s26 =	sshll.u32 s8, $0x6;
	s8 =	simm.s32 $0x5000  }
0xa: {  	_ =	strace $0x8000004D;
	s9 =	ssub.s32 $0x2, s13;
	[dreg:$0x3] =	wrdreg s10  }
0xb: {  	p0 =	sne.s32 s13, $0x0;
	s13 =	simm.s32 $0x9;
	s15 =	sor.u32 $0x1C09, s26  }
0xc: {  	s26 =	simm.s32 $0x5;
	s1 =	sadd.s32 s1, s0;
	s6 =	sshrl.u32 s7, $0x3  }
.Ltmp0:
0xd: {  	s23 =	sshrl.u32 s9, $0x1;
	s25 =	sadd.s32 s7, s2;
	(pc) =	sbr.rel .LBB2_1-.Ltmp0, $4  }
0xe: {  	s11 =	sadd.s32 s6, s0;
	s0 =	sadd.s32 $0xB0E00, s0;
	s24 =	ssub.s32 s9, s23  }
0xf: {  	s9 =	sadd.s32 $0x11C00, s1;
	s10 =	sadd.s32 $0x7C00, s1;
	s16 =	sshrl.u32 s25, $0x3  }
0x10: {  	s23 =	simm.s32 $0x2;
	s25 =	simm.s32 $0x4;
	[dreg:$0x4] =	wrdreg s0  }
0x11: {  	s11 =	sadd.s32 $0x1BC00, s11;
	s12 =	smax.u32 s24, $0x1;
	s24 =	simm.s32 $0x3  }
.LBB2_7:
0x12: {  	s1 =	sadd.s32 $0x5000, s0;
	[sflag:s30] =	ssyncadd.s32 $0xFFFFF060  }
0x13: {  	[tilespmem:s18], [sflag:$0x1] =	stream.indirect.gather [hbm4b:s5+s17], $0x20, s1, s17, $0xb8;
	[tilespmem:$0x12E80] =	vst v63  }
0x14: {  	s7 =	sadd.s32 $0x5080, s0  }
0x15: {  	[tilespmem:s19], [sflag:$0x2] =	stream.indirect.gather [hbm4b:s5+s17], $0x20, s7, s17, $0xb8;
	[tilespmem:$0x12E80] =	vst v63  }
0x16: {  	s8 =	sadd.s32 $0x5100, s0  }
0x17: {  	[tilespmem:s20], [sflag:$0x3] =	stream.indirect.gather [hbm4b:s5+s17], $0x20, s8, s17, $0xb8;
	[tilespmem:$0x12E80] =	vst v63  }
0x18: {  	s14 =	sadd.s32 $0x5180, s0  }
0x19: {  	[tilespmem:s21], [sflag:$0x4] =	stream.indirect.gather [hbm4b:s5+s17], $0x20, s14, s17, $0xb8;
	[tilespmem:$0x12E80] =	vst v63  }
0x1a: {  	_ =	swait.ge [sflag:s22], $0xFA0  }
0x1b: {  	[sflag:s22] =	ssyncset.done $0x0  }
0x1c: {  	[sflag:s22] =	ssyncadd.s32 $0xFFFFF060  }
0x1d: {  	[spmem:s2] =	stream.indirect.scatter.add.f32 [tilespmem:s18], [sflag:$0x5], $0x20, s0, s17, $0xb8;
	[tilespmem:$0x12E80] =	vst v63  }
0x1e: {  	_ =	swait.ge [sflag:s23], $0xFA0  }
0x1f: {  	[sflag:s23] =	ssyncset.done $0x0  }
0x20: {  	s7 =	sadd.s32 $0x80, s0;
	[sflag:s23] =	ssyncadd.s32 $0xFFFFF060  }
0x21: {  	[spmem:s2] =	stream.indirect.scatter.add.f32 [tilespmem:s19], [sflag:$0x6], $0x20, s7, s17, $0xb8;
	[tilespmem:$0x12E80] =	vst v63  }
0x22: {  	_ =	swait.ge [sflag:s24], $0xFA0  }
0x23: {  	[sflag:s24] =	ssyncset.done $0x0  }
0x24: {  	s8 =	sadd.s32 $0x100, s0;
	[sflag:s24] =	ssyncadd.s32 $0xFFFFF060  }
0x25: {  	[spmem:s2] =	stream.indirect.scatter.add.f32 [tilespmem:s20], [sflag:$0x7], $0x20, s8, s17, $0xb8;
	[tilespmem:$0x12E80] =	vst v63  }
0x26: {  	_ =	swait.ge [sflag:s25], $0xFA0  }
0x27: {  	[sflag:s25] =	ssyncset.done $0x0  }
0x28: {  	s14 =	sadd.s32 $0x180, s0;
	[sflag:s25] =	ssyncadd.s32 $0xFFFFF060  }
0x29: {  	[spmem:s2] =	stream.indirect.scatter.add.f32 [tilespmem:s21], [sflag:$0x8], $0x20, s14, s17, $0xb8;
	[tilespmem:$0x12E80] =	vst v63  }
0x2a: {  	_ =	swait.ge [sflag:s26], $0xFA0  }
0x2b: {  	[sflag:s26] =	ssyncset.done $0x0  }
0x2c: {  	[sflag:s26] =	ssyncadd.s32 $0xFFFFF060  }
0x2d: {  	_ =	swait.ge [sflag:s28], $0xFA0  }
0x2e: {  	[sflag:s28] =	ssyncset.done $0x0  }
0x2f: {  	[sflag:s28] =	ssyncadd.s32 $0xFFFFF060  }
0x30: {  	_ =	swait.ge [sflag:s29], $0xFA0  }
0x31: {  	[sflag:s29] =	ssyncset.done $0x0  }
0x32: {  	[sflag:s29] =	ssyncadd.s32 $0xFFFFF060  }
0x33: {  	_ =	swait.ge [sflag:s30], $0xFA0  }
0x34: {  	[sflag:s30] =	ssyncset.done $0x0  }
0x35: {  	s8 =	simm.s32 $0x5000;
	s0 =	rddreg [dreg:$0x4];
	[sflag:s30] =	ssyncadd.s32 $0xFFFFF060  }
.LBB2_8:
0x36: {  	s31 =	sadd.s32 $0x1, s31  }
0x37: {  	p1 =	sne.s32 s31, s12  }
.Ltmp1:
0x38: {  	s0 =	sadd.s32 s0, s6;
	[bflag:$0x0] =	sbarrier.arrive $0xFFFF;
	(pc) =	sbr.rel @!p1 .LBB2_9-.Ltmp1, $4  }
0x39: {  	[hbm:s0], [sflag:s15] =	dma.local [spmem:s16], $0xA00  }
0x3a: {  	_ =	swait.ge [sflag:s13], $0xA00  }
0x3b: {  	[sflag:s13] =	ssyncset.done $0x0  }
0x3c: {  	[sflag:s13] =	ssyncadd.s32 $0xFFFFF600  }
.LBB2_1:
0x3d: {  	[tilespmem:s3], [sflag:$0x9] =	stream.linear.gather [hbm4b:s9+s3], $0x5000, $0x38;
	[tilespmem:$0x12E80] =	vst v63  }
0x3e: {  	_ =	swait.ge [sflag:s13], $0x5000  }
0x3f: {  	[sflag:s13] =	ssyncset.done $0x0  }
0x40: {  	[sflag:s13] =	ssyncadd.s32 $0xFFFFB000  }
0x41: {  	[tilespmem:s8], [sflag:$0x9] =	stream.linear.gather [hbm4b:s10+s3], $0x5000, $0x38;
	[tilespmem:$0x12E80] =	vst v63  }
0x42: {  	_ =	swait.ge [sflag:s13], $0x5000  }
0x43: {  	[sflag:s13] =	ssyncset.done $0x0  }
0x44: {  	[sflag:s13] =	ssyncadd.s32 $0xFFFFB000  }
0x45: {  	[spmem:s16], [sflag:s15] =	dma.local [hbm:s11], $0xA00  }
.Ltmp2:
0x46: {  	_ =	swait.ge [sflag:s13], $0xA00;
	(pc) =	sbr.rel @p0 .LBB2_5-.Ltmp2, $3  }
0x47: {  	[sflag:s13] =	ssyncset.done $0x0  }
0x48: {  	[sflag:s13] =	ssyncadd.s32 $0xFFFFF600  }
0x49: {  	[bflag:$0x0] =	sbarrier.arrive $0xFFFF;
	_ =	sdelay $0x1  }
0x4a: {  	s0 =	simm.s32 $0x0  }
0x4b: {  	[tilespmem:s18], [sflag:$0x1] =	stream.indirect.gather [hbm4b:s4+s17], $0x20, s0, s17, $0xb8;
	[tilespmem:$0x12E80] =	vst v63  }
0x4c: {  	s14 =	simm.s32 $0x80  }
0x4d: {  	[tilespmem:s19], [sflag:$0x2] =	stream.indirect.gather [hbm4b:s4+s17], $0x20, s14, s17, $0xb8;
	[tilespmem:$0x12E80] =	vst v63  }
0x4e: {  	s1 =	simm.s32 $0x100  }
0x4f: {  	[tilespmem:s20], [sflag:$0x3] =	stream.indirect.gather [hbm4b:s4+s17], $0x20, s1, s17, $0xb8;
	[tilespmem:$0x12E80] =	vst v63  }
0x50: {  	s7 =	simm.s32 $0x180  }
0x51: {  	[tilespmem:s21], [sflag:$0x4] =	stream.indirect.gather [hbm4b:s4+s17], $0x20, s7, s17, $0xb8;
	[tilespmem:$0x12E80] =	vst v63  }
0x52: {  	_ =	swait.ge [sflag:s22], $0xFA0  }
0x53: {  	[sflag:s22] =	ssyncset.done $0x0  }
0x54: {  	s14 =	simm.s32 $0x5000;
	[sflag:s22] =	ssyncadd.s32 $0xFFFFF060  }
0x55: {  	[spmem:s2] =	stream.indirect.scatter.add.f32 [tilespmem:s18], [sflag:$0x5], $0x20, s14, s17, $0xb8;
	[tilespmem:$0x12E80] =	vst v63  }
0x56: {  	_ =	swait.ge [sflag:s23], $0xFA0  }
0x57: {  	[sflag:s23] =	ssyncset.done $0x0  }
0x58: {  	s1 =	simm.s32 $0x5080;
	[sflag:s23] =	ssyncadd.s32 $0xFFFFF060  }
0x59: {  	[spmem:s2] =	stream.indirect.scatter.add.f32 [tilespmem:s19], [sflag:$0x6], $0x20, s1, s17, $0xb8;
	[tilespmem:$0x12E80] =	vst v63  }
0x5a: {  	_ =	swait.ge [sflag:s24], $0xFA0  }
0x5b: {  	[sflag:s24] =	ssyncset.done $0x0  }
0x5c: {  	s7 =	simm.s32 $0x5100;
	[sflag:s24] =	ssyncadd.s32 $0xFFFFF060  }
0x5d: {  	[spmem:s2] =	stream.indirect.scatter.add.f32 [tilespmem:s20], [sflag:$0x7], $0x20, s7, s17, $0xb8;
	[tilespmem:$0x12E80] =	vst v63  }
0x5e: {  	_ =	swait.ge [sflag:s25], $0xFA0  }
0x5f: {  	[sflag:s25] =	ssyncset.done $0x0  }
0x60: {  	s14 =	simm.s32 $0x5180;
	[sflag:s25] =	ssyncadd.s32 $0xFFFFF060  }
0x61: {  	[spmem:s2] =	stream.indirect.scatter.add.f32 [tilespmem:s21], [sflag:$0x8], $0x20, s14, s17, $0xb8;
	[tilespmem:$0x12E80] =	vst v63  }
0x62: {  	_ =	swait.ge [sflag:s26], $0xFA0  }
0x63: {  	[sflag:s26] =	ssyncset.done $0x0  }
0x64: {  	[sflag:s26] =	ssyncadd.s32 $0xFFFFF060  }
0x65: {  	_ =	swait.ge [sflag:s28], $0xFA0  }
0x66: {  	[sflag:s28] =	ssyncset.done $0x0  }
0x67: {  	[sflag:s28] =	ssyncadd.s32 $0xFFFFF060  }
0x68: {  	_ =	swait.ge [sflag:s29], $0xFA0  }
0x69: {  	[sflag:s29] =	ssyncset.done $0x0  }
0x6a: {  	[sflag:s29] =	ssyncadd.s32 $0xFFFFF060  }
0x6b: {  	_ =	swait.ge [sflag:s30], $0xFA0  }
0x6c: {  	s0 =	simm.s32 $0x800;
	s7 =	simm.s32 $0x1000;
	[sflag:s30] =	ssyncset.done $0x0  }
.LBB2_3:
0x6d: {  	s14 =	sshra.s32 s0, $0x2  }
0x6e: {  	[sflag:s30] =	ssyncadd.s32 $0xFFFFF060;
	s0 =	smov.u32 s7;
	s1 =	sadd.s32 $0x800, s7  }
0x6f: {  	[tilespmem:s18], [sflag:$0x1] =	stream.indirect.gather [hbm4b:s4+s17], $0x20, s14, s17, $0xb8;
	[tilespmem:$0x12E80] =	vst v63  }
0x70: {  	p1 =	seq.s32 s7, $0x13800;
	s7 =	sadd.s32 $0x80, s14  }
0x71: {  	[tilespmem:s19], [sflag:$0x2] =	stream.indirect.gather [hbm4b:s4+s17], $0x20, s7, s17, $0xb8;
	[tilespmem:$0x12E80] =	vst v63  }
0x72: {  	s7 =	sadd.s32 $0x100, s14  }
0x73: {  	[tilespmem:s20], [sflag:$0x3] =	stream.indirect.gather [hbm4b:s4+s17], $0x20, s7, s17, $0xb8;
	[tilespmem:$0x12E80] =	vst v63  }
0x74: {  	s7 =	sadd.s32 $0x180, s14  }
0x75: {  	[tilespmem:s21], [sflag:$0x4] =	stream.indirect.gather [hbm4b:s4+s17], $0x20, s7, s17, $0xb8;
	[tilespmem:$0x12E80] =	vst v63  }
0x76: {  	_ =	swait.ge [sflag:s22], $0xFA0  }
0x77: {  	[sflag:s22] =	ssyncset.done $0x0  }
0x78: {  	s7 =	sadd.s32 $0x5000, s14;
	[sflag:s22] =	ssyncadd.s32 $0xFFFFF060  }
0x79: {  	[spmem:s2] =	stream.indirect.scatter.add.f32 [tilespmem:s18], [sflag:$0x5], $0x20, s7, s17, $0xb8;
	[tilespmem:$0x12E80] =	vst v63  }
0x7a: {  	_ =	swait.ge [sflag:s23], $0xFA0  }
0x7b: {  	[sflag:s23] =	ssyncset.done $0x0  }
0x7c: {  	s7 =	sadd.s32 $0x5080, s14;
	[sflag:s23] =	ssyncadd.s32 $0xFFFFF060  }
0x7d: {  	[spmem:s2] =	stream.indirect.scatter.add.f32 [tilespmem:s19], [sflag:$0x6], $0x20, s7, s17, $0xb8;
	[tilespmem:$0x12E80] =	vst v63  }
0x7e: {  	_ =	swait.ge [sflag:s24], $0xFA0  }
0x7f: {  	[sflag:s24] =	ssyncset.done $0x0  }
0x80: {  	s7 =	sadd.s32 $0x5100, s14;
	[sflag:s24] =	ssyncadd.s32 $0xFFFFF060  }
0x81: {  	[spmem:s2] =	stream.indirect.scatter.add.f32 [tilespmem:s20], [sflag:$0x7], $0x20, s7, s17, $0xb8;
	[tilespmem:$0x12E80] =	vst v63  }
0x82: {  	_ =	swait.ge [sflag:s25], $0xFA0  }
0x83: {  	[sflag:s25] =	ssyncset.done $0x0  }
0x84: {  	s7 =	sadd.s32 $0x5180, s14;
	[sflag:s25] =	ssyncadd.s32 $0xFFFFF060  }
0x85: {  	[spmem:s2] =	stream.indirect.scatter.add.f32 [tilespmem:s21], [sflag:$0x8], $0x20, s7, s17, $0xb8;
	[tilespmem:$0x12E80] =	vst v63  }
0x86: {  	_ =	swait.ge [sflag:s26], $0xFA0  }
0x87: {  	[sflag:s26] =	ssyncset.done $0x0  }
0x88: {  	[sflag:s26] =	ssyncadd.s32 $0xFFFFF060  }
0x89: {  	_ =	swait.ge [sflag:s28], $0xFA0  }
0x8a: {  	[sflag:s28] =	ssyncset.done $0x0  }
0x8b: {  	[sflag:s28] =	ssyncadd.s32 $0xFFFFF060  }
.Ltmp3:
0x8c: {  	_ =	swait.ge [sflag:s29], $0xFA0;
	(pc) =	sbr.rel @!p1 .LBB2_3-.Ltmp3, $4  }
0x8d: {  	[sflag:s29] =	ssyncset.done $0x0  }
0x8e: {  	[sflag:s29] =	ssyncadd.s32 $0xFFFFF060  }
0x8f: {  	_ =	swait.ge [sflag:s30], $0xFA0  }
0x90: {  	s7 =	smov.u32 s1;
	[sflag:s30] =	ssyncset.done $0x0  }
0x91: {  	s0 =	sshra.s32 s0, $0x2;
	[sflag:s30] =	ssyncadd.s32 $0xFFFFF060  }
0x92: {  	[tilespmem:s18], [sflag:$0x1] =	stream.indirect.gather [hbm4b:s4+s17], $0x20, s0, s17, $0xb8;
	[tilespmem:$0x12E80] =	vst v63  }
0x93: {  	s1 =	sadd.s32 $0x80, s0  }
0x94: {  	[tilespmem:s19], [sflag:$0x2] =	stream.indirect.gather [hbm4b:s4+s17], $0x20, s1, s17, $0xb8;
	[tilespmem:$0x12E80] =	vst v63  }
0x95: {  	s14 =	sadd.s32 $0x100, s0  }
0x96: {  	[tilespmem:s20], [sflag:$0x3] =	stream.indirect.gather [hbm4b:s4+s17], $0x20, s14, s17, $0xb8;
	[tilespmem:$0x12E80] =	vst v63  }
0x97: {  	s7 =	sadd.s32 $0x180, s0  }
0x98: {  	[tilespmem:s21], [sflag:$0x4] =	stream.indirect.gather [hbm4b:s4+s17], $0x20, s7, s17, $0xb8;
	[tilespmem:$0x12E80] =	vst v63  }
0x99: {  	_ =	swait.ge [sflag:s22], $0xFA0  }
0x9a: {  	[sflag:s22] =	ssyncset.done $0x0  }
0x9b: {  	s14 =	sadd.s32 $0x5000, s0;
	[sflag:s22] =	ssyncadd.s32 $0xFFFFF060  }
0x9c: {  	[spmem:s2] =	stream.indirect.scatter.add.f32 [tilespmem:s18], [sflag:$0x5], $0x20, s14, s17, $0xb8;
	[tilespmem:$0x12E80] =	vst v63  }
0x9d: {  	_ =	swait.ge [sflag:s23], $0xFA0  }
0x9e: {  	[sflag:s23] =	ssyncset.done $0x0  }
0x9f: {  	s7 =	sadd.s32 $0x5080, s0;
	[sflag:s23] =	ssyncadd.s32 $0xFFFFF060  }
0xa0: {  	[spmem:s2] =	stream.indirect.scatter.add.f32 [tilespmem:s19], [sflag:$0x6], $0x20, s7, s17, $0xb8;
	[tilespmem:$0x12E80] =	vst v63  }
0xa1: {  	_ =	swait.ge [sflag:s24], $0xFA0  }
0xa2: {  	[sflag:s24] =	ssyncset.done $0x0  }
0xa3: {  	s14 =	sadd.s32 $0x5100, s0;
	[sflag:s24] =	ssyncadd.s32 $0xFFFFF060  }
0xa4: {  	[spmem:s2] =	stream.indirect.scatter.add.f32 [tilespmem:s20], [sflag:$0x7], $0x20, s14, s17, $0xb8;
	[tilespmem:$0x12E80] =	vst v63  }
0xa5: {  	_ =	swait.ge [sflag:s25], $0xFA0  }
0xa6: {  	[sflag:s25] =	ssyncset.done $0x0  }
0xa7: {  	s0 =	sadd.s32 $0x5180, s0;
	[sflag:s25] =	ssyncadd.s32 $0xFFFFF060  }
0xa8: {  	[spmem:s2] =	stream.indirect.scatter.add.f32 [tilespmem:s21], [sflag:$0x8], $0x20, s0, s17, $0xb8;
	[tilespmem:$0x12E80] =	vst v63  }
0xa9: {  	_ =	swait.ge [sflag:s26], $0xFA0  }
0xaa: {  	[sflag:s26] =	ssyncset.done $0x0  }
0xab: {  	[sflag:s26] =	ssyncadd.s32 $0xFFFFF060  }
0xac: {  	_ =	swait.ge [sflag:s28], $0xFA0  }
0xad: {  	[sflag:s28] =	ssyncset.done $0x0  }
0xae: {  	[sflag:s28] =	ssyncadd.s32 $0xFFFFF060  }
0xaf: {  	_ =	swait.ge [sflag:s29], $0xFA0  }
.Ltmp4:
0xb0: {  	[sflag:s29] =	ssyncset.done $0x0;
	(pc) =	sbr.rel .LBB2_8-.Ltmp4, $4  }
0xb1: {  	[sflag:s29] =	ssyncadd.s32 $0xFFFFF060  }
0xb2: {  	_ =	swait.ge [sflag:s30], $0xFA0  }
0xb3: {  	[sflag:s30] =	ssyncset.done $0x0  }
0xb4: {  	s0 =	rddreg [dreg:$0x3];
	[sflag:s30] =	ssyncadd.s32 $0xFFFFF060  }
.LBB2_5:
0xb5: {  	s0 =	simm.s32 $0x5000  }
0xb6: {  	[tilespmem:s18], [sflag:$0x1] =	stream.indirect.gather [hbm4b:s5+s17], $0x20, s0, s17, $0xb8;
	[tilespmem:$0x12E80] =	vst v63  }
0xb7: {  	s7 =	simm.s32 $0x5080  }
0xb8: {  	[tilespmem:s19], [sflag:$0x2] =	stream.indirect.gather [hbm4b:s5+s17], $0x20, s7, s17, $0xb8;
	[tilespmem:$0x12E80] =	vst v63  }
0xb9: {  	s8 =	simm.s32 $0x5100  }
0xba: {  	[tilespmem:s20], [sflag:$0x3] =	stream.indirect.gather [hbm4b:s5+s17], $0x20, s8, s17, $0xb8;
	[tilespmem:$0x12E80] =	vst v63  }
0xbb: {  	s14 =	simm.s32 $0x5180  }
0xbc: {  	[tilespmem:s21], [sflag:$0x4] =	stream.indirect.gather [hbm4b:s5+s17], $0x20, s14, s17, $0xb8;
	[tilespmem:$0x12E80] =	vst v63  }
0xbd: {  	_ =	swait.ge [sflag:s22], $0xFA0  }
0xbe: {  	[sflag:s22] =	ssyncset.done $0x0  }
0xbf: {  	s1 =	simm.s32 $0x0;
	[sflag:s22] =	ssyncadd.s32 $0xFFFFF060  }
0xc0: {  	[spmem:s2] =	stream.indirect.scatter.add.f32 [tilespmem:s18], [sflag:$0x5], $0x20, s1, s17, $0xb8;
	[tilespmem:$0x12E80] =	vst v63  }
0xc1: {  	_ =	swait.ge [sflag:s23], $0xFA0  }
0xc2: {  	[sflag:s23] =	ssyncset.done $0x0  }
0xc3: {  	s7 =	simm.s32 $0x80;
	[sflag:s23] =	ssyncadd.s32 $0xFFFFF060  }
0xc4: {  	[spmem:s2] =	stream.indirect.scatter.add.f32 [tilespmem:s19], [sflag:$0x6], $0x20, s7, s17, $0xb8;
	[tilespmem:$0x12E80] =	vst v63  }
0xc5: {  	_ =	swait.ge [sflag:s24], $0xFA0  }
0xc6: {  	[sflag:s24] =	ssyncset.done $0x0  }
0xc7: {  	s8 =	simm.s32 $0x100;
	[sflag:s24] =	ssyncadd.s32 $0xFFFFF060  }
0xc8: {  	[spmem:s2] =	stream.indirect.scatter.add.f32 [tilespmem:s20], [sflag:$0x7], $0x20, s8, s17, $0xb8;
	[tilespmem:$0x12E80] =	vst v63  }
0xc9: {  	_ =	swait.ge [sflag:s25], $0xFA0  }
0xca: {  	[sflag:s25] =	ssyncset.done $0x0  }
0xcb: {  	s14 =	simm.s32 $0x180;
	[sflag:s25] =	ssyncadd.s32 $0xFFFFF060  }
0xcc: {  	[spmem:s2] =	stream.indirect.scatter.add.f32 [tilespmem:s21], [sflag:$0x8], $0x20, s14, s17, $0xb8;
	[tilespmem:$0x12E80] =	vst v63  }
0xcd: {  	_ =	swait.ge [sflag:s26], $0xFA0  }
0xce: {  	[sflag:s26] =	ssyncset.done $0x0  }
0xcf: {  	[sflag:s26] =	ssyncadd.s32 $0xFFFFF060  }
0xd0: {  	_ =	swait.ge [sflag:s28], $0xFA0  }
0xd1: {  	[sflag:s28] =	ssyncset.done $0x0  }
0xd2: {  	[sflag:s28] =	ssyncadd.s32 $0xFFFFF060  }
0xd3: {  	_ =	swait.ge [sflag:s29], $0xFA0  }
0xd4: {  	[sflag:s29] =	ssyncset.done $0x0  }
0xd5: {  	[sflag:s29] =	ssyncadd.s32 $0xFFFFF060  }
0xd6: {  	_ =	swait.ge [sflag:s30], $0xFA0  }
0xd7: {  	s0 =	simm.s32 $0x200;
	s1 =	simm.s32 $0x1000;
	[sflag:s30] =	ssyncset.done $0x0  }
.LBB2_6:
0xd8: {  	s8 =	sadd.s32 $0x5000, s0  }
0xd9: {  	[sflag:s30] =	ssyncadd.s32 $0xFFFFF060;
	s14 =	smov.u32 s1;
	s7 =	sadd.s32 $0x800, s1  }
0xda: {  	[tilespmem:s18], [sflag:$0x1] =	stream.indirect.gather [hbm4b:s5+s17], $0x20, s8, s17, $0xb8;
	[tilespmem:$0x12E80] =	vst v63  }
0xdb: {  	p1 =	sne.s32 s1, $0x13800;
	s1 =	sadd.s32 $0x5080, s0  }
0xdc: {  	[tilespmem:s19], [sflag:$0x2] =	stream.indirect.gather [hbm4b:s5+s17], $0x20, s1, s17, $0xb8;
	[tilespmem:$0x12E80] =	vst v63  }
0xdd: {  	s1 =	sadd.s32 $0x5100, s0  }
0xde: {  	[tilespmem:s20], [sflag:$0x3] =	stream.indirect.gather [hbm4b:s5+s17], $0x20, s1, s17, $0xb8;
	[tilespmem:$0x12E80] =	vst v63  }
0xdf: {  	s1 =	sadd.s32 $0x5180, s0  }
0xe0: {  	[tilespmem:s21], [sflag:$0x4] =	stream.indirect.gather [hbm4b:s5+s17], $0x20, s1, s17, $0xb8;
	[tilespmem:$0x12E80] =	vst v63  }
0xe1: {  	_ =	swait.ge [sflag:s22], $0xFA0  }
0xe2: {  	[sflag:s22] =	ssyncset.done $0x0  }
0xe3: {  	[sflag:s22] =	ssyncadd.s32 $0xFFFFF060  }
0xe4: {  	[spmem:s2] =	stream.indirect.scatter.add.f32 [tilespmem:s18], [sflag:$0x5], $0x20, s0, s17, $0xb8;
	[tilespmem:$0x12E80] =	vst v63  }
0xe5: {  	_ =	swait.ge [sflag:s23], $0xFA0  }
0xe6: {  	[sflag:s23] =	ssyncset.done $0x0  }
0xe7: {  	s1 =	sadd.s32 $0x80, s0;
	[sflag:s23] =	ssyncadd.s32 $0xFFFFF060  }
0xe8: {  	[spmem:s2] =	stream.indirect.scatter.add.f32 [tilespmem:s19], [sflag:$0x6], $0x20, s1, s17, $0xb8;
	[tilespmem:$0x12E80] =	vst v63  }
0xe9: {  	_ =	swait.ge [sflag:s24], $0xFA0  }
0xea: {  	[sflag:s24] =	ssyncset.done $0x0  }
0xeb: {  	s1 =	sadd.s32 $0x100, s0;
	[sflag:s24] =	ssyncadd.s32 $0xFFFFF060  }
0xec: {  	[spmem:s2] =	stream.indirect.scatter.add.f32 [tilespmem:s20], [sflag:$0x7], $0x20, s1, s17, $0xb8;
	[tilespmem:$0x12E80] =	vst v63  }
0xed: {  	_ =	swait.ge [sflag:s25], $0xFA0  }
0xee: {  	[sflag:s25] =	ssyncset.done $0x0  }
0xef: {  	s0 =	sadd.s32 $0x180, s0;
	[sflag:s25] =	ssyncadd.s32 $0xFFFFF060  }
0xf0: {  	[spmem:s2] =	stream.indirect.scatter.add.f32 [tilespmem:s21], [sflag:$0x8], $0x20, s0, s17, $0xb8;
	[tilespmem:$0x12E80] =	vst v63  }
0xf1: {  	_ =	swait.ge [sflag:s26], $0xFA0  }
0xf2: {  	[sflag:s26] =	ssyncset.done $0x0  }
0xf3: {  	[sflag:s26] =	ssyncadd.s32 $0xFFFFF060  }
0xf4: {  	_ =	swait.ge [sflag:s28], $0xFA0  }
0xf5: {  	[sflag:s28] =	ssyncset.done $0x0  }
0xf6: {  	[sflag:s28] =	ssyncadd.s32 $0xFFFFF060  }
.Ltmp5:
0xf7: {  	_ =	swait.ge [sflag:s29], $0xFA0;
	(pc) =	sbr.rel @p1 .LBB2_6-.Ltmp5, $4  }
0xf8: {  	[sflag:s29] =	ssyncset.done $0x0  }
0xf9: {  	[sflag:s29] =	ssyncadd.s32 $0xFFFFF060  }
0xfa: {  	_ =	swait.ge [sflag:s30], $0xFA0  }
0xfb: {  	s1 =	smov.u32 s7;
	s0 =	sshra.s32 s14, $0x2;
	[sflag:s30] =	ssyncset.done $0x0  }
.Ltmp6:
0xfc: {  	_ = 	snop;
	(pc) =	sbr.rel .LBB2_7-.Ltmp6, $1  }
0xfd: {  	_ =	sdelay $0x3  }
.LBB2_9:
0xfe: {  	_ =	sfence.sel $0x180000  }
0xff: {  	[bflag:$0x0] =	sbarrier.arrive $0xFFFF  }
0x100: {  	_ =	strace $0x9000004D  }
0x101: {  	s0 =	stileid.u32;
	[bflag:$0x2] =	sbarrier.arrive $0xFFFF  }
0x102: {  	p0 =	sne.s32 s0, $0x0;
	s0 =	rddreg [dreg:$0x2]  }
0x103: {  	s0 =	sadd.s32 @!p0 $0x100000, s0  }
0x104: {  	[sflag:s0] =	ssyncadd.tile.s32 @!p0 $0x1;
	_ =	shalt  }
.Lfunc_end2:
_tile_overlayer_lowered:
.L_overlay_start_2:
0x105: {  	(tag) =	ssettag $0x2  }
0x106: {  	s0 =	rddreg [dreg:$0x0];
	s2 =	stileid.u32  }
0x107: {  	s1 =	rddreg [dreg:$0x1];
	p0 =	sne.s32 s2, $0x0  }
0x108: {  	s3 =	rddreg [dreg:$0x2];
	[bflag:$0x3] =	sbarrier.arrive $0xFFFF;
	s2 =	simm.s32 @!p0 $0x1C09  }
0x109: {  	[timem:s3], [sflag:s2] =	dma.local @!p0 [hbm:s0], s1  }
0x10a: {  	s0 =	simm.s32 @!p0 $0x9  }
0x10b: {  	_ =	swait.ge @!p0 [sflag:s0], s1  }
0x10c: {  	s1 =	ssub.s32 @!p0 $0x0, s1;
	[sflag:s0] =	ssyncset.done @!p0 $0x0  }
0x10d: {  	[sflag:s0] =	ssyncadd.s32 @!p0 s1  }
0x10e: {  	[bflag:$0x3] =	sbarrier.arrive $0xFFFF  }
0x10f: {  	_ =	shalt  }

// kernel: kernel.23.cloned.1.call-start
scs
__scs_entry_jumppad:
0x0: {  	(pc) =	sbr.rel $0x88, $3  }
0x1: {  	(tag) =	ssettag $0x0;
	lr =	simm.s32 $0x1  }
0x2: {  	[smem:$0x3F89] =	sst lr;
	_ =	strace $0xD0000000  }
0x3: {  	_ = 	snop  }
0x4: {  	_ = 	snop  }
0x5: {  	_ = 	snop  }
0x6: {  	_ = 	snop  }
0x7: {  	_ = 	snop  }
__scs_overlays_trampoline_lowered:
0x8: {  	[smem:$0x3F98] =	sst s0  }
0x9: {  	[smem:$0x3F99] =	sst s1  }
0xa: {  	[smem:$0x3F9A] =	sst s2  }
0xb: {  	[smem:$0x3F9B] =	sst s3  }
0xc: {  	[smem:$0x3F9C] =	sst s4  }
0xd: {  	[smem:$0x3F9D] =	sst s5  }
0xe: {  	[smem:$0x3F9E] =	sst s6  }
0xf: {  	[smem:$0x3F9F] =	sst s7  }
0x10: {  	[smem:$0x3FA0] =	sst s8  }
0x11: {  	[smem:$0x3FA1] =	sst s9;
	s0 =	simm.s32 @!p0 $0x0  }
0x12: {  	s1 =	sld [smem:$0x3F87];
	s0 =	simm.s32 @p0 $0x1  }
0x13: {  	[smem:$0x3FA2] =	sst s0;
	s0 =	simm.s32 @!p1 $0x0  }
0x14: {  	s2 =	sld [smem:$0x3F86];
	s0 =	simm.s32 @p1 $0x1  }
0x15: {  	[smem:$0x3FA3] =	sst s0;
	s0 =	simm.s32 @!p2 $0x0  }
0x16: {  	s3 =	sld [smem:$0x3FDB];
	s0 =	simm.s32 @p2 $0x1  }
0x17: {  	s4 =	simm.s32 $0x1BF5;
	[smem:$0x3FA5] =	sst s0  }
0x18: {  	s0 =	sld [smem:$0x3F88];
	_ =	swait.ge [sflag:s4], $0x0  }
0x19: {  	s7 =	sld [smem:$0x3F89]  }
0x1a: {  	s8 =	sadd.s32 $0xFFFFE003, lr  }
0x1b: {  	s9 =	sadd.s32 $0xFFFFFEF7, lr;
	s5 =	simm.s32 $0xFFFFFFFF;
	p2 =	slt.u32 s8, $0xFFFFF086  }
0x1c: {  	p1 =	slt.u32 s9, $0xF7A;
	s5 =	simm.s32 @!p2 $0x0  }
0x1d: {  	s5 =	simm.s32 @p1 $0x1;
	p0 =	seq.s32 s7, s2  }
0x1e: {  	s7 =	smul.u32 @!p0 $0xF7A, s2;
	p2 =	seq.s32 @!p0 s5, $0x0  }
0x1f: {  	s9 =	smul.u32 $0xF7A, s1;
	s8 =	simm.s32 @!p0 $0x1BF5;
	p2 =	por !p2, p0  }
0x20: {  	[sflag:s8] =	ssyncset.s32 @!p0 $0xFFFFF086;
	s6 =	sadd.s32 @!p0 s3, s7;
	s7 =	simm.s32 @!p0 $0x108  }
0x21: {  	s3 =	sadd.s32 s3, s9;
	s6 =	sadd.s32 @!p0 $0x88, s6;
	s7 =	simm.s32 @p2 $0x1082  }
0x22: {  	[simem:s7], [sflag:s8] =	dma.local @!p0 [hbm:s6], $0xF7A  }
0x23: {  	s9 =	sor.u32 $0xD0000000, s2;
	s6 =	simm.s32 $0x108;
	_ =	swait.ge @!p0 [sflag:s8], $0x0  }
0x24: {  	s3 =	sadd.s32 $0x88, s3;
	s6 =	simm.s32 @!p1 $0x1082;
	[sflag:s4] =	ssyncset.s32 $0xFFFFF086  }
0x25: {  	[simem:s6], [sflag:s4] =	dma.local [hbm:s3], $0xF7A  }
0x26: {  	[smem:$0x3F89] =	sst s1;
	(tag) =	ssettag s2;
	_ =	strace s9  }
0x27: {  	s1 =	sld [smem:$0x3F99]  }
0x28: {  	s2 =	sld [smem:$0x3F9A]  }
0x29: {  	s4 =	sld [smem:$0x3F9C]  }
0x2a: {  	p0 =	seq.s32 s5, $0x0;
	s5 =	sld [smem:$0x3F9D]  }
0x2b: {  	s6 =	sld [smem:$0x3F9E]  }
0x2c: {  	s7 =	sld [smem:$0x3F9F]  }
0x2d: {  	s3 =	simm.s32 $0x108;
	s8 =	sld [smem:$0x3FA0]  }
0x2e: {  	s3 =	simm.s32 @!p0 $0x1082;
	s9 =	sld [smem:$0x3FA1]  }
0x2f: {  	lr =	sadd.s32 s0, s3;
	s0 =	sld [smem:$0x3F98]  }
0x30: {  	s3 =	sld [smem:$0x3F9B]  }
0x31: {  	[smem:$0x3FA4] =	sst s10  }
0x32: {  	s10 =	sld [smem:$0x3FA2];
	_ =	sdelay $0x3  }
0x33: {  	p0 =	seq.s32 s10, $0x1;
	s10 =	sld [smem:$0x3FA4];
	_ =	sdelay $0x3  }
0x34: {  	[smem:$0x3FA4] =	sst s10  }
0x35: {  	s10 =	sld [smem:$0x3FA3];
	_ =	sdelay $0x3  }
0x36: {  	p1 =	seq.s32 s10, $0x1;
	s10 =	sld [smem:$0x3FA4];
	_ =	sdelay $0x3  }
0x37: {  	[smem:$0x3FA4] =	sst s10  }
0x38: {  	s10 =	sld [smem:$0x3FA5]  }
0x39: {  	_ = 	snop;
	(pc) =	sbr.ind lr, $3  }
0x3a: {  	_ = 	snop  }
0x3b: {  	_ = 	snop  }
0x3c: {  	p2 =	seq.s32 s10, $0x1;
	s10 =	sld [smem:$0x3FA4]  }
0x3d: {  	_ =	shalt  }
0x3e: {  	_ =	shalt  }
0x3f: {  	_ =	shalt  }
0x40: {  	_ =	shalt  }
0x41: {  	_ =	shalt  }
0x42: {  	_ =	shalt  }
0x43: {  	_ =	shalt  }
0x44: {  	_ =	shalt  }
0x45: {  	_ =	shalt  }
0x46: {  	_ =	shalt  }
0x47: {  	_ =	shalt  }
0x48: {  	_ =	shalt  }
0x49: {  	_ =	shalt  }
0x4a: {  	_ =	shalt  }
0x4b: {  	_ =	shalt  }
0x4c: {  	_ =	shalt  }
0x4d: {  	_ =	shalt  }
0x4e: {  	_ =	shalt  }
0x4f: {  	_ =	shalt  }
0x50: {  	_ =	shalt  }
0x51: {  	_ =	shalt  }
0x52: {  	_ =	shalt  }
0x53: {  	_ =	shalt  }
0x54: {  	_ =	shalt  }
0x55: {  	_ =	shalt  }
0x56: {  	_ =	shalt  }
0x57: {  	_ =	shalt  }
0x58: {  	_ =	shalt  }
0x59: {  	_ =	shalt  }
0x5a: {  	_ =	shalt  }
0x5b: {  	_ =	shalt  }
0x5c: {  	_ =	shalt  }
0x5d: {  	_ =	shalt  }
0x5e: {  	_ =	shalt  }
0x5f: {  	_ =	shalt  }
0x60: {  	_ =	shalt  }
0x61: {  	_ =	shalt  }
0x62: {  	_ =	shalt  }
0x63: {  	_ =	shalt  }
0x64: {  	_ =	shalt  }
0x65: {  	_ =	shalt  }
0x66: {  	_ =	shalt  }
0x67: {  	_ =	shalt  }
0x68: {  	_ =	shalt  }
0x69: {  	_ =	shalt  }
0x6a: {  	_ =	shalt  }
0x6b: {  	_ =	shalt  }
0x6c: {  	_ =	shalt  }
0x6d: {  	_ =	shalt  }
0x6e: {  	_ =	shalt  }
0x6f: {  	_ =	shalt  }
0x70: {  	_ =	shalt  }
0x71: {  	_ =	shalt  }
0x72: {  	_ =	shalt  }
0x73: {  	_ =	shalt  }
0x74: {  	_ =	shalt  }
0x75: {  	_ =	shalt  }
0x76: {  	_ =	shalt  }
0x77: {  	_ =	shalt  }
0x78: {  	_ =	shalt  }
0x79: {  	_ =	shalt  }
0x7a: {  	_ =	shalt  }
0x7b: {  	_ =	shalt  }
0x7c: {  	_ =	shalt  }
0x7d: {  	_ =	shalt  }
0x7e: {  	_ =	shalt  }
0x7f: {  	_ =	shalt  }
0x80: {  	_ =	shalt  }
0x81: {  	_ =	shalt  }
0x82: {  	_ =	shalt  }
0x83: {  	_ =	shalt  }
0x84: {  	_ =	shalt  }
0x85: {  	_ =	shalt  }
0x86: {  	_ =	shalt  }
0x87: {  	_ =	shalt  }
.Lfunc_end0:
.L_simem_size_0:
called_computation.3_lowered:
.L_overlay_start_0:
0x88: {  	s2 =	sld [smem:$0x3FD9]  }
0x89: {  	s3 =	sld [smem:$0x3FFE];
	_ =	sdelay $0x1  }
0x8a: {  	s1 =	srdreg.scid  }
0x8b: {  	s0 =	sand.u32 $0x1, s1  }
0x8c: {  	s16 =	sshll.u32 s0, $0xA;
	s2 =	sadd.s32 s3, s2  }
0x8d: {  	s2 =	sadd.s32 s2, s16  }
0x8e: {  	[smem:$0x3FB0] =	sst s2  }
0x8f: {  	_ = 	snop  }
0x90: {  	(tm) =	ssettm $0x1  }
0x91: {  	s17 =	sld [smem:$0x3FFB];
	_ =	sdelay $0x3  }
0x92: {  	_ =	strace s17  }
0x93: {  	s2 =	sld [smem:$0x3FFC];
	_ =	sdelay $0x3  }
0x94: {  	_ =	strace s2  }
0x95: {  	s2 =	sld [smem:$0x3FFD];
	_ =	sdelay $0x3  }
0x96: {  	_ =	strace s2  }
0x97: {  	_ =	strace $0x8FFFFFFF  }
0x98: {  	s18 =	sld [smem:$0x3FDB];
	_ =	sdelay $0x1  }
0x99: {  	s19 =	simm.s32 $_scs_section_size  }
0x9a: {  	s4 =	simm.s32 $_size__tile_overlayer_lowered;
	s5 =	simm.s32 $_tile_overlayer_lowered  }
0x9b: {  	s22 =	simm.s32 $0x1BFF;
	s21 =	sshll.u32 s5, $0x1;
	s2 =	sadd.s32 s19, s18  }
0x9c: {  	s6 =	simm.s32 $0x0;
	s20 =	sshll.u32 s4, $0x1;
	s4 =	sadd.s32 s21, s2  }
0x9d: {  	[timem:s6], [sflag:s22] =	dma.local [hbm:s4], s20  }
0x9e: {  	_ =	swait.ge [sflag:s22], s20  }
0x9f: {  	s3 =	ssub.s32 $0x0, s20;
	[sflag:s22] =	ssyncset.done $0x0  }
0xa0: {  	[sflag:s22] =	ssyncadd.s32 s3;
	_ =	sdelay $0x1  }
0xa1: {  	s23 =	simm.s32 $0x1B8B  }
0xa2: {  	_ =	swait.ge [sflag:s23], $0x1  }
0xa3: {  	[sflag:s23] =	ssyncset.done $0x0  }
0xa4: {  	s25 =	simm.s32 $0x1B8E;
	s24 =	sld [smem:$0x3FFE];
	[sflag:s23] =	ssyncadd.s32 $0xFFFFFFFF  }
0xa5: {  	s26 =	simm.s32 $execute0_lowered;
	[smem:$0x3FD2] =	sst s25  }
0xa6: {  	s4 =	sshll.u32 s26, $0x1;
	_ =	strace $0x8000004F;
	[dreg:$0x1] =	wrdreg $0xFFFFFFFF  }
0xa7: {  	s28 =	simm.s32 $_size_execute0_lowered;
	s2 =	sadd.s32 s2, s4;
	[dreg:$0x0] =	wrdreg $0x0  }
0xa8: {  	s4 =	sshll.u32 s28, $0x1;
	[dreg:$0x2] =	wrdreg s2  }
0xa9: {  	[dreg:$0x3] =	wrdreg s4  }
0xaa: {  	[dreg:$0x4] =	wrdreg $0xC0  }
0xab: {  	_ =	task [dreg:s6], $0x5FFFF  }
0xac: {  	[dreg:$0x1] =	wrdreg $0xFFFFFFFF  }
0xad: {  	[dreg:$0x0] =	wrdreg $0x60  }
0xae: {  	[dreg:$0x2] =	wrdreg s24  }
0xaf: {  	[dreg:$0x3] =	wrdreg $0xDE800  }
0xb0: {  	[dreg:$0x4] =	wrdreg $0x9  }
0xb1: {  	_ =	task.clear_ibuf [dreg:s6], $0x5FFFF;
	_ =	strace $0x9000004F  }
0xb2: {  	s29 =	simm.s32 $0x9;
	_ =	strace $0x80000051  }
0xb3: {  	_ =	swait.ge [sflag:s29], $0x1  }
0xb4: {  	[sflag:s29] =	ssyncadd.s32 $0xFFFFFFFF  }
0xb5: {  	_ =	strace $0x90000051  }
0xb6: {  	_ =	sfence  }
0xb7: {  	s30 =	sld [smem:$0x0];
	_ =	sdelay $0x2  }
0xb8: {  	s31 =	sshll.u32 s1, $0xD;
	s1 =	sshrl.u32 s1, $0x2  }
0xb9: {  	s3 =	sand.u32 $0x4000, s31;
	s1 =	sadd.s32 s1, s30  }
0xba: {  	s0 =	sor.u32 s3, s0;
	s1 =	sshll.u32 s1, $0x11  }
0xbb: {  	s0 =	sor.u32 s1, s0  }
0xbc: {  	s0 =	sadd.s32 $0x8F2B, s0  }
0xbd: {  	[sflag:s0] =	ssyncadd.remote.s32 $0x1  }
0xbe: {  	_ =	sfence.sel $0xFFFF  }
0xbf: {  	[dreg:$0x0] =	wrdreg $0xFFFFFFFF;
	(pc) =	sbr.abs _section_cstart, $3  }
0xc0: {  	[dreg:$0x1] =	wrdreg $0xFFFFFFFF  }
0xc1: {  	_ =	task.clear_ibuf [dreg:s6], $0x2FFFF;
	_ =	strace $0x9FFFFFFF  }
0xc2: {  	(tm) =	ssettm $0x7FFFFFFF  }
0xc3: {  	_ =	shalt  }
tec
execute0_lowered:
.L_overlay_start_1:
0x0: {  	(tag) =	ssettag $0x1  }
0x1: {  	s0 =	rddreg [dreg:$0x0]  }
0x2: {  	s2 =	rddreg [dreg:$0x1];
	s3 =	simm.s32 $0x0  }
0x3: {  	s8 =	stileid.u32;
	s6 =	srdreg.scid;
	s17 =	simm.s32 $0x7D  }
0x4: {  	s18 =	simm.s32 $0xA000;
	s19 =	simm.s32 $0xAFA0;
	s20 =	simm.s32 $0xBF40  }
0x5: {  	s21 =	simm.s32 $0xCEE0;
	s22 =	simm.s32 $0x1;
	s28 =	simm.s32 $0x6  }
0x6: {  	s29 =	simm.s32 $0x7;
	s30 =	simm.s32 $0x8;
	s1 =	smul.u32 $0xA00, s8  }
0x7: {  	s31 =	simm.s32 $0x0;
	[smem:$0x7FF] =	sst s3;
	s7 =	smul.u32 $0x5000, s8  }
0x8: {  	s4 =	sadd.s32 $0x2FA00, s0;
	s5 =	sadd.s32 $0x25C00, s0;
	s13 =	sand.u32 $0x1, s6  }
0x9: {  	s10 =	sadd.s32 $0xBAE00, s0;
	s26 =	sshll.u32 s8, $0x6;
	s8 =	simm.s32 $0x5000  }
0xa: {  	_ =	strace $0x80000050;
	s9 =	ssub.s32 $0x2, s13;
	[dreg:$0x3] =	wrdreg s10  }
0xb: {  	p0 =	sne.s32 s13, $0x0;
	s13 =	simm.s32 $0x9;
	s15 =	sor.u32 $0x1C09, s26  }
0xc: {  	s26 =	simm.s32 $0x5;
	s1 =	sadd.s32 s1, s0;
	s6 =	sshrl.u32 s7, $0x3  }
.Ltmp0:
0xd: {  	s23 =	sshrl.u32 s9, $0x1;
	s25 =	sadd.s32 s7, s2;
	(pc) =	sbr.rel .LBB2_1-.Ltmp0, $4  }
0xe: {  	s11 =	sadd.s32 s6, s0;
	s0 =	sadd.s32 $0xB0E00, s0;
	s24 =	ssub.s32 s9, s23  }
0xf: {  	s9 =	sadd.s32 $0x11C00, s1;
	s10 =	sadd.s32 $0x7C00, s1;
	s16 =	sshrl.u32 s25, $0x3  }
0x10: {  	s23 =	simm.s32 $0x2;
	s25 =	simm.s32 $0x4;
	[dreg:$0x4] =	wrdreg s0  }
0x11: {  	s11 =	sadd.s32 $0x1BC00, s11;
	s12 =	smax.u32 s24, $0x1;
	s24 =	simm.s32 $0x3  }
.LBB2_7:
0x12: {  	s1 =	sadd.s32 $0x5000, s0;
	[sflag:s30] =	ssyncadd.s32 $0xFFFFF060  }
0x13: {  	[tilespmem:s18], [sflag:$0x1] =	stream.indirect.gather [hbm4b:s5+s17], $0x20, s1, s17, $0xb8;
	[tilespmem:$0x12E80] =	vst v63  }
0x14: {  	s7 =	sadd.s32 $0x5080, s0  }
0x15: {  	[tilespmem:s19], [sflag:$0x2] =	stream.indirect.gather [hbm4b:s5+s17], $0x20, s7, s17, $0xb8;
	[tilespmem:$0x12E80] =	vst v63  }
0x16: {  	s8 =	sadd.s32 $0x5100, s0  }
0x17: {  	[tilespmem:s20], [sflag:$0x3] =	stream.indirect.gather [hbm4b:s5+s17], $0x20, s8, s17, $0xb8;
	[tilespmem:$0x12E80] =	vst v63  }
0x18: {  	s14 =	sadd.s32 $0x5180, s0  }
0x19: {  	[tilespmem:s21], [sflag:$0x4] =	stream.indirect.gather [hbm4b:s5+s17], $0x20, s14, s17, $0xb8;
	[tilespmem:$0x12E80] =	vst v63  }
0x1a: {  	_ =	swait.ge [sflag:s22], $0xFA0  }
0x1b: {  	[sflag:s22] =	ssyncset.done $0x0  }
0x1c: {  	[sflag:s22] =	ssyncadd.s32 $0xFFFFF060  }
0x1d: {  	[spmem:s2] =	stream.indirect.scatter.add.f32 [tilespmem:s18], [sflag:$0x5], $0x20, s0, s17, $0xb8;
	[tilespmem:$0x12E80] =	vst v63  }
0x1e: {  	_ =	swait.ge [sflag:s23], $0xFA0  }
0x1f: {  	[sflag:s23] =	ssyncset.done $0x0  }
0x20: {  	s7 =	sadd.s32 $0x80, s0;
	[sflag:s23] =	ssyncadd.s32 $0xFFFFF060  }
0x21: {  	[spmem:s2] =	stream.indirect.scatter.add.f32 [tilespmem:s19], [sflag:$0x6], $0x20, s7, s17, $0xb8;
	[tilespmem:$0x12E80] =	vst v63  }
0x22: {  	_ =	swait.ge [sflag:s24], $0xFA0  }
0x23: {  	[sflag:s24] =	ssyncset.done $0x0  }
0x24: {  	s8 =	sadd.s32 $0x100, s0;
	[sflag:s24] =	ssyncadd.s32 $0xFFFFF060  }
0x25: {  	[spmem:s2] =	stream.indirect.scatter.add.f32 [tilespmem:s20], [sflag:$0x7], $0x20, s8, s17, $0xb8;
	[tilespmem:$0x12E80] =	vst v63  }
0x26: {  	_ =	swait.ge [sflag:s25], $0xFA0  }
0x27: {  	[sflag:s25] =	ssyncset.done $0x0  }
0x28: {  	s14 =	sadd.s32 $0x180, s0;
	[sflag:s25] =	ssyncadd.s32 $0xFFFFF060  }
0x29: {  	[spmem:s2] =	stream.indirect.scatter.add.f32 [tilespmem:s21], [sflag:$0x8], $0x20, s14, s17, $0xb8;
	[tilespmem:$0x12E80] =	vst v63  }
0x2a: {  	_ =	swait.ge [sflag:s26], $0xFA0  }
0x2b: {  	[sflag:s26] =	ssyncset.done $0x0  }
0x2c: {  	[sflag:s26] =	ssyncadd.s32 $0xFFFFF060  }
0x2d: {  	_ =	swait.ge [sflag:s28], $0xFA0  }
0x2e: {  	[sflag:s28] =	ssyncset.done $0x0  }
0x2f: {  	[sflag:s28] =	ssyncadd.s32 $0xFFFFF060  }
0x30: {  	_ =	swait.ge [sflag:s29], $0xFA0  }
0x31: {  	[sflag:s29] =	ssyncset.done $0x0  }
0x32: {  	[sflag:s29] =	ssyncadd.s32 $0xFFFFF060  }
0x33: {  	_ =	swait.ge [sflag:s30], $0xFA0  }
0x34: {  	[sflag:s30] =	ssyncset.done $0x0  }
0x35: {  	s8 =	simm.s32 $0x5000;
	s0 =	rddreg [dreg:$0x4];
	[sflag:s30] =	ssyncadd.s32 $0xFFFFF060  }
.LBB2_8:
0x36: {  	s31 =	sadd.s32 $0x1, s31  }
0x37: {  	p1 =	sne.s32 s31, s12  }
.Ltmp1:
0x38: {  	s0 =	sadd.s32 s0, s6;
	[bflag:$0x0] =	sbarrier.arrive $0xFFFF;
	(pc) =	sbr.rel @!p1 .LBB2_9-.Ltmp1, $4  }
0x39: {  	[hbm:s0], [sflag:s15] =	dma.local [spmem:s16], $0xA00  }
0x3a: {  	_ =	swait.ge [sflag:s13], $0xA00  }
0x3b: {  	[sflag:s13] =	ssyncset.done $0x0  }
0x3c: {  	[sflag:s13] =	ssyncadd.s32 $0xFFFFF600  }
.LBB2_1:
0x3d: {  	[tilespmem:s3], [sflag:$0x9] =	stream.linear.gather [hbm4b:s9+s3], $0x5000, $0x38;
	[tilespmem:$0x12E80] =	vst v63  }
0x3e: {  	_ =	swait.ge [sflag:s13], $0x5000  }
0x3f: {  	[sflag:s13] =	ssyncset.done $0x0  }
0x40: {  	[sflag:s13] =	ssyncadd.s32 $0xFFFFB000  }
0x41: {  	[tilespmem:s8], [sflag:$0x9] =	stream.linear.gather [hbm4b:s10+s3], $0x5000, $0x38;
	[tilespmem:$0x12E80] =	vst v63  }
0x42: {  	_ =	swait.ge [sflag:s13], $0x5000  }
0x43: {  	[sflag:s13] =	ssyncset.done $0x0  }
0x44: {  	[sflag:s13] =	ssyncadd.s32 $0xFFFFB000  }
0x45: {  	[spmem:s16], [sflag:s15] =	dma.local [hbm:s11], $0xA00  }
.Ltmp2:
0x46: {  	_ =	swait.ge [sflag:s13], $0xA00;
	(pc) =	sbr.rel @p0 .LBB2_5-.Ltmp2, $3  }
0x47: {  	[sflag:s13] =	ssyncset.done $0x0  }
0x48: {  	[sflag:s13] =	ssyncadd.s32 $0xFFFFF600  }
0x49: {  	[bflag:$0x0] =	sbarrier.arrive $0xFFFF;
	_ =	sdelay $0x1  }
0x4a: {  	s0 =	simm.s32 $0x0  }
0x4b: {  	[tilespmem:s18], [sflag:$0x1] =	stream.indirect.gather [hbm4b:s4+s17], $0x20, s0, s17, $0xb8;
	[tilespmem:$0x12E80] =	vst v63  }
0x4c: {  	s14 =	simm.s32 $0x80  }
0x4d: {  	[tilespmem:s19], [sflag:$0x2] =	stream.indirect.gather [hbm4b:s4+s17], $0x20, s14, s17, $0xb8;
	[tilespmem:$0x12E80] =	vst v63  }
0x4e: {  	s1 =	simm.s32 $0x100  }
0x4f: {  	[tilespmem:s20], [sflag:$0x3] =	stream.indirect.gather [hbm4b:s4+s17], $0x20, s1, s17, $0xb8;
	[tilespmem:$0x12E80] =	vst v63  }
0x50: {  	s7 =	simm.s32 $0x180  }
0x51: {  	[tilespmem:s21], [sflag:$0x4] =	stream.indirect.gather [hbm4b:s4+s17], $0x20, s7, s17, $0xb8;
	[tilespmem:$0x12E80] =	vst v63  }
0x52: {  	_ =	swait.ge [sflag:s22], $0xFA0  }
0x53: {  	[sflag:s22] =	ssyncset.done $0x0  }
0x54: {  	s14 =	simm.s32 $0x5000;
	[sflag:s22] =	ssyncadd.s32 $0xFFFFF060  }
0x55: {  	[spmem:s2] =	stream.indirect.scatter.add.f32 [tilespmem:s18], [sflag:$0x5], $0x20, s14, s17, $0xb8;
	[tilespmem:$0x12E80] =	vst v63  }
0x56: {  	_ =	swait.ge [sflag:s23], $0xFA0  }
0x57: {  	[sflag:s23] =	ssyncset.done $0x0  }
0x58: {  	s1 =	simm.s32 $0x5080;
	[sflag:s23] =	ssyncadd.s32 $0xFFFFF060  }
0x59: {  	[spmem:s2] =	stream.indirect.scatter.add.f32 [tilespmem:s19], [sflag:$0x6], $0x20, s1, s17, $0xb8;
	[tilespmem:$0x12E80] =	vst v63  }
0x5a: {  	_ =	swait.ge [sflag:s24], $0xFA0  }
0x5b: {  	[sflag:s24] =	ssyncset.done $0x0  }
0x5c: {  	s7 =	simm.s32 $0x5100;
	[sflag:s24] =	ssyncadd.s32 $0xFFFFF060  }
0x5d: {  	[spmem:s2] =	stream.indirect.scatter.add.f32 [tilespmem:s20], [sflag:$0x7], $0x20, s7, s17, $0xb8;
	[tilespmem:$0x12E80] =	vst v63  }
0x5e: {  	_ =	swait.ge [sflag:s25], $0xFA0  }
0x5f: {  	[sflag:s25] =	ssyncset.done $0x0  }
0x60: {  	s14 =	simm.s32 $0x5180;
	[sflag:s25] =	ssyncadd.s32 $0xFFFFF060  }
0x61: {  	[spmem:s2] =	stream.indirect.scatter.add.f32 [tilespmem:s21], [sflag:$0x8], $0x20, s14, s17, $0xb8;
	[tilespmem:$0x12E80] =	vst v63  }
0x62: {  	_ =	swait.ge [sflag:s26], $0xFA0  }
0x63: {  	[sflag:s26] =	ssyncset.done $0x0  }
0x64: {  	[sflag:s26] =	ssyncadd.s32 $0xFFFFF060  }
0x65: {  	_ =	swait.ge [sflag:s28], $0xFA0  }
0x66: {  	[sflag:s28] =	ssyncset.done $0x0  }
0x67: {  	[sflag:s28] =	ssyncadd.s32 $0xFFFFF060  }
0x68: {  	_ =	swait.ge [sflag:s29], $0xFA0  }
0x69: {  	[sflag:s29] =	ssyncset.done $0x0  }
0x6a: {  	[sflag:s29] =	ssyncadd.s32 $0xFFFFF060  }
0x6b: {  	_ =	swait.ge [sflag:s30], $0xFA0  }
0x6c: {  	s0 =	simm.s32 $0x800;
	s7 =	simm.s32 $0x1000;
	[sflag:s30] =	ssyncset.done $0x0  }
.LBB2_3:
0x6d: {  	s14 =	sshra.s32 s0, $0x2  }
0x6e: {  	[sflag:s30] =	ssyncadd.s32 $0xFFFFF060;
	s0 =	smov.u32 s7;
	s1 =	sadd.s32 $0x800, s7  }
0x6f: {  	[tilespmem:s18], [sflag:$0x1] =	stream.indirect.gather [hbm4b:s4+s17], $0x20, s14, s17, $0xb8;
	[tilespmem:$0x12E80] =	vst v63  }
0x70: {  	p1 =	seq.s32 s7, $0x13800;
	s7 =	sadd.s32 $0x80, s14  }
0x71: {  	[tilespmem:s19], [sflag:$0x2] =	stream.indirect.gather [hbm4b:s4+s17], $0x20, s7, s17, $0xb8;
	[tilespmem:$0x12E80] =	vst v63  }
0x72: {  	s7 =	sadd.s32 $0x100, s14  }
0x73: {  	[tilespmem:s20], [sflag:$0x3] =	stream.indirect.gather [hbm4b:s4+s17], $0x20, s7, s17, $0xb8;
	[tilespmem:$0x12E80] =	vst v63  }
0x74: {  	s7 =	sadd.s32 $0x180, s14  }
0x75: {  	[tilespmem:s21], [sflag:$0x4] =	stream.indirect.gather [hbm4b:s4+s17], $0x20, s7, s17, $0xb8;
	[tilespmem:$0x12E80] =	vst v63  }
0x76: {  	_ =	swait.ge [sflag:s22], $0xFA0  }
0x77: {  	[sflag:s22] =	ssyncset.done $0x0  }
0x78: {  	s7 =	sadd.s32 $0x5000, s14;
	[sflag:s22] =	ssyncadd.s32 $0xFFFFF060  }
0x79: {  	[spmem:s2] =	stream.indirect.scatter.add.f32 [tilespmem:s18], [sflag:$0x5], $0x20, s7, s17, $0xb8;
	[tilespmem:$0x12E80] =	vst v63  }
0x7a: {  	_ =	swait.ge [sflag:s23], $0xFA0  }
0x7b: {  	[sflag:s23] =	ssyncset.done $0x0  }
0x7c: {  	s7 =	sadd.s32 $0x5080, s14;
	[sflag:s23] =	ssyncadd.s32 $0xFFFFF060  }
0x7d: {  	[spmem:s2] =	stream.indirect.scatter.add.f32 [tilespmem:s19], [sflag:$0x6], $0x20, s7, s17, $0xb8;
	[tilespmem:$0x12E80] =	vst v63  }
0x7e: {  	_ =	swait.ge [sflag:s24], $0xFA0  }
0x7f: {  	[sflag:s24] =	ssyncset.done $0x0  }
0x80: {  	s7 =	sadd.s32 $0x5100, s14;
	[sflag:s24] =	ssyncadd.s32 $0xFFFFF060  }
0x81: {  	[spmem:s2] =	stream.indirect.scatter.add.f32 [tilespmem:s20], [sflag:$0x7], $0x20, s7, s17, $0xb8;
	[tilespmem:$0x12E80] =	vst v63  }
0x82: {  	_ =	swait.ge [sflag:s25], $0xFA0  }
0x83: {  	[sflag:s25] =	ssyncset.done $0x0  }
0x84: {  	s7 =	sadd.s32 $0x5180, s14;
	[sflag:s25] =	ssyncadd.s32 $0xFFFFF060  }
0x85: {  	[spmem:s2] =	stream.indirect.scatter.add.f32 [tilespmem:s21], [sflag:$0x8], $0x20, s7, s17, $0xb8;
	[tilespmem:$0x12E80] =	vst v63  }
0x86: {  	_ =	swait.ge [sflag:s26], $0xFA0  }
0x87: {  	[sflag:s26] =	ssyncset.done $0x0  }
0x88: {  	[sflag:s26] =	ssyncadd.s32 $0xFFFFF060  }
0x89: {  	_ =	swait.ge [sflag:s28], $0xFA0  }
0x8a: {  	[sflag:s28] =	ssyncset.done $0x0  }
0x8b: {  	[sflag:s28] =	ssyncadd.s32 $0xFFFFF060  }
.Ltmp3:
0x8c: {  	_ =	swait.ge [sflag:s29], $0xFA0;
	(pc) =	sbr.rel @!p1 .LBB2_3-.Ltmp3, $4  }
0x8d: {  	[sflag:s29] =	ssyncset.done $0x0  }
0x8e: {  	[sflag:s29] =	ssyncadd.s32 $0xFFFFF060  }
0x8f: {  	_ =	swait.ge [sflag:s30], $0xFA0  }
0x90: {  	s7 =	smov.u32 s1;
	[sflag:s30] =	ssyncset.done $0x0  }
0x91: {  	s0 =	sshra.s32 s0, $0x2;
	[sflag:s30] =	ssyncadd.s32 $0xFFFFF060  }
0x92: {  	[tilespmem:s18], [sflag:$0x1] =	stream.indirect.gather [hbm4b:s4+s17], $0x20, s0, s17, $0xb8;
	[tilespmem:$0x12E80] =	vst v63  }
0x93: {  	s1 =	sadd.s32 $0x80, s0  }
0x94: {  	[tilespmem:s19], [sflag:$0x2] =	stream.indirect.gather [hbm4b:s4+s17], $0x20, s1, s17, $0xb8;
	[tilespmem:$0x12E80] =	vst v63  }
0x95: {  	s14 =	sadd.s32 $0x100, s0  }
0x96: {  	[tilespmem:s20], [sflag:$0x3] =	stream.indirect.gather [hbm4b:s4+s17], $0x20, s14, s17, $0xb8;
	[tilespmem:$0x12E80] =	vst v63  }
0x97: {  	s7 =	sadd.s32 $0x180, s0  }
0x98: {  	[tilespmem:s21], [sflag:$0x4] =	stream.indirect.gather [hbm4b:s4+s17], $0x20, s7, s17, $0xb8;
	[tilespmem:$0x12E80] =	vst v63  }
0x99: {  	_ =	swait.ge [sflag:s22], $0xFA0  }
0x9a: {  	[sflag:s22] =	ssyncset.done $0x0  }
0x9b: {  	s14 =	sadd.s32 $0x5000, s0;
	[sflag:s22] =	ssyncadd.s32 $0xFFFFF060  }
0x9c: {  	[spmem:s2] =	stream.indirect.scatter.add.f32 [tilespmem:s18], [sflag:$0x5], $0x20, s14, s17, $0xb8;
	[tilespmem:$0x12E80] =	vst v63  }
0x9d: {  	_ =	swait.ge [sflag:s23], $0xFA0  }
0x9e: {  	[sflag:s23] =	ssyncset.done $0x0  }
0x9f: {  	s7 =	sadd.s32 $0x5080, s0;
	[sflag:s23] =	ssyncadd.s32 $0xFFFFF060  }
0xa0: {  	[spmem:s2] =	stream.indirect.scatter.add.f32 [tilespmem:s19], [sflag:$0x6], $0x20, s7, s17, $0xb8;
	[tilespmem:$0x12E80] =	vst v63  }
0xa1: {  	_ =	swait.ge [sflag:s24], $0xFA0  }
0xa2: {  	[sflag:s24] =	ssyncset.done $0x0  }
0xa3: {  	s14 =	sadd.s32 $0x5100, s0;
	[sflag:s24] =	ssyncadd.s32 $0xFFFFF060  }
0xa4: {  	[spmem:s2] =	stream.indirect.scatter.add.f32 [tilespmem:s20], [sflag:$0x7], $0x20, s14, s17, $0xb8;
	[tilespmem:$0x12E80] =	vst v63  }
0xa5: {  	_ =	swait.ge [sflag:s25], $0xFA0  }
0xa6: {  	[sflag:s25] =	ssyncset.done $0x0  }
0xa7: {  	s0 =	sadd.s32 $0x5180, s0;
	[sflag:s25] =	ssyncadd.s32 $0xFFFFF060  }
0xa8: {  	[spmem:s2] =	stream.indirect.scatter.add.f32 [tilespmem:s21], [sflag:$0x8], $0x20, s0, s17, $0xb8;
	[tilespmem:$0x12E80] =	vst v63  }
0xa9: {  	_ =	swait.ge [sflag:s26], $0xFA0  }
0xaa: {  	[sflag:s26] =	ssyncset.done $0x0  }
0xab: {  	[sflag:s26] =	ssyncadd.s32 $0xFFFFF060  }
0xac: {  	_ =	swait.ge [sflag:s28], $0xFA0  }
0xad: {  	[sflag:s28] =	ssyncset.done $0x0  }
0xae: {  	[sflag:s28] =	ssyncadd.s32 $0xFFFFF060  }
0xaf: {  	_ =	swait.ge [sflag:s29], $0xFA0  }
.Ltmp4:
0xb0: {  	[sflag:s29] =	ssyncset.done $0x0;
	(pc) =	sbr.rel .LBB2_8-.Ltmp4, $4  }
0xb1: {  	[sflag:s29] =	ssyncadd.s32 $0xFFFFF060  }
0xb2: {  	_ =	swait.ge [sflag:s30], $0xFA0  }
0xb3: {  	[sflag:s30] =	ssyncset.done $0x0  }
0xb4: {  	s0 =	rddreg [dreg:$0x3];
	[sflag:s30] =	ssyncadd.s32 $0xFFFFF060  }
.LBB2_5:
0xb5: {  	s0 =	simm.s32 $0x5000  }
0xb6: {  	[tilespmem:s18], [sflag:$0x1] =	stream.indirect.gather [hbm4b:s5+s17], $0x20, s0, s17, $0xb8;
	[tilespmem:$0x12E80] =	vst v63  }
0xb7: {  	s7 =	simm.s32 $0x5080  }
0xb8: {  	[tilespmem:s19], [sflag:$0x2] =	stream.indirect.gather [hbm4b:s5+s17], $0x20, s7, s17, $0xb8;
	[tilespmem:$0x12E80] =	vst v63  }
0xb9: {  	s8 =	simm.s32 $0x5100  }
0xba: {  	[tilespmem:s20], [sflag:$0x3] =	stream.indirect.gather [hbm4b:s5+s17], $0x20, s8, s17, $0xb8;
	[tilespmem:$0x12E80] =	vst v63  }
0xbb: {  	s14 =	simm.s32 $0x5180  }
0xbc: {  	[tilespmem:s21], [sflag:$0x4] =	stream.indirect.gather [hbm4b:s5+s17], $0x20, s14, s17, $0xb8;
	[tilespmem:$0x12E80] =	vst v63  }
0xbd: {  	_ =	swait.ge [sflag:s22], $0xFA0  }
0xbe: {  	[sflag:s22] =	ssyncset.done $0x0  }
0xbf: {  	s1 =	simm.s32 $0x0;
	[sflag:s22] =	ssyncadd.s32 $0xFFFFF060  }
0xc0: {  	[spmem:s2] =	stream.indirect.scatter.add.f32 [tilespmem:s18], [sflag:$0x5], $0x20, s1, s17, $0xb8;
	[tilespmem:$0x12E80] =	vst v63  }
0xc1: {  	_ =	swait.ge [sflag:s23], $0xFA0  }
0xc2: {  	[sflag:s23] =	ssyncset.done $0x0  }
0xc3: {  	s7 =	simm.s32 $0x80;
	[sflag:s23] =	ssyncadd.s32 $0xFFFFF060  }
0xc4: {  	[spmem:s2] =	stream.indirect.scatter.add.f32 [tilespmem:s19], [sflag:$0x6], $0x20, s7, s17, $0xb8;
	[tilespmem:$0x12E80] =	vst v63  }
0xc5: {  	_ =	swait.ge [sflag:s24], $0xFA0  }
0xc6: {  	[sflag:s24] =	ssyncset.done $0x0  }
0xc7: {  	s8 =	simm.s32 $0x100;
	[sflag:s24] =	ssyncadd.s32 $0xFFFFF060  }
0xc8: {  	[spmem:s2] =	stream.indirect.scatter.add.f32 [tilespmem:s20], [sflag:$0x7], $0x20, s8, s17, $0xb8;
	[tilespmem:$0x12E80] =	vst v63  }
0xc9: {  	_ =	swait.ge [sflag:s25], $0xFA0  }
0xca: {  	[sflag:s25] =	ssyncset.done $0x0  }
0xcb: {  	s14 =	simm.s32 $0x180;
	[sflag:s25] =	ssyncadd.s32 $0xFFFFF060  }
0xcc: {  	[spmem:s2] =	stream.indirect.scatter.add.f32 [tilespmem:s21], [sflag:$0x8], $0x20, s14, s17, $0xb8;
	[tilespmem:$0x12E80] =	vst v63  }
0xcd: {  	_ =	swait.ge [sflag:s26], $0xFA0  }
0xce: {  	[sflag:s26] =	ssyncset.done $0x0  }
0xcf: {  	[sflag:s26] =	ssyncadd.s32 $0xFFFFF060  }
0xd0: {  	_ =	swait.ge [sflag:s28], $0xFA0  }
0xd1: {  	[sflag:s28] =	ssyncset.done $0x0  }
0xd2: {  	[sflag:s28] =	ssyncadd.s32 $0xFFFFF060  }
0xd3: {  	_ =	swait.ge [sflag:s29], $0xFA0  }
0xd4: {  	[sflag:s29] =	ssyncset.done $0x0  }
0xd5: {  	[sflag:s29] =	ssyncadd.s32 $0xFFFFF060  }
0xd6: {  	_ =	swait.ge [sflag:s30], $0xFA0  }
0xd7: {  	s0 =	simm.s32 $0x200;
	s1 =	simm.s32 $0x1000;
	[sflag:s30] =	ssyncset.done $0x0  }
.LBB2_6:
0xd8: {  	s8 =	sadd.s32 $0x5000, s0  }
0xd9: {  	[sflag:s30] =	ssyncadd.s32 $0xFFFFF060;
	s14 =	smov.u32 s1;
	s7 =	sadd.s32 $0x800, s1  }
0xda: {  	[tilespmem:s18], [sflag:$0x1] =	stream.indirect.gather [hbm4b:s5+s17], $0x20, s8, s17, $0xb8;
	[tilespmem:$0x12E80] =	vst v63  }
0xdb: {  	p1 =	sne.s32 s1, $0x13800;
	s1 =	sadd.s32 $0x5080, s0  }
0xdc: {  	[tilespmem:s19], [sflag:$0x2] =	stream.indirect.gather [hbm4b:s5+s17], $0x20, s1, s17, $0xb8;
	[tilespmem:$0x12E80] =	vst v63  }
0xdd: {  	s1 =	sadd.s32 $0x5100, s0  }
0xde: {  	[tilespmem:s20], [sflag:$0x3] =	stream.indirect.gather [hbm4b:s5+s17], $0x20, s1, s17, $0xb8;
	[tilespmem:$0x12E80] =	vst v63  }
0xdf: {  	s1 =	sadd.s32 $0x5180, s0  }
0xe0: {  	[tilespmem:s21], [sflag:$0x4] =	stream.indirect.gather [hbm4b:s5+s17], $0x20, s1, s17, $0xb8;
	[tilespmem:$0x12E80] =	vst v63  }
0xe1: {  	_ =	swait.ge [sflag:s22], $0xFA0  }
0xe2: {  	[sflag:s22] =	ssyncset.done $0x0  }
0xe3: {  	[sflag:s22] =	ssyncadd.s32 $0xFFFFF060  }
0xe4: {  	[spmem:s2] =	stream.indirect.scatter.add.f32 [tilespmem:s18], [sflag:$0x5], $0x20, s0, s17, $0xb8;
	[tilespmem:$0x12E80] =	vst v63  }
0xe5: {  	_ =	swait.ge [sflag:s23], $0xFA0  }
0xe6: {  	[sflag:s23] =	ssyncset.done $0x0  }
0xe7: {  	s1 =	sadd.s32 $0x80, s0;
	[sflag:s23] =	ssyncadd.s32 $0xFFFFF060  }
0xe8: {  	[spmem:s2] =	stream.indirect.scatter.add.f32 [tilespmem:s19], [sflag:$0x6], $0x20, s1, s17, $0xb8;
	[tilespmem:$0x12E80] =	vst v63  }
0xe9: {  	_ =	swait.ge [sflag:s24], $0xFA0  }
0xea: {  	[sflag:s24] =	ssyncset.done $0x0  }
0xeb: {  	s1 =	sadd.s32 $0x100, s0;
	[sflag:s24] =	ssyncadd.s32 $0xFFFFF060  }
0xec: {  	[spmem:s2] =	stream.indirect.scatter.add.f32 [tilespmem:s20], [sflag:$0x7], $0x20, s1, s17, $0xb8;
	[tilespmem:$0x12E80] =	vst v63  }
0xed: {  	_ =	swait.ge [sflag:s25], $0xFA0  }
0xee: {  	[sflag:s25] =	ssyncset.done $0x0  }
0xef: {  	s0 =	sadd.s32 $0x180, s0;
	[sflag:s25] =	ssyncadd.s32 $0xFFFFF060  }
0xf0: {  	[spmem:s2] =	stream.indirect.scatter.add.f32 [tilespmem:s21], [sflag:$0x8], $0x20, s0, s17, $0xb8;
	[tilespmem:$0x12E80] =	vst v63  }
0xf1: {  	_ =	swait.ge [sflag:s26], $0xFA0  }
0xf2: {  	[sflag:s26] =	ssyncset.done $0x0  }
0xf3: {  	[sflag:s26] =	ssyncadd.s32 $0xFFFFF060  }
0xf4: {  	_ =	swait.ge [sflag:s28], $0xFA0  }
0xf5: {  	[sflag:s28] =	ssyncset.done $0x0  }
0xf6: {  	[sflag:s28] =	ssyncadd.s32 $0xFFFFF060  }
.Ltmp5:
0xf7: {  	_ =	swait.ge [sflag:s29], $0xFA0;
	(pc) =	sbr.rel @p1 .LBB2_6-.Ltmp5, $4  }
0xf8: {  	[sflag:s29] =	ssyncset.done $0x0  }
0xf9: {  	[sflag:s29] =	ssyncadd.s32 $0xFFFFF060  }
0xfa: {  	_ =	swait.ge [sflag:s30], $0xFA0  }
0xfb: {  	s1 =	smov.u32 s7;
	s0 =	sshra.s32 s14, $0x2;
	[sflag:s30] =	ssyncset.done $0x0  }
.Ltmp6:
0xfc: {  	_ = 	snop;
	(pc) =	sbr.rel .LBB2_7-.Ltmp6, $1  }
0xfd: {  	_ =	sdelay $0x3  }
.LBB2_9:
0xfe: {  	_ =	sfence.sel $0x180000  }
0xff: {  	[bflag:$0x0] =	sbarrier.arrive $0xFFFF  }
0x100: {  	_ =	strace $0x90000050  }
0x101: {  	s0 =	stileid.u32;
	[bflag:$0x2] =	sbarrier.arrive $0xFFFF  }
0x102: {  	p0 =	sne.s32 s0, $0x0;
	s0 =	rddreg [dreg:$0x2]  }
0x103: {  	s0 =	sadd.s32 @!p0 $0x100000, s0  }
0x104: {  	[sflag:s0] =	ssyncadd.tile.s32 @!p0 $0x1;
	_ =	shalt  }
.Lfunc_end2:
_tile_overlayer_lowered:
.L_overlay_start_2:
0x105: {  	(tag) =	ssettag $0x2  }
0x106: {  	s0 =	rddreg [dreg:$0x0];
	s2 =	stileid.u32  }
0x107: {  	s1 =	rddreg [dreg:$0x1];
	p0 =	sne.s32 s2, $0x0  }
0x108: {  	s3 =	rddreg [dreg:$0x2];
	[bflag:$0x3] =	sbarrier.arrive $0xFFFF;
	s2 =	simm.s32 @!p0 $0x1C09  }
0x109: {  	[timem:s3], [sflag:s2] =	dma.local @!p0 [hbm:s0], s1  }
0x10a: {  	s0 =	simm.s32 @!p0 $0x9  }
0x10b: {  	_ =	swait.ge @!p0 [sflag:s0], s1  }
0x10c: {  	s1 =	ssub.s32 @!p0 $0x0, s1;
	[sflag:s0] =	ssyncset.done @!p0 $0x0  }
0x10d: {  	[sflag:s0] =	ssyncadd.s32 @!p0 s1  }
0x10e: {  	[bflag:$0x3] =	sbarrier.arrive $0xFFFF  }
0x10f: {  	_ =	shalt  }

// kernel: kernel.26.cloned.1.call-start
scs
__scs_entry_jumppad:
0x0: {  	(pc) =	sbr.rel $0x88, $3  }
0x1: {  	(tag) =	ssettag $0x0;
	lr =	simm.s32 $0x1  }
0x2: {  	[smem:$0x3F89] =	sst lr;
	_ =	strace $0xD0000000  }
0x3: {  	_ = 	snop  }
0x4: {  	_ = 	snop  }
0x5: {  	_ = 	snop  }
0x6: {  	_ = 	snop  }
0x7: {  	_ = 	snop  }
__scs_overlays_trampoline_lowered:
0x8: {  	[smem:$0x3F98] =	sst s0  }
0x9: {  	[smem:$0x3F99] =	sst s1  }
0xa: {  	[smem:$0x3F9A] =	sst s2  }
0xb: {  	[smem:$0x3F9B] =	sst s3  }
0xc: {  	[smem:$0x3F9C] =	sst s4  }
0xd: {  	[smem:$0x3F9D] =	sst s5  }
0xe: {  	[smem:$0x3F9E] =	sst s6  }
0xf: {  	[smem:$0x3F9F] =	sst s7  }
0x10: {  	[smem:$0x3FA0] =	sst s8  }
0x11: {  	[smem:$0x3FA1] =	sst s9;
	s0 =	simm.s32 @!p0 $0x0  }
0x12: {  	s1 =	sld [smem:$0x3F87];
	s0 =	simm.s32 @p0 $0x1  }
0x13: {  	[smem:$0x3FA2] =	sst s0;
	s0 =	simm.s32 @!p1 $0x0  }
0x14: {  	s2 =	sld [smem:$0x3F86];
	s0 =	simm.s32 @p1 $0x1  }
0x15: {  	[smem:$0x3FA3] =	sst s0;
	s0 =	simm.s32 @!p2 $0x0  }
0x16: {  	s3 =	sld [smem:$0x3FDB];
	s0 =	simm.s32 @p2 $0x1  }
0x17: {  	s4 =	simm.s32 $0x1BF5;
	[smem:$0x3FA5] =	sst s0  }
0x18: {  	s0 =	sld [smem:$0x3F88];
	_ =	swait.ge [sflag:s4], $0x0  }
0x19: {  	s7 =	sld [smem:$0x3F89]  }
0x1a: {  	s8 =	sadd.s32 $0xFFFFE003, lr  }
0x1b: {  	s9 =	sadd.s32 $0xFFFFFEF7, lr;
	s5 =	simm.s32 $0xFFFFFFFF;
	p2 =	slt.u32 s8, $0xFFFFF086  }
0x1c: {  	p1 =	slt.u32 s9, $0xF7A;
	s5 =	simm.s32 @!p2 $0x0  }
0x1d: {  	s5 =	simm.s32 @p1 $0x1;
	p0 =	seq.s32 s7, s2  }
0x1e: {  	s7 =	smul.u32 @!p0 $0xF7A, s2;
	p2 =	seq.s32 @!p0 s5, $0x0  }
0x1f: {  	s9 =	smul.u32 $0xF7A, s1;
	s8 =	simm.s32 @!p0 $0x1BF5;
	p2 =	por !p2, p0  }
0x20: {  	[sflag:s8] =	ssyncset.s32 @!p0 $0xFFFFF086;
	s6 =	sadd.s32 @!p0 s3, s7;
	s7 =	simm.s32 @!p0 $0x108  }
0x21: {  	s3 =	sadd.s32 s3, s9;
	s6 =	sadd.s32 @!p0 $0x88, s6;
	s7 =	simm.s32 @p2 $0x1082  }
0x22: {  	[simem:s7], [sflag:s8] =	dma.local @!p0 [hbm:s6], $0xF7A  }
0x23: {  	s9 =	sor.u32 $0xD0000000, s2;
	s6 =	simm.s32 $0x108;
	_ =	swait.ge @!p0 [sflag:s8], $0x0  }
0x24: {  	s3 =	sadd.s32 $0x88, s3;
	s6 =	simm.s32 @!p1 $0x1082;
	[sflag:s4] =	ssyncset.s32 $0xFFFFF086  }
0x25: {  	[simem:s6], [sflag:s4] =	dma.local [hbm:s3], $0xF7A  }
0x26: {  	[smem:$0x3F89] =	sst s1;
	(tag) =	ssettag s2;
	_ =	strace s9  }
0x27: {  	s1 =	sld [smem:$0x3F99]  }
0x28: {  	s2 =	sld [smem:$0x3F9A]  }
0x29: {  	s4 =	sld [smem:$0x3F9C]  }
0x2a: {  	p0 =	seq.s32 s5, $0x0;
	s5 =	sld [smem:$0x3F9D]  }
0x2b: {  	s6 =	sld [smem:$0x3F9E]  }
0x2c: {  	s7 =	sld [smem:$0x3F9F]  }
0x2d: {  	s3 =	simm.s32 $0x108;
	s8 =	sld [smem:$0x3FA0]  }
0x2e: {  	s3 =	simm.s32 @!p0 $0x1082;
	s9 =	sld [smem:$0x3FA1]  }
0x2f: {  	lr =	sadd.s32 s0, s3;
	s0 =	sld [smem:$0x3F98]  }
0x30: {  	s3 =	sld [smem:$0x3F9B]  }
0x31: {  	[smem:$0x3FA4] =	sst s10  }
0x32: {  	s10 =	sld [smem:$0x3FA2];
	_ =	sdelay $0x3  }
0x33: {  	p0 =	seq.s32 s10, $0x1;
	s10 =	sld [smem:$0x3FA4];
	_ =	sdelay $0x3  }
0x34: {  	[smem:$0x3FA4] =	sst s10  }
0x35: {  	s10 =	sld [smem:$0x3FA3];
	_ =	sdelay $0x3  }
0x36: {  	p1 =	seq.s32 s10, $0x1;
	s10 =	sld [smem:$0x3FA4];
	_ =	sdelay $0x3  }
0x37: {  	[smem:$0x3FA4] =	sst s10  }
0x38: {  	s10 =	sld [smem:$0x3FA5]  }
0x39: {  	_ = 	snop;
	(pc) =	sbr.ind lr, $3  }
0x3a: {  	_ = 	snop  }
0x3b: {  	_ = 	snop  }
0x3c: {  	p2 =	seq.s32 s10, $0x1;
	s10 =	sld [smem:$0x3FA4]  }
0x3d: {  	_ =	shalt  }
0x3e: {  	_ =	shalt  }
0x3f: {  	_ =	shalt  }
0x40: {  	_ =	shalt  }
0x41: {  	_ =	shalt  }
0x42: {  	_ =	shalt  }
0x43: {  	_ =	shalt  }
0x44: {  	_ =	shalt  }
0x45: {  	_ =	shalt  }
0x46: {  	_ =	shalt  }
0x47: {  	_ =	shalt  }
0x48: {  	_ =	shalt  }
0x49: {  	_ =	shalt  }
0x4a: {  	_ =	shalt  }
0x4b: {  	_ =	shalt  }
0x4c: {  	_ =	shalt  }
0x4d: {  	_ =	shalt  }
0x4e: {  	_ =	shalt  }
0x4f: {  	_ =	shalt  }
0x50: {  	_ =	shalt  }
0x51: {  	_ =	shalt  }
0x52: {  	_ =	shalt  }
0x53: {  	_ =	shalt  }
0x54: {  	_ =	shalt  }
0x55: {  	_ =	shalt  }
0x56: {  	_ =	shalt  }
0x57: {  	_ =	shalt  }
0x58: {  	_ =	shalt  }
0x59: {  	_ =	shalt  }
0x5a: {  	_ =	shalt  }
0x5b: {  	_ =	shalt  }
0x5c: {  	_ =	shalt  }
0x5d: {  	_ =	shalt  }
0x5e: {  	_ =	shalt  }
0x5f: {  	_ =	shalt  }
0x60: {  	_ =	shalt  }
0x61: {  	_ =	shalt  }
0x62: {  	_ =	shalt  }
0x63: {  	_ =	shalt  }
0x64: {  	_ =	shalt  }
0x65: {  	_ =	shalt  }
0x66: {  	_ =	shalt  }
0x67: {  	_ =	shalt  }
0x68: {  	_ =	shalt  }
0x69: {  	_ =	shalt  }
0x6a: {  	_ =	shalt  }
0x6b: {  	_ =	shalt  }
0x6c: {  	_ =	shalt  }
0x6d: {  	_ =	shalt  }
0x6e: {  	_ =	shalt  }
0x6f: {  	_ =	shalt  }
0x70: {  	_ =	shalt  }
0x71: {  	_ =	shalt  }
0x72: {  	_ =	shalt  }
0x73: {  	_ =	shalt  }
0x74: {  	_ =	shalt  }
0x75: {  	_ =	shalt  }
0x76: {  	_ =	shalt  }
0x77: {  	_ =	shalt  }
0x78: {  	_ =	shalt  }
0x79: {  	_ =	shalt  }
0x7a: {  	_ =	shalt  }
0x7b: {  	_ =	shalt  }
0x7c: {  	_ =	shalt  }
0x7d: {  	_ =	shalt  }
0x7e: {  	_ =	shalt  }
0x7f: {  	_ =	shalt  }
0x80: {  	_ =	shalt  }
0x81: {  	_ =	shalt  }
0x82: {  	_ =	shalt  }
0x83: {  	_ =	shalt  }
0x84: {  	_ =	shalt  }
0x85: {  	_ =	shalt  }
0x86: {  	_ =	shalt  }
0x87: {  	_ =	shalt  }
.Lfunc_end0:
.L_simem_size_0:
called_computation.4_lowered:
.L_overlay_start_0:
0x88: {  	s2 =	sld [smem:$0x3FD9]  }
0x89: {  	s3 =	sld [smem:$0x3FFE];
	_ =	sdelay $0x1  }
0x8a: {  	s1 =	srdreg.scid  }
0x8b: {  	s0 =	sand.u32 $0x1, s1  }
0x8c: {  	s16 =	sshll.u32 s0, $0xA;
	s2 =	sadd.s32 s3, s2  }
0x8d: {  	s2 =	sadd.s32 s2, s16  }
0x8e: {  	[smem:$0x3FB0] =	sst s2  }
0x8f: {  	_ = 	snop  }
0x90: {  	(tm) =	ssettm $0x1  }
0x91: {  	s17 =	sld [smem:$0x3FFB];
	_ =	sdelay $0x3  }
0x92: {  	_ =	strace s17  }
0x93: {  	s2 =	sld [smem:$0x3FFC];
	_ =	sdelay $0x3  }
0x94: {  	_ =	strace s2  }
0x95: {  	s2 =	sld [smem:$0x3FFD];
	_ =	sdelay $0x3  }
0x96: {  	_ =	strace s2  }
0x97: {  	_ =	strace $0x8FFFFFFF  }
0x98: {  	s18 =	sld [smem:$0x3FDB];
	_ =	sdelay $0x1  }
0x99: {  	s19 =	simm.s32 $_scs_section_size  }
0x9a: {  	s4 =	simm.s32 $_size__tile_overlayer_lowered;
	s5 =	simm.s32 $_tile_overlayer_lowered  }
0x9b: {  	s22 =	simm.s32 $0x1BFF;
	s21 =	sshll.u32 s5, $0x1;
	s2 =	sadd.s32 s19, s18  }
0x9c: {  	s6 =	simm.s32 $0x0;
	s20 =	sshll.u32 s4, $0x1;
	s4 =	sadd.s32 s21, s2  }
0x9d: {  	[timem:s6], [sflag:s22] =	dma.local [hbm:s4], s20  }
0x9e: {  	_ =	swait.ge [sflag:s22], s20  }
0x9f: {  	s3 =	ssub.s32 $0x0, s20;
	[sflag:s22] =	ssyncset.done $0x0  }
0xa0: {  	[sflag:s22] =	ssyncadd.s32 s3;
	_ =	sdelay $0x1  }
0xa1: {  	s23 =	simm.s32 $0x1B8B  }
0xa2: {  	_ =	swait.ge [sflag:s23], $0x1  }
0xa3: {  	[sflag:s23] =	ssyncset.done $0x0  }
0xa4: {  	s25 =	simm.s32 $0x1B8E;
	s24 =	sld [smem:$0x3FFE];
	[sflag:s23] =	ssyncadd.s32 $0xFFFFFFFF  }
0xa5: {  	s26 =	simm.s32 $execute0_lowered;
	[smem:$0x3FD2] =	sst s25  }
0xa6: {  	s4 =	sshll.u32 s26, $0x1;
	_ =	strace $0x80000052;
	[dreg:$0x1] =	wrdreg $0xFFFFFFFF  }
0xa7: {  	s28 =	simm.s32 $_size_execute0_lowered;
	s2 =	sadd.s32 s2, s4;
	[dreg:$0x0] =	wrdreg $0x0  }
0xa8: {  	s4 =	sshll.u32 s28, $0x1;
	[dreg:$0x2] =	wrdreg s2  }
0xa9: {  	[dreg:$0x3] =	wrdreg s4  }
0xaa: {  	[dreg:$0x4] =	wrdreg $0xC0  }
0xab: {  	_ =	task [dreg:s6], $0x5FFFF  }
0xac: {  	[dreg:$0x1] =	wrdreg $0xFFFFFFFF  }
0xad: {  	[dreg:$0x0] =	wrdreg $0x60  }
0xae: {  	[dreg:$0x2] =	wrdreg s24  }
0xaf: {  	[dreg:$0x3] =	wrdreg $0xDE800  }
0xb0: {  	[dreg:$0x4] =	wrdreg $0x9  }
0xb1: {  	_ =	task.clear_ibuf [dreg:s6], $0x5FFFF;
	_ =	strace $0x90000052  }
0xb2: {  	s29 =	simm.s32 $0x9;
	_ =	strace $0x80000054  }
0xb3: {  	_ =	swait.ge [sflag:s29], $0x1  }
0xb4: {  	[sflag:s29] =	ssyncadd.s32 $0xFFFFFFFF  }
0xb5: {  	_ =	strace $0x90000054  }
0xb6: {  	_ =	sfence  }
0xb7: {  	s30 =	sld [smem:$0x0];
	_ =	sdelay $0x2  }
0xb8: {  	s31 =	sshll.u32 s1, $0xD;
	s1 =	sshrl.u32 s1, $0x2  }
0xb9: {  	s3 =	sand.u32 $0x4000, s31;
	s1 =	sadd.s32 s1, s30  }
0xba: {  	s0 =	sor.u32 s3, s0;
	s1 =	sshll.u32 s1, $0x11  }
0xbb: {  	s0 =	sor.u32 s1, s0  }
0xbc: {  	s0 =	sadd.s32 $0x8F2B, s0  }
0xbd: {  	[sflag:s0] =	ssyncadd.remote.s32 $0x1  }
0xbe: {  	_ =	sfence.sel $0xFFFF  }
0xbf: {  	[dreg:$0x0] =	wrdreg $0xFFFFFFFF;
	(pc) =	sbr.abs _section_cstart, $3  }
0xc0: {  	[dreg:$0x1] =	wrdreg $0xFFFFFFFF  }
0xc1: {  	_ =	task.clear_ibuf [dreg:s6], $0x2FFFF;
	_ =	strace $0x9FFFFFFF  }
0xc2: {  	(tm) =	ssettm $0x7FFFFFFF  }
0xc3: {  	_ =	shalt  }
tec
execute0_lowered:
.L_overlay_start_1:
0x0: {  	(tag) =	ssettag $0x1  }
0x1: {  	s0 =	rddreg [dreg:$0x0]  }
0x2: {  	s2 =	rddreg [dreg:$0x1];
	s3 =	simm.s32 $0x0  }
0x3: {  	s8 =	stileid.u32;
	s6 =	srdreg.scid;
	s17 =	simm.s32 $0x7D  }
0x4: {  	s18 =	simm.s32 $0xA000;
	s19 =	simm.s32 $0xAFA0;
	s20 =	simm.s32 $0xBF40  }
0x5: {  	s21 =	simm.s32 $0xCEE0;
	s22 =	simm.s32 $0x1;
	s28 =	simm.s32 $0x6  }
0x6: {  	s29 =	simm.s32 $0x7;
	s30 =	simm.s32 $0x8;
	s1 =	smul.u32 $0xA00, s8  }
0x7: {  	s31 =	simm.s32 $0x0;
	[smem:$0x7FF] =	sst s3;
	s7 =	smul.u32 $0x5000, s8  }
0x8: {  	s4 =	sadd.s32 $0x2FA00, s0;
	s5 =	sadd.s32 $0x25C00, s0;
	s13 =	sand.u32 $0x1, s6  }
0x9: {  	s10 =	sadd.s32 $0x93C00, s0;
	s26 =	sshll.u32 s8, $0x6;
	s8 =	simm.s32 $0x5000  }
0xa: {  	_ =	strace $0x80000053;
	s9 =	ssub.s32 $0x2, s13;
	[dreg:$0x3] =	wrdreg s10  }
0xb: {  	p0 =	sne.s32 s13, $0x0;
	s13 =	simm.s32 $0x9;
	s15 =	sor.u32 $0x1C09, s26  }
0xc: {  	s26 =	simm.s32 $0x5;
	s1 =	sadd.s32 s1, s0;
	s6 =	sshrl.u32 s7, $0x3  }
.Ltmp0:
0xd: {  	s23 =	sshrl.u32 s9, $0x1;
	s25 =	sadd.s32 s7, s2;
	(pc) =	sbr.rel .LBB2_1-.Ltmp0, $4  }
0xe: {  	s11 =	sadd.s32 s6, s0;
	s0 =	sadd.s32 $0x89C00, s0;
	s24 =	ssub.s32 s9, s23  }
0xf: {  	s9 =	sadd.s32 $0x11C00, s1;
	s10 =	sadd.s32 $0x7C00, s1;
	s16 =	sshrl.u32 s25, $0x3  }
0x10: {  	s23 =	simm.s32 $0x2;
	s25 =	simm.s32 $0x4;
	[dreg:$0x4] =	wrdreg s0  }
0x11: {  	s11 =	sadd.s32 $0x1BC00, s11;
	s12 =	smax.u32 s24, $0x1;
	s24 =	simm.s32 $0x3  }
.LBB2_7:
0x12: {  	s1 =	sadd.s32 $0x5000, s0;
	[sflag:s30] =	ssyncadd.s32 $0xFFFFF060  }
0x13: {  	[tilespmem:s18], [sflag:$0x1] =	stream.indirect.gather [hbm4b:s5+s17], $0x20, s1, s17, $0xb8;
	[tilespmem:$0x12E80] =	vst v63  }
0x14: {  	s7 =	sadd.s32 $0x5080, s0  }
0x15: {  	[tilespmem:s19], [sflag:$0x2] =	stream.indirect.gather [hbm4b:s5+s17], $0x20, s7, s17, $0xb8;
	[tilespmem:$0x12E80] =	vst v63  }
0x16: {  	s8 =	sadd.s32 $0x5100, s0  }
0x17: {  	[tilespmem:s20], [sflag:$0x3] =	stream.indirect.gather [hbm4b:s5+s17], $0x20, s8, s17, $0xb8;
	[tilespmem:$0x12E80] =	vst v63  }
0x18: {  	s14 =	sadd.s32 $0x5180, s0  }
0x19: {  	[tilespmem:s21], [sflag:$0x4] =	stream.indirect.gather [hbm4b:s5+s17], $0x20, s14, s17, $0xb8;
	[tilespmem:$0x12E80] =	vst v63  }
0x1a: {  	_ =	swait.ge [sflag:s22], $0xFA0  }
0x1b: {  	[sflag:s22] =	ssyncset.done $0x0  }
0x1c: {  	[sflag:s22] =	ssyncadd.s32 $0xFFFFF060  }
0x1d: {  	[spmem:s2] =	stream.indirect.scatter.add.f32 [tilespmem:s18], [sflag:$0x5], $0x20, s0, s17, $0xb8;
	[tilespmem:$0x12E80] =	vst v63  }
0x1e: {  	_ =	swait.ge [sflag:s23], $0xFA0  }
0x1f: {  	[sflag:s23] =	ssyncset.done $0x0  }
0x20: {  	s7 =	sadd.s32 $0x80, s0;
	[sflag:s23] =	ssyncadd.s32 $0xFFFFF060  }
0x21: {  	[spmem:s2] =	stream.indirect.scatter.add.f32 [tilespmem:s19], [sflag:$0x6], $0x20, s7, s17, $0xb8;
	[tilespmem:$0x12E80] =	vst v63  }
0x22: {  	_ =	swait.ge [sflag:s24], $0xFA0  }
0x23: {  	[sflag:s24] =	ssyncset.done $0x0  }
0x24: {  	s8 =	sadd.s32 $0x100, s0;
	[sflag:s24] =	ssyncadd.s32 $0xFFFFF060  }
0x25: {  	[spmem:s2] =	stream.indirect.scatter.add.f32 [tilespmem:s20], [sflag:$0x7], $0x20, s8, s17, $0xb8;
	[tilespmem:$0x12E80] =	vst v63  }
0x26: {  	_ =	swait.ge [sflag:s25], $0xFA0  }
0x27: {  	[sflag:s25] =	ssyncset.done $0x0  }
0x28: {  	s14 =	sadd.s32 $0x180, s0;
	[sflag:s25] =	ssyncadd.s32 $0xFFFFF060  }
0x29: {  	[spmem:s2] =	stream.indirect.scatter.add.f32 [tilespmem:s21], [sflag:$0x8], $0x20, s14, s17, $0xb8;
	[tilespmem:$0x12E80] =	vst v63  }
0x2a: {  	_ =	swait.ge [sflag:s26], $0xFA0  }
0x2b: {  	[sflag:s26] =	ssyncset.done $0x0  }
0x2c: {  	[sflag:s26] =	ssyncadd.s32 $0xFFFFF060  }
0x2d: {  	_ =	swait.ge [sflag:s28], $0xFA0  }
0x2e: {  	[sflag:s28] =	ssyncset.done $0x0  }
0x2f: {  	[sflag:s28] =	ssyncadd.s32 $0xFFFFF060  }
0x30: {  	_ =	swait.ge [sflag:s29], $0xFA0  }
0x31: {  	[sflag:s29] =	ssyncset.done $0x0  }
0x32: {  	[sflag:s29] =	ssyncadd.s32 $0xFFFFF060  }
0x33: {  	_ =	swait.ge [sflag:s30], $0xFA0  }
0x34: {  	[sflag:s30] =	ssyncset.done $0x0  }
0x35: {  	s8 =	simm.s32 $0x5000;
	s0 =	rddreg [dreg:$0x4];
	[sflag:s30] =	ssyncadd.s32 $0xFFFFF060  }
.LBB2_8:
0x36: {  	s31 =	sadd.s32 $0x1, s31  }
0x37: {  	p1 =	sne.s32 s31, s12  }
.Ltmp1:
0x38: {  	s0 =	sadd.s32 s0, s6;
	[bflag:$0x0] =	sbarrier.arrive $0xFFFF;
	(pc) =	sbr.rel @!p1 .LBB2_9-.Ltmp1, $4  }
0x39: {  	[hbm:s0], [sflag:s15] =	dma.local [spmem:s16], $0xA00  }
0x3a: {  	_ =	swait.ge [sflag:s13], $0xA00  }
0x3b: {  	[sflag:s13] =	ssyncset.done $0x0  }
0x3c: {  	[sflag:s13] =	ssyncadd.s32 $0xFFFFF600  }
.LBB2_1:
0x3d: {  	[tilespmem:s3], [sflag:$0x9] =	stream.linear.gather [hbm4b:s9+s3], $0x5000, $0x38;
	[tilespmem:$0x12E80] =	vst v63  }
0x3e: {  	_ =	swait.ge [sflag:s13], $0x5000  }
0x3f: {  	[sflag:s13] =	ssyncset.done $0x0  }
0x40: {  	[sflag:s13] =	ssyncadd.s32 $0xFFFFB000  }
0x41: {  	[tilespmem:s8], [sflag:$0x9] =	stream.linear.gather [hbm4b:s10+s3], $0x5000, $0x38;
	[tilespmem:$0x12E80] =	vst v63  }
0x42: {  	_ =	swait.ge [sflag:s13], $0x5000  }
0x43: {  	[sflag:s13] =	ssyncset.done $0x0  }
0x44: {  	[sflag:s13] =	ssyncadd.s32 $0xFFFFB000  }
0x45: {  	[spmem:s16], [sflag:s15] =	dma.local [hbm:s11], $0xA00  }
.Ltmp2:
0x46: {  	_ =	swait.ge [sflag:s13], $0xA00;
	(pc) =	sbr.rel @p0 .LBB2_5-.Ltmp2, $3  }
0x47: {  	[sflag:s13] =	ssyncset.done $0x0  }
0x48: {  	[sflag:s13] =	ssyncadd.s32 $0xFFFFF600  }
0x49: {  	[bflag:$0x0] =	sbarrier.arrive $0xFFFF;
	_ =	sdelay $0x1  }
0x4a: {  	s0 =	simm.s32 $0x0  }
0x4b: {  	[tilespmem:s18], [sflag:$0x1] =	stream.indirect.gather [hbm4b:s4+s17], $0x20, s0, s17, $0xb8;
	[tilespmem:$0x12E80] =	vst v63  }
0x4c: {  	s14 =	simm.s32 $0x80  }
0x4d: {  	[tilespmem:s19], [sflag:$0x2] =	stream.indirect.gather [hbm4b:s4+s17], $0x20, s14, s17, $0xb8;
	[tilespmem:$0x12E80] =	vst v63  }
0x4e: {  	s1 =	simm.s32 $0x100  }
0x4f: {  	[tilespmem:s20], [sflag:$0x3] =	stream.indirect.gather [hbm4b:s4+s17], $0x20, s1, s17, $0xb8;
	[tilespmem:$0x12E80] =	vst v63  }
0x50: {  	s7 =	simm.s32 $0x180  }
0x51: {  	[tilespmem:s21], [sflag:$0x4] =	stream.indirect.gather [hbm4b:s4+s17], $0x20, s7, s17, $0xb8;
	[tilespmem:$0x12E80] =	vst v63  }
0x52: {  	_ =	swait.ge [sflag:s22], $0xFA0  }
0x53: {  	[sflag:s22] =	ssyncset.done $0x0  }
0x54: {  	s14 =	simm.s32 $0x5000;
	[sflag:s22] =	ssyncadd.s32 $0xFFFFF060  }
0x55: {  	[spmem:s2] =	stream.indirect.scatter.add.f32 [tilespmem:s18], [sflag:$0x5], $0x20, s14, s17, $0xb8;
	[tilespmem:$0x12E80] =	vst v63  }
0x56: {  	_ =	swait.ge [sflag:s23], $0xFA0  }
0x57: {  	[sflag:s23] =	ssyncset.done $0x0  }
0x58: {  	s1 =	simm.s32 $0x5080;
	[sflag:s23] =	ssyncadd.s32 $0xFFFFF060  }
0x59: {  	[spmem:s2] =	stream.indirect.scatter.add.f32 [tilespmem:s19], [sflag:$0x6], $0x20, s1, s17, $0xb8;
	[tilespmem:$0x12E80] =	vst v63  }
0x5a: {  	_ =	swait.ge [sflag:s24], $0xFA0  }
0x5b: {  	[sflag:s24] =	ssyncset.done $0x0  }
0x5c: {  	s7 =	simm.s32 $0x5100;
	[sflag:s24] =	ssyncadd.s32 $0xFFFFF060  }
0x5d: {  	[spmem:s2] =	stream.indirect.scatter.add.f32 [tilespmem:s20], [sflag:$0x7], $0x20, s7, s17, $0xb8;
	[tilespmem:$0x12E80] =	vst v63  }
0x5e: {  	_ =	swait.ge [sflag:s25], $0xFA0  }
0x5f: {  	[sflag:s25] =	ssyncset.done $0x0  }
0x60: {  	s14 =	simm.s32 $0x5180;
	[sflag:s25] =	ssyncadd.s32 $0xFFFFF060  }
0x61: {  	[spmem:s2] =	stream.indirect.scatter.add.f32 [tilespmem:s21], [sflag:$0x8], $0x20, s14, s17, $0xb8;
	[tilespmem:$0x12E80] =	vst v63  }
0x62: {  	_ =	swait.ge [sflag:s26], $0xFA0  }
0x63: {  	[sflag:s26] =	ssyncset.done $0x0  }
0x64: {  	[sflag:s26] =	ssyncadd.s32 $0xFFFFF060  }
0x65: {  	_ =	swait.ge [sflag:s28], $0xFA0  }
0x66: {  	[sflag:s28] =	ssyncset.done $0x0  }
0x67: {  	[sflag:s28] =	ssyncadd.s32 $0xFFFFF060  }
0x68: {  	_ =	swait.ge [sflag:s29], $0xFA0  }
0x69: {  	[sflag:s29] =	ssyncset.done $0x0  }
0x6a: {  	[sflag:s29] =	ssyncadd.s32 $0xFFFFF060  }
0x6b: {  	_ =	swait.ge [sflag:s30], $0xFA0  }
0x6c: {  	s0 =	simm.s32 $0x800;
	s7 =	simm.s32 $0x1000;
	[sflag:s30] =	ssyncset.done $0x0  }
.LBB2_3:
0x6d: {  	s14 =	sshra.s32 s0, $0x2  }
0x6e: {  	[sflag:s30] =	ssyncadd.s32 $0xFFFFF060;
	s0 =	smov.u32 s7;
	s1 =	sadd.s32 $0x800, s7  }
0x6f: {  	[tilespmem:s18], [sflag:$0x1] =	stream.indirect.gather [hbm4b:s4+s17], $0x20, s14, s17, $0xb8;
	[tilespmem:$0x12E80] =	vst v63  }
0x70: {  	p1 =	seq.s32 s7, $0x13800;
	s7 =	sadd.s32 $0x80, s14  }
0x71: {  	[tilespmem:s19], [sflag:$0x2] =	stream.indirect.gather [hbm4b:s4+s17], $0x20, s7, s17, $0xb8;
	[tilespmem:$0x12E80] =	vst v63  }
0x72: {  	s7 =	sadd.s32 $0x100, s14  }
0x73: {  	[tilespmem:s20], [sflag:$0x3] =	stream.indirect.gather [hbm4b:s4+s17], $0x20, s7, s17, $0xb8;
	[tilespmem:$0x12E80] =	vst v63  }
0x74: {  	s7 =	sadd.s32 $0x180, s14  }
0x75: {  	[tilespmem:s21], [sflag:$0x4] =	stream.indirect.gather [hbm4b:s4+s17], $0x20, s7, s17, $0xb8;
	[tilespmem:$0x12E80] =	vst v63  }
0x76: {  	_ =	swait.ge [sflag:s22], $0xFA0  }
0x77: {  	[sflag:s22] =	ssyncset.done $0x0  }
0x78: {  	s7 =	sadd.s32 $0x5000, s14;
	[sflag:s22] =	ssyncadd.s32 $0xFFFFF060  }
0x79: {  	[spmem:s2] =	stream.indirect.scatter.add.f32 [tilespmem:s18], [sflag:$0x5], $0x20, s7, s17, $0xb8;
	[tilespmem:$0x12E80] =	vst v63  }
0x7a: {  	_ =	swait.ge [sflag:s23], $0xFA0  }
0x7b: {  	[sflag:s23] =	ssyncset.done $0x0  }
0x7c: {  	s7 =	sadd.s32 $0x5080, s14;
	[sflag:s23] =	ssyncadd.s32 $0xFFFFF060  }
0x7d: {  	[spmem:s2] =	stream.indirect.scatter.add.f32 [tilespmem:s19], [sflag:$0x6], $0x20, s7, s17, $0xb8;
	[tilespmem:$0x12E80] =	vst v63  }
0x7e: {  	_ =	swait.ge [sflag:s24], $0xFA0  }
0x7f: {  	[sflag:s24] =	ssyncset.done $0x0  }
0x80: {  	s7 =	sadd.s32 $0x5100, s14;
	[sflag:s24] =	ssyncadd.s32 $0xFFFFF060  }
0x81: {  	[spmem:s2] =	stream.indirect.scatter.add.f32 [tilespmem:s20], [sflag:$0x7], $0x20, s7, s17, $0xb8;
	[tilespmem:$0x12E80] =	vst v63  }
0x82: {  	_ =	swait.ge [sflag:s25], $0xFA0  }
0x83: {  	[sflag:s25] =	ssyncset.done $0x0  }
0x84: {  	s7 =	sadd.s32 $0x5180, s14;
	[sflag:s25] =	ssyncadd.s32 $0xFFFFF060  }
0x85: {  	[spmem:s2] =	stream.indirect.scatter.add.f32 [tilespmem:s21], [sflag:$0x8], $0x20, s7, s17, $0xb8;
	[tilespmem:$0x12E80] =	vst v63  }
0x86: {  	_ =	swait.ge [sflag:s26], $0xFA0  }
0x87: {  	[sflag:s26] =	ssyncset.done $0x0  }
0x88: {  	[sflag:s26] =	ssyncadd.s32 $0xFFFFF060  }
0x89: {  	_ =	swait.ge [sflag:s28], $0xFA0  }
0x8a: {  	[sflag:s28] =	ssyncset.done $0x0  }
0x8b: {  	[sflag:s28] =	ssyncadd.s32 $0xFFFFF060  }
.Ltmp3:
0x8c: {  	_ =	swait.ge [sflag:s29], $0xFA0;
	(pc) =	sbr.rel @!p1 .LBB2_3-.Ltmp3, $4  }
0x8d: {  	[sflag:s29] =	ssyncset.done $0x0  }
0x8e: {  	[sflag:s29] =	ssyncadd.s32 $0xFFFFF060  }
0x8f: {  	_ =	swait.ge [sflag:s30], $0xFA0  }
0x90: {  	s7 =	smov.u32 s1;
	[sflag:s30] =	ssyncset.done $0x0  }
0x91: {  	s0 =	sshra.s32 s0, $0x2;
	[sflag:s30] =	ssyncadd.s32 $0xFFFFF060  }
0x92: {  	[tilespmem:s18], [sflag:$0x1] =	stream.indirect.gather [hbm4b:s4+s17], $0x20, s0, s17, $0xb8;
	[tilespmem:$0x12E80] =	vst v63  }
0x93: {  	s1 =	sadd.s32 $0x80, s0  }
0x94: {  	[tilespmem:s19], [sflag:$0x2] =	stream.indirect.gather [hbm4b:s4+s17], $0x20, s1, s17, $0xb8;
	[tilespmem:$0x12E80] =	vst v63  }
0x95: {  	s14 =	sadd.s32 $0x100, s0  }
0x96: {  	[tilespmem:s20], [sflag:$0x3] =	stream.indirect.gather [hbm4b:s4+s17], $0x20, s14, s17, $0xb8;
	[tilespmem:$0x12E80] =	vst v63  }
0x97: {  	s7 =	sadd.s32 $0x180, s0  }
0x98: {  	[tilespmem:s21], [sflag:$0x4] =	stream.indirect.gather [hbm4b:s4+s17], $0x20, s7, s17, $0xb8;
	[tilespmem:$0x12E80] =	vst v63  }
0x99: {  	_ =	swait.ge [sflag:s22], $0xFA0  }
0x9a: {  	[sflag:s22] =	ssyncset.done $0x0  }
0x9b: {  	s14 =	sadd.s32 $0x5000, s0;
	[sflag:s22] =	ssyncadd.s32 $0xFFFFF060  }
0x9c: {  	[spmem:s2] =	stream.indirect.scatter.add.f32 [tilespmem:s18], [sflag:$0x5], $0x20, s14, s17, $0xb8;
	[tilespmem:$0x12E80] =	vst v63  }
0x9d: {  	_ =	swait.ge [sflag:s23], $0xFA0  }
0x9e: {  	[sflag:s23] =	ssyncset.done $0x0  }
0x9f: {  	s7 =	sadd.s32 $0x5080, s0;
	[sflag:s23] =	ssyncadd.s32 $0xFFFFF060  }
0xa0: {  	[spmem:s2] =	stream.indirect.scatter.add.f32 [tilespmem:s19], [sflag:$0x6], $0x20, s7, s17, $0xb8;
	[tilespmem:$0x12E80] =	vst v63  }
0xa1: {  	_ =	swait.ge [sflag:s24], $0xFA0  }
0xa2: {  	[sflag:s24] =	ssyncset.done $0x0  }
0xa3: {  	s14 =	sadd.s32 $0x5100, s0;
	[sflag:s24] =	ssyncadd.s32 $0xFFFFF060  }
0xa4: {  	[spmem:s2] =	stream.indirect.scatter.add.f32 [tilespmem:s20], [sflag:$0x7], $0x20, s14, s17, $0xb8;
	[tilespmem:$0x12E80] =	vst v63  }
0xa5: {  	_ =	swait.ge [sflag:s25], $0xFA0  }
0xa6: {  	[sflag:s25] =	ssyncset.done $0x0  }
0xa7: {  	s0 =	sadd.s32 $0x5180, s0;
	[sflag:s25] =	ssyncadd.s32 $0xFFFFF060  }
0xa8: {  	[spmem:s2] =	stream.indirect.scatter.add.f32 [tilespmem:s21], [sflag:$0x8], $0x20, s0, s17, $0xb8;
	[tilespmem:$0x12E80] =	vst v63  }
0xa9: {  	_ =	swait.ge [sflag:s26], $0xFA0  }
0xaa: {  	[sflag:s26] =	ssyncset.done $0x0  }
0xab: {  	[sflag:s26] =	ssyncadd.s32 $0xFFFFF060  }
0xac: {  	_ =	swait.ge [sflag:s28], $0xFA0  }
0xad: {  	[sflag:s28] =	ssyncset.done $0x0  }
0xae: {  	[sflag:s28] =	ssyncadd.s32 $0xFFFFF060  }
0xaf: {  	_ =	swait.ge [sflag:s29], $0xFA0  }
.Ltmp4:
0xb0: {  	[sflag:s29] =	ssyncset.done $0x0;
	(pc) =	sbr.rel .LBB2_8-.Ltmp4, $4  }
0xb1: {  	[sflag:s29] =	ssyncadd.s32 $0xFFFFF060  }
0xb2: {  	_ =	swait.ge [sflag:s30], $0xFA0  }
0xb3: {  	[sflag:s30] =	ssyncset.done $0x0  }
0xb4: {  	s0 =	rddreg [dreg:$0x3];
	[sflag:s30] =	ssyncadd.s32 $0xFFFFF060  }
.LBB2_5:
0xb5: {  	s0 =	simm.s32 $0x5000  }
0xb6: {  	[tilespmem:s18], [sflag:$0x1] =	stream.indirect.gather [hbm4b:s5+s17], $0x20, s0, s17, $0xb8;
	[tilespmem:$0x12E80] =	vst v63  }
0xb7: {  	s7 =	simm.s32 $0x5080  }
0xb8: {  	[tilespmem:s19], [sflag:$0x2] =	stream.indirect.gather [hbm4b:s5+s17], $0x20, s7, s17, $0xb8;
	[tilespmem:$0x12E80] =	vst v63  }
0xb9: {  	s8 =	simm.s32 $0x5100  }
0xba: {  	[tilespmem:s20], [sflag:$0x3] =	stream.indirect.gather [hbm4b:s5+s17], $0x20, s8, s17, $0xb8;
	[tilespmem:$0x12E80] =	vst v63  }
0xbb: {  	s14 =	simm.s32 $0x5180  }
0xbc: {  	[tilespmem:s21], [sflag:$0x4] =	stream.indirect.gather [hbm4b:s5+s17], $0x20, s14, s17, $0xb8;
	[tilespmem:$0x12E80] =	vst v63  }
0xbd: {  	_ =	swait.ge [sflag:s22], $0xFA0  }
0xbe: {  	[sflag:s22] =	ssyncset.done $0x0  }
0xbf: {  	s1 =	simm.s32 $0x0;
	[sflag:s22] =	ssyncadd.s32 $0xFFFFF060  }
0xc0: {  	[spmem:s2] =	stream.indirect.scatter.add.f32 [tilespmem:s18], [sflag:$0x5], $0x20, s1, s17, $0xb8;
	[tilespmem:$0x12E80] =	vst v63  }
0xc1: {  	_ =	swait.ge [sflag:s23], $0xFA0  }
0xc2: {  	[sflag:s23] =	ssyncset.done $0x0  }
0xc3: {  	s7 =	simm.s32 $0x80;
	[sflag:s23] =	ssyncadd.s32 $0xFFFFF060  }
0xc4: {  	[spmem:s2] =	stream.indirect.scatter.add.f32 [tilespmem:s19], [sflag:$0x6], $0x20, s7, s17, $0xb8;
	[tilespmem:$0x12E80] =	vst v63  }
0xc5: {  	_ =	swait.ge [sflag:s24], $0xFA0  }
0xc6: {  	[sflag:s24] =	ssyncset.done $0x0  }
0xc7: {  	s8 =	simm.s32 $0x100;
	[sflag:s24] =	ssyncadd.s32 $0xFFFFF060  }
0xc8: {  	[spmem:s2] =	stream.indirect.scatter.add.f32 [tilespmem:s20], [sflag:$0x7], $0x20, s8, s17, $0xb8;
	[tilespmem:$0x12E80] =	vst v63  }
0xc9: {  	_ =	swait.ge [sflag:s25], $0xFA0  }
0xca: {  	[sflag:s25] =	ssyncset.done $0x0  }
0xcb: {  	s14 =	simm.s32 $0x180;
	[sflag:s25] =	ssyncadd.s32 $0xFFFFF060  }
0xcc: {  	[spmem:s2] =	stream.indirect.scatter.add.f32 [tilespmem:s21], [sflag:$0x8], $0x20, s14, s17, $0xb8;
	[tilespmem:$0x12E80] =	vst v63  }
0xcd: {  	_ =	swait.ge [sflag:s26], $0xFA0  }
0xce: {  	[sflag:s26] =	ssyncset.done $0x0  }
0xcf: {  	[sflag:s26] =	ssyncadd.s32 $0xFFFFF060  }
0xd0: {  	_ =	swait.ge [sflag:s28], $0xFA0  }
0xd1: {  	[sflag:s28] =	ssyncset.done $0x0  }
0xd2: {  	[sflag:s28] =	ssyncadd.s32 $0xFFFFF060  }
0xd3: {  	_ =	swait.ge [sflag:s29], $0xFA0  }
0xd4: {  	[sflag:s29] =	ssyncset.done $0x0  }
0xd5: {  	[sflag:s29] =	ssyncadd.s32 $0xFFFFF060  }
0xd6: {  	_ =	swait.ge [sflag:s30], $0xFA0  }
0xd7: {  	s0 =	simm.s32 $0x200;
	s1 =	simm.s32 $0x1000;
	[sflag:s30] =	ssyncset.done $0x0  }
.LBB2_6:
0xd8: {  	s8 =	sadd.s32 $0x5000, s0  }
0xd9: {  	[sflag:s30] =	ssyncadd.s32 $0xFFFFF060;
	s14 =	smov.u32 s1;
	s7 =	sadd.s32 $0x800, s1  }
0xda: {  	[tilespmem:s18], [sflag:$0x1] =	stream.indirect.gather [hbm4b:s5+s17], $0x20, s8, s17, $0xb8;
	[tilespmem:$0x12E80] =	vst v63  }
0xdb: {  	p1 =	sne.s32 s1, $0x13800;
	s1 =	sadd.s32 $0x5080, s0  }
0xdc: {  	[tilespmem:s19], [sflag:$0x2] =	stream.indirect.gather [hbm4b:s5+s17], $0x20, s1, s17, $0xb8;
	[tilespmem:$0x12E80] =	vst v63  }
0xdd: {  	s1 =	sadd.s32 $0x5100, s0  }
0xde: {  	[tilespmem:s20], [sflag:$0x3] =	stream.indirect.gather [hbm4b:s5+s17], $0x20, s1, s17, $0xb8;
	[tilespmem:$0x12E80] =	vst v63  }
0xdf: {  	s1 =	sadd.s32 $0x5180, s0  }
0xe0: {  	[tilespmem:s21], [sflag:$0x4] =	stream.indirect.gather [hbm4b:s5+s17], $0x20, s1, s17, $0xb8;
	[tilespmem:$0x12E80] =	vst v63  }
0xe1: {  	_ =	swait.ge [sflag:s22], $0xFA0  }
0xe2: {  	[sflag:s22] =	ssyncset.done $0x0  }
0xe3: {  	[sflag:s22] =	ssyncadd.s32 $0xFFFFF060  }
0xe4: {  	[spmem:s2] =	stream.indirect.scatter.add.f32 [tilespmem:s18], [sflag:$0x5], $0x20, s0, s17, $0xb8;
	[tilespmem:$0x12E80] =	vst v63  }
0xe5: {  	_ =	swait.ge [sflag:s23], $0xFA0  }
0xe6: {  	[sflag:s23] =	ssyncset.done $0x0  }
0xe7: {  	s1 =	sadd.s32 $0x80, s0;
	[sflag:s23] =	ssyncadd.s32 $0xFFFFF060  }
0xe8: {  	[spmem:s2] =	stream.indirect.scatter.add.f32 [tilespmem:s19], [sflag:$0x6], $0x20, s1, s17, $0xb8;
	[tilespmem:$0x12E80] =	vst v63  }
0xe9: {  	_ =	swait.ge [sflag:s24], $0xFA0  }
0xea: {  	[sflag:s24] =	ssyncset.done $0x0  }
0xeb: {  	s1 =	sadd.s32 $0x100, s0;
	[sflag:s24] =	ssyncadd.s32 $0xFFFFF060  }
0xec: {  	[spmem:s2] =	stream.indirect.scatter.add.f32 [tilespmem:s20], [sflag:$0x7], $0x20, s1, s17, $0xb8;
	[tilespmem:$0x12E80] =	vst v63  }
0xed: {  	_ =	swait.ge [sflag:s25], $0xFA0  }
0xee: {  	[sflag:s25] =	ssyncset.done $0x0  }
0xef: {  	s0 =	sadd.s32 $0x180, s0;
	[sflag:s25] =	ssyncadd.s32 $0xFFFFF060  }
0xf0: {  	[spmem:s2] =	stream.indirect.scatter.add.f32 [tilespmem:s21], [sflag:$0x8], $0x20, s0, s17, $0xb8;
	[tilespmem:$0x12E80] =	vst v63  }
0xf1: {  	_ =	swait.ge [sflag:s26], $0xFA0  }
0xf2: {  	[sflag:s26] =	ssyncset.done $0x0  }
0xf3: {  	[sflag:s26] =	ssyncadd.s32 $0xFFFFF060  }
0xf4: {  	_ =	swait.ge [sflag:s28], $0xFA0  }
0xf5: {  	[sflag:s28] =	ssyncset.done $0x0  }
0xf6: {  	[sflag:s28] =	ssyncadd.s32 $0xFFFFF060  }
.Ltmp5:
0xf7: {  	_ =	swait.ge [sflag:s29], $0xFA0;
	(pc) =	sbr.rel @p1 .LBB2_6-.Ltmp5, $4  }
0xf8: {  	[sflag:s29] =	ssyncset.done $0x0  }
0xf9: {  	[sflag:s29] =	ssyncadd.s32 $0xFFFFF060  }
0xfa: {  	_ =	swait.ge [sflag:s30], $0xFA0  }
0xfb: {  	s1 =	smov.u32 s7;
	s0 =	sshra.s32 s14, $0x2;
	[sflag:s30] =	ssyncset.done $0x0  }
.Ltmp6:
0xfc: {  	_ = 	snop;
	(pc) =	sbr.rel .LBB2_7-.Ltmp6, $1  }
0xfd: {  	_ =	sdelay $0x3  }
.LBB2_9:
0xfe: {  	_ =	sfence.sel $0x180000  }
0xff: {  	[bflag:$0x0] =	sbarrier.arrive $0xFFFF  }
0x100: {  	_ =	strace $0x90000053  }
0x101: {  	s0 =	stileid.u32;
	[bflag:$0x2] =	sbarrier.arrive $0xFFFF  }
0x102: {  	p0 =	sne.s32 s0, $0x0;
	s0 =	rddreg [dreg:$0x2]  }
0x103: {  	s0 =	sadd.s32 @!p0 $0x100000, s0  }
0x104: {  	[sflag:s0] =	ssyncadd.tile.s32 @!p0 $0x1;
	_ =	shalt  }
.Lfunc_end2:
_tile_overlayer_lowered:
.L_overlay_start_2:
0x105: {  	(tag) =	ssettag $0x2  }
0x106: {  	s0 =	rddreg [dreg:$0x0];
	s2 =	stileid.u32  }
0x107: {  	s1 =	rddreg [dreg:$0x1];
	p0 =	sne.s32 s2, $0x0  }
0x108: {  	s3 =	rddreg [dreg:$0x2];
	[bflag:$0x3] =	sbarrier.arrive $0xFFFF;
	s2 =	simm.s32 @!p0 $0x1C09  }
0x109: {  	[timem:s3], [sflag:s2] =	dma.local @!p0 [hbm:s0], s1  }
0x10a: {  	s0 =	simm.s32 @!p0 $0x9  }
0x10b: {  	_ =	swait.ge @!p0 [sflag:s0], s1  }
0x10c: {  	s1 =	ssub.s32 @!p0 $0x0, s1;
	[sflag:s0] =	ssyncset.done @!p0 $0x0  }
0x10d: {  	[sflag:s0] =	ssyncadd.s32 @!p0 s1  }
0x10e: {  	[bflag:$0x3] =	sbarrier.arrive $0xFFFF  }
0x10f: {  	_ =	shalt  }

// kernel: kernel.29.cloned.1.call-start
scs
__scs_entry_jumppad:
0x0: {  	(pc) =	sbr.rel $0x88, $3  }
0x1: {  	(tag) =	ssettag $0x0;
	lr =	simm.s32 $0x1  }
0x2: {  	[smem:$0x3F89] =	sst lr;
	_ =	strace $0xD0000000  }
0x3: {  	_ = 	snop  }
0x4: {  	_ = 	snop  }
0x5: {  	_ = 	snop  }
0x6: {  	_ = 	snop  }
0x7: {  	_ = 	snop  }
__scs_overlays_trampoline_lowered:
0x8: {  	[smem:$0x3F98] =	sst s0  }
0x9: {  	[smem:$0x3F99] =	sst s1  }
0xa: {  	[smem:$0x3F9A] =	sst s2  }
0xb: {  	[smem:$0x3F9B] =	sst s3  }
0xc: {  	[smem:$0x3F9C] =	sst s4  }
0xd: {  	[smem:$0x3F9D] =	sst s5  }
0xe: {  	[smem:$0x3F9E] =	sst s6  }
0xf: {  	[smem:$0x3F9F] =	sst s7  }
0x10: {  	[smem:$0x3FA0] =	sst s8  }
0x11: {  	[smem:$0x3FA1] =	sst s9;
	s0 =	simm.s32 @!p0 $0x0  }
0x12: {  	s1 =	sld [smem:$0x3F87];
	s0 =	simm.s32 @p0 $0x1  }
0x13: {  	[smem:$0x3FA2] =	sst s0;
	s0 =	simm.s32 @!p1 $0x0  }
0x14: {  	s2 =	sld [smem:$0x3F86];
	s0 =	simm.s32 @p1 $0x1  }
0x15: {  	[smem:$0x3FA3] =	sst s0;
	s0 =	simm.s32 @!p2 $0x0  }
0x16: {  	s3 =	sld [smem:$0x3FDB];
	s0 =	simm.s32 @p2 $0x1  }
0x17: {  	s4 =	simm.s32 $0x1BF5;
	[smem:$0x3FA5] =	sst s0  }
0x18: {  	s0 =	sld [smem:$0x3F88];
	_ =	swait.ge [sflag:s4], $0x0  }
0x19: {  	s7 =	sld [smem:$0x3F89]  }
0x1a: {  	s8 =	sadd.s32 $0xFFFFE003, lr  }
0x1b: {  	s9 =	sadd.s32 $0xFFFFFEF7, lr;
	s5 =	simm.s32 $0xFFFFFFFF;
	p2 =	slt.u32 s8, $0xFFFFF086  }
0x1c: {  	p1 =	slt.u32 s9, $0xF7A;
	s5 =	simm.s32 @!p2 $0x0  }
0x1d: {  	s5 =	simm.s32 @p1 $0x1;
	p0 =	seq.s32 s7, s2  }
0x1e: {  	s7 =	smul.u32 @!p0 $0xF7A, s2;
	p2 =	seq.s32 @!p0 s5, $0x0  }
0x1f: {  	s9 =	smul.u32 $0xF7A, s1;
	s8 =	simm.s32 @!p0 $0x1BF5;
	p2 =	por !p2, p0  }
0x20: {  	[sflag:s8] =	ssyncset.s32 @!p0 $0xFFFFF086;
	s6 =	sadd.s32 @!p0 s3, s7;
	s7 =	simm.s32 @!p0 $0x108  }
0x21: {  	s3 =	sadd.s32 s3, s9;
	s6 =	sadd.s32 @!p0 $0x88, s6;
	s7 =	simm.s32 @p2 $0x1082  }
0x22: {  	[simem:s7], [sflag:s8] =	dma.local @!p0 [hbm:s6], $0xF7A  }
0x23: {  	s9 =	sor.u32 $0xD0000000, s2;
	s6 =	simm.s32 $0x108;
	_ =	swait.ge @!p0 [sflag:s8], $0x0  }
0x24: {  	s3 =	sadd.s32 $0x88, s3;
	s6 =	simm.s32 @!p1 $0x1082;
	[sflag:s4] =	ssyncset.s32 $0xFFFFF086  }
0x25: {  	[simem:s6], [sflag:s4] =	dma.local [hbm:s3], $0xF7A  }
0x26: {  	[smem:$0x3F89] =	sst s1;
	(tag) =	ssettag s2;
	_ =	strace s9  }
0x27: {  	s1 =	sld [smem:$0x3F99]  }
0x28: {  	s2 =	sld [smem:$0x3F9A]  }
0x29: {  	s4 =	sld [smem:$0x3F9C]  }
0x2a: {  	p0 =	seq.s32 s5, $0x0;
	s5 =	sld [smem:$0x3F9D]  }
0x2b: {  	s6 =	sld [smem:$0x3F9E]  }
0x2c: {  	s7 =	sld [smem:$0x3F9F]  }
0x2d: {  	s3 =	simm.s32 $0x108;
	s8 =	sld [smem:$0x3FA0]  }
0x2e: {  	s3 =	simm.s32 @!p0 $0x1082;
	s9 =	sld [smem:$0x3FA1]  }
0x2f: {  	lr =	sadd.s32 s0, s3;
	s0 =	sld [smem:$0x3F98]  }
0x30: {  	s3 =	sld [smem:$0x3F9B]  }
0x31: {  	[smem:$0x3FA4] =	sst s10  }
0x32: {  	s10 =	sld [smem:$0x3FA2];
	_ =	sdelay $0x3  }
0x33: {  	p0 =	seq.s32 s10, $0x1;
	s10 =	sld [smem:$0x3FA4];
	_ =	sdelay $0x3  }
0x34: {  	[smem:$0x3FA4] =	sst s10  }
0x35: {  	s10 =	sld [smem:$0x3FA3];
	_ =	sdelay $0x3  }
0x36: {  	p1 =	seq.s32 s10, $0x1;
	s10 =	sld [smem:$0x3FA4];
	_ =	sdelay $0x3  }
0x37: {  	[smem:$0x3FA4] =	sst s10  }
0x38: {  	s10 =	sld [smem:$0x3FA5]  }
0x39: {  	_ = 	snop;
	(pc) =	sbr.ind lr, $3  }
0x3a: {  	_ = 	snop  }
0x3b: {  	_ = 	snop  }
0x3c: {  	p2 =	seq.s32 s10, $0x1;
	s10 =	sld [smem:$0x3FA4]  }
0x3d: {  	_ =	shalt  }
0x3e: {  	_ =	shalt  }
0x3f: {  	_ =	shalt  }
0x40: {  	_ =	shalt  }
0x41: {  	_ =	shalt  }
0x42: {  	_ =	shalt  }
0x43: {  	_ =	shalt  }
0x44: {  	_ =	shalt  }
0x45: {  	_ =	shalt  }
0x46: {  	_ =	shalt  }
0x47: {  	_ =	shalt  }
0x48: {  	_ =	shalt  }
0x49: {  	_ =	shalt  }
0x4a: {  	_ =	shalt  }
0x4b: {  	_ =	shalt  }
0x4c: {  	_ =	shalt  }
0x4d: {  	_ =	shalt  }
0x4e: {  	_ =	shalt  }
0x4f: {  	_ =	shalt  }
0x50: {  	_ =	shalt  }
0x51: {  	_ =	shalt  }
0x52: {  	_ =	shalt  }
0x53: {  	_ =	shalt  }
0x54: {  	_ =	shalt  }
0x55: {  	_ =	shalt  }
0x56: {  	_ =	shalt  }
0x57: {  	_ =	shalt  }
0x58: {  	_ =	shalt  }
0x59: {  	_ =	shalt  }
0x5a: {  	_ =	shalt  }
0x5b: {  	_ =	shalt  }
0x5c: {  	_ =	shalt  }
0x5d: {  	_ =	shalt  }
0x5e: {  	_ =	shalt  }
0x5f: {  	_ =	shalt  }
0x60: {  	_ =	shalt  }
0x61: {  	_ =	shalt  }
0x62: {  	_ =	shalt  }
0x63: {  	_ =	shalt  }
0x64: {  	_ =	shalt  }
0x65: {  	_ =	shalt  }
0x66: {  	_ =	shalt  }
0x67: {  	_ =	shalt  }
0x68: {  	_ =	shalt  }
0x69: {  	_ =	shalt  }
0x6a: {  	_ =	shalt  }
0x6b: {  	_ =	shalt  }
0x6c: {  	_ =	shalt  }
0x6d: {  	_ =	shalt  }
0x6e: {  	_ =	shalt  }
0x6f: {  	_ =	shalt  }
0x70: {  	_ =	shalt  }
0x71: {  	_ =	shalt  }
0x72: {  	_ =	shalt  }
0x73: {  	_ =	shalt  }
0x74: {  	_ =	shalt  }
0x75: {  	_ =	shalt  }
0x76: {  	_ =	shalt  }
0x77: {  	_ =	shalt  }
0x78: {  	_ =	shalt  }
0x79: {  	_ =	shalt  }
0x7a: {  	_ =	shalt  }
0x7b: {  	_ =	shalt  }
0x7c: {  	_ =	shalt  }
0x7d: {  	_ =	shalt  }
0x7e: {  	_ =	shalt  }
0x7f: {  	_ =	shalt  }
0x80: {  	_ =	shalt  }
0x81: {  	_ =	shalt  }
0x82: {  	_ =	shalt  }
0x83: {  	_ =	shalt  }
0x84: {  	_ =	shalt  }
0x85: {  	_ =	shalt  }
0x86: {  	_ =	shalt  }
0x87: {  	_ =	shalt  }
.Lfunc_end0:
.L_simem_size_0:
called_computation.5_lowered:
.L_overlay_start_0:
0x88: {  	s2 =	sld [smem:$0x3FD9]  }
0x89: {  	s3 =	sld [smem:$0x3FFE];
	_ =	sdelay $0x1  }
0x8a: {  	s1 =	srdreg.scid  }
0x8b: {  	s0 =	sand.u32 $0x1, s1  }
0x8c: {  	s16 =	sshll.u32 s0, $0xA;
	s2 =	sadd.s32 s3, s2  }
0x8d: {  	s2 =	sadd.s32 s2, s16  }
0x8e: {  	[smem:$0x3FB0] =	sst s2  }
0x8f: {  	_ = 	snop  }
0x90: {  	(tm) =	ssettm $0x1  }
0x91: {  	s17 =	sld [smem:$0x3FFB];
	_ =	sdelay $0x3  }
0x92: {  	_ =	strace s17  }
0x93: {  	s2 =	sld [smem:$0x3FFC];
	_ =	sdelay $0x3  }
0x94: {  	_ =	strace s2  }
0x95: {  	s2 =	sld [smem:$0x3FFD];
	_ =	sdelay $0x3  }
0x96: {  	_ =	strace s2  }
0x97: {  	_ =	strace $0x8FFFFFFF  }
0x98: {  	s18 =	sld [smem:$0x3FDB];
	_ =	sdelay $0x1  }
0x99: {  	s19 =	simm.s32 $_scs_section_size  }
0x9a: {  	s4 =	simm.s32 $_size__tile_overlayer_lowered;
	s5 =	simm.s32 $_tile_overlayer_lowered  }
0x9b: {  	s22 =	simm.s32 $0x1BFF;
	s21 =	sshll.u32 s5, $0x1;
	s2 =	sadd.s32 s19, s18  }
0x9c: {  	s6 =	simm.s32 $0x0;
	s20 =	sshll.u32 s4, $0x1;
	s4 =	sadd.s32 s21, s2  }
0x9d: {  	[timem:s6], [sflag:s22] =	dma.local [hbm:s4], s20  }
0x9e: {  	_ =	swait.ge [sflag:s22], s20  }
0x9f: {  	s3 =	ssub.s32 $0x0, s20;
	[sflag:s22] =	ssyncset.done $0x0  }
0xa0: {  	[sflag:s22] =	ssyncadd.s32 s3;
	_ =	sdelay $0x1  }
0xa1: {  	s23 =	simm.s32 $0x1B8B  }
0xa2: {  	_ =	swait.ge [sflag:s23], $0x1  }
0xa3: {  	[sflag:s23] =	ssyncset.done $0x0  }
0xa4: {  	s25 =	simm.s32 $0x1B8E;
	s24 =	sld [smem:$0x3FFE];
	[sflag:s23] =	ssyncadd.s32 $0xFFFFFFFF  }
0xa5: {  	s26 =	simm.s32 $execute0_lowered;
	[smem:$0x3FD2] =	sst s25  }
0xa6: {  	s4 =	sshll.u32 s26, $0x1;
	_ =	strace $0x80000055;
	[dreg:$0x1] =	wrdreg $0xFFFFFFFF  }
0xa7: {  	s28 =	simm.s32 $_size_execute0_lowered;
	s2 =	sadd.s32 s2, s4;
	[dreg:$0x0] =	wrdreg $0x0  }
0xa8: {  	s4 =	sshll.u32 s28, $0x1;
	[dreg:$0x2] =	wrdreg s2  }
0xa9: {  	[dreg:$0x3] =	wrdreg s4  }
0xaa: {  	[dreg:$0x4] =	wrdreg $0xC0  }
0xab: {  	_ =	task [dreg:s6], $0x5FFFF  }
0xac: {  	[dreg:$0x1] =	wrdreg $0xFFFFFFFF  }
0xad: {  	[dreg:$0x0] =	wrdreg $0x60  }
0xae: {  	[dreg:$0x2] =	wrdreg s24  }
0xaf: {  	[dreg:$0x3] =	wrdreg $0xDE800  }
0xb0: {  	[dreg:$0x4] =	wrdreg $0x9  }
0xb1: {  	_ =	task.clear_ibuf [dreg:s6], $0x5FFFF;
	_ =	strace $0x90000055  }
0xb2: {  	s29 =	simm.s32 $0x9;
	_ =	strace $0x80000057  }
0xb3: {  	_ =	swait.ge [sflag:s29], $0x1  }
0xb4: {  	[sflag:s29] =	ssyncadd.s32 $0xFFFFFFFF  }
0xb5: {  	_ =	strace $0x90000057  }
0xb6: {  	_ =	sfence  }
0xb7: {  	s30 =	sld [smem:$0x0];
	_ =	sdelay $0x2  }
0xb8: {  	s31 =	sshll.u32 s1, $0xD;
	s1 =	sshrl.u32 s1, $0x2  }
0xb9: {  	s3 =	sand.u32 $0x4000, s31;
	s1 =	sadd.s32 s1, s30  }
0xba: {  	s0 =	sor.u32 s3, s0;
	s1 =	sshll.u32 s1, $0x11  }
0xbb: {  	s0 =	sor.u32 s1, s0  }
0xbc: {  	s0 =	sadd.s32 $0x8F2B, s0  }
0xbd: {  	[sflag:s0] =	ssyncadd.remote.s32 $0x1  }
0xbe: {  	_ =	sfence.sel $0xFFFF  }
0xbf: {  	[dreg:$0x0] =	wrdreg $0xFFFFFFFF;
	(pc) =	sbr.abs _section_cstart, $3  }
0xc0: {  	[dreg:$0x1] =	wrdreg $0xFFFFFFFF  }
0xc1: {  	_ =	task.clear_ibuf [dreg:s6], $0x2FFFF;
	_ =	strace $0x9FFFFFFF  }
0xc2: {  	(tm) =	ssettm $0x7FFFFFFF  }
0xc3: {  	_ =	shalt  }
tec
execute0_lowered:
.L_overlay_start_1:
0x0: {  	(tag) =	ssettag $0x1  }
0x1: {  	s0 =	rddreg [dreg:$0x0]  }
0x2: {  	s2 =	rddreg [dreg:$0x1];
	s3 =	simm.s32 $0x0  }
0x3: {  	s8 =	stileid.u32;
	s6 =	srdreg.scid;
	s17 =	simm.s32 $0x7D  }
0x4: {  	s18 =	simm.s32 $0xA000;
	s19 =	simm.s32 $0xAFA0;
	s20 =	simm.s32 $0xBF40  }
0x5: {  	s21 =	simm.s32 $0xCEE0;
	s22 =	simm.s32 $0x1;
	s28 =	simm.s32 $0x6  }
0x6: {  	s29 =	simm.s32 $0x7;
	s30 =	simm.s32 $0x8;
	s1 =	smul.u32 $0xA00, s8  }
0x7: {  	s31 =	simm.s32 $0x0;
	[smem:$0x7FF] =	sst s3;
	s7 =	smul.u32 $0x5000, s8  }
0x8: {  	s4 =	sadd.s32 $0x2FA00, s0;
	s5 =	sadd.s32 $0x25C00, s0;
	s13 =	sand.u32 $0x1, s6  }
0x9: {  	s10 =	sadd.s32 $0x93C00, s0;
	s26 =	sshll.u32 s8, $0x6;
	s8 =	simm.s32 $0x5000  }
0xa: {  	_ =	strace $0x80000056;
	s9 =	ssub.s32 $0x2, s13;
	[dreg:$0x3] =	wrdreg s10  }
0xb: {  	p0 =	sne.s32 s13, $0x0;
	s13 =	simm.s32 $0x9;
	s15 =	sor.u32 $0x1C09, s26  }
0xc: {  	s26 =	simm.s32 $0x5;
	s1 =	sadd.s32 s1, s0;
	s6 =	sshrl.u32 s7, $0x3  }
.Ltmp0:
0xd: {  	s23 =	sshrl.u32 s9, $0x1;
	s25 =	sadd.s32 s7, s2;
	(pc) =	sbr.rel .LBB2_1-.Ltmp0, $4  }
0xe: {  	s11 =	sadd.s32 s6, s0;
	s0 =	sadd.s32 $0x89C00, s0;
	s24 =	ssub.s32 s9, s23  }
0xf: {  	s9 =	sadd.s32 $0x11C00, s1;
	s10 =	sadd.s32 $0x7C00, s1;
	s16 =	sshrl.u32 s25, $0x3  }
0x10: {  	s23 =	simm.s32 $0x2;
	s25 =	simm.s32 $0x4;
	[dreg:$0x4] =	wrdreg s0  }
0x11: {  	s11 =	sadd.s32 $0x1BC00, s11;
	s12 =	smax.u32 s24, $0x1;
	s24 =	simm.s32 $0x3  }
.LBB2_7:
0x12: {  	s1 =	sadd.s32 $0x5000, s0;
	[sflag:s30] =	ssyncadd.s32 $0xFFFFF060  }
0x13: {  	[tilespmem:s18], [sflag:$0x1] =	stream.indirect.gather [hbm4b:s5+s17], $0x20, s1, s17, $0xb8;
	[tilespmem:$0x12E80] =	vst v63  }
0x14: {  	s7 =	sadd.s32 $0x5080, s0  }
0x15: {  	[tilespmem:s19], [sflag:$0x2] =	stream.indirect.gather [hbm4b:s5+s17], $0x20, s7, s17, $0xb8;
	[tilespmem:$0x12E80] =	vst v63  }
0x16: {  	s8 =	sadd.s32 $0x5100, s0  }
0x17: {  	[tilespmem:s20], [sflag:$0x3] =	stream.indirect.gather [hbm4b:s5+s17], $0x20, s8, s17, $0xb8;
	[tilespmem:$0x12E80] =	vst v63  }
0x18: {  	s14 =	sadd.s32 $0x5180, s0  }
0x19: {  	[tilespmem:s21], [sflag:$0x4] =	stream.indirect.gather [hbm4b:s5+s17], $0x20, s14, s17, $0xb8;
	[tilespmem:$0x12E80] =	vst v63  }
0x1a: {  	_ =	swait.ge [sflag:s22], $0xFA0  }
0x1b: {  	[sflag:s22] =	ssyncset.done $0x0  }
0x1c: {  	[sflag:s22] =	ssyncadd.s32 $0xFFFFF060  }
0x1d: {  	[spmem:s2] =	stream.indirect.scatter.add.f32 [tilespmem:s18], [sflag:$0x5], $0x20, s0, s17, $0xb8;
	[tilespmem:$0x12E80] =	vst v63  }
0x1e: {  	_ =	swait.ge [sflag:s23], $0xFA0  }
0x1f: {  	[sflag:s23] =	ssyncset.done $0x0  }
0x20: {  	s7 =	sadd.s32 $0x80, s0;
	[sflag:s23] =	ssyncadd.s32 $0xFFFFF060  }
0x21: {  	[spmem:s2] =	stream.indirect.scatter.add.f32 [tilespmem:s19], [sflag:$0x6], $0x20, s7, s17, $0xb8;
	[tilespmem:$0x12E80] =	vst v63  }
0x22: {  	_ =	swait.ge [sflag:s24], $0xFA0  }
0x23: {  	[sflag:s24] =	ssyncset.done $0x0  }
0x24: {  	s8 =	sadd.s32 $0x100, s0;
	[sflag:s24] =	ssyncadd.s32 $0xFFFFF060  }
0x25: {  	[spmem:s2] =	stream.indirect.scatter.add.f32 [tilespmem:s20], [sflag:$0x7], $0x20, s8, s17, $0xb8;
	[tilespmem:$0x12E80] =	vst v63  }
0x26: {  	_ =	swait.ge [sflag:s25], $0xFA0  }
0x27: {  	[sflag:s25] =	ssyncset.done $0x0  }
0x28: {  	s14 =	sadd.s32 $0x180, s0;
	[sflag:s25] =	ssyncadd.s32 $0xFFFFF060  }
0x29: {  	[spmem:s2] =	stream.indirect.scatter.add.f32 [tilespmem:s21], [sflag:$0x8], $0x20, s14, s17, $0xb8;
	[tilespmem:$0x12E80] =	vst v63  }
0x2a: {  	_ =	swait.ge [sflag:s26], $0xFA0  }
0x2b: {  	[sflag:s26] =	ssyncset.done $0x0  }
0x2c: {  	[sflag:s26] =	ssyncadd.s32 $0xFFFFF060  }
0x2d: {  	_ =	swait.ge [sflag:s28], $0xFA0  }
0x2e: {  	[sflag:s28] =	ssyncset.done $0x0  }
0x2f: {  	[sflag:s28] =	ssyncadd.s32 $0xFFFFF060  }
0x30: {  	_ =	swait.ge [sflag:s29], $0xFA0  }
0x31: {  	[sflag:s29] =	ssyncset.done $0x0  }
0x32: {  	[sflag:s29] =	ssyncadd.s32 $0xFFFFF060  }
0x33: {  	_ =	swait.ge [sflag:s30], $0xFA0  }
0x34: {  	[sflag:s30] =	ssyncset.done $0x0  }
0x35: {  	s8 =	simm.s32 $0x5000;
	s0 =	rddreg [dreg:$0x4];
	[sflag:s30] =	ssyncadd.s32 $0xFFFFF060  }
.LBB2_8:
0x36: {  	s31 =	sadd.s32 $0x1, s31  }
0x37: {  	p1 =	sne.s32 s31, s12  }
.Ltmp1:
0x38: {  	s0 =	sadd.s32 s0, s6;
	[bflag:$0x0] =	sbarrier.arrive $0xFFFF;
	(pc) =	sbr.rel @!p1 .LBB2_9-.Ltmp1, $4  }
0x39: {  	[hbm:s0], [sflag:s15] =	dma.local [spmem:s16], $0xA00  }
0x3a: {  	_ =	swait.ge [sflag:s13], $0xA00  }
0x3b: {  	[sflag:s13] =	ssyncset.done $0x0  }
0x3c: {  	[sflag:s13] =	ssyncadd.s32 $0xFFFFF600  }
.LBB2_1:
0x3d: {  	[tilespmem:s3], [sflag:$0x9] =	stream.linear.gather [hbm4b:s9+s3], $0x5000, $0x38;
	[tilespmem:$0x12E80] =	vst v63  }
0x3e: {  	_ =	swait.ge [sflag:s13], $0x5000  }
0x3f: {  	[sflag:s13] =	ssyncset.done $0x0  }
0x40: {  	[sflag:s13] =	ssyncadd.s32 $0xFFFFB000  }
0x41: {  	[tilespmem:s8], [sflag:$0x9] =	stream.linear.gather [hbm4b:s10+s3], $0x5000, $0x38;
	[tilespmem:$0x12E80] =	vst v63  }
0x42: {  	_ =	swait.ge [sflag:s13], $0x5000  }
0x43: {  	[sflag:s13] =	ssyncset.done $0x0  }
0x44: {  	[sflag:s13] =	ssyncadd.s32 $0xFFFFB000  }
0x45: {  	[spmem:s16], [sflag:s15] =	dma.local [hbm:s11], $0xA00  }
.Ltmp2:
0x46: {  	_ =	swait.ge [sflag:s13], $0xA00;
	(pc) =	sbr.rel @p0 .LBB2_5-.Ltmp2, $3  }
0x47: {  	[sflag:s13] =	ssyncset.done $0x0  }
0x48: {  	[sflag:s13] =	ssyncadd.s32 $0xFFFFF600  }
0x49: {  	[bflag:$0x0] =	sbarrier.arrive $0xFFFF;
	_ =	sdelay $0x1  }
0x4a: {  	s0 =	simm.s32 $0x0  }
0x4b: {  	[tilespmem:s18], [sflag:$0x1] =	stream.indirect.gather [hbm4b:s4+s17], $0x20, s0, s17, $0xb8;
	[tilespmem:$0x12E80] =	vst v63  }
0x4c: {  	s14 =	simm.s32 $0x80  }
0x4d: {  	[tilespmem:s19], [sflag:$0x2] =	stream.indirect.gather [hbm4b:s4+s17], $0x20, s14, s17, $0xb8;
	[tilespmem:$0x12E80] =	vst v63  }
0x4e: {  	s1 =	simm.s32 $0x100  }
0x4f: {  	[tilespmem:s20], [sflag:$0x3] =	stream.indirect.gather [hbm4b:s4+s17], $0x20, s1, s17, $0xb8;
	[tilespmem:$0x12E80] =	vst v63  }
0x50: {  	s7 =	simm.s32 $0x180  }
0x51: {  	[tilespmem:s21], [sflag:$0x4] =	stream.indirect.gather [hbm4b:s4+s17], $0x20, s7, s17, $0xb8;
	[tilespmem:$0x12E80] =	vst v63  }
0x52: {  	_ =	swait.ge [sflag:s22], $0xFA0  }
0x53: {  	[sflag:s22] =	ssyncset.done $0x0  }
0x54: {  	s14 =	simm.s32 $0x5000;
	[sflag:s22] =	ssyncadd.s32 $0xFFFFF060  }
0x55: {  	[spmem:s2] =	stream.indirect.scatter.add.f32 [tilespmem:s18], [sflag:$0x5], $0x20, s14, s17, $0xb8;
	[tilespmem:$0x12E80] =	vst v63  }
0x56: {  	_ =	swait.ge [sflag:s23], $0xFA0  }
0x57: {  	[sflag:s23] =	ssyncset.done $0x0  }
0x58: {  	s1 =	simm.s32 $0x5080;
	[sflag:s23] =	ssyncadd.s32 $0xFFFFF060  }
0x59: {  	[spmem:s2] =	stream.indirect.scatter.add.f32 [tilespmem:s19], [sflag:$0x6], $0x20, s1, s17, $0xb8;
	[tilespmem:$0x12E80] =	vst v63  }
0x5a: {  	_ =	swait.ge [sflag:s24], $0xFA0  }
0x5b: {  	[sflag:s24] =	ssyncset.done $0x0  }
0x5c: {  	s7 =	simm.s32 $0x5100;
	[sflag:s24] =	ssyncadd.s32 $0xFFFFF060  }
0x5d: {  	[spmem:s2] =	stream.indirect.scatter.add.f32 [tilespmem:s20], [sflag:$0x7], $0x20, s7, s17, $0xb8;
	[tilespmem:$0x12E80] =	vst v63  }
0x5e: {  	_ =	swait.ge [sflag:s25], $0xFA0  }
0x5f: {  	[sflag:s25] =	ssyncset.done $0x0  }
0x60: {  	s14 =	simm.s32 $0x5180;
	[sflag:s25] =	ssyncadd.s32 $0xFFFFF060  }
0x61: {  	[spmem:s2] =	stream.indirect.scatter.add.f32 [tilespmem:s21], [sflag:$0x8], $0x20, s14, s17, $0xb8;
	[tilespmem:$0x12E80] =	vst v63  }
0x62: {  	_ =	swait.ge [sflag:s26], $0xFA0  }
0x63: {  	[sflag:s26] =	ssyncset.done $0x0  }
0x64: {  	[sflag:s26] =	ssyncadd.s32 $0xFFFFF060  }
0x65: {  	_ =	swait.ge [sflag:s28], $0xFA0  }
0x66: {  	[sflag:s28] =	ssyncset.done $0x0  }
0x67: {  	[sflag:s28] =	ssyncadd.s32 $0xFFFFF060  }
0x68: {  	_ =	swait.ge [sflag:s29], $0xFA0  }
0x69: {  	[sflag:s29] =	ssyncset.done $0x0  }
0x6a: {  	[sflag:s29] =	ssyncadd.s32 $0xFFFFF060  }
0x6b: {  	_ =	swait.ge [sflag:s30], $0xFA0  }
0x6c: {  	s0 =	simm.s32 $0x800;
	s7 =	simm.s32 $0x1000;
	[sflag:s30] =	ssyncset.done $0x0  }
.LBB2_3:
0x6d: {  	s14 =	sshra.s32 s0, $0x2  }
0x6e: {  	[sflag:s30] =	ssyncadd.s32 $0xFFFFF060;
	s0 =	smov.u32 s7;
	s1 =	sadd.s32 $0x800, s7  }
0x6f: {  	[tilespmem:s18], [sflag:$0x1] =	stream.indirect.gather [hbm4b:s4+s17], $0x20, s14, s17, $0xb8;
	[tilespmem:$0x12E80] =	vst v63  }
0x70: {  	p1 =	seq.s32 s7, $0x13800;
	s7 =	sadd.s32 $0x80, s14  }
0x71: {  	[tilespmem:s19], [sflag:$0x2] =	stream.indirect.gather [hbm4b:s4+s17], $0x20, s7, s17, $0xb8;
	[tilespmem:$0x12E80] =	vst v63  }
0x72: {  	s7 =	sadd.s32 $0x100, s14  }
0x73: {  	[tilespmem:s20], [sflag:$0x3] =	stream.indirect.gather [hbm4b:s4+s17], $0x20, s7, s17, $0xb8;
	[tilespmem:$0x12E80] =	vst v63  }
0x74: {  	s7 =	sadd.s32 $0x180, s14  }
0x75: {  	[tilespmem:s21], [sflag:$0x4] =	stream.indirect.gather [hbm4b:s4+s17], $0x20, s7, s17, $0xb8;
	[tilespmem:$0x12E80] =	vst v63  }
0x76: {  	_ =	swait.ge [sflag:s22], $0xFA0  }
0x77: {  	[sflag:s22] =	ssyncset.done $0x0  }
0x78: {  	s7 =	sadd.s32 $0x5000, s14;
	[sflag:s22] =	ssyncadd.s32 $0xFFFFF060  }
0x79: {  	[spmem:s2] =	stream.indirect.scatter.add.f32 [tilespmem:s18], [sflag:$0x5], $0x20, s7, s17, $0xb8;
	[tilespmem:$0x12E80] =	vst v63  }
0x7a: {  	_ =	swait.ge [sflag:s23], $0xFA0  }
0x7b: {  	[sflag:s23] =	ssyncset.done $0x0  }
0x7c: {  	s7 =	sadd.s32 $0x5080, s14;
	[sflag:s23] =	ssyncadd.s32 $0xFFFFF060  }
0x7d: {  	[spmem:s2] =	stream.indirect.scatter.add.f32 [tilespmem:s19], [sflag:$0x6], $0x20, s7, s17, $0xb8;
	[tilespmem:$0x12E80] =	vst v63  }
0x7e: {  	_ =	swait.ge [sflag:s24], $0xFA0  }
0x7f: {  	[sflag:s24] =	ssyncset.done $0x0  }
0x80: {  	s7 =	sadd.s32 $0x5100, s14;
	[sflag:s24] =	ssyncadd.s32 $0xFFFFF060  }
0x81: {  	[spmem:s2] =	stream.indirect.scatter.add.f32 [tilespmem:s20], [sflag:$0x7], $0x20, s7, s17, $0xb8;
	[tilespmem:$0x12E80] =	vst v63  }
0x82: {  	_ =	swait.ge [sflag:s25], $0xFA0  }
0x83: {  	[sflag:s25] =	ssyncset.done $0x0  }
0x84: {  	s7 =	sadd.s32 $0x5180, s14;
	[sflag:s25] =	ssyncadd.s32 $0xFFFFF060  }
0x85: {  	[spmem:s2] =	stream.indirect.scatter.add.f32 [tilespmem:s21], [sflag:$0x8], $0x20, s7, s17, $0xb8;
	[tilespmem:$0x12E80] =	vst v63  }
0x86: {  	_ =	swait.ge [sflag:s26], $0xFA0  }
0x87: {  	[sflag:s26] =	ssyncset.done $0x0  }
0x88: {  	[sflag:s26] =	ssyncadd.s32 $0xFFFFF060  }
0x89: {  	_ =	swait.ge [sflag:s28], $0xFA0  }
0x8a: {  	[sflag:s28] =	ssyncset.done $0x0  }
0x8b: {  	[sflag:s28] =	ssyncadd.s32 $0xFFFFF060  }
.Ltmp3:
0x8c: {  	_ =	swait.ge [sflag:s29], $0xFA0;
	(pc) =	sbr.rel @!p1 .LBB2_3-.Ltmp3, $4  }
0x8d: {  	[sflag:s29] =	ssyncset.done $0x0  }
0x8e: {  	[sflag:s29] =	ssyncadd.s32 $0xFFFFF060  }
0x8f: {  	_ =	swait.ge [sflag:s30], $0xFA0  }
0x90: {  	s7 =	smov.u32 s1;
	[sflag:s30] =	ssyncset.done $0x0  }
0x91: {  	s0 =	sshra.s32 s0, $0x2;
	[sflag:s30] =	ssyncadd.s32 $0xFFFFF060  }
0x92: {  	[tilespmem:s18], [sflag:$0x1] =	stream.indirect.gather [hbm4b:s4+s17], $0x20, s0, s17, $0xb8;
	[tilespmem:$0x12E80] =	vst v63  }
0x93: {  	s1 =	sadd.s32 $0x80, s0  }
0x94: {  	[tilespmem:s19], [sflag:$0x2] =	stream.indirect.gather [hbm4b:s4+s17], $0x20, s1, s17, $0xb8;
	[tilespmem:$0x12E80] =	vst v63  }
0x95: {  	s14 =	sadd.s32 $0x100, s0  }
0x96: {  	[tilespmem:s20], [sflag:$0x3] =	stream.indirect.gather [hbm4b:s4+s17], $0x20, s14, s17, $0xb8;
	[tilespmem:$0x12E80] =	vst v63  }
0x97: {  	s7 =	sadd.s32 $0x180, s0  }
0x98: {  	[tilespmem:s21], [sflag:$0x4] =	stream.indirect.gather [hbm4b:s4+s17], $0x20, s7, s17, $0xb8;
	[tilespmem:$0x12E80] =	vst v63  }
0x99: {  	_ =	swait.ge [sflag:s22], $0xFA0  }
0x9a: {  	[sflag:s22] =	ssyncset.done $0x0  }
0x9b: {  	s14 =	sadd.s32 $0x5000, s0;
	[sflag:s22] =	ssyncadd.s32 $0xFFFFF060  }
0x9c: {  	[spmem:s2] =	stream.indirect.scatter.add.f32 [tilespmem:s18], [sflag:$0x5], $0x20, s14, s17, $0xb8;
	[tilespmem:$0x12E80] =	vst v63  }
0x9d: {  	_ =	swait.ge [sflag:s23], $0xFA0  }
0x9e: {  	[sflag:s23] =	ssyncset.done $0x0  }
0x9f: {  	s7 =	sadd.s32 $0x5080, s0;
	[sflag:s23] =	ssyncadd.s32 $0xFFFFF060  }
0xa0: {  	[spmem:s2] =	stream.indirect.scatter.add.f32 [tilespmem:s19], [sflag:$0x6], $0x20, s7, s17, $0xb8;
	[tilespmem:$0x12E80] =	vst v63  }
0xa1: {  	_ =	swait.ge [sflag:s24], $0xFA0  }
0xa2: {  	[sflag:s24] =	ssyncset.done $0x0  }
0xa3: {  	s14 =	sadd.s32 $0x5100, s0;
	[sflag:s24] =	ssyncadd.s32 $0xFFFFF060  }
0xa4: {  	[spmem:s2] =	stream.indirect.scatter.add.f32 [tilespmem:s20], [sflag:$0x7], $0x20, s14, s17, $0xb8;
	[tilespmem:$0x12E80] =	vst v63  }
0xa5: {  	_ =	swait.ge [sflag:s25], $0xFA0  }
0xa6: {  	[sflag:s25] =	ssyncset.done $0x0  }
0xa7: {  	s0 =	sadd.s32 $0x5180, s0;
	[sflag:s25] =	ssyncadd.s32 $0xFFFFF060  }
0xa8: {  	[spmem:s2] =	stream.indirect.scatter.add.f32 [tilespmem:s21], [sflag:$0x8], $0x20, s0, s17, $0xb8;
	[tilespmem:$0x12E80] =	vst v63  }
0xa9: {  	_ =	swait.ge [sflag:s26], $0xFA0  }
0xaa: {  	[sflag:s26] =	ssyncset.done $0x0  }
0xab: {  	[sflag:s26] =	ssyncadd.s32 $0xFFFFF060  }
0xac: {  	_ =	swait.ge [sflag:s28], $0xFA0  }
0xad: {  	[sflag:s28] =	ssyncset.done $0x0  }
0xae: {  	[sflag:s28] =	ssyncadd.s32 $0xFFFFF060  }
0xaf: {  	_ =	swait.ge [sflag:s29], $0xFA0  }
.Ltmp4:
0xb0: {  	[sflag:s29] =	ssyncset.done $0x0;
	(pc) =	sbr.rel .LBB2_8-.Ltmp4, $4  }
0xb1: {  	[sflag:s29] =	ssyncadd.s32 $0xFFFFF060  }
0xb2: {  	_ =	swait.ge [sflag:s30], $0xFA0  }
0xb3: {  	[sflag:s30] =	ssyncset.done $0x0  }
0xb4: {  	s0 =	rddreg [dreg:$0x3];
	[sflag:s30] =	ssyncadd.s32 $0xFFFFF060  }
.LBB2_5:
0xb5: {  	s0 =	simm.s32 $0x5000  }
0xb6: {  	[tilespmem:s18], [sflag:$0x1] =	stream.indirect.gather [hbm4b:s5+s17], $0x20, s0, s17, $0xb8;
	[tilespmem:$0x12E80] =	vst v63  }
0xb7: {  	s7 =	simm.s32 $0x5080  }
0xb8: {  	[tilespmem:s19], [sflag:$0x2] =	stream.indirect.gather [hbm4b:s5+s17], $0x20, s7, s17, $0xb8;
	[tilespmem:$0x12E80] =	vst v63  }
0xb9: {  	s8 =	simm.s32 $0x5100  }
0xba: {  	[tilespmem:s20], [sflag:$0x3] =	stream.indirect.gather [hbm4b:s5+s17], $0x20, s8, s17, $0xb8;
	[tilespmem:$0x12E80] =	vst v63  }
0xbb: {  	s14 =	simm.s32 $0x5180  }
0xbc: {  	[tilespmem:s21], [sflag:$0x4] =	stream.indirect.gather [hbm4b:s5+s17], $0x20, s14, s17, $0xb8;
	[tilespmem:$0x12E80] =	vst v63  }
0xbd: {  	_ =	swait.ge [sflag:s22], $0xFA0  }
0xbe: {  	[sflag:s22] =	ssyncset.done $0x0  }
0xbf: {  	s1 =	simm.s32 $0x0;
	[sflag:s22] =	ssyncadd.s32 $0xFFFFF060  }
0xc0: {  	[spmem:s2] =	stream.indirect.scatter.add.f32 [tilespmem:s18], [sflag:$0x5], $0x20, s1, s17, $0xb8;
	[tilespmem:$0x12E80] =	vst v63  }
0xc1: {  	_ =	swait.ge [sflag:s23], $0xFA0  }
0xc2: {  	[sflag:s23] =	ssyncset.done $0x0  }
0xc3: {  	s7 =	simm.s32 $0x80;
	[sflag:s23] =	ssyncadd.s32 $0xFFFFF060  }
0xc4: {  	[spmem:s2] =	stream.indirect.scatter.add.f32 [tilespmem:s19], [sflag:$0x6], $0x20, s7, s17, $0xb8;
	[tilespmem:$0x12E80] =	vst v63  }
0xc5: {  	_ =	swait.ge [sflag:s24], $0xFA0  }
0xc6: {  	[sflag:s24] =	ssyncset.done $0x0  }
0xc7: {  	s8 =	simm.s32 $0x100;
	[sflag:s24] =	ssyncadd.s32 $0xFFFFF060  }
0xc8: {  	[spmem:s2] =	stream.indirect.scatter.add.f32 [tilespmem:s20], [sflag:$0x7], $0x20, s8, s17, $0xb8;
	[tilespmem:$0x12E80] =	vst v63  }
0xc9: {  	_ =	swait.ge [sflag:s25], $0xFA0  }
0xca: {  	[sflag:s25] =	ssyncset.done $0x0  }
0xcb: {  	s14 =	simm.s32 $0x180;
	[sflag:s25] =	ssyncadd.s32 $0xFFFFF060  }
0xcc: {  	[spmem:s2] =	stream.indirect.scatter.add.f32 [tilespmem:s21], [sflag:$0x8], $0x20, s14, s17, $0xb8;
	[tilespmem:$0x12E80] =	vst v63  }
0xcd: {  	_ =	swait.ge [sflag:s26], $0xFA0  }
0xce: {  	[sflag:s26] =	ssyncset.done $0x0  }
0xcf: {  	[sflag:s26] =	ssyncadd.s32 $0xFFFFF060  }
0xd0: {  	_ =	swait.ge [sflag:s28], $0xFA0  }
0xd1: {  	[sflag:s28] =	ssyncset.done $0x0  }
0xd2: {  	[sflag:s28] =	ssyncadd.s32 $0xFFFFF060  }
0xd3: {  	_ =	swait.ge [sflag:s29], $0xFA0  }
0xd4: {  	[sflag:s29] =	ssyncset.done $0x0  }
0xd5: {  	[sflag:s29] =	ssyncadd.s32 $0xFFFFF060  }
0xd6: {  	_ =	swait.ge [sflag:s30], $0xFA0  }
0xd7: {  	s0 =	simm.s32 $0x200;
	s1 =	simm.s32 $0x1000;
	[sflag:s30] =	ssyncset.done $0x0  }
.LBB2_6:
0xd8: {  	s8 =	sadd.s32 $0x5000, s0  }
0xd9: {  	[sflag:s30] =	ssyncadd.s32 $0xFFFFF060;
	s14 =	smov.u32 s1;
	s7 =	sadd.s32 $0x800, s1  }
0xda: {  	[tilespmem:s18], [sflag:$0x1] =	stream.indirect.gather [hbm4b:s5+s17], $0x20, s8, s17, $0xb8;
	[tilespmem:$0x12E80] =	vst v63  }
0xdb: {  	p1 =	sne.s32 s1, $0x13800;
	s1 =	sadd.s32 $0x5080, s0  }
0xdc: {  	[tilespmem:s19], [sflag:$0x2] =	stream.indirect.gather [hbm4b:s5+s17], $0x20, s1, s17, $0xb8;
	[tilespmem:$0x12E80] =	vst v63  }
0xdd: {  	s1 =	sadd.s32 $0x5100, s0  }
0xde: {  	[tilespmem:s20], [sflag:$0x3] =	stream.indirect.gather [hbm4b:s5+s17], $0x20, s1, s17, $0xb8;
	[tilespmem:$0x12E80] =	vst v63  }
0xdf: {  	s1 =	sadd.s32 $0x5180, s0  }
0xe0: {  	[tilespmem:s21], [sflag:$0x4] =	stream.indirect.gather [hbm4b:s5+s17], $0x20, s1, s17, $0xb8;
	[tilespmem:$0x12E80] =	vst v63  }
0xe1: {  	_ =	swait.ge [sflag:s22], $0xFA0  }
0xe2: {  	[sflag:s22] =	ssyncset.done $0x0  }
0xe3: {  	[sflag:s22] =	ssyncadd.s32 $0xFFFFF060  }
0xe4: {  	[spmem:s2] =	stream.indirect.scatter.add.f32 [tilespmem:s18], [sflag:$0x5], $0x20, s0, s17, $0xb8;
	[tilespmem:$0x12E80] =	vst v63  }
0xe5: {  	_ =	swait.ge [sflag:s23], $0xFA0  }
0xe6: {  	[sflag:s23] =	ssyncset.done $0x0  }
0xe7: {  	s1 =	sadd.s32 $0x80, s0;
	[sflag:s23] =	ssyncadd.s32 $0xFFFFF060  }
0xe8: {  	[spmem:s2] =	stream.indirect.scatter.add.f32 [tilespmem:s19], [sflag:$0x6], $0x20, s1, s17, $0xb8;
	[tilespmem:$0x12E80] =	vst v63  }
0xe9: {  	_ =	swait.ge [sflag:s24], $0xFA0  }
0xea: {  	[sflag:s24] =	ssyncset.done $0x0  }
0xeb: {  	s1 =	sadd.s32 $0x100, s0;
	[sflag:s24] =	ssyncadd.s32 $0xFFFFF060  }
0xec: {  	[spmem:s2] =	stream.indirect.scatter.add.f32 [tilespmem:s20], [sflag:$0x7], $0x20, s1, s17, $0xb8;
	[tilespmem:$0x12E80] =	vst v63  }
0xed: {  	_ =	swait.ge [sflag:s25], $0xFA0  }
0xee: {  	[sflag:s25] =	ssyncset.done $0x0  }
0xef: {  	s0 =	sadd.s32 $0x180, s0;
	[sflag:s25] =	ssyncadd.s32 $0xFFFFF060  }
0xf0: {  	[spmem:s2] =	stream.indirect.scatter.add.f32 [tilespmem:s21], [sflag:$0x8], $0x20, s0, s17, $0xb8;
	[tilespmem:$0x12E80] =	vst v63  }
0xf1: {  	_ =	swait.ge [sflag:s26], $0xFA0  }
0xf2: {  	[sflag:s26] =	ssyncset.done $0x0  }
0xf3: {  	[sflag:s26] =	ssyncadd.s32 $0xFFFFF060  }
0xf4: {  	_ =	swait.ge [sflag:s28], $0xFA0  }
0xf5: {  	[sflag:s28] =	ssyncset.done $0x0  }
0xf6: {  	[sflag:s28] =	ssyncadd.s32 $0xFFFFF060  }
.Ltmp5:
0xf7: {  	_ =	swait.ge [sflag:s29], $0xFA0;
	(pc) =	sbr.rel @p1 .LBB2_6-.Ltmp5, $4  }
0xf8: {  	[sflag:s29] =	ssyncset.done $0x0  }
0xf9: {  	[sflag:s29] =	ssyncadd.s32 $0xFFFFF060  }
0xfa: {  	_ =	swait.ge [sflag:s30], $0xFA0  }
0xfb: {  	s1 =	smov.u32 s7;
	s0 =	sshra.s32 s14, $0x2;
	[sflag:s30] =	ssyncset.done $0x0  }
.Ltmp6:
0xfc: {  	_ = 	snop;
	(pc) =	sbr.rel .LBB2_7-.Ltmp6, $1  }
0xfd: {  	_ =	sdelay $0x3  }
.LBB2_9:
0xfe: {  	_ =	sfence.sel $0x180000  }
0xff: {  	[bflag:$0x0] =	sbarrier.arrive $0xFFFF  }
0x100: {  	_ =	strace $0x90000056  }
0x101: {  	s0 =	stileid.u32;
	[bflag:$0x2] =	sbarrier.arrive $0xFFFF  }
0x102: {  	p0 =	sne.s32 s0, $0x0;
	s0 =	rddreg [dreg:$0x2]  }
0x103: {  	s0 =	sadd.s32 @!p0 $0x100000, s0  }
0x104: {  	[sflag:s0] =	ssyncadd.tile.s32 @!p0 $0x1;
	_ =	shalt  }
.Lfunc_end2:
_tile_overlayer_lowered:
.L_overlay_start_2:
0x105: {  	(tag) =	ssettag $0x2  }
0x106: {  	s0 =	rddreg [dreg:$0x0];
	s2 =	stileid.u32  }
0x107: {  	s1 =	rddreg [dreg:$0x1];
	p0 =	sne.s32 s2, $0x0  }
0x108: {  	s3 =	rddreg [dreg:$0x2];
	[bflag:$0x3] =	sbarrier.arrive $0xFFFF;
	s2 =	simm.s32 @!p0 $0x1C09  }
0x109: {  	[timem:s3], [sflag:s2] =	dma.local @!p0 [hbm:s0], s1  }
0x10a: {  	s0 =	simm.s32 @!p0 $0x9  }
0x10b: {  	_ =	swait.ge @!p0 [sflag:s0], s1  }
0x10c: {  	s1 =	ssub.s32 @!p0 $0x0, s1;
	[sflag:s0] =	ssyncset.done @!p0 $0x0  }
0x10d: {  	[sflag:s0] =	ssyncadd.s32 @!p0 s1  }
0x10e: {  	[bflag:$0x3] =	sbarrier.arrive $0xFFFF  }
0x10f: {  	_ =	shalt  }

</sc_bundles>
